<compile_context>
chip_gen: v7x
topology: tpu7x:2x2x1
jax: 0.10.2.dev20260603
libtpu: 0.0.44.dev20260713+nightly
codegen_flags: <defaults>
</compile_context>

<pallas_src>
import jax
import jax.numpy as jnp
from jax import lax
from jax.experimental import pallas as pl
from jax.experimental.pallas import tpu as pltpu, tpu_sc as plsc

N_WORKERS = 32
CHUNK = 1024
W = 128
GROUPS = CHUNK // 16
BLOCKS = CHUNK // 128
RPC = CHUNK // W + 1


def _body(xs_hbm, ys_hbm, zs_hbm, tab_hbm, co_hbm, do_hbm,
          xin_a, cidx_a, pos_a, out_a, dov_a,
          xin_b, cidx_b, pos_b, out_b, dov_b,
          rows_v, sem_a, sem_b, sem_ia, sem_ib):
    wid = lax.axis_index("s") * 2 + lax.axis_index("c")
    n_pts = xs_hbm.shape[0]
    per_worker = n_pts // N_WORKERS
    n_chunks = per_worker // CHUNK

    ii = lax.iota(jnp.int32, 16)
    half16 = jnp.full((16,), 0.5, jnp.float32)
    zerof16 = jnp.zeros((16,), jnp.float32)
    zero16 = jnp.zeros((16,), jnp.int32)
    one16 = zero16 + 1
    two16 = zero16 + 2

    def fire_in(k, xin, sem):
        base = wid * per_worker + k * CHUNK
        pltpu.async_copy(xs_hbm.at[pl.ds(base, CHUNK)], xin.at[0], sem)
        pltpu.async_copy(ys_hbm.at[pl.ds(base, CHUNK)], xin.at[1], sem)
        pltpu.async_copy(zs_hbm.at[pl.ds(base, CHUNK)], xin.at[2], sem)

    def drain_in(k, xin, sem):
        base = wid * per_worker + k * CHUNK
        pltpu.make_async_copy(xs_hbm.at[pl.ds(base, CHUNK)], xin.at[0], sem).wait()
        pltpu.make_async_copy(ys_hbm.at[pl.ds(base, CHUNK)], xin.at[1], sem).wait()
        pltpu.make_async_copy(zs_hbm.at[pl.ds(base, CHUNK)], xin.at[2], sem).wait()

    def stage_a(k, xin, sem_in, kn, xin_n, sem_in_n,
                cidx_v, pos_v, out_v, dov_v):
        drain_in(k, xin, sem_in)
        fire_in(kn, xin_n, sem_in_n)

        def half_group(g, base_cnt):
            o = g * 16
            x = xin[0, pl.ds(o, 16)]
            y = xin[1, pl.ds(o, 16)]
            z = xin[2, pl.ds(o, 16)]
            ux = jnp.clip(x * 128.0 + 128.0, 0.0, 255.0).astype(jnp.int32)
            uy = jnp.clip(y * 128.0 + 128.0, 0.0, 255.0).astype(jnp.int32)
            uz = jnp.clip(z * 128.0 + 128.0, 0.0, 255.0).astype(jnp.int32)
            zt = uz >> 7
            zl = uz & 127
            g0 = ((((ux << 8) | uy) << 1 | zt) << 5) | (zl >> 4)
            m = jnp.maximum(jnp.maximum(jnp.abs(x), jnp.abs(y)), jnp.abs(z))
            keep = m < 1.0
            tgt = base_cnt + plsc.cumsum(keep.astype(jnp.int32)) - 1
            meta = ((ii + o) << 4) | (zl & 15)
            return g0, keep, tgt, meta

        def emit_group(g0, keep, tgt, meta):
            row = tgt >> 7
            col = tgt & 127
            plsc.store_scatter(cidx_v, [row, col], g0, mask=keep)
            plsc.store_scatter(cidx_v, [RPC + row, col], g0 + 8, mask=keep)
            plsc.store_scatter(cidx_v, [2 * RPC + row, col], g0 + 16, mask=keep)
            plsc.store_scatter(cidx_v, [3 * RPC + row, col], g0 + 24, mask=keep)
            plsc.store_scatter(pos_v, [tgt], meta, mask=keep)

        def index_body(h, mcount):
            ga = 2 * h
            g0a, keepa, tgta, metaa = half_group(ga, mcount)
            cnta = tgta[15] + 1
            g0b, keepb, tgtb, metab = half_group(ga + 1, cnta)
            emit_group(g0a, keepa, tgta, metaa)
            emit_group(g0b, keepb, tgtb, metab)
            nt = h // 4
            c0 = (h % 4) * 32
            out_v[nt, 0, pl.ds(c0, 16)] = half16
            out_v[nt, 0, pl.ds(c0 + 16, 16)] = half16
            out_v[nt, 1, pl.ds(c0, 16)] = half16
            out_v[nt, 1, pl.ds(c0 + 16, 16)] = half16
            out_v[nt, 2, pl.ds(c0, 16)] = half16
            out_v[nt, 2, pl.ds(c0 + 16, 16)] = half16
            dov_v[pl.ds(ga * 16, 16)] = zerof16
            dov_v[pl.ds(ga * 16 + 16, 16)] = zerof16
            return tgtb[15] + 1

        mcount = lax.fori_loop(0, GROUPS // 2, index_body, jnp.int32(0))

        for j in range(8):
            tgt = mcount + j * 16 + ii
            row = tgt >> 7
            col = tgt & 127
            dummy = ((wid << 8) | (j * 16 + ii)) << 5
            plsc.store_scatter(cidx_v, [row, col], dummy)
            plsc.store_scatter(cidx_v, [RPC + row, col], dummy)
            plsc.store_scatter(cidx_v, [2 * RPC + row, col], dummy)
            plsc.store_scatter(cidx_v, [3 * RPC + row, col], dummy)
        return mcount

    def fire(mcount, cidx_v, sem):
        def fire_body(r, _):
            for c in range(4):
                pltpu.async_copy(tab_hbm.at[cidx_v.at[c * RPC + r]],
                                 rows_v.at[c * RPC + r], sem)
            return 0
        lax.fori_loop(0, (mcount + 127) >> 7, fire_body, 0)

    def drain(mcount, cidx_v, sem):
        def drain_body(r, _):
            for c in range(4):
                pltpu.make_async_copy(tab_hbm.at[cidx_v.at[c * RPC + r]],
                                      rows_v.at[c * RPC + r], sem).wait()
            return 0
        lax.fori_loop(0, (mcount + 127) >> 7, drain_body, 0)

    def stage_c(k, mcount, pos_v, out_v, dov_v):
        def post_body(t, _):
            o = t * 16
            s = o + ii
            active = s < mcount
            meta = pos_v[pl.ds(o, 16)]
            p = meta >> 4
            sub = meta & 15
            row = s >> 7
            col = s & 127
            pt = p >> 7
            pc = p & 127
            vr = plsc.load_gather(rows_v, [row, col, sub], mask=active)
            vg = plsc.load_gather(rows_v, [RPC + row, col, sub], mask=active)
            vb = plsc.load_gather(rows_v, [2 * RPC + row, col, sub], mask=active)
            vd = plsc.load_gather(rows_v, [3 * RPC + row, col, sub], mask=active)
            plsc.store_scatter(out_v, [pt, zero16, pc],
                               1.0 / (1.0 + jnp.exp(-vr)), mask=active)
            plsc.store_scatter(out_v, [pt, one16, pc],
                               1.0 / (1.0 + jnp.exp(-vg)), mask=active)
            plsc.store_scatter(out_v, [pt, two16, pc],
                               1.0 / (1.0 + jnp.exp(-vb)), mask=active)
            plsc.store_scatter(dov_v, [p],
                               jnp.maximum(vd * 10.0, 0.0), mask=active)
            return 0

        lax.fori_loop(0, (mcount + 15) >> 4, post_body, 0)
        base = wid * per_worker + k * CHUNK
        pltpu.sync_copy(out_v, co_hbm.at[pl.ds(base // 128, BLOCKS)])
        pltpu.sync_copy(dov_v, do_hbm.at[pl.ds(base, CHUNK)])

    def two_chunks(j, m_prev):
        k0 = 2 * j
        m0 = stage_a(k0, xin_a, sem_ia, k0 + 1, xin_b, sem_ib,
                     cidx_a, pos_a, out_a, dov_a)

        @pl.when(j > 0)
        def _():
            drain(m_prev, cidx_b, sem_b)
            stage_c(k0 - 1, m_prev, pos_b, out_b, dov_b)

        fire(m0, cidx_a, sem_a)
        m1 = stage_a(k0 + 1, xin_b, sem_ib, (k0 + 2) % n_chunks, xin_a, sem_ia,
                     cidx_b, pos_b, out_b, dov_b)
        drain(m0, cidx_a, sem_a)
        stage_c(k0, m0, pos_a, out_a, dov_a)
        fire(m1, cidx_b, sem_b)
        return m1

    fire_in(0, xin_a, sem_ia)
    m_last = lax.fori_loop(0, n_chunks // 2, two_chunks, jnp.int32(0))
    drain(m_last, cidx_b, sem_b)
    stage_c(n_chunks - 1, m_last, pos_b, out_b, dov_b)
    drain_in(0, xin_a, sem_ia)


@jax.jit
def _sc_voxels(xs, ys, zs, tab):
    n_pts = xs.shape[0]
    mesh = plsc.VectorSubcoreMesh(core_axis_name="c", subcore_axis_name="s")
    buf = lambda dt, *shape: pltpu.VMEM(tuple(shape), dt)
    pair = lambda: (
        buf(jnp.float32, 3, CHUNK),
        buf(jnp.int32, 4 * RPC, W),
        buf(jnp.int32, CHUNK + 128),
        buf(jnp.float32, BLOCKS, 4, 128),
        buf(jnp.float32, CHUNK),
    )
    return pl.kernel(
        _body,
        out_type=(
            jax.ShapeDtypeStruct((n_pts // 128, 4, 128), jnp.float32),
            jax.ShapeDtypeStruct((n_pts,), jnp.float32),
        ),
        mesh=mesh,
        compiler_params=pltpu.CompilerParams(
            needs_layout_passes=False, use_tc_tiling_on_sc=False),
        scratch_types=[
            *pair(), *pair(),
            buf(jnp.float32, 4 * RPC, W, 16),
            pltpu.SemaphoreType.DMA, pltpu.SemaphoreType.DMA,
            pltpu.SemaphoreType.DMA, pltpu.SemaphoreType.DMA,
        ],
    )(xs, ys, zs, tab)


def kernel(xyz, voxels):
    n = xyz.shape[0]
    tab = (voxels.reshape(256, 256, 2, 128, 4)
           .transpose(0, 1, 2, 4, 3).reshape(1 << 22, 16))
    co, d = _sc_voxels(xyz[:, 0], xyz[:, 1], xyz[:, 2], tab)
    colors = co.transpose(0, 2, 1).reshape(n, 4)[:, :3]
    return colors, d

# --- scband reference (transcript-rebuilt; emitter-appended) ---
"""Pipeline reference for scband-voxels-22402549416458 (READ-ONLY COPY).

The authoritative reference and input builder live on the scoring server;
editing this copy changes nothing except your own understanding.
"""

import jax, jax.numpy as jnp
import numpy as np

NB_VOXELS = 256
SCALE = 2.0
N_PTS = 1048576

def setup_inputs(seed: int = 0) -> dict:
    key = jax.random.key(seed)
    k1, k2 = jax.random.split(key)
    xyz = jax.random.normal(k1, (N_PTS, 3), dtype=jnp.float32)
    voxels = jax.random.uniform(k2, (NB_VOXELS, NB_VOXELS, NB_VOXELS, 4), dtype=jnp.float32)
    return {"xyz": xyz, "voxels": voxels}

def reference(xyz, voxels):
    x = xyz[:, 0]
    y = xyz[:, 1]
    z = xyz[:, 2]
    half = SCALE / 2.0
    cond = (jnp.abs(x) < half) & (jnp.abs(y) < half) & (jnp.abs(z) < half)
    # Same index math as the torch module; clip keeps out-of-range (masked) points
    # at a valid address, matching torch which only gathers in-range points.
    indx = jnp.clip(((x + half) * NB_VOXELS / SCALE).astype(jnp.int32), 0, NB_VOXELS - 1)
    indy = jnp.clip(((y + half) * NB_VOXELS / SCALE).astype(jnp.int32), 0, NB_VOXELS - 1)
    indz = jnp.clip(((z + half) * NB_VOXELS / SCALE).astype(jnp.int32), 0, NB_VOXELS - 1)
    gathered = voxels[indx, indy, indz, :]  # [N, 4] gather
    scaled = jnp.concatenate([gathered[:, :3], gathered[:, 3:4] * 10.0], axis=1)
    colors_and_densities = jnp.where(cond[:, None], scaled, 0.0)
    return (jax.nn.sigmoid(colors_and_densities[:, :3]), jax.nn.relu(colors_and_densities[:, 3]))

if __name__ == "__main__":
    import jax
    _d = setup_inputs()
    print(jax.jit(kernel)(*tuple(_d.values())))

</pallas_src>

<mosaic_0001>
#map = affine_map<(d0, d1) -> (0)>
#map1 = affine_map<(d0, d1) -> (0, 0)>
#map2 = affine_map<(d0, d1) -> (0, 0, 0)>
module attributes {stable_mosaic.version = 14 : i64} {
  func.func @_body(%arg0: i32, %arg1: i32, %arg2: memref<1048576xf32, #tpu.memory_space<hbm>>, %arg3: memref<1048576xf32, #tpu.memory_space<hbm>>, %arg4: memref<1048576xf32, #tpu.memory_space<hbm>>, %arg5: memref<4194304x16xf32, #tpu.memory_space<hbm>>, %arg6: memref<8192x4x128xf32, #tpu.memory_space<hbm>>, %arg7: memref<1048576xf32, #tpu.memory_space<hbm>>, %arg8: memref<3x1024xf32, #tpu.memory_space<vmem>>, %arg9: memref<36x128xi32, #tpu.memory_space<vmem>>, %arg10: memref<1152xi32, #tpu.memory_space<vmem>>, %arg11: memref<8x4x128xf32, #tpu.memory_space<vmem>>, %arg12: memref<1024xf32, #tpu.memory_space<vmem>>, %arg13: memref<3x1024xf32, #tpu.memory_space<vmem>>, %arg14: memref<36x128xi32, #tpu.memory_space<vmem>>, %arg15: memref<1152xi32, #tpu.memory_space<vmem>>, %arg16: memref<8x4x128xf32, #tpu.memory_space<vmem>>, %arg17: memref<1024xf32, #tpu.memory_space<vmem>>, %arg18: memref<36x128x16xf32, #tpu.memory_space<vmem>>, %arg19: memref<!tpu.dma_semaphore, #tpu.memory_space<semaphore_mem>>, %arg20: memref<!tpu.dma_semaphore, #tpu.memory_space<semaphore_mem>>, %arg21: memref<!tpu.dma_semaphore, #tpu.memory_space<semaphore_mem>>, %arg22: memref<!tpu.dma_semaphore, #tpu.memory_space<semaphore_mem>>) attributes {dimension_semantics = [#tpu.dimension_semantics<core_parallel>, #tpu.dimension_semantics<subcore_parallel>], iteration_bounds = array<i64: 2, 16>, scalar_prefetch = 0 : i64, scratch_operands = 15 : i64, tpu.core_type = #tpu.core_type<sc_vector_subcore>, window_params = [{transform_indices = #map}, {transform_indices = #map}, {transform_indices = #map}, {transform_indices = #map1}, {transform_indices = #map2}, {transform_indices = #map}]} {
    %mul3A = arith.constant 2 : i32
    %mul3A_0 = arith.muli %arg1, %mul3A : i32
    %add3A = arith.addi %mul3A_0, %arg0 : i32
    %iota3A = tpu.iota {dimensions = array<i32: 0>} : vector<16xi32>
    %broadcast_in_dim3A = arith.constant 5.000000e-01 : f32
    %broadcast_in_dim3A_1 = vector.broadcast %broadcast_in_dim3A : f32 to vector<16xf32>
    %broadcast_in_dim3A_2 = arith.constant 0.000000e+00 : f32
    %broadcast_in_dim3A_3 = vector.broadcast %broadcast_in_dim3A_2 : f32 to vector<16xf32>
    %broadcast_in_dim3A_4 = arith.constant 0 : i32
    %broadcast_in_dim3A_5 = vector.broadcast %broadcast_in_dim3A_4 : i32 to vector<16xi32>
    %add3A_6 = arith.constant 1 : i32
    %add3A_7 = vector.broadcast %add3A_6 : i32 to vector<16xi32>
    %add3A_8 = arith.addi %broadcast_in_dim3A_5, %add3A_7 : vector<16xi32>
    %add3A_9 = arith.constant 2 : i32
    %add3A_10 = vector.broadcast %add3A_9 : i32 to vector<16xi32>
    %add3A_11 = arith.addi %broadcast_in_dim3A_5, %add3A_10 : vector<16xi32>
    %mul3A_12 = arith.constant 32768 : i32
    %mul3A_13 = arith.muli %add3A, %mul3A_12 : i32
    %add3A_14 = arith.constant 0 : i32
    %add3A_15 = arith.addi %mul3A_13, %add3A_14 : i32
    %dma_start3A = arith.constant 0 : i32
    %dma_start3A_16 = arith.constant 0 : i32
    %dma_start3A_17 = tpu.memref_slice %arg8[%dma_start3A, %dma_start3A_16] : memref<3x1024xf32, #tpu.memory_space<vmem>> -> memref<1x1024xf32, #tpu.memory_space<vmem>>
    %dma_start3A_18 = tpu.memref_squeeze %dma_start3A_17 : memref<1x1024xf32, #tpu.memory_space<vmem>> -> memref<1024xf32, #tpu.memory_space<vmem>>
    %dma_start3A_19 = tpu.memref_slice %arg2[%add3A_15] : memref<1048576xf32, #tpu.memory_space<hbm>> -> memref<1024xf32, #tpu.memory_space<hbm>>
    %dma_start3A_20 = arith.constant 0 : i32
    %dma_start3A_21 = tpu.memref_slice %arg8[%dma_start3A, %dma_start3A_20] : memref<3x1024xf32, #tpu.memory_space<vmem>> -> memref<1x1024xf32, #tpu.memory_space<vmem>>
    %dma_start3A_22 = tpu.memref_squeeze %dma_start3A_21 : memref<1x1024xf32, #tpu.memory_space<vmem>> -> memref<1024xf32, #tpu.memory_space<vmem>>
    %dma_start3A_23 = tpu.memref_slice %arg2[%add3A_15] : memref<1048576xf32, #tpu.memory_space<hbm>> -> memref<1024xf32, #tpu.memory_space<hbm>>
    tpu.enqueue_dma source(%dma_start3A_23 : memref<1024xf32, #tpu.memory_space<hbm>>) target(%dma_start3A_22 : memref<1024xf32, #tpu.memory_space<vmem>>) target_semaphore(%arg21 : memref<!tpu.dma_semaphore, #tpu.memory_space<semaphore_mem>>)
    %dma_start3A_24 = arith.constant 1 : i32
    %dma_start3A_25 = arith.constant 0 : i32
    %dma_start3A_26 = tpu.memref_slice %arg8[%dma_start3A_24, %dma_start3A_25] : memref<3x1024xf32, #tpu.memory_space<vmem>> -> memref<1x1024xf32, #tpu.memory_space<vmem>>
    %dma_start3A_27 = tpu.memref_squeeze %dma_start3A_26 : memref<1x1024xf32, #tpu.memory_space<vmem>> -> memref<1024xf32, #tpu.memory_space<vmem>>
    %dma_start3A_28 = tpu.memref_slice %arg3[%add3A_15] : memref<1048576xf32, #tpu.memory_space<hbm>> -> memref<1024xf32, #tpu.memory_space<hbm>>
    %dma_start3A_29 = arith.constant 0 : i32
    %dma_start3A_30 = tpu.memref_slice %arg8[%dma_start3A_24, %dma_start3A_29] : memref<3x1024xf32, #tpu.memory_space<vmem>> -> memref<1x1024xf32, #tpu.memory_space<vmem>>
    %dma_start3A_31 = tpu.memref_squeeze %dma_start3A_30 : memref<1x1024xf32, #tpu.memory_space<vmem>> -> memref<1024xf32, #tpu.memory_space<vmem>>
    %dma_start3A_32 = tpu.memref_slice %arg3[%add3A_15] : memref<1048576xf32, #tpu.memory_space<hbm>> -> memref<1024xf32, #tpu.memory_space<hbm>>
    tpu.enqueue_dma source(%dma_start3A_32 : memref<1024xf32, #tpu.memory_space<hbm>>) target(%dma_start3A_31 : memref<1024xf32, #tpu.memory_space<vmem>>) target_semaphore(%arg21 : memref<!tpu.dma_semaphore, #tpu.memory_space<semaphore_mem>>)
    %dma_start3A_33 = arith.constant 2 : i32
    %dma_start3A_34 = arith.constant 0 : i32
    %dma_start3A_35 = tpu.memref_slice %arg8[%dma_start3A_33, %dma_start3A_34] : memref<3x1024xf32, #tpu.memory_space<vmem>> -> memref<1x1024xf32, #tpu.memory_space<vmem>>
    %dma_start3A_36 = tpu.memref_squeeze %dma_start3A_35 : memref<1x1024xf32, #tpu.memory_space<vmem>> -> memref<1024xf32, #tpu.memory_space<vmem>>
    %dma_start3A_37 = tpu.memref_slice %arg4[%add3A_15] : memref<1048576xf32, #tpu.memory_space<hbm>> -> memref<1024xf32, #tpu.memory_space<hbm>>
    %dma_start3A_38 = arith.constant 0 : i32
    %dma_start3A_39 = tpu.memref_slice %arg8[%dma_start3A_33, %dma_start3A_38] : memref<3x1024xf32, #tpu.memory_space<vmem>> -> memref<1x1024xf32, #tpu.memory_space<vmem>>
    %dma_start3A_40 = tpu.memref_squeeze %dma_start3A_39 : memref<1x1024xf32, #tpu.memory_space<vmem>> -> memref<1024xf32, #tpu.memory_space<vmem>>
    %dma_start3A_41 = tpu.memref_slice %arg4[%add3A_15] : memref<1048576xf32, #tpu.memory_space<hbm>> -> memref<1024xf32, #tpu.memory_space<hbm>>
    tpu.enqueue_dma source(%dma_start3A_41 : memref<1024xf32, #tpu.memory_space<hbm>>) target(%dma_start3A_40 : memref<1024xf32, #tpu.memory_space<vmem>>) target_semaphore(%arg21 : memref<!tpu.dma_semaphore, #tpu.memory_space<semaphore_mem>>)
    %scan3A = arith.constant 0 : i32
    %scan3A_42 = arith.constant 0 : i32
    %scan3A_43 = arith.constant 16 : i32
    %scan3A_44 = arith.addi %scan3A_42, %scan3A_43 : i32
    %scan3A_45 = arith.constant 1 : i32
    %scan3A_46 = scf.for %scan3A_128 = %scan3A_42 to %scan3A_44 step %scan3A_45 iter_args(%scan3A_129 = %scan3A) -> (i32)  : i32 {
      %mul3A_130 = arith.constant 2 : i32
      %mul3A_131 = arith.muli %mul3A_130, %scan3A_128 : i32
      %add3A_132 = arith.constant 1 : i32
      %add3A_133 = arith.addi %mul3A_131, %add3A_132 : i32
      %mul3A_134 = arith.constant 32768 : i32
      %mul3A_135 = arith.muli %add3A, %mul3A_134 : i32
      %mul3A_136 = arith.constant 1024 : i32
      %mul3A_137 = arith.muli %mul3A_131, %mul3A_136 : i32
      %add3A_138 = arith.addi %mul3A_135, %mul3A_137 : i32
      %dma_wait3A_139 = arith.constant 0 : i32
      %dma_wait3A_140 = arith.constant 0 : i32
      %dma_wait3A_141 = tpu.memref_slice %arg8[%dma_wait3A_139, %dma_wait3A_140] : memref<3x1024xf32, #tpu.memory_space<vmem>> -> memref<1x1024xf32, #tpu.memory_space<vmem>>
      %dma_wait3A_142 = tpu.memref_squeeze %dma_wait3A_141 : memref<1x1024xf32, #tpu.memory_space<vmem>> -> memref<1024xf32, #tpu.memory_space<vmem>>
      %dma_wait3A_143 = tpu.memref_slice %arg2[%add3A_138] : memref<1048576xf32, #tpu.memory_space<hbm>> -> memref<1024xf32, #tpu.memory_space<hbm>>
      %dma_wait3A_144 = arith.constant 0 : i32
      %dma_wait3A_145 = tpu.memref_slice %arg8[%dma_wait3A_139, %dma_wait3A_144] : memref<3x1024xf32, #tpu.memory_space<vmem>> -> memref<1x1024xf32, #tpu.memory_space<vmem>>
      %dma_wait3A_146 = tpu.memref_squeeze %dma_wait3A_145 : memref<1x1024xf32, #tpu.memory_space<vmem>> -> memref<1024xf32, #tpu.memory_space<vmem>>
      %dma_wait3A_147 = tpu.memref_slice %arg2[%add3A_138] : memref<1048576xf32, #tpu.memory_space<hbm>> -> memref<1024xf32, #tpu.memory_space<hbm>>
      tpu.wait_dma2 semaphore(%arg21 : memref<!tpu.dma_semaphore, #tpu.memory_space<semaphore_mem>>) src(%dma_wait3A_147 : memref<1024xf32, #tpu.memory_space<hbm>>) dst(%dma_wait3A_146 : memref<1024xf32, #tpu.memory_space<vmem>>)
      %dma_wait3A_148 = arith.constant 1 : i32
      %dma_wait3A_149 = arith.constant 0 : i32
      %dma_wait3A_150 = tpu.memref_slice %arg8[%dma_wait3A_148, %dma_wait3A_149] : memref<3x1024xf32, #tpu.memory_space<vmem>> -> memref<1x1024xf32, #tpu.memory_space<vmem>>
      %dma_wait3A_151 = tpu.memref_squeeze %dma_wait3A_150 : memref<1x1024xf32, #tpu.memory_space<vmem>> -> memref<1024xf32, #tpu.memory_space<vmem>>
      %dma_wait3A_152 = tpu.memref_slice %arg3[%add3A_138] : memref<1048576xf32, #tpu.memory_space<hbm>> -> memref<1024xf32, #tpu.memory_space<hbm>>
      %dma_wait3A_153 = arith.constant 0 : i32
      %dma_wait3A_154 = tpu.memref_slice %arg8[%dma_wait3A_148, %dma_wait3A_153] : memref<3x1024xf32, #tpu.memory_space<vmem>> -> memref<1x1024xf32, #tpu.memory_space<vmem>>
      %dma_wait3A_155 = tpu.memref_squeeze %dma_wait3A_154 : memref<1x1024xf32, #tpu.memory_space<vmem>> -> memref<1024xf32, #tpu.memory_space<vmem>>
      %dma_wait3A_156 = tpu.memref_slice %arg3[%add3A_138] : memref<1048576xf32, #tpu.memory_space<hbm>> -> memref<1024xf32, #tpu.memory_space<hbm>>
      tpu.wait_dma2 semaphore(%arg21 : memref<!tpu.dma_semaphore, #tpu.memory_space<semaphore_mem>>) src(%dma_wait3A_156 : memref<1024xf32, #tpu.memory_space<hbm>>) dst(%dma_wait3A_155 : memref<1024xf32, #tpu.memory_space<vmem>>)
      %dma_wait3A_157 = arith.constant 2 : i32
      %dma_wait3A_158 = arith.constant 0 : i32
      %dma_wait3A_159 = tpu.memref_slice %arg8[%dma_wait3A_157, %dma_wait3A_158] : memref<3x1024xf32, #tpu.memory_space<vmem>> -> memref<1x1024xf32, #tpu.memory_space<vmem>>
      %dma_wait3A_160 = tpu.memref_squeeze %dma_wait3A_159 : memref<1x1024xf32, #tpu.memory_space<vmem>> -> memref<1024xf32, #tpu.memory_space<vmem>>
      %dma_wait3A_161 = tpu.memref_slice %arg4[%add3A_138] : memref<1048576xf32, #tpu.memory_space<hbm>> -> memref<1024xf32, #tpu.memory_space<hbm>>
      %dma_wait3A_162 = arith.constant 0 : i32
      %dma_wait3A_163 = tpu.memref_slice %arg8[%dma_wait3A_157, %dma_wait3A_162] : memref<3x1024xf32, #tpu.memory_space<vmem>> -> memref<1x1024xf32, #tpu.memory_space<vmem>>
      %dma_wait3A_164 = tpu.memref_squeeze %dma_wait3A_163 : memref<1x1024xf32, #tpu.memory_space<vmem>> -> memref<1024xf32, #tpu.memory_space<vmem>>
      %dma_wait3A_165 = tpu.memref_slice %arg4[%add3A_138] : memref<1048576xf32, #tpu.memory_space<hbm>> -> memref<1024xf32, #tpu.memory_space<hbm>>
      tpu.wait_dma2 semaphore(%arg21 : memref<!tpu.dma_semaphore, #tpu.memory_space<semaphore_mem>>) src(%dma_wait3A_165 : memref<1024xf32, #tpu.memory_space<hbm>>) dst(%dma_wait3A_164 : memref<1024xf32, #tpu.memory_space<vmem>>)
      %mul3A_166 = arith.constant 32768 : i32
      %mul3A_167 = arith.muli %add3A, %mul3A_166 : i32
      %mul3A_168 = arith.constant 1024 : i32
      %mul3A_169 = arith.muli %add3A_133, %mul3A_168 : i32
      %add3A_170 = arith.addi %mul3A_167, %mul3A_169 : i32
      %dma_start3A_171 = arith.constant 0 : i32
      %dma_start3A_172 = arith.constant 0 : i32
      %dma_start3A_173 = tpu.memref_slice %arg13[%dma_start3A_171, %dma_start3A_172] : memref<3x1024xf32, #tpu.memory_space<vmem>> -> memref<1x1024xf32, #tpu.memory_space<vmem>>
      %dma_start3A_174 = tpu.memref_squeeze %dma_start3A_173 : memref<1x1024xf32, #tpu.memory_space<vmem>> -> memref<1024xf32, #tpu.memory_space<vmem>>
      %dma_start3A_175 = tpu.memref_slice %arg2[%add3A_170] : memref<1048576xf32, #tpu.memory_space<hbm>> -> memref<1024xf32, #tpu.memory_space<hbm>>
      %dma_start3A_176 = arith.constant 0 : i32
      %dma_start3A_177 = tpu.memref_slice %arg13[%dma_start3A_171, %dma_start3A_176] : memref<3x1024xf32, #tpu.memory_space<vmem>> -> memref<1x1024xf32, #tpu.memory_space<vmem>>
      %dma_start3A_178 = tpu.memref_squeeze %dma_start3A_177 : memref<1x1024xf32, #tpu.memory_space<vmem>> -> memref<1024xf32, #tpu.memory_space<vmem>>
      %dma_start3A_179 = tpu.memref_slice %arg2[%add3A_170] : memref<1048576xf32, #tpu.memory_space<hbm>> -> memref<1024xf32, #tpu.memory_space<hbm>>
      tpu.enqueue_dma source(%dma_start3A_179 : memref<1024xf32, #tpu.memory_space<hbm>>) target(%dma_start3A_178 : memref<1024xf32, #tpu.memory_space<vmem>>) target_semaphore(%arg22 : memref<!tpu.dma_semaphore, #tpu.memory_space<semaphore_mem>>)
      %dma_start3A_180 = arith.constant 1 : i32
      %dma_start3A_181 = arith.constant 0 : i32
      %dma_start3A_182 = tpu.memref_slice %arg13[%dma_start3A_180, %dma_start3A_181] : memref<3x1024xf32, #tpu.memory_space<vmem>> -> memref<1x1024xf32, #tpu.memory_space<vmem>>
      %dma_start3A_183 = tpu.memref_squeeze %dma_start3A_182 : memref<1x1024xf32, #tpu.memory_space<vmem>> -> memref<1024xf32, #tpu.memory_space<vmem>>
      %dma_start3A_184 = tpu.memref_slice %arg3[%add3A_170] : memref<1048576xf32, #tpu.memory_space<hbm>> -> memref<1024xf32, #tpu.memory_space<hbm>>
      %dma_start3A_185 = arith.constant 0 : i32
      %dma_start3A_186 = tpu.memref_slice %arg13[%dma_start3A_180, %dma_start3A_185] : memref<3x1024xf32, #tpu.memory_space<vmem>> -> memref<1x1024xf32, #tpu.memory_space<vmem>>
      %dma_start3A_187 = tpu.memref_squeeze %dma_start3A_186 : memref<1x1024xf32, #tpu.memory_space<vmem>> -> memref<1024xf32, #tpu.memory_space<vmem>>
      %dma_start3A_188 = tpu.memref_slice %arg3[%add3A_170] : memref<1048576xf32, #tpu.memory_space<hbm>> -> memref<1024xf32, #tpu.memory_space<hbm>>
      tpu.enqueue_dma source(%dma_start3A_188 : memref<1024xf32, #tpu.memory_space<hbm>>) target(%dma_start3A_187 : memref<1024xf32, #tpu.memory_space<vmem>>) target_semaphore(%arg22 : memref<!tpu.dma_semaphore, #tpu.memory_space<semaphore_mem>>)
      %dma_start3A_189 = arith.constant 2 : i32
      %dma_start3A_190 = arith.constant 0 : i32
      %dma_start3A_191 = tpu.memref_slice %arg13[%dma_start3A_189, %dma_start3A_190] : memref<3x1024xf32, #tpu.memory_space<vmem>> -> memref<1x1024xf32, #tpu.memory_space<vmem>>
      %dma_start3A_192 = tpu.memref_squeeze %dma_start3A_191 : memref<1x1024xf32, #tpu.memory_space<vmem>> -> memref<1024xf32, #tpu.memory_space<vmem>>
      %dma_start3A_193 = tpu.memref_slice %arg4[%add3A_170] : memref<1048576xf32, #tpu.memory_space<hbm>> -> memref<1024xf32, #tpu.memory_space<hbm>>
      %dma_start3A_194 = arith.constant 0 : i32
      %dma_start3A_195 = tpu.memref_slice %arg13[%dma_start3A_189, %dma_start3A_194] : memref<3x1024xf32, #tpu.memory_space<vmem>> -> memref<1x1024xf32, #tpu.memory_space<vmem>>
      %dma_start3A_196 = tpu.memref_squeeze %dma_start3A_195 : memref<1x1024xf32, #tpu.memory_space<vmem>> -> memref<1024xf32, #tpu.memory_space<vmem>>
      %dma_start3A_197 = tpu.memref_slice %arg4[%add3A_170] : memref<1048576xf32, #tpu.memory_space<hbm>> -> memref<1024xf32, #tpu.memory_space<hbm>>
      tpu.enqueue_dma source(%dma_start3A_197 : memref<1024xf32, #tpu.memory_space<hbm>>) target(%dma_start3A_196 : memref<1024xf32, #tpu.memory_space<vmem>>) target_semaphore(%arg22 : memref<!tpu.dma_semaphore, #tpu.memory_space<semaphore_mem>>)
      %scan3A_198 = arith.constant 0 : i32
      %scan3A_199 = arith.constant 0 : i32
      %scan3A_200 = arith.constant 32 : i32
      %scan3A_201 = arith.addi %scan3A_199, %scan3A_200 : i32
      %scan3A_202 = arith.constant 1 : i32
      %scan3A_203 = scf.for %scan3A_851 = %scan3A_199 to %scan3A_201 step %scan3A_202 iter_args(%scan3A_852 = %scan3A_198) -> (i32)  : i32 {
        %mul3A_853 = arith.constant 2 : i32
        %mul3A_854 = arith.muli %mul3A_853, %scan3A_851 : i32
        %mul3A_855 = arith.constant 16 : i32
        %mul3A_856 = arith.muli %mul3A_854, %mul3A_855 : i32
        %get3A = arith.constant 0 : i32
        %get3A_857 = arith.index_cast %get3A : i32 to index
        %get3A_858 = arith.index_cast %mul3A_856 : i32 to index
        %get3A_859 = tpu.vector_load %arg8[%get3A_857, %get3A_858] {strides = array<i32>} : memref<3x1024xf32, #tpu.memory_space<vmem>>, vector<16xf32>,
        %get3A_860 = arith.constant 1 : i32
        %get3A_861 = arith.index_cast %get3A_860 : i32 to index
        %get3A_862 = arith.index_cast %mul3A_856 : i32 to index
        %get3A_863 = tpu.vector_load %arg8[%get3A_861, %get3A_862] {strides = array<i32>} : memref<3x1024xf32, #tpu.memory_space<vmem>>, vector<16xf32>,
        %get3A_864 = arith.constant 2 : i32
        %get3A_865 = arith.index_cast %get3A_864 : i32 to index
        %get3A_866 = arith.index_cast %mul3A_856 : i32 to index
        %get3A_867 = tpu.vector_load %arg8[%get3A_865, %get3A_866] {strides = array<i32>} : memref<3x1024xf32, #tpu.memory_space<vmem>>, vector<16xf32>,
        %mul3A_868 = arith.constant 1.280000e+02 : f32
        %mul3A_869 = vector.broadcast %mul3A_868 : f32 to vector<16xf32>
        %mul3A_870 = arith.mulf %get3A_859, %mul3A_869 : vector<16xf32>
        %add3A_871 = arith.constant 1.280000e+02 : f32
        %add3A_872 = vector.broadcast %add3A_871 : f32 to vector<16xf32>
        %add3A_873 = arith.addf %mul3A_870, %add3A_872 : vector<16xf32>
        %jit3A_874 = arith.constant 0.000000e+00 : f32
        %jit3A_875 = arith.constant 2.550000e+02 : f32
        %max3A = vector.broadcast %jit3A_874 : f32 to vector<16xf32>
        %max3A_876 = arith.maximumf %max3A, %add3A_873 : vector<16xf32>
        %min3A = vector.broadcast %jit3A_875 : f32 to vector<16xf32>
        %min3A_877 = arith.minimumf %min3A, %max3A_876 : vector<16xf32>
        %convert_element_type3A_878 = arith.fptosi %min3A_877 : vector<16xf32> to vector<16xi32>
        %mul3A_879 = arith.constant 1.280000e+02 : f32
        %mul3A_880 = vector.broadcast %mul3A_879 : f32 to vector<16xf32>
        %mul3A_881 = arith.mulf %get3A_863, %mul3A_880 : vector<16xf32>
        %add3A_882 = arith.constant 1.280000e+02 : f32
        %add3A_883 = vector.broadcast %add3A_882 : f32 to vector<16xf32>
        %add3A_884 = arith.addf %mul3A_881, %add3A_883 : vector<16xf32>
        %jit3A_885 = arith.constant 0.000000e+00 : f32
        %jit3A_886 = arith.constant 2.550000e+02 : f32
        %max3A_887 = vector.broadcast %jit3A_885 : f32 to vector<16xf32>
        %max3A_888 = arith.maximumf %max3A_887, %add3A_884 : vector<16xf32>
        %min3A_889 = vector.broadcast %jit3A_886 : f32 to vector<16xf32>
        %min3A_890 = arith.minimumf %min3A_889, %max3A_888 : vector<16xf32>
        %convert_element_type3A_891 = arith.fptosi %min3A_890 : vector<16xf32> to vector<16xi32>
        %mul3A_892 = arith.constant 1.280000e+02 : f32
        %mul3A_893 = vector.broadcast %mul3A_892 : f32 to vector<16xf32>
        %mul3A_894 = arith.mulf %get3A_867, %mul3A_893 : vector<16xf32>
        %add3A_895 = arith.constant 1.280000e+02 : f32
        %add3A_896 = vector.broadcast %add3A_895 : f32 to vector<16xf32>
        %add3A_897 = arith.addf %mul3A_894, %add3A_896 : vector<16xf32>
        %jit3A_898 = arith.constant 0.000000e+00 : f32
        %jit3A_899 = arith.constant 2.550000e+02 : f32
        %max3A_900 = vector.broadcast %jit3A_898 : f32 to vector<16xf32>
        %max3A_901 = arith.maximumf %max3A_900, %add3A_897 : vector<16xf32>
        %min3A_902 = vector.broadcast %jit3A_899 : f32 to vector<16xf32>
        %min3A_903 = arith.minimumf %min3A_902, %max3A_901 : vector<16xf32>
        %convert_element_type3A_904 = arith.fptosi %min3A_903 : vector<16xf32> to vector<16xi32>
        %shift_right_arithmetic3A_905 = arith.constant 7 : i32
        %shift_right_arithmetic3A_906 = vector.broadcast %shift_right_arithmetic3A_905 : i32 to vector<16xi32>
        %shift_right_arithmetic3A_907 = arith.shrsi %convert_element_type3A_904, %shift_right_arithmetic3A_906 : vector<16xi32>
        %and3A_908 = arith.constant 127 : i32
        %and3A_909 = vector.broadcast %and3A_908 : i32 to vector<16xi32>
        %and3A_910 = arith.andi %convert_element_type3A_904, %and3A_909 : vector<16xi32>
        %shift_left3A_911 = arith.constant 8 : i32
        %shift_left3A_912 = vector.broadcast %shift_left3A_911 : i32 to vector<16xi32>
        %shift_left3A_913 = arith.shli %convert_element_type3A_878, %shift_left3A_912 : vector<16xi32>
        %or3A_914 = arith.ori %shift_left3A_913, %convert_element_type3A_891 : vector<16xi32>
        %shift_left3A_915 = arith.constant 1 : i32
        %shift_left3A_916 = vector.broadcast %shift_left3A_915 : i32 to vector<16xi32>
        %shift_left3A_917 = arith.shli %or3A_914, %shift_left3A_916 : vector<16xi32>
        %or3A_918 = arith.ori %shift_left3A_917, %shift_right_arithmetic3A_907 : vector<16xi32>
        %shift_left3A_919 = arith.constant 5 : i32
        %shift_left3A_920 = vector.broadcast %shift_left3A_919 : i32 to vector<16xi32>
        %shift_left3A_921 = arith.shli %or3A_918, %shift_left3A_920 : vector<16xi32>
        %shift_right_arithmetic3A_922 = arith.constant 4 : i32
        %shift_right_arithmetic3A_923 = vector.broadcast %shift_right_arithmetic3A_922 : i32 to vector<16xi32>
        %shift_right_arithmetic3A_924 = arith.shrsi %and3A_910, %shift_right_arithmetic3A_923 : vector<16xi32>
        %or3A_925 = arith.ori %shift_left3A_921, %shift_right_arithmetic3A_924 : vector<16xi32>
        %abs3A = math.absf %get3A_859 : vector<16xf32>
        %abs3A_926 = math.absf %get3A_863 : vector<16xf32>
        %max3A_927 = arith.maximumf %abs3A, %abs3A_926 : vector<16xf32>
        %abs3A_928 = math.absf %get3A_867 : vector<16xf32>
        %max3A_929 = arith.maximumf %max3A_927, %abs3A_928 : vector<16xf32>
        %lt3A_930 = arith.constant 1.000000e+00 : f32
        %lt3A_931 = vector.broadcast %lt3A_930 : f32 to vector<16xf32>
        %lt3A_932 = arith.cmpf olt, %max3A_929, %lt3A_931 : vector<16xf32>
        %convert_element_type3A_933 = arith.extui %lt3A_932 : vector<16xi1> to vector<16xi32>
        %broadcast_in_dim3A_934 = arith.constant true
        %broadcast_in_dim3A_935 = vector.broadcast %broadcast_in_dim3A_934 : i1 to vector<16xi1>
        %masked_cumsum3A = tpu.scan <sum>, %convert_element_type3A_933 masked %broadcast_in_dim3A_935 : vector<16xi32>, vector<16xi1> -> vector<16xi32>
        %add3A_936 = vector.broadcast %scan3A_852 : i32 to vector<16xi32>
        %add3A_937 = arith.addi %add3A_936, %masked_cumsum3A : vector<16xi32>
        %sub3A_938 = arith.constant 1 : i32
        %sub3A_939 = vector.broadcast %sub3A_938 : i32 to vector<16xi32>
        %sub3A_940 = arith.subi %add3A_937, %sub3A_939 : vector<16xi32>
        %add3A_941 = vector.broadcast %mul3A_856 : i32 to vector<16xi32>
        %add3A_942 = arith.addi %iota3A, %add3A_941 : vector<16xi32>
        %shift_left3A_943 = arith.constant 4 : i32
        %shift_left3A_944 = vector.broadcast %shift_left3A_943 : i32 to vector<16xi32>
        %shift_left3A_945 = arith.shli %add3A_942, %shift_left3A_944 : vector<16xi32>
        %and3A_946 = arith.constant 15 : i32
        %and3A_947 = vector.broadcast %and3A_946 : i32 to vector<16xi32>
        %and3A_948 = arith.andi %and3A_910, %and3A_947 : vector<16xi32>
        %or3A_949 = arith.ori %shift_left3A_945, %and3A_948 : vector<16xi32>
        %slice3A = vector.extract_strided_slice %sub3A_940 {offsets = [15], sizes = [1], strides = [1]} : vector<16xi32> to vector<1xi32>
        %squeeze3A = vector.extract %slice3A[0] : i32 from vector<1xi32>
        %add3A_950 = arith.constant 1 : i32
        %add3A_951 = arith.addi %squeeze3A, %add3A_950 : i32
        %add3A_952 = arith.constant 1 : i32
        %add3A_953 = arith.addi %mul3A_854, %add3A_952 : i32
        %mul3A_954 = arith.constant 16 : i32
        %mul3A_955 = arith.muli %add3A_953, %mul3A_954 : i32
        %get3A_956 = arith.constant 0 : i32
        %get3A_957 = arith.index_cast %get3A_956 : i32 to index
        %get3A_958 = arith.index_cast %mul3A_955 : i32 to index
        %get3A_959 = tpu.vector_load %arg8[%get3A_957, %get3A_958] {strides = array<i32>} : memref<3x1024xf32, #tpu.memory_space<vmem>>, vector<16xf32>,
        %get3A_960 = arith.constant 1 : i32
        %get3A_961 = arith.index_cast %get3A_960 : i32 to index
        %get3A_962 = arith.index_cast %mul3A_955 : i32 to index
        %get3A_963 = tpu.vector_load %arg8[%get3A_961, %get3A_962] {strides = array<i32>} : memref<3x1024xf32, #tpu.memory_space<vmem>>, vector<16xf32>,
        %get3A_964 = arith.constant 2 : i32
        %get3A_965 = arith.index_cast %get3A_964 : i32 to index
        %get3A_966 = arith.index_cast %mul3A_955 : i32 to index
        %get3A_967 = tpu.vector_load %arg8[%get3A_965, %get3A_966] {strides = array<i32>} : memref<3x1024xf32, #tpu.memory_space<vmem>>, vector<16xf32>,
        %mul3A_968 = arith.constant 1.280000e+02 : f32
        %mul3A_969 = vector.broadcast %mul3A_968 : f32 to vector<16xf32>
        %mul3A_970 = arith.mulf %get3A_959, %mul3A_969 : vector<16xf32>
        %add3A_971 = arith.constant 1.280000e+02 : f32
        %add3A_972 = vector.broadcast %add3A_971 : f32 to vector<16xf32>
        %add3A_973 = arith.addf %mul3A_970, %add3A_972 : vector<16xf32>
        %jit3A_974 = arith.constant 0.000000e+00 : f32
        %jit3A_975 = arith.constant 2.550000e+02 : f32
        %max3A_976 = vector.broadcast %jit3A_974 : f32 to vector<16xf32>
        %max3A_977 = arith.maximumf %max3A_976, %add3A_973 : vector<16xf32>
        %min3A_978 = vector.broadcast %jit3A_975 : f32 to vector<16xf32>
        %min3A_979 = arith.minimumf %min3A_978, %max3A_977 : vector<16xf32>
        %convert_element_type3A_980 = arith.fptosi %min3A_979 : vector<16xf32> to vector<16xi32>
        %mul3A_981 = arith.constant 1.280000e+02 : f32
        %mul3A_982 = vector.broadcast %mul3A_981 : f32 to vector<16xf32>
        %mul3A_983 = arith.mulf %get3A_963, %mul3A_982 : vector<16xf32>
        %add3A_984 = arith.constant 1.280000e+02 : f32
        %add3A_985 = vector.broadcast %add3A_984 : f32 to vector<16xf32>
        %add3A_986 = arith.addf %mul3A_983, %add3A_985 : vector<16xf32>
        %jit3A_987 = arith.constant 0.000000e+00 : f32
        %jit3A_988 = arith.constant 2.550000e+02 : f32
        %max3A_989 = vector.broadcast %jit3A_987 : f32 to vector<16xf32>
        %max3A_990 = arith.maximumf %max3A_989, %add3A_986 : vector<16xf32>
        %min3A_991 = vector.broadcast %jit3A_988 : f32 to vector<16xf32>
        %min3A_992 = arith.minimumf %min3A_991, %max3A_990 : vector<16xf32>
        %convert_element_type3A_993 = arith.fptosi %min3A_992 : vector<16xf32> to vector<16xi32>
        %mul3A_994 = arith.constant 1.280000e+02 : f32
        %mul3A_995 = vector.broadcast %mul3A_994 : f32 to vector<16xf32>
        %mul3A_996 = arith.mulf %get3A_967, %mul3A_995 : vector<16xf32>
        %add3A_997 = arith.constant 1.280000e+02 : f32
        %add3A_998 = vector.broadcast %add3A_997 : f32 to vector<16xf32>
        %add3A_999 = arith.addf %mul3A_996, %add3A_998 : vector<16xf32>
        %jit3A_1000 = arith.constant 0.000000e+00 : f32
        %jit3A_1001 = arith.constant 2.550000e+02 : f32
        %max3A_1002 = vector.broadcast %jit3A_1000 : f32 to vector<16xf32>
        %max3A_1003 = arith.maximumf %max3A_1002, %add3A_999 : vector<16xf32>
        %min3A_1004 = vector.broadcast %jit3A_1001 : f32 to vector<16xf32>
        %min3A_1005 = arith.minimumf %min3A_1004, %max3A_1003 : vector<16xf32>
        %convert_element_type3A_1006 = arith.fptosi %min3A_1005 : vector<16xf32> to vector<16xi32>
        %shift_right_arithmetic3A_1007 = arith.constant 7 : i32
        %shift_right_arithmetic3A_1008 = vector.broadcast %shift_right_arithmetic3A_1007 : i32 to vector<16xi32>
        %shift_right_arithmetic3A_1009 = arith.shrsi %convert_element_type3A_1006, %shift_right_arithmetic3A_1008 : vector<16xi32>
        %and3A_1010 = arith.constant 127 : i32
        %and3A_1011 = vector.broadcast %and3A_1010 : i32 to vector<16xi32>
        %and3A_1012 = arith.andi %convert_element_type3A_1006, %and3A_1011 : vector<16xi32>
        %shift_left3A_1013 = arith.constant 8 : i32
        %shift_left3A_1014 = vector.broadcast %shift_left3A_1013 : i32 to vector<16xi32>
        %shift_left3A_1015 = arith.shli %convert_element_type3A_980, %shift_left3A_1014 : vector<16xi32>
        %or3A_1016 = arith.ori %shift_left3A_1015, %convert_element_type3A_993 : vector<16xi32>
        %shift_left3A_1017 = arith.constant 1 : i32
        %shift_left3A_1018 = vector.broadcast %shift_left3A_1017 : i32 to vector<16xi32>
        %shift_left3A_1019 = arith.shli %or3A_1016, %shift_left3A_1018 : vector<16xi32>
        %or3A_1020 = arith.ori %shift_left3A_1019, %shift_right_arithmetic3A_1009 : vector<16xi32>
        %shift_left3A_1021 = arith.constant 5 : i32
        %shift_left3A_1022 = vector.broadcast %shift_left3A_1021 : i32 to vector<16xi32>
        %shift_left3A_1023 = arith.shli %or3A_1020, %shift_left3A_1022 : vector<16xi32>
        %shift_right_arithmetic3A_1024 = arith.constant 4 : i32
        %shift_right_arithmetic3A_1025 = vector.broadcast %shift_right_arithmetic3A_1024 : i32 to vector<16xi32>
        %shift_right_arithmetic3A_1026 = arith.shrsi %and3A_1012, %shift_right_arithmetic3A_1025 : vector<16xi32>
        %or3A_1027 = arith.ori %shift_left3A_1023, %shift_right_arithmetic3A_1026 : vector<16xi32>
        %abs3A_1028 = math.absf %get3A_959 : vector<16xf32>
        %abs3A_1029 = math.absf %get3A_963 : vector<16xf32>
        %max3A_1030 = arith.maximumf %abs3A_1028, %abs3A_1029 : vector<16xf32>
        %abs3A_1031 = math.absf %get3A_967 : vector<16xf32>
        %max3A_1032 = arith.maximumf %max3A_1030, %abs3A_1031 : vector<16xf32>
        %lt3A_1033 = arith.constant 1.000000e+00 : f32
        %lt3A_1034 = vector.broadcast %lt3A_1033 : f32 to vector<16xf32>
        %lt3A_1035 = arith.cmpf olt, %max3A_1032, %lt3A_1034 : vector<16xf32>
        %convert_element_type3A_1036 = arith.extui %lt3A_1035 : vector<16xi1> to vector<16xi32>
        %broadcast_in_dim3A_1037 = arith.constant true
        %broadcast_in_dim3A_1038 = vector.broadcast %broadcast_in_dim3A_1037 : i1 to vector<16xi1>
        %masked_cumsum3A_1039 = tpu.scan <sum>, %convert_element_type3A_1036 masked %broadcast_in_dim3A_1038 : vector<16xi32>, vector<16xi1> -> vector<16xi32>
        %add3A_1040 = vector.broadcast %add3A_951 : i32 to vector<16xi32>
        %add3A_1041 = arith.addi %add3A_1040, %masked_cumsum3A_1039 : vector<16xi32>
        %sub3A_1042 = arith.constant 1 : i32
        %sub3A_1043 = vector.broadcast %sub3A_1042 : i32 to vector<16xi32>
        %sub3A_1044 = arith.subi %add3A_1041, %sub3A_1043 : vector<16xi32>
        %add3A_1045 = vector.broadcast %mul3A_955 : i32 to vector<16xi32>
        %add3A_1046 = arith.addi %iota3A, %add3A_1045 : vector<16xi32>
        %shift_left3A_1047 = arith.constant 4 : i32
        %shift_left3A_1048 = vector.broadcast %shift_left3A_1047 : i32 to vector<16xi32>
        %shift_left3A_1049 = arith.shli %add3A_1046, %shift_left3A_1048 : vector<16xi32>
        %and3A_1050 = arith.constant 15 : i32
        %and3A_1051 = vector.broadcast %and3A_1050 : i32 to vector<16xi32>
        %and3A_1052 = arith.andi %and3A_1012, %and3A_1051 : vector<16xi32>
        %or3A_1053 = arith.ori %shift_left3A_1049, %and3A_1052 : vector<16xi32>
        %shift_right_arithmetic3A_1054 = arith.constant 7 : i32
        %shift_right_arithmetic3A_1055 = vector.broadcast %shift_right_arithmetic3A_1054 : i32 to vector<16xi32>
        %shift_right_arithmetic3A_1056 = arith.shrsi %sub3A_940, %shift_right_arithmetic3A_1055 : vector<16xi32>
        %and3A_1057 = arith.constant 127 : i32
        %and3A_1058 = vector.broadcast %and3A_1057 : i32 to vector<16xi32>
        %and3A_1059 = arith.andi %sub3A_940, %and3A_1058 : vector<16xi32>
        tpu.vector_store_idx %arg9[%shift_right_arithmetic3A_1056, %and3A_1059], %or3A_925 masked %lt3A_932 : memref<36x128xi32, #tpu.memory_space<vmem>>[vector<16xi32>, vector<16xi32>], vector<16xi32>, vector<16xi1>
        %add3A_1060 = arith.constant 9 : i32
        %add3A_1061 = vector.broadcast %add3A_1060 : i32 to vector<16xi32>
        %add3A_1062 = arith.addi %add3A_1061, %shift_right_arithmetic3A_1056 : vector<16xi32>
        %add3A_1063 = arith.constant 8 : i32
        %add3A_1064 = vector.broadcast %add3A_1063 : i32 to vector<16xi32>
        %add3A_1065 = arith.addi %or3A_925, %add3A_1064 : vector<16xi32>
        tpu.vector_store_idx %arg9[%add3A_1062, %and3A_1059], %add3A_1065 masked %lt3A_932 : memref<36x128xi32, #tpu.memory_space<vmem>>[vector<16xi32>, vector<16xi32>], vector<16xi32>, vector<16xi1>
        %add3A_1066 = arith.constant 18 : i32
        %add3A_1067 = vector.broadcast %add3A_1066 : i32 to vector<16xi32>
        %add3A_1068 = arith.addi %add3A_1067, %shift_right_arithmetic3A_1056 : vector<16xi32>
        %add3A_1069 = arith.constant 16 : i32
        %add3A_1070 = vector.broadcast %add3A_1069 : i32 to vector<16xi32>
        %add3A_1071 = arith.addi %or3A_925, %add3A_1070 : vector<16xi32>
        tpu.vector_store_idx %arg9[%add3A_1068, %and3A_1059], %add3A_1071 masked %lt3A_932 : memref<36x128xi32, #tpu.memory_space<vmem>>[vector<16xi32>, vector<16xi32>], vector<16xi32>, vector<16xi1>
        %add3A_1072 = arith.constant 27 : i32
        %add3A_1073 = vector.broadcast %add3A_1072 : i32 to vector<16xi32>
        %add3A_1074 = arith.addi %add3A_1073, %shift_right_arithmetic3A_1056 : vector<16xi32>
        %add3A_1075 = arith.constant 24 : i32
        %add3A_1076 = vector.broadcast %add3A_1075 : i32 to vector<16xi32>
        %add3A_1077 = arith.addi %or3A_925, %add3A_1076 : vector<16xi32>
        tpu.vector_store_idx %arg9[%add3A_1074, %and3A_1059], %add3A_1077 masked %lt3A_932 : memref<36x128xi32, #tpu.memory_space<vmem>>[vector<16xi32>, vector<16xi32>], vector<16xi32>, vector<16xi1>
        tpu.vector_store_idx %arg10[%sub3A_940], %or3A_949 masked %lt3A_932 : memref<1152xi32, #tpu.memory_space<vmem>>[vector<16xi32>], vector<16xi32>, vector<16xi1>
        %shift_right_arithmetic3A_1078 = arith.constant 7 : i32
        %shift_right_arithmetic3A_1079 = vector.broadcast %shift_right_arithmetic3A_1078 : i32 to vector<16xi32>
        %shift_right_arithmetic3A_1080 = arith.shrsi %sub3A_1044, %shift_right_arithmetic3A_1079 : vector<16xi32>
        %and3A_1081 = arith.constant 127 : i32
        %and3A_1082 = vector.broadcast %and3A_1081 : i32 to vector<16xi32>
        %and3A_1083 = arith.andi %sub3A_1044, %and3A_1082 : vector<16xi32>
        tpu.vector_store_idx %arg9[%shift_right_arithmetic3A_1080, %and3A_1083], %or3A_1027 masked %lt3A_1035 : memref<36x128xi32, #tpu.memory_space<vmem>>[vector<16xi32>, vector<16xi32>], vector<16xi32>, vector<16xi1>
        %add3A_1084 = arith.constant 9 : i32
        %add3A_1085 = vector.broadcast %add3A_1084 : i32 to vector<16xi32>
        %add3A_1086 = arith.addi %add3A_1085, %shift_right_arithmetic3A_1080 : vector<16xi32>
        %add3A_1087 = arith.constant 8 : i32
        %add3A_1088 = vector.broadcast %add3A_1087 : i32 to vector<16xi32>
        %add3A_1089 = arith.addi %or3A_1027, %add3A_1088 : vector<16xi32>
        tpu.vector_store_idx %arg9[%add3A_1086, %and3A_1083], %add3A_1089 masked %lt3A_1035 : memref<36x128xi32, #tpu.memory_space<vmem>>[vector<16xi32>, vector<16xi32>], vector<16xi32>, vector<16xi1>
        %add3A_1090 = arith.constant 18 : i32
        %add3A_1091 = vector.broadcast %add3A_1090 : i32 to vector<16xi32>
        %add3A_1092 = arith.addi %add3A_1091, %shift_right_arithmetic3A_1080 : vector<16xi32>
        %add3A_1093 = arith.constant 16 : i32
        %add3A_1094 = vector.broadcast %add3A_1093 : i32 to vector<16xi32>
        %add3A_1095 = arith.addi %or3A_1027, %add3A_1094 : vector<16xi32>
        tpu.vector_store_idx %arg9[%add3A_1092, %and3A_1083], %add3A_1095 masked %lt3A_1035 : memref<36x128xi32, #tpu.memory_space<vmem>>[vector<16xi32>, vector<16xi32>], vector<16xi32>, vector<16xi1>
        %add3A_1096 = arith.constant 27 : i32
        %add3A_1097 = vector.broadcast %add3A_1096 : i32 to vector<16xi32>
        %add3A_1098 = arith.addi %add3A_1097, %shift_right_arithmetic3A_1080 : vector<16xi32>
        %add3A_1099 = arith.constant 24 : i32
        %add3A_1100 = vector.broadcast %add3A_1099 : i32 to vector<16xi32>
        %add3A_1101 = arith.addi %or3A_1027, %add3A_1100 : vector<16xi32>
        tpu.vector_store_idx %arg9[%add3A_1098, %and3A_1083], %add3A_1101 masked %lt3A_1035 : memref<36x128xi32, #tpu.memory_space<vmem>>[vector<16xi32>, vector<16xi32>], vector<16xi32>, vector<16xi1>
        tpu.vector_store_idx %arg10[%sub3A_1044], %or3A_1053 masked %lt3A_1035 : memref<1152xi32, #tpu.memory_space<vmem>>[vector<16xi32>], vector<16xi32>, vector<16xi1>
        %jit3A_1102 = arith.constant 4 : i32
        %div3A_1103 = arith.divsi %scan3A_851, %jit3A_1102 : i32
        %sign3A_1104 = arith.constant 0 : i32
        %sign3A_1105 = arith.cmpi sgt, %scan3A_851, %sign3A_1104 : i32
        %sign3A_1106 = arith.extui %sign3A_1105 : i1 to i32
        %sign3A_1107 = arith.constant 0 : i32
        %sign3A_1108 = arith.cmpi slt, %scan3A_851, %sign3A_1107 : i32
        %sign3A_1109 = arith.extui %sign3A_1108 : i1 to i32
        %sign3A_1110 = arith.subi %sign3A_1106, %sign3A_1109 : i32
        %sign3A_1111 = arith.constant 0 : i32
        %sign3A_1112 = arith.cmpi sgt, %jit3A_1102, %sign3A_1111 : i32
        %sign3A_1113 = arith.extui %sign3A_1112 : i1 to i32
        %sign3A_1114 = arith.constant 0 : i32
        %sign3A_1115 = arith.cmpi slt, %jit3A_1102, %sign3A_1114 : i32
        %sign3A_1116 = arith.extui %sign3A_1115 : i1 to i32
        %sign3A_1117 = arith.subi %sign3A_1113, %sign3A_1116 : i32
        %ne3A_1118 = arith.cmpi ne, %sign3A_1110, %sign3A_1117 : i32
        %rem3A_1119 = arith.remsi %scan3A_851, %jit3A_1102 : i32
        %ne3A_1120 = arith.constant 0 : i32
        %ne3A_1121 = arith.cmpi ne, %rem3A_1119, %ne3A_1120 : i32
        %and3A_1122 = arith.andi %ne3A_1118, %ne3A_1121 : i1
        %sub3A_1123 = arith.constant 1 : i32
        %sub3A_1124 = arith.subi %div3A_1103, %sub3A_1123 : i32
        %select_n3A_1125 = arith.select %and3A_1122, %sub3A_1124, %div3A_1103 : i32
        %jit3A_1126 = arith.constant 4 : i32
        %eq3A_1127 = arith.constant 0 : i32
        %eq3A_1128 = arith.cmpi eq, %jit3A_1126, %eq3A_1127 : i32
        %jit3A_1129 = arith.constant 1 : i32
        %select_n3A_1130 = arith.select %eq3A_1128, %jit3A_1129, %jit3A_1126 : i32
        %rem3A_1131 = arith.remsi %scan3A_851, %select_n3A_1130 : i32
        %ne3A_1132 = arith.constant 0 : i32
        %ne3A_1133 = arith.cmpi ne, %rem3A_1131, %ne3A_1132 : i32
        %lt3A_1134 = arith.constant 0 : i32
        %lt3A_1135 = arith.cmpi slt, %rem3A_1131, %lt3A_1134 : i32
        %lt3A_1136 = arith.constant 0 : i32
        %lt3A_1137 = arith.cmpi slt, %select_n3A_1130, %lt3A_1136 : i32
        %ne3A_1138 = arith.xori %lt3A_1135, %lt3A_1137 : i1
        %and3A_1139 = arith.andi %ne3A_1138, %ne3A_1133 : i1
        %add3A_1140 = arith.addi %rem3A_1131, %select_n3A_1130 : i32
        %select_n3A_1141 = arith.select %and3A_1139, %add3A_1140, %rem3A_1131 : i32
        %mul3A_1142 = arith.constant 32 : i32
        %mul3A_1143 = arith.muli %select_n3A_1141, %mul3A_1142 : i32
        %swap3A = arith.constant 0 : i32
        %swap3A_1144 = arith.index_cast %select_n3A_1125 : i32 to index
        %swap3A_1145 = arith.index_cast %swap3A : i32 to index
        %swap3A_1146 = arith.index_cast %mul3A_1143 : i32 to index
        %swap3A_1147 = tpu.vector_load %arg11[%swap3A_1144, %swap3A_1145, %swap3A_1146] {strides = array<i32>} : memref<8x4x128xf32, #tpu.memory_space<vmem>>, vector<16xf32>,
        tpu.vector_store %arg11[%swap3A_1144, %swap3A_1145, %swap3A_1146], %broadcast_in_dim3A_1 {strides = array<i32>} : memref<8x4x128xf32, #tpu.memory_space<vmem>>, vector<16xf32>,
        %add3A_1148 = arith.constant 16 : i32
        %add3A_1149 = arith.addi %mul3A_1143, %add3A_1148 : i32
        %swap3A_1150 = arith.constant 0 : i32
        %swap3A_1151 = arith.index_cast %select_n3A_1125 : i32 to index
        %swap3A_1152 = arith.index_cast %swap3A_1150 : i32 to index
        %swap3A_1153 = arith.index_cast %add3A_1149 : i32 to index
        %swap3A_1154 = tpu.vector_load %arg11[%swap3A_1151, %swap3A_1152, %swap3A_1153] {strides = array<i32>} : memref<8x4x128xf32, #tpu.memory_space<vmem>>, vector<16xf32>,
        tpu.vector_store %arg11[%swap3A_1151, %swap3A_1152, %swap3A_1153], %broadcast_in_dim3A_1 {strides = array<i32>} : memref<8x4x128xf32, #tpu.memory_space<vmem>>, vector<16xf32>,
        %swap3A_1155 = arith.constant 1 : i32
        %swap3A_1156 = arith.index_cast %select_n3A_1125 : i32 to index
        %swap3A_1157 = arith.index_cast %swap3A_1155 : i32 to index
        %swap3A_1158 = arith.index_cast %mul3A_1143 : i32 to index
        %swap3A_1159 = tpu.vector_load %arg11[%swap3A_1156, %swap3A_1157, %swap3A_1158] {strides = array<i32>} : memref<8x4x128xf32, #tpu.memory_space<vmem>>, vector<16xf32>,
        tpu.vector_store %arg11[%swap3A_1156, %swap3A_1157, %swap3A_1158], %broadcast_in_dim3A_1 {strides = array<i32>} : memref<8x4x128xf32, #tpu.memory_space<vmem>>, vector<16xf32>,
        %add3A_1160 = arith.constant 16 : i32
        %add3A_1161 = arith.addi %mul3A_1143, %add3A_1160 : i32
        %swap3A_1162 = arith.constant 1 : i32
        %swap3A_1163 = arith.index_cast %select_n3A_1125 : i32 to index
        %swap3A_1164 = arith.index_cast %swap3A_1162 : i32 to index
        %swap3A_1165 = arith.index_cast %add3A_1161 : i32 to index
        %swap3A_1166 = tpu.vector_load %arg11[%swap3A_1163, %swap3A_1164, %swap3A_1165] {strides = array<i32>} : memref<8x4x128xf32, #tpu.memory_space<vmem>>, vector<16xf32>,
        tpu.vector_store %arg11[%swap3A_1163, %swap3A_1164, %swap3A_1165], %broadcast_in_dim3A_1 {strides = array<i32>} : memref<8x4x128xf32, #tpu.memory_space<vmem>>, vector<16xf32>,
        %swap3A_1167 = arith.constant 2 : i32
        %swap3A_1168 = arith.index_cast %select_n3A_1125 : i32 to index
        %swap3A_1169 = arith.index_cast %swap3A_1167 : i32 to index
        %swap3A_1170 = arith.index_cast %mul3A_1143 : i32 to index
        %swap3A_1171 = tpu.vector_load %arg11[%swap3A_1168, %swap3A_1169, %swap3A_1170] {strides = array<i32>} : memref<8x4x128xf32, #tpu.memory_space<vmem>>, vector<16xf32>,
        tpu.vector_store %arg11[%swap3A_1168, %swap3A_1169, %swap3A_1170], %broadcast_in_dim3A_1 {strides = array<i32>} : memref<8x4x128xf32, #tpu.memory_space<vmem>>, vector<16xf32>,
        %add3A_1172 = arith.constant 16 : i32
        %add3A_1173 = arith.addi %mul3A_1143, %add3A_1172 : i32
        %swap3A_1174 = arith.constant 2 : i32
        %swap3A_1175 = arith.index_cast %select_n3A_1125 : i32 to index
        %swap3A_1176 = arith.index_cast %swap3A_1174 : i32 to index
        %swap3A_1177 = arith.index_cast %add3A_1173 : i32 to index
        %swap3A_1178 = tpu.vector_load %arg11[%swap3A_1175, %swap3A_1176, %swap3A_1177] {strides = array<i32>} : memref<8x4x128xf32, #tpu.memory_space<vmem>>, vector<16xf32>,
        tpu.vector_store %arg11[%swap3A_1175, %swap3A_1176, %swap3A_1177], %broadcast_in_dim3A_1 {strides = array<i32>} : memref<8x4x128xf32, #tpu.memory_space<vmem>>, vector<16xf32>,
        %mul3A_1179 = arith.constant 16 : i32
        %mul3A_1180 = arith.muli %mul3A_854, %mul3A_1179 : i32
        %swap3A_1181 = arith.index_cast %mul3A_1180 : i32 to index
        %swap3A_1182 = tpu.vector_load %arg12[%swap3A_1181] {strides = array<i32>} : memref<1024xf32, #tpu.memory_space<vmem>>, vector<16xf32>,
        tpu.vector_store %arg12[%swap3A_1181], %broadcast_in_dim3A_3 {strides = array<i32>} : memref<1024xf32, #tpu.memory_space<vmem>>, vector<16xf32>,
        %mul3A_1183 = arith.constant 16 : i32
        %mul3A_1184 = arith.muli %mul3A_854, %mul3A_1183 : i32
        %add3A_1185 = arith.constant 16 : i32
        %add3A_1186 = arith.addi %mul3A_1184, %add3A_1185 : i32
        %swap3A_1187 = arith.index_cast %add3A_1186 : i32 to index
        %swap3A_1188 = tpu.vector_load %arg12[%swap3A_1187] {strides = array<i32>} : memref<1024xf32, #tpu.memory_space<vmem>>, vector<16xf32>,
        tpu.vector_store %arg12[%swap3A_1187], %broadcast_in_dim3A_3 {strides = array<i32>} : memref<1024xf32, #tpu.memory_space<vmem>>, vector<16xf32>,
        %slice3A_1189 = vector.extract_strided_slice %sub3A_1044 {offsets = [15], sizes = [1], strides = [1]} : vector<16xi32> to vector<1xi32>
        %squeeze3A_1190 = vector.extract %slice3A_1189[0] : i32 from vector<1xi32>
        %add3A_1191 = arith.constant 1 : i32
        %add3A_1192 = arith.addi %squeeze3A_1190, %add3A_1191 : i32
        scf.yield %add3A_1192 : i32
      }
      %scan3A_204 = arith.constant 32 : i32
      %add3A_205 = arith.constant 0 : i32
      %add3A_206 = arith.addi %scan3A_203, %add3A_205 : i32
      %add3A_207 = vector.broadcast %add3A_206 : i32 to vector<16xi32>
      %add3A_208 = arith.addi %add3A_207, %iota3A : vector<16xi32>
      %shift_right_arithmetic3A_209 = arith.constant 7 : i32
      %shift_right_arithmetic3A_210 = vector.broadcast %shift_right_arithmetic3A_209 : i32 to vector<16xi32>
      %shift_right_arithmetic3A_211 = arith.shrsi %add3A_208, %shift_right_arithmetic3A_210 : vector<16xi32>
      %and3A_212 = arith.constant 127 : i32
      %and3A_213 = vector.broadcast %and3A_212 : i32 to vector<16xi32>
      %and3A_214 = arith.andi %add3A_208, %and3A_213 : vector<16xi32>
      %shift_left3A = arith.constant 8 : i32
      %shift_left3A_215 = arith.shli %add3A, %shift_left3A : i32
      %add3A_216 = arith.constant 0 : i32
      %add3A_217 = vector.broadcast %add3A_216 : i32 to vector<16xi32>
      %add3A_218 = arith.addi %add3A_217, %iota3A : vector<16xi32>
      %or3A = vector.broadcast %shift_left3A_215 : i32 to vector<16xi32>
      %or3A_219 = arith.ori %or3A, %add3A_218 : vector<16xi32>
      %shift_left3A_220 = arith.constant 5 : i32
      %shift_left3A_221 = vector.broadcast %shift_left3A_220 : i32 to vector<16xi32>
      %shift_left3A_222 = arith.shli %or3A_219, %shift_left3A_221 : vector<16xi32>
      tpu.vector_store_idx %arg9[%shift_right_arithmetic3A_211, %and3A_214], %shift_left3A_222 : memref<36x128xi32, #tpu.memory_space<vmem>>[vector<16xi32>, vector<16xi32>], vector<16xi32>,
      %add3A_223 = arith.constant 9 : i32
      %add3A_224 = vector.broadcast %add3A_223 : i32 to vector<16xi32>
      %add3A_225 = arith.addi %add3A_224, %shift_right_arithmetic3A_211 : vector<16xi32>
      tpu.vector_store_idx %arg9[%add3A_225, %and3A_214], %shift_left3A_222 : memref<36x128xi32, #tpu.memory_space<vmem>>[vector<16xi32>, vector<16xi32>], vector<16xi32>,
      %add3A_226 = arith.constant 18 : i32
      %add3A_227 = vector.broadcast %add3A_226 : i32 to vector<16xi32>
      %add3A_228 = arith.addi %add3A_227, %shift_right_arithmetic3A_211 : vector<16xi32>
      tpu.vector_store_idx %arg9[%add3A_228, %and3A_214], %shift_left3A_222 : memref<36x128xi32, #tpu.memory_space<vmem>>[vector<16xi32>, vector<16xi32>], vector<16xi32>,
      %add3A_229 = arith.constant 27 : i32
      %add3A_230 = vector.broadcast %add3A_229 : i32 to vector<16xi32>
      %add3A_231 = arith.addi %add3A_230, %shift_right_arithmetic3A_211 : vector<16xi32>
      tpu.vector_store_idx %arg9[%add3A_231, %and3A_214], %shift_left3A_222 : memref<36x128xi32, #tpu.memory_space<vmem>>[vector<16xi32>, vector<16xi32>], vector<16xi32>,
      %add3A_232 = arith.constant 16 : i32
      %add3A_233 = arith.addi %scan3A_203, %add3A_232 : i32
      %add3A_234 = vector.broadcast %add3A_233 : i32 to vector<16xi32>
      %add3A_235 = arith.addi %add3A_234, %iota3A : vector<16xi32>
      %shift_right_arithmetic3A_236 = arith.constant 7 : i32
      %shift_right_arithmetic3A_237 = vector.broadcast %shift_right_arithmetic3A_236 : i32 to vector<16xi32>
      %shift_right_arithmetic3A_238 = arith.shrsi %add3A_235, %shift_right_arithmetic3A_237 : vector<16xi32>
      %and3A_239 = arith.constant 127 : i32
      %and3A_240 = vector.broadcast %and3A_239 : i32 to vector<16xi32>
      %and3A_241 = arith.andi %add3A_235, %and3A_240 : vector<16xi32>
      %shift_left3A_242 = arith.constant 8 : i32
      %shift_left3A_243 = arith.shli %add3A, %shift_left3A_242 : i32
      %add3A_244 = arith.constant 16 : i32
      %add3A_245 = vector.broadcast %add3A_244 : i32 to vector<16xi32>
      %add3A_246 = arith.addi %add3A_245, %iota3A : vector<16xi32>
      %or3A_247 = vector.broadcast %shift_left3A_243 : i32 to vector<16xi32>
      %or3A_248 = arith.ori %or3A_247, %add3A_246 : vector<16xi32>
      %shift_left3A_249 = arith.constant 5 : i32
      %shift_left3A_250 = vector.broadcast %shift_left3A_249 : i32 to vector<16xi32>
      %shift_left3A_251 = arith.shli %or3A_248, %shift_left3A_250 : vector<16xi32>
      tpu.vector_store_idx %arg9[%shift_right_arithmetic3A_238, %and3A_241], %shift_left3A_251 : memref<36x128xi32, #tpu.memory_space<vmem>>[vector<16xi32>, vector<16xi32>], vector<16xi32>,
      %add3A_252 = arith.constant 9 : i32
      %add3A_253 = vector.broadcast %add3A_252 : i32 to vector<16xi32>
      %add3A_254 = arith.addi %add3A_253, %shift_right_arithmetic3A_238 : vector<16xi32>
      tpu.vector_store_idx %arg9[%add3A_254, %and3A_241], %shift_left3A_251 : memref<36x128xi32, #tpu.memory_space<vmem>>[vector<16xi32>, vector<16xi32>], vector<16xi32>,
      %add3A_255 = arith.constant 18 : i32
      %add3A_256 = vector.broadcast %add3A_255 : i32 to vector<16xi32>
      %add3A_257 = arith.addi %add3A_256, %shift_right_arithmetic3A_238 : vector<16xi32>
      tpu.vector_store_idx %arg9[%add3A_257, %and3A_241], %shift_left3A_251 : memref<36x128xi32, #tpu.memory_space<vmem>>[vector<16xi32>, vector<16xi32>], vector<16xi32>,
      %add3A_258 = arith.constant 27 : i32
      %add3A_259 = vector.broadcast %add3A_258 : i32 to vector<16xi32>
      %add3A_260 = arith.addi %add3A_259, %shift_right_arithmetic3A_238 : vector<16xi32>
      tpu.vector_store_idx %arg9[%add3A_260, %and3A_241], %shift_left3A_251 : memref<36x128xi32, #tpu.memory_space<vmem>>[vector<16xi32>, vector<16xi32>], vector<16xi32>,
      %add3A_261 = arith.constant 32 : i32
      %add3A_262 = arith.addi %scan3A_203, %add3A_261 : i32
      %add3A_263 = vector.broadcast %add3A_262 : i32 to vector<16xi32>
      %add3A_264 = arith.addi %add3A_263, %iota3A : vector<16xi32>
      %shift_right_arithmetic3A_265 = arith.constant 7 : i32
      %shift_right_arithmetic3A_266 = vector.broadcast %shift_right_arithmetic3A_265 : i32 to vector<16xi32>
      %shift_right_arithmetic3A_267 = arith.shrsi %add3A_264, %shift_right_arithmetic3A_266 : vector<16xi32>
      %and3A_268 = arith.constant 127 : i32
      %and3A_269 = vector.broadcast %and3A_268 : i32 to vector<16xi32>
      %and3A_270 = arith.andi %add3A_264, %and3A_269 : vector<16xi32>
      %shift_left3A_271 = arith.constant 8 : i32
      %shift_left3A_272 = arith.shli %add3A, %shift_left3A_271 : i32
      %add3A_273 = arith.constant 32 : i32
      %add3A_274 = vector.broadcast %add3A_273 : i32 to vector<16xi32>
      %add3A_275 = arith.addi %add3A_274, %iota3A : vector<16xi32>
      %or3A_276 = vector.broadcast %shift_left3A_272 : i32 to vector<16xi32>
      %or3A_277 = arith.ori %or3A_276, %add3A_275 : vector<16xi32>
      %shift_left3A_278 = arith.constant 5 : i32
      %shift_left3A_279 = vector.broadcast %shift_left3A_278 : i32 to vector<16xi32>
      %shift_left3A_280 = arith.shli %or3A_277, %shift_left3A_279 : vector<16xi32>
      tpu.vector_store_idx %arg9[%shift_right_arithmetic3A_267, %and3A_270], %shift_left3A_280 : memref<36x128xi32, #tpu.memory_space<vmem>>[vector<16xi32>, vector<16xi32>], vector<16xi32>,
      %add3A_281 = arith.constant 9 : i32
      %add3A_282 = vector.broadcast %add3A_281 : i32 to vector<16xi32>
      %add3A_283 = arith.addi %add3A_282, %shift_right_arithmetic3A_267 : vector<16xi32>
      tpu.vector_store_idx %arg9[%add3A_283, %and3A_270], %shift_left3A_280 : memref<36x128xi32, #tpu.memory_space<vmem>>[vector<16xi32>, vector<16xi32>], vector<16xi32>,
      %add3A_284 = arith.constant 18 : i32
      %add3A_285 = vector.broadcast %add3A_284 : i32 to vector<16xi32>
      %add3A_286 = arith.addi %add3A_285, %shift_right_arithmetic3A_267 : vector<16xi32>
      tpu.vector_store_idx %arg9[%add3A_286, %and3A_270], %shift_left3A_280 : memref<36x128xi32, #tpu.memory_space<vmem>>[vector<16xi32>, vector<16xi32>], vector<16xi32>,
      %add3A_287 = arith.constant 27 : i32
      %add3A_288 = vector.broadcast %add3A_287 : i32 to vector<16xi32>
      %add3A_289 = arith.addi %add3A_288, %shift_right_arithmetic3A_267 : vector<16xi32>
      tpu.vector_store_idx %arg9[%add3A_289, %and3A_270], %shift_left3A_280 : memref<36x128xi32, #tpu.memory_space<vmem>>[vector<16xi32>, vector<16xi32>], vector<16xi32>,
      %add3A_290 = arith.constant 48 : i32
      %add3A_291 = arith.addi %scan3A_203, %add3A_290 : i32
      %add3A_292 = vector.broadcast %add3A_291 : i32 to vector<16xi32>
      %add3A_293 = arith.addi %add3A_292, %iota3A : vector<16xi32>
      %shift_right_arithmetic3A_294 = arith.constant 7 : i32
      %shift_right_arithmetic3A_295 = vector.broadcast %shift_right_arithmetic3A_294 : i32 to vector<16xi32>
      %shift_right_arithmetic3A_296 = arith.shrsi %add3A_293, %shift_right_arithmetic3A_295 : vector<16xi32>
      %and3A_297 = arith.constant 127 : i32
      %and3A_298 = vector.broadcast %and3A_297 : i32 to vector<16xi32>
      %and3A_299 = arith.andi %add3A_293, %and3A_298 : vector<16xi32>
      %shift_left3A_300 = arith.constant 8 : i32
      %shift_left3A_301 = arith.shli %add3A, %shift_left3A_300 : i32
      %add3A_302 = arith.constant 48 : i32
      %add3A_303 = vector.broadcast %add3A_302 : i32 to vector<16xi32>
      %add3A_304 = arith.addi %add3A_303, %iota3A : vector<16xi32>
      %or3A_305 = vector.broadcast %shift_left3A_301 : i32 to vector<16xi32>
      %or3A_306 = arith.ori %or3A_305, %add3A_304 : vector<16xi32>
      %shift_left3A_307 = arith.constant 5 : i32
      %shift_left3A_308 = vector.broadcast %shift_left3A_307 : i32 to vector<16xi32>
      %shift_left3A_309 = arith.shli %or3A_306, %shift_left3A_308 : vector<16xi32>
      tpu.vector_store_idx %arg9[%shift_right_arithmetic3A_296, %and3A_299], %shift_left3A_309 : memref<36x128xi32, #tpu.memory_space<vmem>>[vector<16xi32>, vector<16xi32>], vector<16xi32>,
      %add3A_310 = arith.constant 9 : i32
      %add3A_311 = vector.broadcast %add3A_310 : i32 to vector<16xi32>
      %add3A_312 = arith.addi %add3A_311, %shift_right_arithmetic3A_296 : vector<16xi32>
      tpu.vector_store_idx %arg9[%add3A_312, %and3A_299], %shift_left3A_309 : memref<36x128xi32, #tpu.memory_space<vmem>>[vector<16xi32>, vector<16xi32>], vector<16xi32>,
      %add3A_313 = arith.constant 18 : i32
      %add3A_314 = vector.broadcast %add3A_313 : i32 to vector<16xi32>
      %add3A_315 = arith.addi %add3A_314, %shift_right_arithmetic3A_296 : vector<16xi32>
      tpu.vector_store_idx %arg9[%add3A_315, %and3A_299], %shift_left3A_309 : memref<36x128xi32, #tpu.memory_space<vmem>>[vector<16xi32>, vector<16xi32>], vector<16xi32>,
      %add3A_316 = arith.constant 27 : i32
      %add3A_317 = vector.broadcast %add3A_316 : i32 to vector<16xi32>
      %add3A_318 = arith.addi %add3A_317, %shift_right_arithmetic3A_296 : vector<16xi32>
      tpu.vector_store_idx %arg9[%add3A_318, %and3A_299], %shift_left3A_309 : memref<36x128xi32, #tpu.memory_space<vmem>>[vector<16xi32>, vector<16xi32>], vector<16xi32>,
      %add3A_319 = arith.constant 64 : i32
      %add3A_320 = arith.addi %scan3A_203, %add3A_319 : i32
      %add3A_321 = vector.broadcast %add3A_320 : i32 to vector<16xi32>
      %add3A_322 = arith.addi %add3A_321, %iota3A : vector<16xi32>
      %shift_right_arithmetic3A_323 = arith.constant 7 : i32
      %shift_right_arithmetic3A_324 = vector.broadcast %shift_right_arithmetic3A_323 : i32 to vector<16xi32>
      %shift_right_arithmetic3A_325 = arith.shrsi %add3A_322, %shift_right_arithmetic3A_324 : vector<16xi32>
      %and3A_326 = arith.constant 127 : i32
      %and3A_327 = vector.broadcast %and3A_326 : i32 to vector<16xi32>
      %and3A_328 = arith.andi %add3A_322, %and3A_327 : vector<16xi32>
      %shift_left3A_329 = arith.constant 8 : i32
      %shift_left3A_330 = arith.shli %add3A, %shift_left3A_329 : i32
      %add3A_331 = arith.constant 64 : i32
      %add3A_332 = vector.broadcast %add3A_331 : i32 to vector<16xi32>
      %add3A_333 = arith.addi %add3A_332, %iota3A : vector<16xi32>
      %or3A_334 = vector.broadcast %shift_left3A_330 : i32 to vector<16xi32>
      %or3A_335 = arith.ori %or3A_334, %add3A_333 : vector<16xi32>
      %shift_left3A_336 = arith.constant 5 : i32
      %shift_left3A_337 = vector.broadcast %shift_left3A_336 : i32 to vector<16xi32>
      %shift_left3A_338 = arith.shli %or3A_335, %shift_left3A_337 : vector<16xi32>
      tpu.vector_store_idx %arg9[%shift_right_arithmetic3A_325, %and3A_328], %shift_left3A_338 : memref<36x128xi32, #tpu.memory_space<vmem>>[vector<16xi32>, vector<16xi32>], vector<16xi32>,
      %add3A_339 = arith.constant 9 : i32
      %add3A_340 = vector.broadcast %add3A_339 : i32 to vector<16xi32>
      %add3A_341 = arith.addi %add3A_340, %shift_right_arithmetic3A_325 : vector<16xi32>
      tpu.vector_store_idx %arg9[%add3A_341, %and3A_328], %shift_left3A_338 : memref<36x128xi32, #tpu.memory_space<vmem>>[vector<16xi32>, vector<16xi32>], vector<16xi32>,
      %add3A_342 = arith.constant 18 : i32
      %add3A_343 = vector.broadcast %add3A_342 : i32 to vector<16xi32>
      %add3A_344 = arith.addi %add3A_343, %shift_right_arithmetic3A_325 : vector<16xi32>
      tpu.vector_store_idx %arg9[%add3A_344, %and3A_328], %shift_left3A_338 : memref<36x128xi32, #tpu.memory_space<vmem>>[vector<16xi32>, vector<16xi32>], vector<16xi32>,
      %add3A_345 = arith.constant 27 : i32
      %add3A_346 = vector.broadcast %add3A_345 : i32 to vector<16xi32>
      %add3A_347 = arith.addi %add3A_346, %shift_right_arithmetic3A_325 : vector<16xi32>
      tpu.vector_store_idx %arg9[%add3A_347, %and3A_328], %shift_left3A_338 : memref<36x128xi32, #tpu.memory_space<vmem>>[vector<16xi32>, vector<16xi32>], vector<16xi32>,
      %add3A_348 = arith.constant 80 : i32
      %add3A_349 = arith.addi %scan3A_203, %add3A_348 : i32
      %add3A_350 = vector.broadcast %add3A_349 : i32 to vector<16xi32>
      %add3A_351 = arith.addi %add3A_350, %iota3A : vector<16xi32>
      %shift_right_arithmetic3A_352 = arith.constant 7 : i32
      %shift_right_arithmetic3A_353 = vector.broadcast %shift_right_arithmetic3A_352 : i32 to vector<16xi32>
      %shift_right_arithmetic3A_354 = arith.shrsi %add3A_351, %shift_right_arithmetic3A_353 : vector<16xi32>
      %and3A_355 = arith.constant 127 : i32
      %and3A_356 = vector.broadcast %and3A_355 : i32 to vector<16xi32>
      %and3A_357 = arith.andi %add3A_351, %and3A_356 : vector<16xi32>
      %shift_left3A_358 = arith.constant 8 : i32
      %shift_left3A_359 = arith.shli %add3A, %shift_left3A_358 : i32
      %add3A_360 = arith.constant 80 : i32
      %add3A_361 = vector.broadcast %add3A_360 : i32 to vector<16xi32>
      %add3A_362 = arith.addi %add3A_361, %iota3A : vector<16xi32>
      %or3A_363 = vector.broadcast %shift_left3A_359 : i32 to vector<16xi32>
      %or3A_364 = arith.ori %or3A_363, %add3A_362 : vector<16xi32>
      %shift_left3A_365 = arith.constant 5 : i32
      %shift_left3A_366 = vector.broadcast %shift_left3A_365 : i32 to vector<16xi32>
      %shift_left3A_367 = arith.shli %or3A_364, %shift_left3A_366 : vector<16xi32>
      tpu.vector_store_idx %arg9[%shift_right_arithmetic3A_354, %and3A_357], %shift_left3A_367 : memref<36x128xi32, #tpu.memory_space<vmem>>[vector<16xi32>, vector<16xi32>], vector<16xi32>,
      %add3A_368 = arith.constant 9 : i32
      %add3A_369 = vector.broadcast %add3A_368 : i32 to vector<16xi32>
      %add3A_370 = arith.addi %add3A_369, %shift_right_arithmetic3A_354 : vector<16xi32>
      tpu.vector_store_idx %arg9[%add3A_370, %and3A_357], %shift_left3A_367 : memref<36x128xi32, #tpu.memory_space<vmem>>[vector<16xi32>, vector<16xi32>], vector<16xi32>,
      %add3A_371 = arith.constant 18 : i32
      %add3A_372 = vector.broadcast %add3A_371 : i32 to vector<16xi32>
      %add3A_373 = arith.addi %add3A_372, %shift_right_arithmetic3A_354 : vector<16xi32>
      tpu.vector_store_idx %arg9[%add3A_373, %and3A_357], %shift_left3A_367 : memref<36x128xi32, #tpu.memory_space<vmem>>[vector<16xi32>, vector<16xi32>], vector<16xi32>,
      %add3A_374 = arith.constant 27 : i32
      %add3A_375 = vector.broadcast %add3A_374 : i32 to vector<16xi32>
      %add3A_376 = arith.addi %add3A_375, %shift_right_arithmetic3A_354 : vector<16xi32>
      tpu.vector_store_idx %arg9[%add3A_376, %and3A_357], %shift_left3A_367 : memref<36x128xi32, #tpu.memory_space<vmem>>[vector<16xi32>, vector<16xi32>], vector<16xi32>,
      %add3A_377 = arith.constant 96 : i32
      %add3A_378 = arith.addi %scan3A_203, %add3A_377 : i32
      %add3A_379 = vector.broadcast %add3A_378 : i32 to vector<16xi32>
      %add3A_380 = arith.addi %add3A_379, %iota3A : vector<16xi32>
      %shift_right_arithmetic3A_381 = arith.constant 7 : i32
      %shift_right_arithmetic3A_382 = vector.broadcast %shift_right_arithmetic3A_381 : i32 to vector<16xi32>
      %shift_right_arithmetic3A_383 = arith.shrsi %add3A_380, %shift_right_arithmetic3A_382 : vector<16xi32>
      %and3A_384 = arith.constant 127 : i32
      %and3A_385 = vector.broadcast %and3A_384 : i32 to vector<16xi32>
      %and3A_386 = arith.andi %add3A_380, %and3A_385 : vector<16xi32>
      %shift_left3A_387 = arith.constant 8 : i32
      %shift_left3A_388 = arith.shli %add3A, %shift_left3A_387 : i32
      %add3A_389 = arith.constant 96 : i32
      %add3A_390 = vector.broadcast %add3A_389 : i32 to vector<16xi32>
      %add3A_391 = arith.addi %add3A_390, %iota3A : vector<16xi32>
      %or3A_392 = vector.broadcast %shift_left3A_388 : i32 to vector<16xi32>
      %or3A_393 = arith.ori %or3A_392, %add3A_391 : vector<16xi32>
      %shift_left3A_394 = arith.constant 5 : i32
      %shift_left3A_395 = vector.broadcast %shift_left3A_394 : i32 to vector<16xi32>
      %shift_left3A_396 = arith.shli %or3A_393, %shift_left3A_395 : vector<16xi32>
      tpu.vector_store_idx %arg9[%shift_right_arithmetic3A_383, %and3A_386], %shift_left3A_396 : memref<36x128xi32, #tpu.memory_space<vmem>>[vector<16xi32>, vector<16xi32>], vector<16xi32>,
      %add3A_397 = arith.constant 9 : i32
      %add3A_398 = vector.broadcast %add3A_397 : i32 to vector<16xi32>
      %add3A_399 = arith.addi %add3A_398, %shift_right_arithmetic3A_383 : vector<16xi32>
      tpu.vector_store_idx %arg9[%add3A_399, %and3A_386], %shift_left3A_396 : memref<36x128xi32, #tpu.memory_space<vmem>>[vector<16xi32>, vector<16xi32>], vector<16xi32>,
      %add3A_400 = arith.constant 18 : i32
      %add3A_401 = vector.broadcast %add3A_400 : i32 to vector<16xi32>
      %add3A_402 = arith.addi %add3A_401, %shift_right_arithmetic3A_383 : vector<16xi32>
      tpu.vector_store_idx %arg9[%add3A_402, %and3A_386], %shift_left3A_396 : memref<36x128xi32, #tpu.memory_space<vmem>>[vector<16xi32>, vector<16xi32>], vector<16xi32>,
      %add3A_403 = arith.constant 27 : i32
      %add3A_404 = vector.broadcast %add3A_403 : i32 to vector<16xi32>
      %add3A_405 = arith.addi %add3A_404, %shift_right_arithmetic3A_383 : vector<16xi32>
      tpu.vector_store_idx %arg9[%add3A_405, %and3A_386], %shift_left3A_396 : memref<36x128xi32, #tpu.memory_space<vmem>>[vector<16xi32>, vector<16xi32>], vector<16xi32>,
      %add3A_406 = arith.constant 112 : i32
      %add3A_407 = arith.addi %scan3A_203, %add3A_406 : i32
      %add3A_408 = vector.broadcast %add3A_407 : i32 to vector<16xi32>
      %add3A_409 = arith.addi %add3A_408, %iota3A : vector<16xi32>
      %shift_right_arithmetic3A_410 = arith.constant 7 : i32
      %shift_right_arithmetic3A_411 = vector.broadcast %shift_right_arithmetic3A_410 : i32 to vector<16xi32>
      %shift_right_arithmetic3A_412 = arith.shrsi %add3A_409, %shift_right_arithmetic3A_411 : vector<16xi32>
      %and3A_413 = arith.constant 127 : i32
      %and3A_414 = vector.broadcast %and3A_413 : i32 to vector<16xi32>
      %and3A_415 = arith.andi %add3A_409, %and3A_414 : vector<16xi32>
      %shift_left3A_416 = arith.constant 8 : i32
      %shift_left3A_417 = arith.shli %add3A, %shift_left3A_416 : i32
      %add3A_418 = arith.constant 112 : i32
      %add3A_419 = vector.broadcast %add3A_418 : i32 to vector<16xi32>
      %add3A_420 = arith.addi %add3A_419, %iota3A : vector<16xi32>
      %or3A_421 = vector.broadcast %shift_left3A_417 : i32 to vector<16xi32>
      %or3A_422 = arith.ori %or3A_421, %add3A_420 : vector<16xi32>
      %shift_left3A_423 = arith.constant 5 : i32
      %shift_left3A_424 = vector.broadcast %shift_left3A_423 : i32 to vector<16xi32>
      %shift_left3A_425 = arith.shli %or3A_422, %shift_left3A_424 : vector<16xi32>
      tpu.vector_store_idx %arg9[%shift_right_arithmetic3A_412, %and3A_415], %shift_left3A_425 : memref<36x128xi32, #tpu.memory_space<vmem>>[vector<16xi32>, vector<16xi32>], vector<16xi32>,
      %add3A_426 = arith.constant 9 : i32
      %add3A_427 = vector.broadcast %add3A_426 : i32 to vector<16xi32>
      %add3A_428 = arith.addi %add3A_427, %shift_right_arithmetic3A_412 : vector<16xi32>
      tpu.vector_store_idx %arg9[%add3A_428, %and3A_415], %shift_left3A_425 : memref<36x128xi32, #tpu.memory_space<vmem>>[vector<16xi32>, vector<16xi32>], vector<16xi32>,
      %add3A_429 = arith.constant 18 : i32
      %add3A_430 = vector.broadcast %add3A_429 : i32 to vector<16xi32>
      %add3A_431 = arith.addi %add3A_430, %shift_right_arithmetic3A_412 : vector<16xi32>
      tpu.vector_store_idx %arg9[%add3A_431, %and3A_415], %shift_left3A_425 : memref<36x128xi32, #tpu.memory_space<vmem>>[vector<16xi32>, vector<16xi32>], vector<16xi32>,
      %add3A_432 = arith.constant 27 : i32
      %add3A_433 = vector.broadcast %add3A_432 : i32 to vector<16xi32>
      %add3A_434 = arith.addi %add3A_433, %shift_right_arithmetic3A_412 : vector<16xi32>
      tpu.vector_store_idx %arg9[%add3A_434, %and3A_415], %shift_left3A_425 : memref<36x128xi32, #tpu.memory_space<vmem>>[vector<16xi32>, vector<16xi32>], vector<16xi32>,
      %gt3A = arith.constant 0 : i32
      %gt3A_435 = arith.cmpi sgt, %scan3A_128, %gt3A : i32
      %convert_element_type3A = arith.extui %gt3A_435 : i1 to i32
      %cond3A = arith.constant 0 : i32
      %cond3A_436 = arith.cmpi ne, %convert_element_type3A, %cond3A : i32
      scf.if %cond3A_436 {
        %add3A_851 = arith.constant 127 : i32
        %add3A_852 = arith.addi %scan3A_129, %add3A_851 : i32
        %shift_right_arithmetic3A_853 = arith.constant 7 : i32
        %shift_right_arithmetic3A_854 = arith.shrsi %add3A_852, %shift_right_arithmetic3A_853 : i32
        %while3A_855 = arith.constant 0 : i32
        %while3A_856 = arith.constant 0 : i32
        %while3A_857 = arith.subi %shift_right_arithmetic3A_854, %while3A_855 : i32
        %while3A_858 = arith.addi %while3A_855, %while3A_857 : i32
        %while3A_859 = arith.constant 1 : i32
        %while3A_860 = arith.divsi %while3A_857, %while3A_859 : i32
        %while3A_861 = arith.muli %while3A_860, %while3A_859 : i32
        %while3A_862 = arith.addi %while3A_855, %while3A_861 : i32
        %while3A_863 = arith.constant 1 : i32
        %while3A_864 = scf.for %while3A_914 = %while3A_855 to %while3A_862 step %while3A_863 iter_args(%while3A_915 = %while3A_856) -> (i32)  : i32 {
          %add3A_916 = arith.constant 0 : i32
          %add3A_917 = arith.addi %add3A_916, %while3A_914 : i32
          %add3A_918 = arith.constant 0 : i32
          %add3A_919 = arith.addi %add3A_918, %while3A_914 : i32
          %dma_wait3A_920 = arith.constant 0 : i32
          %dma_wait3A_921 = arith.constant 0 : i32
          %dma_wait3A_922 = tpu.memref_slice %arg18[%add3A_919, %dma_wait3A_920, %dma_wait3A_921] : memref<36x128x16xf32, #tpu.memory_space<vmem>> -> memref<1x128x16xf32, #tpu.memory_space<vmem>>
          %dma_wait3A_923 = tpu.memref_squeeze %dma_wait3A_922 : memref<1x128x16xf32, #tpu.memory_space<vmem>> -> memref<128x16xf32, #tpu.memory_space<vmem>>
          %dma_wait3A_924 = arith.constant 0 : i32
          %dma_wait3A_925 = tpu.memref_slice %arg14[%add3A_917, %dma_wait3A_924] : memref<36x128xi32, #tpu.memory_space<vmem>> -> memref<1x128xi32, #tpu.memory_space<vmem>>
          %dma_wait3A_926 = tpu.memref_squeeze %dma_wait3A_925 : memref<1x128xi32, #tpu.memory_space<vmem>> -> memref<128xi32, #tpu.memory_space<vmem>>
          %dma_wait3A_927 = arith.constant 0 : i32
          %dma_wait3A_928 = arith.constant 0 : i32
          %dma_wait3A_929 = tpu.memref_slice %arg5[%dma_wait3A_927, %dma_wait3A_928] : memref<4194304x16xf32, #tpu.memory_space<hbm>> -> memref<4194304x16xf32, #tpu.memory_space<hbm>>
          tpu.wait_indirect_dma semaphore(%arg20 : memref<!tpu.dma_semaphore, #tpu.memory_space<semaphore_mem>>) src(%dma_wait3A_929 : memref<4194304x16xf32, #tpu.memory_space<hbm>>) dst(%dma_wait3A_923 : memref<128x16xf32, #tpu.memory_space<vmem>>)
          %add3A_930 = arith.constant 9 : i32
          %add3A_931 = arith.addi %add3A_930, %while3A_914 : i32
          %add3A_932 = arith.constant 9 : i32
          %add3A_933 = arith.addi %add3A_932, %while3A_914 : i32
          %dma_wait3A_934 = arith.constant 0 : i32
          %dma_wait3A_935 = arith.constant 0 : i32
          %dma_wait3A_936 = tpu.memref_slice %arg18[%add3A_933, %dma_wait3A_934, %dma_wait3A_935] : memref<36x128x16xf32, #tpu.memory_space<vmem>> -> memref<1x128x16xf32, #tpu.memory_space<vmem>>
          %dma_wait3A_937 = tpu.memref_squeeze %dma_wait3A_936 : memref<1x128x16xf32, #tpu.memory_space<vmem>> -> memref<128x16xf32, #tpu.memory_space<vmem>>
          %dma_wait3A_938 = arith.constant 0 : i32
          %dma_wait3A_939 = tpu.memref_slice %arg14[%add3A_931, %dma_wait3A_938] : memref<36x128xi32, #tpu.memory_space<vmem>> -> memref<1x128xi32, #tpu.memory_space<vmem>>
          %dma_wait3A_940 = tpu.memref_squeeze %dma_wait3A_939 : memref<1x128xi32, #tpu.memory_space<vmem>> -> memref<128xi32, #tpu.memory_space<vmem>>
          %dma_wait3A_941 = arith.constant 0 : i32
          %dma_wait3A_942 = arith.constant 0 : i32
          %dma_wait3A_943 = tpu.memref_slice %arg5[%dma_wait3A_941, %dma_wait3A_942] : memref<4194304x16xf32, #tpu.memory_space<hbm>> -> memref<4194304x16xf32, #tpu.memory_space<hbm>>
          tpu.wait_indirect_dma semaphore(%arg20 : memref<!tpu.dma_semaphore, #tpu.memory_space<semaphore_mem>>) src(%dma_wait3A_943 : memref<4194304x16xf32, #tpu.memory_space<hbm>>) dst(%dma_wait3A_937 : memref<128x16xf32, #tpu.memory_space<vmem>>)
          %add3A_944 = arith.constant 18 : i32
          %add3A_945 = arith.addi %add3A_944, %while3A_914 : i32
          %add3A_946 = arith.constant 18 : i32
          %add3A_947 = arith.addi %add3A_946, %while3A_914 : i32
          %dma_wait3A_948 = arith.constant 0 : i32
          %dma_wait3A_949 = arith.constant 0 : i32
          %dma_wait3A_950 = tpu.memref_slice %arg18[%add3A_947, %dma_wait3A_948, %dma_wait3A_949] : memref<36x128x16xf32, #tpu.memory_space<vmem>> -> memref<1x128x16xf32, #tpu.memory_space<vmem>>
          %dma_wait3A_951 = tpu.memref_squeeze %dma_wait3A_950 : memref<1x128x16xf32, #tpu.memory_space<vmem>> -> memref<128x16xf32, #tpu.memory_space<vmem>>
          %dma_wait3A_952 = arith.constant 0 : i32
          %dma_wait3A_953 = tpu.memref_slice %arg14[%add3A_945, %dma_wait3A_952] : memref<36x128xi32, #tpu.memory_space<vmem>> -> memref<1x128xi32, #tpu.memory_space<vmem>>
          %dma_wait3A_954 = tpu.memref_squeeze %dma_wait3A_953 : memref<1x128xi32, #tpu.memory_space<vmem>> -> memref<128xi32, #tpu.memory_space<vmem>>
          %dma_wait3A_955 = arith.constant 0 : i32
          %dma_wait3A_956 = arith.constant 0 : i32
          %dma_wait3A_957 = tpu.memref_slice %arg5[%dma_wait3A_955, %dma_wait3A_956] : memref<4194304x16xf32, #tpu.memory_space<hbm>> -> memref<4194304x16xf32, #tpu.memory_space<hbm>>
          tpu.wait_indirect_dma semaphore(%arg20 : memref<!tpu.dma_semaphore, #tpu.memory_space<semaphore_mem>>) src(%dma_wait3A_957 : memref<4194304x16xf32, #tpu.memory_space<hbm>>) dst(%dma_wait3A_951 : memref<128x16xf32, #tpu.memory_space<vmem>>)
          %add3A_958 = arith.constant 27 : i32
          %add3A_959 = arith.addi %add3A_958, %while3A_914 : i32
          %add3A_960 = arith.constant 27 : i32
          %add3A_961 = arith.addi %add3A_960, %while3A_914 : i32
          %dma_wait3A_962 = arith.constant 0 : i32
          %dma_wait3A_963 = arith.constant 0 : i32
          %dma_wait3A_964 = tpu.memref_slice %arg18[%add3A_961, %dma_wait3A_962, %dma_wait3A_963] : memref<36x128x16xf32, #tpu.memory_space<vmem>> -> memref<1x128x16xf32, #tpu.memory_space<vmem>>
          %dma_wait3A_965 = tpu.memref_squeeze %dma_wait3A_964 : memref<1x128x16xf32, #tpu.memory_space<vmem>> -> memref<128x16xf32, #tpu.memory_space<vmem>>
          %dma_wait3A_966 = arith.constant 0 : i32
          %dma_wait3A_967 = tpu.memref_slice %arg14[%add3A_959, %dma_wait3A_966] : memref<36x128xi32, #tpu.memory_space<vmem>> -> memref<1x128xi32, #tpu.memory_space<vmem>>
          %dma_wait3A_968 = tpu.memref_squeeze %dma_wait3A_967 : memref<1x128xi32, #tpu.memory_space<vmem>> -> memref<128xi32, #tpu.memory_space<vmem>>
          %dma_wait3A_969 = arith.constant 0 : i32
          %dma_wait3A_970 = arith.constant 0 : i32
          %dma_wait3A_971 = tpu.memref_slice %arg5[%dma_wait3A_969, %dma_wait3A_970] : memref<4194304x16xf32, #tpu.memory_space<hbm>> -> memref<4194304x16xf32, #tpu.memory_space<hbm>>
          tpu.wait_indirect_dma semaphore(%arg20 : memref<!tpu.dma_semaphore, #tpu.memory_space<semaphore_mem>>) src(%dma_wait3A_971 : memref<4194304x16xf32, #tpu.memory_space<hbm>>) dst(%dma_wait3A_965 : memref<128x16xf32, #tpu.memory_space<vmem>>)
          %while3A_972 = arith.constant 0 : i32
          scf.yield %while3A_972 : i32
        }
        %while3A_865 = arith.constant 1 : i32
        %while3A_866 = scf.for %while3A_914 = %while3A_862 to %while3A_858 step %while3A_865 iter_args(%while3A_915 = %while3A_864) -> (i32)  : i32 {
          %add3A_916 = arith.constant 0 : i32
          %add3A_917 = arith.addi %add3A_916, %while3A_914 : i32
          %add3A_918 = arith.constant 0 : i32
          %add3A_919 = arith.addi %add3A_918, %while3A_914 : i32
          %dma_wait3A_920 = arith.constant 0 : i32
          %dma_wait3A_921 = arith.constant 0 : i32
          %dma_wait3A_922 = tpu.memref_slice %arg18[%add3A_919, %dma_wait3A_920, %dma_wait3A_921] : memref<36x128x16xf32, #tpu.memory_space<vmem>> -> memref<1x128x16xf32, #tpu.memory_space<vmem>>
          %dma_wait3A_923 = tpu.memref_squeeze %dma_wait3A_922 : memref<1x128x16xf32, #tpu.memory_space<vmem>> -> memref<128x16xf32, #tpu.memory_space<vmem>>
          %dma_wait3A_924 = arith.constant 0 : i32
          %dma_wait3A_925 = tpu.memref_slice %arg14[%add3A_917, %dma_wait3A_924] : memref<36x128xi32, #tpu.memory_space<vmem>> -> memref<1x128xi32, #tpu.memory_space<vmem>>
          %dma_wait3A_926 = tpu.memref_squeeze %dma_wait3A_925 : memref<1x128xi32, #tpu.memory_space<vmem>> -> memref<128xi32, #tpu.memory_space<vmem>>
          %dma_wait3A_927 = arith.constant 0 : i32
          %dma_wait3A_928 = arith.constant 0 : i32
          %dma_wait3A_929 = tpu.memref_slice %arg5[%dma_wait3A_927, %dma_wait3A_928] : memref<4194304x16xf32, #tpu.memory_space<hbm>> -> memref<4194304x16xf32, #tpu.memory_space<hbm>>
          tpu.wait_indirect_dma semaphore(%arg20 : memref<!tpu.dma_semaphore, #tpu.memory_space<semaphore_mem>>) src(%dma_wait3A_929 : memref<4194304x16xf32, #tpu.memory_space<hbm>>) dst(%dma_wait3A_923 : memref<128x16xf32, #tpu.memory_space<vmem>>)
          %add3A_930 = arith.constant 9 : i32
          %add3A_931 = arith.addi %add3A_930, %while3A_914 : i32
          %add3A_932 = arith.constant 9 : i32
          %add3A_933 = arith.addi %add3A_932, %while3A_914 : i32
          %dma_wait3A_934 = arith.constant 0 : i32
          %dma_wait3A_935 = arith.constant 0 : i32
          %dma_wait3A_936 = tpu.memref_slice %arg18[%add3A_933, %dma_wait3A_934, %dma_wait3A_935] : memref<36x128x16xf32, #tpu.memory_space<vmem>> -> memref<1x128x16xf32, #tpu.memory_space<vmem>>
          %dma_wait3A_937 = tpu.memref_squeeze %dma_wait3A_936 : memref<1x128x16xf32, #tpu.memory_space<vmem>> -> memref<128x16xf32, #tpu.memory_space<vmem>>
          %dma_wait3A_938 = arith.constant 0 : i32
          %dma_wait3A_939 = tpu.memref_slice %arg14[%add3A_931, %dma_wait3A_938] : memref<36x128xi32, #tpu.memory_space<vmem>> -> memref<1x128xi32, #tpu.memory_space<vmem>>
          %dma_wait3A_940 = tpu.memref_squeeze %dma_wait3A_939 : memref<1x128xi32, #tpu.memory_space<vmem>> -> memref<128xi32, #tpu.memory_space<vmem>>
          %dma_wait3A_941 = arith.constant 0 : i32
          %dma_wait3A_942 = arith.constant 0 : i32
          %dma_wait3A_943 = tpu.memref_slice %arg5[%dma_wait3A_941, %dma_wait3A_942] : memref<4194304x16xf32, #tpu.memory_space<hbm>> -> memref<4194304x16xf32, #tpu.memory_space<hbm>>
          tpu.wait_indirect_dma semaphore(%arg20 : memref<!tpu.dma_semaphore, #tpu.memory_space<semaphore_mem>>) src(%dma_wait3A_943 : memref<4194304x16xf32, #tpu.memory_space<hbm>>) dst(%dma_wait3A_937 : memref<128x16xf32, #tpu.memory_space<vmem>>)
          %add3A_944 = arith.constant 18 : i32
          %add3A_945 = arith.addi %add3A_944, %while3A_914 : i32
          %add3A_946 = arith.constant 18 : i32
          %add3A_947 = arith.addi %add3A_946, %while3A_914 : i32
          %dma_wait3A_948 = arith.constant 0 : i32
          %dma_wait3A_949 = arith.constant 0 : i32
          %dma_wait3A_950 = tpu.memref_slice %arg18[%add3A_947, %dma_wait3A_948, %dma_wait3A_949] : memref<36x128x16xf32, #tpu.memory_space<vmem>> -> memref<1x128x16xf32, #tpu.memory_space<vmem>>
          %dma_wait3A_951 = tpu.memref_squeeze %dma_wait3A_950 : memref<1x128x16xf32, #tpu.memory_space<vmem>> -> memref<128x16xf32, #tpu.memory_space<vmem>>
          %dma_wait3A_952 = arith.constant 0 : i32
          %dma_wait3A_953 = tpu.memref_slice %arg14[%add3A_945, %dma_wait3A_952] : memref<36x128xi32, #tpu.memory_space<vmem>> -> memref<1x128xi32, #tpu.memory_space<vmem>>
          %dma_wait3A_954 = tpu.memref_squeeze %dma_wait3A_953 : memref<1x128xi32, #tpu.memory_space<vmem>> -> memref<128xi32, #tpu.memory_space<vmem>>
          %dma_wait3A_955 = arith.constant 0 : i32
          %dma_wait3A_956 = arith.constant 0 : i32
          %dma_wait3A_957 = tpu.memref_slice %arg5[%dma_wait3A_955, %dma_wait3A_956] : memref<4194304x16xf32, #tpu.memory_space<hbm>> -> memref<4194304x16xf32, #tpu.memory_space<hbm>>
          tpu.wait_indirect_dma semaphore(%arg20 : memref<!tpu.dma_semaphore, #tpu.memory_space<semaphore_mem>>) src(%dma_wait3A_957 : memref<4194304x16xf32, #tpu.memory_space<hbm>>) dst(%dma_wait3A_951 : memref<128x16xf32, #tpu.memory_space<vmem>>)
          %add3A_958 = arith.constant 27 : i32
          %add3A_959 = arith.addi %add3A_958, %while3A_914 : i32
          %add3A_960 = arith.constant 27 : i32
          %add3A_961 = arith.addi %add3A_960, %while3A_914 : i32
          %dma_wait3A_962 = arith.constant 0 : i32
          %dma_wait3A_963 = arith.constant 0 : i32
          %dma_wait3A_964 = tpu.memref_slice %arg18[%add3A_961, %dma_wait3A_962, %dma_wait3A_963] : memref<36x128x16xf32, #tpu.memory_space<vmem>> -> memref<1x128x16xf32, #tpu.memory_space<vmem>>
          %dma_wait3A_965 = tpu.memref_squeeze %dma_wait3A_964 : memref<1x128x16xf32, #tpu.memory_space<vmem>> -> memref<128x16xf32, #tpu.memory_space<vmem>>
          %dma_wait3A_966 = arith.constant 0 : i32
          %dma_wait3A_967 = tpu.memref_slice %arg14[%add3A_959, %dma_wait3A_966] : memref<36x128xi32, #tpu.memory_space<vmem>> -> memref<1x128xi32, #tpu.memory_space<vmem>>
          %dma_wait3A_968 = tpu.memref_squeeze %dma_wait3A_967 : memref<1x128xi32, #tpu.memory_space<vmem>> -> memref<128xi32, #tpu.memory_space<vmem>>
          %dma_wait3A_969 = arith.constant 0 : i32
          %dma_wait3A_970 = arith.constant 0 : i32
          %dma_wait3A_971 = tpu.memref_slice %arg5[%dma_wait3A_969, %dma_wait3A_970] : memref<4194304x16xf32, #tpu.memory_space<hbm>> -> memref<4194304x16xf32, #tpu.memory_space<hbm>>
          tpu.wait_indirect_dma semaphore(%arg20 : memref<!tpu.dma_semaphore, #tpu.memory_space<semaphore_mem>>) src(%dma_wait3A_971 : memref<4194304x16xf32, #tpu.memory_space<hbm>>) dst(%dma_wait3A_965 : memref<128x16xf32, #tpu.memory_space<vmem>>)
          %while3A_972 = arith.constant 0 : i32
          scf.yield %while3A_972 : i32
        }
        %sub3A_867 = arith.constant 1 : i32
        %sub3A_868 = arith.subi %mul3A_131, %sub3A_867 : i32
        %add3A_869 = arith.constant 15 : i32
        %add3A_870 = arith.addi %scan3A_129, %add3A_869 : i32
        %shift_right_arithmetic3A_871 = arith.constant 4 : i32
        %shift_right_arithmetic3A_872 = arith.shrsi %add3A_870, %shift_right_arithmetic3A_871 : i32
        %while3A_873 = arith.constant 0 : i32
        %while3A_874 = arith.constant 0 : i32
        %while3A_875 = arith.subi %shift_right_arithmetic3A_872, %while3A_873 : i32
        %while3A_876 = arith.addi %while3A_873, %while3A_875 : i32
        %while3A_877 = arith.constant 1 : i32
        %while3A_878 = arith.divsi %while3A_875, %while3A_877 : i32
        %while3A_879 = arith.muli %while3A_878, %while3A_877 : i32
        %while3A_880 = arith.addi %while3A_873, %while3A_879 : i32
        %while3A_881 = arith.constant 1 : i32
        %while3A_882 = scf.for %while3A_914 = %while3A_873 to %while3A_880 step %while3A_881 iter_args(%while3A_915 = %while3A_874) -> (i32)  : i32 {
          %mul3A_916 = arith.constant 16 : i32
          %mul3A_917 = arith.muli %while3A_914, %mul3A_916 : i32
          %add3A_918 = vector.broadcast %mul3A_917 : i32 to vector<16xi32>
          %add3A_919 = arith.addi %add3A_918, %iota3A : vector<16xi32>
          %lt3A_920 = vector.broadcast %scan3A_129 : i32 to vector<16xi32>
          %lt3A_921 = arith.cmpi slt, %add3A_919, %lt3A_920 : vector<16xi32>
          %get3A = arith.index_cast %mul3A_917 : i32 to index
          %get3A_922 = tpu.vector_load %arg15[%get3A] {strides = array<i32>} : memref<1152xi32, #tpu.memory_space<vmem>>, vector<16xi32>,
          %shift_right_arithmetic3A_923 = arith.constant 4 : i32
          %shift_right_arithmetic3A_924 = vector.broadcast %shift_right_arithmetic3A_923 : i32 to vector<16xi32>
          %shift_right_arithmetic3A_925 = arith.shrsi %get3A_922, %shift_right_arithmetic3A_924 : vector<16xi32>
          %and3A_926 = arith.constant 15 : i32
          %and3A_927 = vector.broadcast %and3A_926 : i32 to vector<16xi32>
          %and3A_928 = arith.andi %get3A_922, %and3A_927 : vector<16xi32>
          %shift_right_arithmetic3A_929 = arith.constant 7 : i32
          %shift_right_arithmetic3A_930 = vector.broadcast %shift_right_arithmetic3A_929 : i32 to vector<16xi32>
          %shift_right_arithmetic3A_931 = arith.shrsi %add3A_919, %shift_right_arithmetic3A_930 : vector<16xi32>
          %and3A_932 = arith.constant 127 : i32
          %and3A_933 = vector.broadcast %and3A_932 : i32 to vector<16xi32>
          %and3A_934 = arith.andi %add3A_919, %and3A_933 : vector<16xi32>
          %shift_right_arithmetic3A_935 = arith.constant 7 : i32
          %shift_right_arithmetic3A_936 = vector.broadcast %shift_right_arithmetic3A_935 : i32 to vector<16xi32>
          %shift_right_arithmetic3A_937 = arith.shrsi %shift_right_arithmetic3A_925, %shift_right_arithmetic3A_936 : vector<16xi32>
          %and3A_938 = arith.constant 127 : i32
          %and3A_939 = vector.broadcast %and3A_938 : i32 to vector<16xi32>
          %and3A_940 = arith.andi %shift_right_arithmetic3A_925, %and3A_939 : vector<16xi32>
          %gather3A = tpu.vector_load_idx %arg18[%shift_right_arithmetic3A_931, %and3A_934, %and3A_928] masked %lt3A_921 : memref<36x128x16xf32, #tpu.memory_space<vmem>>[vector<16xi32>, vector<16xi32>, vector<16xi32>], vector<16xf32>, vector<16xi1>
          %add3A_941 = arith.constant 9 : i32
          %add3A_942 = vector.broadcast %add3A_941 : i32 to vector<16xi32>
          %add3A_943 = arith.addi %add3A_942, %shift_right_arithmetic3A_931 : vector<16xi32>
          %gather3A_944 = tpu.vector_load_idx %arg18[%add3A_943, %and3A_934, %and3A_928] masked %lt3A_921 : memref<36x128x16xf32, #tpu.memory_space<vmem>>[vector<16xi32>, vector<16xi32>, vector<16xi32>], vector<16xf32>, vector<16xi1>
          %add3A_945 = arith.constant 18 : i32
          %add3A_946 = vector.broadcast %add3A_945 : i32 to vector<16xi32>
          %add3A_947 = arith.addi %add3A_946, %shift_right_arithmetic3A_931 : vector<16xi32>
          %gather3A_948 = tpu.vector_load_idx %arg18[%add3A_947, %and3A_934, %and3A_928] masked %lt3A_921 : memref<36x128x16xf32, #tpu.memory_space<vmem>>[vector<16xi32>, vector<16xi32>, vector<16xi32>], vector<16xf32>, vector<16xi1>
          %add3A_949 = arith.constant 27 : i32
          %add3A_950 = vector.broadcast %add3A_949 : i32 to vector<16xi32>
          %add3A_951 = arith.addi %add3A_950, %shift_right_arithmetic3A_931 : vector<16xi32>
          %gather3A_952 = tpu.vector_load_idx %arg18[%add3A_951, %and3A_934, %and3A_928] masked %lt3A_921 : memref<36x128x16xf32, #tpu.memory_space<vmem>>[vector<16xi32>, vector<16xi32>, vector<16xi32>], vector<16xf32>, vector<16xi1>
          %neg3A = arith.constant 0.000000e+00 : f32
          %neg3A_953 = vector.broadcast %neg3A : f32 to vector<16xf32>
          %neg3A_954 = arith.subf %neg3A_953, %gather3A : vector<16xf32>
          %exp3A = math.exp %neg3A_954 : vector<16xf32>
          %add3A_955 = arith.constant 1.000000e+00 : f32
          %add3A_956 = vector.broadcast %add3A_955 : f32 to vector<16xf32>
          %add3A_957 = arith.addf %add3A_956, %exp3A : vector<16xf32>
          %div3A_958 = arith.constant 1.000000e+00 : f32
          %div3A_959 = vector.broadcast %div3A_958 : f32 to vector<16xf32>
          %div3A_960 = arith.divf %div3A_959, %add3A_957 : vector<16xf32>
          tpu.vector_store_idx %arg16[%shift_right_arithmetic3A_937, %broadcast_in_dim3A_5, %and3A_940], %div3A_960 masked %lt3A_921 : memref<8x4x128xf32, #tpu.memory_space<vmem>>[vector<16xi32>, vector<16xi32>, vector<16xi32>], vector<16xf32>, vector<16xi1>
          %neg3A_961 = arith.constant 0.000000e+00 : f32
          %neg3A_962 = vector.broadcast %neg3A_961 : f32 to vector<16xf32>
          %neg3A_963 = arith.subf %neg3A_962, %gather3A_944 : vector<16xf32>
          %exp3A_964 = math.exp %neg3A_963 : vector<16xf32>
          %add3A_965 = arith.constant 1.000000e+00 : f32
          %add3A_966 = vector.broadcast %add3A_965 : f32 to vector<16xf32>
          %add3A_967 = arith.addf %add3A_966, %exp3A_964 : vector<16xf32>
          %div3A_968 = arith.constant 1.000000e+00 : f32
          %div3A_969 = vector.broadcast %div3A_968 : f32 to vector<16xf32>
          %div3A_970 = arith.divf %div3A_969, %add3A_967 : vector<16xf32>
          tpu.vector_store_idx %arg16[%shift_right_arithmetic3A_937, %add3A_8, %and3A_940], %div3A_970 masked %lt3A_921 : memref<8x4x128xf32, #tpu.memory_space<vmem>>[vector<16xi32>, vector<16xi32>, vector<16xi32>], vector<16xf32>, vector<16xi1>
          %neg3A_971 = arith.constant 0.000000e+00 : f32
          %neg3A_972 = vector.broadcast %neg3A_971 : f32 to vector<16xf32>
          %neg3A_973 = arith.subf %neg3A_972, %gather3A_948 : vector<16xf32>
          %exp3A_974 = math.exp %neg3A_973 : vector<16xf32>
          %add3A_975 = arith.constant 1.000000e+00 : f32
          %add3A_976 = vector.broadcast %add3A_975 : f32 to vector<16xf32>
          %add3A_977 = arith.addf %add3A_976, %exp3A_974 : vector<16xf32>
          %div3A_978 = arith.constant 1.000000e+00 : f32
          %div3A_979 = vector.broadcast %div3A_978 : f32 to vector<16xf32>
          %div3A_980 = arith.divf %div3A_979, %add3A_977 : vector<16xf32>
          tpu.vector_store_idx %arg16[%shift_right_arithmetic3A_937, %add3A_11, %and3A_940], %div3A_980 masked %lt3A_921 : memref<8x4x128xf32, #tpu.memory_space<vmem>>[vector<16xi32>, vector<16xi32>, vector<16xi32>], vector<16xf32>, vector<16xi1>
          %mul3A_981 = arith.constant 1.000000e+01 : f32
          %mul3A_982 = vector.broadcast %mul3A_981 : f32 to vector<16xf32>
          %mul3A_983 = arith.mulf %gather3A_952, %mul3A_982 : vector<16xf32>
          %max3A = arith.constant 0.000000e+00 : f32
          %max3A_984 = vector.broadcast %max3A : f32 to vector<16xf32>
          %max3A_985 = arith.maximumf %mul3A_983, %max3A_984 : vector<16xf32>
          tpu.vector_store_idx %arg17[%shift_right_arithmetic3A_925], %max3A_985 masked %lt3A_921 : memref<1024xf32, #tpu.memory_space<vmem>>[vector<16xi32>], vector<16xf32>, vector<16xi1>
          %while3A_986 = arith.constant 0 : i32
          scf.yield %while3A_986 : i32
        }
        %while3A_883 = arith.constant 1 : i32
        %while3A_884 = scf.for %while3A_914 = %while3A_880 to %while3A_876 step %while3A_883 iter_args(%while3A_915 = %while3A_882) -> (i32)  : i32 {
          %mul3A_916 = arith.constant 16 : i32
          %mul3A_917 = arith.muli %while3A_914, %mul3A_916 : i32
          %add3A_918 = vector.broadcast %mul3A_917 : i32 to vector<16xi32>
          %add3A_919 = arith.addi %add3A_918, %iota3A : vector<16xi32>
          %lt3A_920 = vector.broadcast %scan3A_129 : i32 to vector<16xi32>
          %lt3A_921 = arith.cmpi slt, %add3A_919, %lt3A_920 : vector<16xi32>
          %get3A = arith.index_cast %mul3A_917 : i32 to index
          %get3A_922 = tpu.vector_load %arg15[%get3A] {strides = array<i32>} : memref<1152xi32, #tpu.memory_space<vmem>>, vector<16xi32>,
          %shift_right_arithmetic3A_923 = arith.constant 4 : i32
          %shift_right_arithmetic3A_924 = vector.broadcast %shift_right_arithmetic3A_923 : i32 to vector<16xi32>
          %shift_right_arithmetic3A_925 = arith.shrsi %get3A_922, %shift_right_arithmetic3A_924 : vector<16xi32>
          %and3A_926 = arith.constant 15 : i32
          %and3A_927 = vector.broadcast %and3A_926 : i32 to vector<16xi32>
          %and3A_928 = arith.andi %get3A_922, %and3A_927 : vector<16xi32>
          %shift_right_arithmetic3A_929 = arith.constant 7 : i32
          %shift_right_arithmetic3A_930 = vector.broadcast %shift_right_arithmetic3A_929 : i32 to vector<16xi32>
          %shift_right_arithmetic3A_931 = arith.shrsi %add3A_919, %shift_right_arithmetic3A_930 : vector<16xi32>
          %and3A_932 = arith.constant 127 : i32
          %and3A_933 = vector.broadcast %and3A_932 : i32 to vector<16xi32>
          %and3A_934 = arith.andi %add3A_919, %and3A_933 : vector<16xi32>
          %shift_right_arithmetic3A_935 = arith.constant 7 : i32
          %shift_right_arithmetic3A_936 = vector.broadcast %shift_right_arithmetic3A_935 : i32 to vector<16xi32>
          %shift_right_arithmetic3A_937 = arith.shrsi %shift_right_arithmetic3A_925, %shift_right_arithmetic3A_936 : vector<16xi32>
          %and3A_938 = arith.constant 127 : i32
          %and3A_939 = vector.broadcast %and3A_938 : i32 to vector<16xi32>
          %and3A_940 = arith.andi %shift_right_arithmetic3A_925, %and3A_939 : vector<16xi32>
          %gather3A = tpu.vector_load_idx %arg18[%shift_right_arithmetic3A_931, %and3A_934, %and3A_928] masked %lt3A_921 : memref<36x128x16xf32, #tpu.memory_space<vmem>>[vector<16xi32>, vector<16xi32>, vector<16xi32>], vector<16xf32>, vector<16xi1>
          %add3A_941 = arith.constant 9 : i32
          %add3A_942 = vector.broadcast %add3A_941 : i32 to vector<16xi32>
          %add3A_943 = arith.addi %add3A_942, %shift_right_arithmetic3A_931 : vector<16xi32>
          %gather3A_944 = tpu.vector_load_idx %arg18[%add3A_943, %and3A_934, %and3A_928] masked %lt3A_921 : memref<36x128x16xf32, #tpu.memory_space<vmem>>[vector<16xi32>, vector<16xi32>, vector<16xi32>], vector<16xf32>, vector<16xi1>
          %add3A_945 = arith.constant 18 : i32
          %add3A_946 = vector.broadcast %add3A_945 : i32 to vector<16xi32>
          %add3A_947 = arith.addi %add3A_946, %shift_right_arithmetic3A_931 : vector<16xi32>
          %gather3A_948 = tpu.vector_load_idx %arg18[%add3A_947, %and3A_934, %and3A_928] masked %lt3A_921 : memref<36x128x16xf32, #tpu.memory_space<vmem>>[vector<16xi32>, vector<16xi32>, vector<16xi32>], vector<16xf32>, vector<16xi1>
          %add3A_949 = arith.constant 27 : i32
          %add3A_950 = vector.broadcast %add3A_949 : i32 to vector<16xi32>
          %add3A_951 = arith.addi %add3A_950, %shift_right_arithmetic3A_931 : vector<16xi32>
          %gather3A_952 = tpu.vector_load_idx %arg18[%add3A_951, %and3A_934, %and3A_928] masked %lt3A_921 : memref<36x128x16xf32, #tpu.memory_space<vmem>>[vector<16xi32>, vector<16xi32>, vector<16xi32>], vector<16xf32>, vector<16xi1>
          %neg3A = arith.constant 0.000000e+00 : f32
          %neg3A_953 = vector.broadcast %neg3A : f32 to vector<16xf32>
          %neg3A_954 = arith.subf %neg3A_953, %gather3A : vector<16xf32>
          %exp3A = math.exp %neg3A_954 : vector<16xf32>
          %add3A_955 = arith.constant 1.000000e+00 : f32
          %add3A_956 = vector.broadcast %add3A_955 : f32 to vector<16xf32>
          %add3A_957 = arith.addf %add3A_956, %exp3A : vector<16xf32>
          %div3A_958 = arith.constant 1.000000e+00 : f32
          %div3A_959 = vector.broadcast %div3A_958 : f32 to vector<16xf32>
          %div3A_960 = arith.divf %div3A_959, %add3A_957 : vector<16xf32>
          tpu.vector_store_idx %arg16[%shift_right_arithmetic3A_937, %broadcast_in_dim3A_5, %and3A_940], %div3A_960 masked %lt3A_921 : memref<8x4x128xf32, #tpu.memory_space<vmem>>[vector<16xi32>, vector<16xi32>, vector<16xi32>], vector<16xf32>, vector<16xi1>
          %neg3A_961 = arith.constant 0.000000e+00 : f32
          %neg3A_962 = vector.broadcast %neg3A_961 : f32 to vector<16xf32>
          %neg3A_963 = arith.subf %neg3A_962, %gather3A_944 : vector<16xf32>
          %exp3A_964 = math.exp %neg3A_963 : vector<16xf32>
          %add3A_965 = arith.constant 1.000000e+00 : f32
          %add3A_966 = vector.broadcast %add3A_965 : f32 to vector<16xf32>
          %add3A_967 = arith.addf %add3A_966, %exp3A_964 : vector<16xf32>
          %div3A_968 = arith.constant 1.000000e+00 : f32
          %div3A_969 = vector.broadcast %div3A_968 : f32 to vector<16xf32>
          %div3A_970 = arith.divf %div3A_969, %add3A_967 : vector<16xf32>
          tpu.vector_store_idx %arg16[%shift_right_arithmetic3A_937, %add3A_8, %and3A_940], %div3A_970 masked %lt3A_921 : memref<8x4x128xf32, #tpu.memory_space<vmem>>[vector<16xi32>, vector<16xi32>, vector<16xi32>], vector<16xf32>, vector<16xi1>
          %neg3A_971 = arith.constant 0.000000e+00 : f32
          %neg3A_972 = vector.broadcast %neg3A_971 : f32 to vector<16xf32>
          %neg3A_973 = arith.subf %neg3A_972, %gather3A_948 : vector<16xf32>
          %exp3A_974 = math.exp %neg3A_973 : vector<16xf32>
          %add3A_975 = arith.constant 1.000000e+00 : f32
          %add3A_976 = vector.broadcast %add3A_975 : f32 to vector<16xf32>
          %add3A_977 = arith.addf %add3A_976, %exp3A_974 : vector<16xf32>
          %div3A_978 = arith.constant 1.000000e+00 : f32
          %div3A_979 = vector.broadcast %div3A_978 : f32 to vector<16xf32>
          %div3A_980 = arith.divf %div3A_979, %add3A_977 : vector<16xf32>
          tpu.vector_store_idx %arg16[%shift_right_arithmetic3A_937, %add3A_11, %and3A_940], %div3A_980 masked %lt3A_921 : memref<8x4x128xf32, #tpu.memory_space<vmem>>[vector<16xi32>, vector<16xi32>, vector<16xi32>], vector<16xf32>, vector<16xi1>
          %mul3A_981 = arith.constant 1.000000e+01 : f32
          %mul3A_982 = vector.broadcast %mul3A_981 : f32 to vector<16xf32>
          %mul3A_983 = arith.mulf %gather3A_952, %mul3A_982 : vector<16xf32>
          %max3A = arith.constant 0.000000e+00 : f32
          %max3A_984 = vector.broadcast %max3A : f32 to vector<16xf32>
          %max3A_985 = arith.maximumf %mul3A_983, %max3A_984 : vector<16xf32>
          tpu.vector_store_idx %arg17[%shift_right_arithmetic3A_925], %max3A_985 masked %lt3A_921 : memref<1024xf32, #tpu.memory_space<vmem>>[vector<16xi32>], vector<16xf32>, vector<16xi1>
          %while3A_986 = arith.constant 0 : i32
          scf.yield %while3A_986 : i32
        }
        %mul3A_885 = arith.constant 32768 : i32
        %mul3A_886 = arith.muli %add3A, %mul3A_885 : i32
        %mul3A_887 = arith.constant 1024 : i32
        %mul3A_888 = arith.muli %sub3A_868, %mul3A_887 : i32
        %add3A_889 = arith.addi %mul3A_886, %mul3A_888 : i32
        %jit3A_890 = arith.constant 128 : i32
        %div3A_891 = arith.divsi %add3A_889, %jit3A_890 : i32
        %sign3A_892 = arith.constant 0 : i32
        %sign3A_893 = arith.cmpi sgt, %add3A_889, %sign3A_892 : i32
        %sign3A_894 = arith.extui %sign3A_893 : i1 to i32
        %sign3A_895 = arith.constant 0 : i32
        %sign3A_896 = arith.cmpi slt, %add3A_889, %sign3A_895 : i32
        %sign3A_897 = arith.extui %sign3A_896 : i1 to i32
        %sign3A_898 = arith.subi %sign3A_894, %sign3A_897 : i32
        %sign3A_899 = arith.constant 0 : i32
        %sign3A_900 = arith.cmpi sgt, %jit3A_890, %sign3A_899 : i32
        %sign3A_901 = arith.extui %sign3A_900 : i1 to i32
        %sign3A_902 = arith.constant 0 : i32
        %sign3A_903 = arith.cmpi slt, %jit3A_890, %sign3A_902 : i32
        %sign3A_904 = arith.extui %sign3A_903 : i1 to i32
        %sign3A_905 = arith.subi %sign3A_901, %sign3A_904 : i32
        %ne3A_906 = arith.cmpi ne, %sign3A_898, %sign3A_905 : i32
        %rem3A_907 = arith.remsi %add3A_889, %jit3A_890 : i32
        %ne3A_908 = arith.constant 0 : i32
        %ne3A_909 = arith.cmpi ne, %rem3A_907, %ne3A_908 : i32
        %and3A_910 = arith.andi %ne3A_906, %ne3A_909 : i1
        %sub3A_911 = arith.constant 1 : i32
        %sub3A_912 = arith.subi %div3A_891, %sub3A_911 : i32
        %select_n3A_913 = arith.select %and3A_910, %sub3A_912, %div3A_891 : i32
        "tpu.region"() ({
          %run_scoped3A = tpu.sem_alloc : memref<!tpu.dma_semaphore, #tpu.memory_space<semaphore_mem>>
          %dma_start3A_914 = arith.constant 0 : i32
          %dma_start3A_915 = arith.constant 0 : i32
          %dma_start3A_916 = tpu.memref_slice %arg6[%select_n3A_913, %dma_start3A_914, %dma_start3A_915] : memref<8192x4x128xf32, #tpu.memory_space<hbm>> -> memref<8x4x128xf32, #tpu.memory_space<hbm>>
          %dma_start3A_917 = arith.constant 0 : i32
          %dma_start3A_918 = arith.constant 0 : i32
          %dma_start3A_919 = tpu.memref_slice %arg6[%select_n3A_913, %dma_start3A_917, %dma_start3A_918] : memref<8192x4x128xf32, #tpu.memory_space<hbm>> -> memref<8x4x128xf32, #tpu.memory_space<hbm>>
          tpu.enqueue_dma source(%arg16 : memref<8x4x128xf32, #tpu.memory_space<vmem>>) target(%dma_start3A_919 : memref<8x4x128xf32, #tpu.memory_space<hbm>>) target_semaphore(%run_scoped3A : memref<!tpu.dma_semaphore, #tpu.memory_space<semaphore_mem>>)
          %dma_wait3A_920 = arith.constant 0 : i32
          %dma_wait3A_921 = arith.constant 0 : i32
          %dma_wait3A_922 = tpu.memref_slice %arg6[%select_n3A_913, %dma_wait3A_920, %dma_wait3A_921] : memref<8192x4x128xf32, #tpu.memory_space<hbm>> -> memref<8x4x128xf32, #tpu.memory_space<hbm>>
          %dma_wait3A_923 = arith.constant 0 : i32
          %dma_wait3A_924 = arith.constant 0 : i32
          %dma_wait3A_925 = tpu.memref_slice %arg6[%select_n3A_913, %dma_wait3A_923, %dma_wait3A_924] : memref<8192x4x128xf32, #tpu.memory_space<hbm>> -> memref<8x4x128xf32, #tpu.memory_space<hbm>>
          tpu.wait_dma2 semaphore(%run_scoped3A : memref<!tpu.dma_semaphore, #tpu.memory_space<semaphore_mem>>) src(%arg16 : memref<8x4x128xf32, #tpu.memory_space<vmem>>) dst(%dma_wait3A_925 : memref<8x4x128xf32, #tpu.memory_space<hbm>>)
          tpu.yield
        }) : () -> ()
        "tpu.region"() ({
          %run_scoped3A = tpu.sem_alloc : memref<!tpu.dma_semaphore, #tpu.memory_space<semaphore_mem>>
          %dma_start3A_914 = tpu.memref_slice %arg7[%add3A_889] : memref<1048576xf32, #tpu.memory_space<hbm>> -> memref<1024xf32, #tpu.memory_space<hbm>>
          %dma_start3A_915 = tpu.memref_slice %arg7[%add3A_889] : memref<1048576xf32, #tpu.memory_space<hbm>> -> memref<1024xf32, #tpu.memory_space<hbm>>
          tpu.enqueue_dma source(%arg17 : memref<1024xf32, #tpu.memory_space<vmem>>) target(%dma_start3A_915 : memref<1024xf32, #tpu.memory_space<hbm>>) target_semaphore(%run_scoped3A : memref<!tpu.dma_semaphore, #tpu.memory_space<semaphore_mem>>)
          %dma_wait3A_916 = tpu.memref_slice %arg7[%add3A_889] : memref<1048576xf32, #tpu.memory_space<hbm>> -> memref<1024xf32, #tpu.memory_space<hbm>>
          %dma_wait3A_917 = tpu.memref_slice %arg7[%add3A_889] : memref<1048576xf32, #tpu.memory_space<hbm>> -> memref<1024xf32, #tpu.memory_space<hbm>>
          tpu.wait_dma2 semaphore(%run_scoped3A : memref<!tpu.dma_semaphore, #tpu.memory_space<semaphore_mem>>) src(%arg17 : memref<1024xf32, #tpu.memory_space<vmem>>) dst(%dma_wait3A_917 : memref<1024xf32, #tpu.memory_space<hbm>>)
          tpu.yield
        }) : () -> ()
      } else {
      }
      %add3A_437 = arith.constant 127 : i32
      %add3A_438 = arith.addi %scan3A_203, %add3A_437 : i32
      %shift_right_arithmetic3A_439 = arith.constant 7 : i32
      %shift_right_arithmetic3A_440 = arith.shrsi %add3A_438, %shift_right_arithmetic3A_439 : i32
      %while3A_441 = arith.constant 0 : i32
      %while3A_442 = arith.constant 0 : i32
      %while3A_443 = arith.subi %shift_right_arithmetic3A_440, %while3A_441 : i32
      %while3A_444 = arith.addi %while3A_441, %while3A_443 : i32
      %while3A_445 = arith.constant 1 : i32
      %while3A_446 = arith.divsi %while3A_443, %while3A_445 : i32
      %while3A_447 = arith.muli %while3A_446, %while3A_445 : i32
      %while3A_448 = arith.addi %while3A_441, %while3A_447 : i32
      %while3A_449 = arith.constant 1 : i32
      %while3A_450 = scf.for %while3A_851 = %while3A_441 to %while3A_448 step %while3A_449 iter_args(%while3A_852 = %while3A_442) -> (i32)  : i32 {
        %add3A_853 = arith.constant 0 : i32
        %add3A_854 = arith.addi %add3A_853, %while3A_851 : i32
        %add3A_855 = arith.constant 0 : i32
        %add3A_856 = arith.addi %add3A_855, %while3A_851 : i32
        %dma_start3A_857 = arith.constant 0 : i32
        %dma_start3A_858 = arith.constant 0 : i32
        %dma_start3A_859 = tpu.memref_slice %arg18[%add3A_856, %dma_start3A_857, %dma_start3A_858] : memref<36x128x16xf32, #tpu.memory_space<vmem>> -> memref<1x128x16xf32, #tpu.memory_space<vmem>>
        %dma_start3A_860 = tpu.memref_squeeze %dma_start3A_859 : memref<1x128x16xf32, #tpu.memory_space<vmem>> -> memref<128x16xf32, #tpu.memory_space<vmem>>
        %dma_start3A_861 = arith.constant 0 : i32
        %dma_start3A_862 = tpu.memref_slice %arg9[%add3A_854, %dma_start3A_861] : memref<36x128xi32, #tpu.memory_space<vmem>> -> memref<1x128xi32, #tpu.memory_space<vmem>>
        %dma_start3A_863 = tpu.memref_squeeze %dma_start3A_862 : memref<1x128xi32, #tpu.memory_space<vmem>> -> memref<128xi32, #tpu.memory_space<vmem>>
        %dma_start3A_864 = arith.constant 0 : i32
        %dma_start3A_865 = arith.constant 0 : i32
        %dma_start3A_866 = tpu.memref_slice %arg5[%dma_start3A_864, %dma_start3A_865] : memref<4194304x16xf32, #tpu.memory_space<hbm>> -> memref<4194304x16xf32, #tpu.memory_space<hbm>>
        tpu.enqueue_indirect_dma source(%dma_start3A_866 : memref<4194304x16xf32, #tpu.memory_space<hbm>>) target(%dma_start3A_860 : memref<128x16xf32, #tpu.memory_space<vmem>>) offsets(%dma_start3A_863 : memref<128xi32, #tpu.memory_space<vmem>>) semaphore(%arg19 : memref<!tpu.dma_semaphore, #tpu.memory_space<semaphore_mem>>)
        %add3A_867 = arith.constant 9 : i32
        %add3A_868 = arith.addi %add3A_867, %while3A_851 : i32
        %add3A_869 = arith.constant 9 : i32
        %add3A_870 = arith.addi %add3A_869, %while3A_851 : i32
        %dma_start3A_871 = arith.constant 0 : i32
        %dma_start3A_872 = arith.constant 0 : i32
        %dma_start3A_873 = tpu.memref_slice %arg18[%add3A_870, %dma_start3A_871, %dma_start3A_872] : memref<36x128x16xf32, #tpu.memory_space<vmem>> -> memref<1x128x16xf32, #tpu.memory_space<vmem>>
        %dma_start3A_874 = tpu.memref_squeeze %dma_start3A_873 : memref<1x128x16xf32, #tpu.memory_space<vmem>> -> memref<128x16xf32, #tpu.memory_space<vmem>>
        %dma_start3A_875 = arith.constant 0 : i32
        %dma_start3A_876 = tpu.memref_slice %arg9[%add3A_868, %dma_start3A_875] : memref<36x128xi32, #tpu.memory_space<vmem>> -> memref<1x128xi32, #tpu.memory_space<vmem>>
        %dma_start3A_877 = tpu.memref_squeeze %dma_start3A_876 : memref<1x128xi32, #tpu.memory_space<vmem>> -> memref<128xi32, #tpu.memory_space<vmem>>
        %dma_start3A_878 = arith.constant 0 : i32
        %dma_start3A_879 = arith.constant 0 : i32
        %dma_start3A_880 = tpu.memref_slice %arg5[%dma_start3A_878, %dma_start3A_879] : memref<4194304x16xf32, #tpu.memory_space<hbm>> -> memref<4194304x16xf32, #tpu.memory_space<hbm>>
        tpu.enqueue_indirect_dma source(%dma_start3A_880 : memref<4194304x16xf32, #tpu.memory_space<hbm>>) target(%dma_start3A_874 : memref<128x16xf32, #tpu.memory_space<vmem>>) offsets(%dma_start3A_877 : memref<128xi32, #tpu.memory_space<vmem>>) semaphore(%arg19 : memref<!tpu.dma_semaphore, #tpu.memory_space<semaphore_mem>>)
        %add3A_881 = arith.constant 18 : i32
        %add3A_882 = arith.addi %add3A_881, %while3A_851 : i32
        %add3A_883 = arith.constant 18 : i32
        %add3A_884 = arith.addi %add3A_883, %while3A_851 : i32
        %dma_start3A_885 = arith.constant 0 : i32
        %dma_start3A_886 = arith.constant 0 : i32
        %dma_start3A_887 = tpu.memref_slice %arg18[%add3A_884, %dma_start3A_885, %dma_start3A_886] : memref<36x128x16xf32, #tpu.memory_space<vmem>> -> memref<1x128x16xf32, #tpu.memory_space<vmem>>
        %dma_start3A_888 = tpu.memref_squeeze %dma_start3A_887 : memref<1x128x16xf32, #tpu.memory_space<vmem>> -> memref<128x16xf32, #tpu.memory_space<vmem>>
        %dma_start3A_889 = arith.constant 0 : i32
        %dma_start3A_890 = tpu.memref_slice %arg9[%add3A_882, %dma_start3A_889] : memref<36x128xi32, #tpu.memory_space<vmem>> -> memref<1x128xi32, #tpu.memory_space<vmem>>
        %dma_start3A_891 = tpu.memref_squeeze %dma_start3A_890 : memref<1x128xi32, #tpu.memory_space<vmem>> -> memref<128xi32, #tpu.memory_space<vmem>>
        %dma_start3A_892 = arith.constant 0 : i32
        %dma_start3A_893 = arith.constant 0 : i32
        %dma_start3A_894 = tpu.memref_slice %arg5[%dma_start3A_892, %dma_start3A_893] : memref<4194304x16xf32, #tpu.memory_space<hbm>> -> memref<4194304x16xf32, #tpu.memory_space<hbm>>
        tpu.enqueue_indirect_dma source(%dma_start3A_894 : memref<4194304x16xf32, #tpu.memory_space<hbm>>) target(%dma_start3A_888 : memref<128x16xf32, #tpu.memory_space<vmem>>) offsets(%dma_start3A_891 : memref<128xi32, #tpu.memory_space<vmem>>) semaphore(%arg19 : memref<!tpu.dma_semaphore, #tpu.memory_space<semaphore_mem>>)
        %add3A_895 = arith.constant 27 : i32
        %add3A_896 = arith.addi %add3A_895, %while3A_851 : i32
        %add3A_897 = arith.constant 27 : i32
        %add3A_898 = arith.addi %add3A_897, %while3A_851 : i32
        %dma_start3A_899 = arith.constant 0 : i32
        %dma_start3A_900 = arith.constant 0 : i32
        %dma_start3A_901 = tpu.memref_slice %arg18[%add3A_898, %dma_start3A_899, %dma_start3A_900] : memref<36x128x16xf32, #tpu.memory_space<vmem>> -> memref<1x128x16xf32, #tpu.memory_space<vmem>>
        %dma_start3A_902 = tpu.memref_squeeze %dma_start3A_901 : memref<1x128x16xf32, #tpu.memory_space<vmem>> -> memref<128x16xf32, #tpu.memory_space<vmem>>
        %dma_start3A_903 = arith.constant 0 : i32
        %dma_start3A_904 = tpu.memref_slice %arg9[%add3A_896, %dma_start3A_903] : memref<36x128xi32, #tpu.memory_space<vmem>> -> memref<1x128xi32, #tpu.memory_space<vmem>>
        %dma_start3A_905 = tpu.memref_squeeze %dma_start3A_904 : memref<1x128xi32, #tpu.memory_space<vmem>> -> memref<128xi32, #tpu.memory_space<vmem>>
        %dma_start3A_906 = arith.constant 0 : i32
        %dma_start3A_907 = arith.constant 0 : i32
        %dma_start3A_908 = tpu.memref_slice %arg5[%dma_start3A_906, %dma_start3A_907] : memref<4194304x16xf32, #tpu.memory_space<hbm>> -> memref<4194304x16xf32, #tpu.memory_space<hbm>>
        tpu.enqueue_indirect_dma source(%dma_start3A_908 : memref<4194304x16xf32, #tpu.memory_space<hbm>>) target(%dma_start3A_902 : memref<128x16xf32, #tpu.memory_space<vmem>>) offsets(%dma_start3A_905 : memref<128xi32, #tpu.memory_space<vmem>>) semaphore(%arg19 : memref<!tpu.dma_semaphore, #tpu.memory_space<semaphore_mem>>)
        %while3A_909 = arith.constant 0 : i32
        scf.yield %while3A_909 : i32
      }
      %while3A_451 = arith.constant 1 : i32
      %while3A_452 = scf.for %while3A_851 = %while3A_448 to %while3A_444 step %while3A_451 iter_args(%while3A_852 = %while3A_450) -> (i32)  : i32 {
        %add3A_853 = arith.constant 0 : i32
        %add3A_854 = arith.addi %add3A_853, %while3A_851 : i32
        %add3A_855 = arith.constant 0 : i32
        %add3A_856 = arith.addi %add3A_855, %while3A_851 : i32
        %dma_start3A_857 = arith.constant 0 : i32
        %dma_start3A_858 = arith.constant 0 : i32
        %dma_start3A_859 = tpu.memref_slice %arg18[%add3A_856, %dma_start3A_857, %dma_start3A_858] : memref<36x128x16xf32, #tpu.memory_space<vmem>> -> memref<1x128x16xf32, #tpu.memory_space<vmem>>
        %dma_start3A_860 = tpu.memref_squeeze %dma_start3A_859 : memref<1x128x16xf32, #tpu.memory_space<vmem>> -> memref<128x16xf32, #tpu.memory_space<vmem>>
        %dma_start3A_861 = arith.constant 0 : i32
        %dma_start3A_862 = tpu.memref_slice %arg9[%add3A_854, %dma_start3A_861] : memref<36x128xi32, #tpu.memory_space<vmem>> -> memref<1x128xi32, #tpu.memory_space<vmem>>
        %dma_start3A_863 = tpu.memref_squeeze %dma_start3A_862 : memref<1x128xi32, #tpu.memory_space<vmem>> -> memref<128xi32, #tpu.memory_space<vmem>>
        %dma_start3A_864 = arith.constant 0 : i32
        %dma_start3A_865 = arith.constant 0 : i32
        %dma_start3A_866 = tpu.memref_slice %arg5[%dma_start3A_864, %dma_start3A_865] : memref<4194304x16xf32, #tpu.memory_space<hbm>> -> memref<4194304x16xf32, #tpu.memory_space<hbm>>
        tpu.enqueue_indirect_dma source(%dma_start3A_866 : memref<4194304x16xf32, #tpu.memory_space<hbm>>) target(%dma_start3A_860 : memref<128x16xf32, #tpu.memory_space<vmem>>) offsets(%dma_start3A_863 : memref<128xi32, #tpu.memory_space<vmem>>) semaphore(%arg19 : memref<!tpu.dma_semaphore, #tpu.memory_space<semaphore_mem>>)
        %add3A_867 = arith.constant 9 : i32
        %add3A_868 = arith.addi %add3A_867, %while3A_851 : i32
        %add3A_869 = arith.constant 9 : i32
        %add3A_870 = arith.addi %add3A_869, %while3A_851 : i32
        %dma_start3A_871 = arith.constant 0 : i32
        %dma_start3A_872 = arith.constant 0 : i32
        %dma_start3A_873 = tpu.memref_slice %arg18[%add3A_870, %dma_start3A_871, %dma_start3A_872] : memref<36x128x16xf32, #tpu.memory_space<vmem>> -> memref<1x128x16xf32, #tpu.memory_space<vmem>>
        %dma_start3A_874 = tpu.memref_squeeze %dma_start3A_873 : memref<1x128x16xf32, #tpu.memory_space<vmem>> -> memref<128x16xf32, #tpu.memory_space<vmem>>
        %dma_start3A_875 = arith.constant 0 : i32
        %dma_start3A_876 = tpu.memref_slice %arg9[%add3A_868, %dma_start3A_875] : memref<36x128xi32, #tpu.memory_space<vmem>> -> memref<1x128xi32, #tpu.memory_space<vmem>>
        %dma_start3A_877 = tpu.memref_squeeze %dma_start3A_876 : memref<1x128xi32, #tpu.memory_space<vmem>> -> memref<128xi32, #tpu.memory_space<vmem>>
        %dma_start3A_878 = arith.constant 0 : i32
        %dma_start3A_879 = arith.constant 0 : i32
        %dma_start3A_880 = tpu.memref_slice %arg5[%dma_start3A_878, %dma_start3A_879] : memref<4194304x16xf32, #tpu.memory_space<hbm>> -> memref<4194304x16xf32, #tpu.memory_space<hbm>>
        tpu.enqueue_indirect_dma source(%dma_start3A_880 : memref<4194304x16xf32, #tpu.memory_space<hbm>>) target(%dma_start3A_874 : memref<128x16xf32, #tpu.memory_space<vmem>>) offsets(%dma_start3A_877 : memref<128xi32, #tpu.memory_space<vmem>>) semaphore(%arg19 : memref<!tpu.dma_semaphore, #tpu.memory_space<semaphore_mem>>)
        %add3A_881 = arith.constant 18 : i32
        %add3A_882 = arith.addi %add3A_881, %while3A_851 : i32
        %add3A_883 = arith.constant 18 : i32
        %add3A_884 = arith.addi %add3A_883, %while3A_851 : i32
        %dma_start3A_885 = arith.constant 0 : i32
        %dma_start3A_886 = arith.constant 0 : i32
        %dma_start3A_887 = tpu.memref_slice %arg18[%add3A_884, %dma_start3A_885, %dma_start3A_886] : memref<36x128x16xf32, #tpu.memory_space<vmem>> -> memref<1x128x16xf32, #tpu.memory_space<vmem>>
        %dma_start3A_888 = tpu.memref_squeeze %dma_start3A_887 : memref<1x128x16xf32, #tpu.memory_space<vmem>> -> memref<128x16xf32, #tpu.memory_space<vmem>>
        %dma_start3A_889 = arith.constant 0 : i32
        %dma_start3A_890 = tpu.memref_slice %arg9[%add3A_882, %dma_start3A_889] : memref<36x128xi32, #tpu.memory_space<vmem>> -> memref<1x128xi32, #tpu.memory_space<vmem>>
        %dma_start3A_891 = tpu.memref_squeeze %dma_start3A_890 : memref<1x128xi32, #tpu.memory_space<vmem>> -> memref<128xi32, #tpu.memory_space<vmem>>
        %dma_start3A_892 = arith.constant 0 : i32
        %dma_start3A_893 = arith.constant 0 : i32
        %dma_start3A_894 = tpu.memref_slice %arg5[%dma_start3A_892, %dma_start3A_893] : memref<4194304x16xf32, #tpu.memory_space<hbm>> -> memref<4194304x16xf32, #tpu.memory_space<hbm>>
        tpu.enqueue_indirect_dma source(%dma_start3A_894 : memref<4194304x16xf32, #tpu.memory_space<hbm>>) target(%dma_start3A_888 : memref<128x16xf32, #tpu.memory_space<vmem>>) offsets(%dma_start3A_891 : memref<128xi32, #tpu.memory_space<vmem>>) semaphore(%arg19 : memref<!tpu.dma_semaphore, #tpu.memory_space<semaphore_mem>>)
        %add3A_895 = arith.constant 27 : i32
        %add3A_896 = arith.addi %add3A_895, %while3A_851 : i32
        %add3A_897 = arith.constant 27 : i32
        %add3A_898 = arith.addi %add3A_897, %while3A_851 : i32
        %dma_start3A_899 = arith.constant 0 : i32
        %dma_start3A_900 = arith.constant 0 : i32
        %dma_start3A_901 = tpu.memref_slice %arg18[%add3A_898, %dma_start3A_899, %dma_start3A_900] : memref<36x128x16xf32, #tpu.memory_space<vmem>> -> memref<1x128x16xf32, #tpu.memory_space<vmem>>
        %dma_start3A_902 = tpu.memref_squeeze %dma_start3A_901 : memref<1x128x16xf32, #tpu.memory_space<vmem>> -> memref<128x16xf32, #tpu.memory_space<vmem>>
        %dma_start3A_903 = arith.constant 0 : i32
        %dma_start3A_904 = tpu.memref_slice %arg9[%add3A_896, %dma_start3A_903] : memref<36x128xi32, #tpu.memory_space<vmem>> -> memref<1x128xi32, #tpu.memory_space<vmem>>
        %dma_start3A_905 = tpu.memref_squeeze %dma_start3A_904 : memref<1x128xi32, #tpu.memory_space<vmem>> -> memref<128xi32, #tpu.memory_space<vmem>>
        %dma_start3A_906 = arith.constant 0 : i32
        %dma_start3A_907 = arith.constant 0 : i32
        %dma_start3A_908 = tpu.memref_slice %arg5[%dma_start3A_906, %dma_start3A_907] : memref<4194304x16xf32, #tpu.memory_space<hbm>> -> memref<4194304x16xf32, #tpu.memory_space<hbm>>
        tpu.enqueue_indirect_dma source(%dma_start3A_908 : memref<4194304x16xf32, #tpu.memory_space<hbm>>) target(%dma_start3A_902 : memref<128x16xf32, #tpu.memory_space<vmem>>) offsets(%dma_start3A_905 : memref<128xi32, #tpu.memory_space<vmem>>) semaphore(%arg19 : memref<!tpu.dma_semaphore, #tpu.memory_space<semaphore_mem>>)
        %while3A_909 = arith.constant 0 : i32
        scf.yield %while3A_909 : i32
      }
      %add3A_453 = arith.constant 1 : i32
      %add3A_454 = arith.addi %mul3A_131, %add3A_453 : i32
      %add3A_455 = arith.constant 2 : i32
      %add3A_456 = arith.addi %mul3A_131, %add3A_455 : i32
      %jit3A_457 = arith.constant 32 : i32
      %eq3A = arith.constant 0 : i32
      %eq3A_458 = arith.cmpi eq, %jit3A_457, %eq3A : i32
      %jit3A_459 = arith.constant 1 : i32
      %select_n3A_460 = arith.select %eq3A_458, %jit3A_459, %jit3A_457 : i32
      %rem3A_461 = arith.remsi %add3A_456, %select_n3A_460 : i32
      %ne3A_462 = arith.constant 0 : i32
      %ne3A_463 = arith.cmpi ne, %rem3A_461, %ne3A_462 : i32
      %lt3A = arith.constant 0 : i32
      %lt3A_464 = arith.cmpi slt, %rem3A_461, %lt3A : i32
      %lt3A_465 = arith.constant 0 : i32
      %lt3A_466 = arith.cmpi slt, %select_n3A_460, %lt3A_465 : i32
      %ne3A_467 = arith.xori %lt3A_464, %lt3A_466 : i1
      %and3A_468 = arith.andi %ne3A_467, %ne3A_463 : i1
      %add3A_469 = arith.addi %rem3A_461, %select_n3A_460 : i32
      %select_n3A_470 = arith.select %and3A_468, %add3A_469, %rem3A_461 : i32
      %mul3A_471 = arith.constant 32768 : i32
      %mul3A_472 = arith.muli %add3A, %mul3A_471 : i32
      %mul3A_473 = arith.constant 1024 : i32
      %mul3A_474 = arith.muli %add3A_454, %mul3A_473 : i32
      %add3A_475 = arith.addi %mul3A_472, %mul3A_474 : i32
      %dma_wait3A_476 = arith.constant 0 : i32
      %dma_wait3A_477 = arith.constant 0 : i32
      %dma_wait3A_478 = tpu.memref_slice %arg13[%dma_wait3A_476, %dma_wait3A_477] : memref<3x1024xf32, #tpu.memory_space<vmem>> -> memref<1x1024xf32, #tpu.memory_space<vmem>>
      %dma_wait3A_479 = tpu.memref_squeeze %dma_wait3A_478 : memref<1x1024xf32, #tpu.memory_space<vmem>> -> memref<1024xf32, #tpu.memory_space<vmem>>
      %dma_wait3A_480 = tpu.memref_slice %arg2[%add3A_475] : memref<1048576xf32, #tpu.memory_space<hbm>> -> memref<1024xf32, #tpu.memory_space<hbm>>
      %dma_wait3A_481 = arith.constant 0 : i32
      %dma_wait3A_482 = tpu.memref_slice %arg13[%dma_wait3A_476, %dma_wait3A_481] : memref<3x1024xf32, #tpu.memory_space<vmem>> -> memref<1x1024xf32, #tpu.memory_space<vmem>>
      %dma_wait3A_483 = tpu.memref_squeeze %dma_wait3A_482 : memref<1x1024xf32, #tpu.memory_space<vmem>> -> memref<1024xf32, #tpu.memory_space<vmem>>
      %dma_wait3A_484 = tpu.memref_slice %arg2[%add3A_475] : memref<1048576xf32, #tpu.memory_space<hbm>> -> memref<1024xf32, #tpu.memory_space<hbm>>
      tpu.wait_dma2 semaphore(%arg22 : memref<!tpu.dma_semaphore, #tpu.memory_space<semaphore_mem>>) src(%dma_wait3A_484 : memref<1024xf32, #tpu.memory_space<hbm>>) dst(%dma_wait3A_483 : memref<1024xf32, #tpu.memory_space<vmem>>)
      %dma_wait3A_485 = arith.constant 1 : i32
      %dma_wait3A_486 = arith.constant 0 : i32
      %dma_wait3A_487 = tpu.memref_slice %arg13[%dma_wait3A_485, %dma_wait3A_486] : memref<3x1024xf32, #tpu.memory_space<vmem>> -> memref<1x1024xf32, #tpu.memory_space<vmem>>
      %dma_wait3A_488 = tpu.memref_squeeze %dma_wait3A_487 : memref<1x1024xf32, #tpu.memory_space<vmem>> -> memref<1024xf32, #tpu.memory_space<vmem>>
      %dma_wait3A_489 = tpu.memref_slice %arg3[%add3A_475] : memref<1048576xf32, #tpu.memory_space<hbm>> -> memref<1024xf32, #tpu.memory_space<hbm>>
      %dma_wait3A_490 = arith.constant 0 : i32
      %dma_wait3A_491 = tpu.memref_slice %arg13[%dma_wait3A_485, %dma_wait3A_490] : memref<3x1024xf32, #tpu.memory_space<vmem>> -> memref<1x1024xf32, #tpu.memory_space<vmem>>
      %dma_wait3A_492 = tpu.memref_squeeze %dma_wait3A_491 : memref<1x1024xf32, #tpu.memory_space<vmem>> -> memref<1024xf32, #tpu.memory_space<vmem>>
      %dma_wait3A_493 = tpu.memref_slice %arg3[%add3A_475] : memref<1048576xf32, #tpu.memory_space<hbm>> -> memref<1024xf32, #tpu.memory_space<hbm>>
      tpu.wait_dma2 semaphore(%arg22 : memref<!tpu.dma_semaphore, #tpu.memory_space<semaphore_mem>>) src(%dma_wait3A_493 : memref<1024xf32, #tpu.memory_space<hbm>>) dst(%dma_wait3A_492 : memref<1024xf32, #tpu.memory_space<vmem>>)
      %dma_wait3A_494 = arith.constant 2 : i32
      %dma_wait3A_495 = arith.constant 0 : i32
      %dma_wait3A_496 = tpu.memref_slice %arg13[%dma_wait3A_494, %dma_wait3A_495] : memref<3x1024xf32, #tpu.memory_space<vmem>> -> memref<1x1024xf32, #tpu.memory_space<vmem>>
      %dma_wait3A_497 = tpu.memref_squeeze %dma_wait3A_496 : memref<1x1024xf32, #tpu.memory_space<vmem>> -> memref<1024xf32, #tpu.memory_space<vmem>>
      %dma_wait3A_498 = tpu.memref_slice %arg4[%add3A_475] : memref<1048576xf32, #tpu.memory_space<hbm>> -> memref<1024xf32, #tpu.memory_space<hbm>>
      %dma_wait3A_499 = arith.constant 0 : i32
      %dma_wait3A_500 = tpu.memref_slice %arg13[%dma_wait3A_494, %dma_wait3A_499] : memref<3x1024xf32, #tpu.memory_space<vmem>> -> memref<1x1024xf32, #tpu.memory_space<vmem>>
      %dma_wait3A_501 = tpu.memref_squeeze %dma_wait3A_500 : memref<1x1024xf32, #tpu.memory_space<vmem>> -> memref<1024xf32, #tpu.memory_space<vmem>>
      %dma_wait3A_502 = tpu.memref_slice %arg4[%add3A_475] : memref<1048576xf32, #tpu.memory_space<hbm>> -> memref<1024xf32, #tpu.memory_space<hbm>>
      tpu.wait_dma2 semaphore(%arg22 : memref<!tpu.dma_semaphore, #tpu.memory_space<semaphore_mem>>) src(%dma_wait3A_502 : memref<1024xf32, #tpu.memory_space<hbm>>) dst(%dma_wait3A_501 : memref<1024xf32, #tpu.memory_space<vmem>>)
      %mul3A_503 = arith.constant 32768 : i32
      %mul3A_504 = arith.muli %add3A, %mul3A_503 : i32
      %mul3A_505 = arith.constant 1024 : i32
      %mul3A_506 = arith.muli %select_n3A_470, %mul3A_505 : i32
      %add3A_507 = arith.addi %mul3A_504, %mul3A_506 : i32
      %dma_start3A_508 = arith.constant 0 : i32
      %dma_start3A_509 = arith.constant 0 : i32
      %dma_start3A_510 = tpu.memref_slice %arg8[%dma_start3A_508, %dma_start3A_509] : memref<3x1024xf32, #tpu.memory_space<vmem>> -> memref<1x1024xf32, #tpu.memory_space<vmem>>
      %dma_start3A_511 = tpu.memref_squeeze %dma_start3A_510 : memref<1x1024xf32, #tpu.memory_space<vmem>> -> memref<1024xf32, #tpu.memory_space<vmem>>
      %dma_start3A_512 = tpu.memref_slice %arg2[%add3A_507] : memref<1048576xf32, #tpu.memory_space<hbm>> -> memref<1024xf32, #tpu.memory_space<hbm>>
      %dma_start3A_513 = arith.constant 0 : i32
      %dma_start3A_514 = tpu.memref_slice %arg8[%dma_start3A_508, %dma_start3A_513] : memref<3x1024xf32, #tpu.memory_space<vmem>> -> memref<1x1024xf32, #tpu.memory_space<vmem>>
      %dma_start3A_515 = tpu.memref_squeeze %dma_start3A_514 : memref<1x1024xf32, #tpu.memory_space<vmem>> -> memref<1024xf32, #tpu.memory_space<vmem>>
      %dma_start3A_516 = tpu.memref_slice %arg2[%add3A_507] : memref<1048576xf32, #tpu.memory_space<hbm>> -> memref<1024xf32, #tpu.memory_space<hbm>>
      tpu.enqueue_dma source(%dma_start3A_516 : memref<1024xf32, #tpu.memory_space<hbm>>) target(%dma_start3A_515 : memref<1024xf32, #tpu.memory_space<vmem>>) target_semaphore(%arg21 : memref<!tpu.dma_semaphore, #tpu.memory_space<semaphore_mem>>)
      %dma_start3A_517 = arith.constant 1 : i32
      %dma_start3A_518 = arith.constant 0 : i32
      %dma_start3A_519 = tpu.memref_slice %arg8[%dma_start3A_517, %dma_start3A_518] : memref<3x1024xf32, #tpu.memory_space<vmem>> -> memref<1x1024xf32, #tpu.memory_space<vmem>>
      %dma_start3A_520 = tpu.memref_squeeze %dma_start3A_519 : memref<1x1024xf32, #tpu.memory_space<vmem>> -> memref<1024xf32, #tpu.memory_space<vmem>>
      %dma_start3A_521 = tpu.memref_slice %arg3[%add3A_507] : memref<1048576xf32, #tpu.memory_space<hbm>> -> memref<1024xf32, #tpu.memory_space<hbm>>
      %dma_start3A_522 = arith.constant 0 : i32
      %dma_start3A_523 = tpu.memref_slice %arg8[%dma_start3A_517, %dma_start3A_522] : memref<3x1024xf32, #tpu.memory_space<vmem>> -> memref<1x1024xf32, #tpu.memory_space<vmem>>
      %dma_start3A_524 = tpu.memref_squeeze %dma_start3A_523 : memref<1x1024xf32, #tpu.memory_space<vmem>> -> memref<1024xf32, #tpu.memory_space<vmem>>
      %dma_start3A_525 = tpu.memref_slice %arg3[%add3A_507] : memref<1048576xf32, #tpu.memory_space<hbm>> -> memref<1024xf32, #tpu.memory_space<hbm>>
      tpu.enqueue_dma source(%dma_start3A_525 : memref<1024xf32, #tpu.memory_space<hbm>>) target(%dma_start3A_524 : memref<1024xf32, #tpu.memory_space<vmem>>) target_semaphore(%arg21 : memref<!tpu.dma_semaphore, #tpu.memory_space<semaphore_mem>>)
      %dma_start3A_526 = arith.constant 2 : i32
      %dma_start3A_527 = arith.constant 0 : i32
      %dma_start3A_528 = tpu.memref_slice %arg8[%dma_start3A_526, %dma_start3A_527] : memref<3x1024xf32, #tpu.memory_space<vmem>> -> memref<1x1024xf32, #tpu.memory_space<vmem>>
      %dma_start3A_529 = tpu.memref_squeeze %dma_start3A_528 : memref<1x1024xf32, #tpu.memory_space<vmem>> -> memref<1024xf32, #tpu.memory_space<vmem>>
      %dma_start3A_530 = tpu.memref_slice %arg4[%add3A_507] : memref<1048576xf32, #tpu.memory_space<hbm>> -> memref<1024xf32, #tpu.memory_space<hbm>>
      %dma_start3A_531 = arith.constant 0 : i32
      %dma_start3A_532 = tpu.memref_slice %arg8[%dma_start3A_526, %dma_start3A_531] : memref<3x1024xf32, #tpu.memory_space<vmem>> -> memref<1x1024xf32, #tpu.memory_space<vmem>>
      %dma_start3A_533 = tpu.memref_squeeze %dma_start3A_532 : memref<1x1024xf32, #tpu.memory_space<vmem>> -> memref<1024xf32, #tpu.memory_space<vmem>>
      %dma_start3A_534 = tpu.memref_slice %arg4[%add3A_507] : memref<1048576xf32, #tpu.memory_space<hbm>> -> memref<1024xf32, #tpu.memory_space<hbm>>
      tpu.enqueue_dma source(%dma_start3A_534 : memref<1024xf32, #tpu.memory_space<hbm>>) target(%dma_start3A_533 : memref<1024xf32, #tpu.memory_space<vmem>>) target_semaphore(%arg21 : memref<!tpu.dma_semaphore, #tpu.memory_space<semaphore_mem>>)
      %scan3A_535 = arith.constant 0 : i32
      %scan3A_536 = arith.constant 0 : i32
      %scan3A_537 = arith.constant 32 : i32
      %scan3A_538 = arith.addi %scan3A_536, %scan3A_537 : i32
      %scan3A_539 = arith.constant 1 : i32
      %scan3A_540 = scf.for %scan3A_851 = %scan3A_536 to %scan3A_538 step %scan3A_539 iter_args(%scan3A_852 = %scan3A_535) -> (i32)  : i32 {
        %mul3A_853 = arith.constant 2 : i32
        %mul3A_854 = arith.muli %mul3A_853, %scan3A_851 : i32
        %mul3A_855 = arith.constant 16 : i32
        %mul3A_856 = arith.muli %mul3A_854, %mul3A_855 : i32
        %get3A = arith.constant 0 : i32
        %get3A_857 = arith.index_cast %get3A : i32 to index
        %get3A_858 = arith.index_cast %mul3A_856 : i32 to index
        %get3A_859 = tpu.vector_load %arg13[%get3A_857, %get3A_858] {strides = array<i32>} : memref<3x1024xf32, #tpu.memory_space<vmem>>, vector<16xf32>,
        %get3A_860 = arith.constant 1 : i32
        %get3A_861 = arith.index_cast %get3A_860 : i32 to index
        %get3A_862 = arith.index_cast %mul3A_856 : i32 to index
        %get3A_863 = tpu.vector_load %arg13[%get3A_861, %get3A_862] {strides = array<i32>} : memref<3x1024xf32, #tpu.memory_space<vmem>>, vector<16xf32>,
        %get3A_864 = arith.constant 2 : i32
        %get3A_865 = arith.index_cast %get3A_864 : i32 to index
        %get3A_866 = arith.index_cast %mul3A_856 : i32 to index
        %get3A_867 = tpu.vector_load %arg13[%get3A_865, %get3A_866] {strides = array<i32>} : memref<3x1024xf32, #tpu.memory_space<vmem>>, vector<16xf32>,
        %mul3A_868 = arith.constant 1.280000e+02 : f32
        %mul3A_869 = vector.broadcast %mul3A_868 : f32 to vector<16xf32>
        %mul3A_870 = arith.mulf %get3A_859, %mul3A_869 : vector<16xf32>
        %add3A_871 = arith.constant 1.280000e+02 : f32
        %add3A_872 = vector.broadcast %add3A_871 : f32 to vector<16xf32>
        %add3A_873 = arith.addf %mul3A_870, %add3A_872 : vector<16xf32>
        %jit3A_874 = arith.constant 0.000000e+00 : f32
        %jit3A_875 = arith.constant 2.550000e+02 : f32
        %max3A = vector.broadcast %jit3A_874 : f32 to vector<16xf32>
        %max3A_876 = arith.maximumf %max3A, %add3A_873 : vector<16xf32>
        %min3A = vector.broadcast %jit3A_875 : f32 to vector<16xf32>
        %min3A_877 = arith.minimumf %min3A, %max3A_876 : vector<16xf32>
        %convert_element_type3A_878 = arith.fptosi %min3A_877 : vector<16xf32> to vector<16xi32>
        %mul3A_879 = arith.constant 1.280000e+02 : f32
        %mul3A_880 = vector.broadcast %mul3A_879 : f32 to vector<16xf32>
        %mul3A_881 = arith.mulf %get3A_863, %mul3A_880 : vector<16xf32>
        %add3A_882 = arith.constant 1.280000e+02 : f32
        %add3A_883 = vector.broadcast %add3A_882 : f32 to vector<16xf32>
        %add3A_884 = arith.addf %mul3A_881, %add3A_883 : vector<16xf32>
        %jit3A_885 = arith.constant 0.000000e+00 : f32
        %jit3A_886 = arith.constant 2.550000e+02 : f32
        %max3A_887 = vector.broadcast %jit3A_885 : f32 to vector<16xf32>
        %max3A_888 = arith.maximumf %max3A_887, %add3A_884 : vector<16xf32>
        %min3A_889 = vector.broadcast %jit3A_886 : f32 to vector<16xf32>
        %min3A_890 = arith.minimumf %min3A_889, %max3A_888 : vector<16xf32>
        %convert_element_type3A_891 = arith.fptosi %min3A_890 : vector<16xf32> to vector<16xi32>
        %mul3A_892 = arith.constant 1.280000e+02 : f32
        %mul3A_893 = vector.broadcast %mul3A_892 : f32 to vector<16xf32>
        %mul3A_894 = arith.mulf %get3A_867, %mul3A_893 : vector<16xf32>
        %add3A_895 = arith.constant 1.280000e+02 : f32
        %add3A_896 = vector.broadcast %add3A_895 : f32 to vector<16xf32>
        %add3A_897 = arith.addf %mul3A_894, %add3A_896 : vector<16xf32>
        %jit3A_898 = arith.constant 0.000000e+00 : f32
        %jit3A_899 = arith.constant 2.550000e+02 : f32
        %max3A_900 = vector.broadcast %jit3A_898 : f32 to vector<16xf32>
        %max3A_901 = arith.maximumf %max3A_900, %add3A_897 : vector<16xf32>
        %min3A_902 = vector.broadcast %jit3A_899 : f32 to vector<16xf32>
        %min3A_903 = arith.minimumf %min3A_902, %max3A_901 : vector<16xf32>
        %convert_element_type3A_904 = arith.fptosi %min3A_903 : vector<16xf32> to vector<16xi32>
        %shift_right_arithmetic3A_905 = arith.constant 7 : i32
        %shift_right_arithmetic3A_906 = vector.broadcast %shift_right_arithmetic3A_905 : i32 to vector<16xi32>
        %shift_right_arithmetic3A_907 = arith.shrsi %convert_element_type3A_904, %shift_right_arithmetic3A_906 : vector<16xi32>
        %and3A_908 = arith.constant 127 : i32
        %and3A_909 = vector.broadcast %and3A_908 : i32 to vector<16xi32>
        %and3A_910 = arith.andi %convert_element_type3A_904, %and3A_909 : vector<16xi32>
        %shift_left3A_911 = arith.constant 8 : i32
        %shift_left3A_912 = vector.broadcast %shift_left3A_911 : i32 to vector<16xi32>
        %shift_left3A_913 = arith.shli %convert_element_type3A_878, %shift_left3A_912 : vector<16xi32>
        %or3A_914 = arith.ori %shift_left3A_913, %convert_element_type3A_891 : vector<16xi32>
        %shift_left3A_915 = arith.constant 1 : i32
        %shift_left3A_916 = vector.broadcast %shift_left3A_915 : i32 to vector<16xi32>
        %shift_left3A_917 = arith.shli %or3A_914, %shift_left3A_916 : vector<16xi32>
        %or3A_918 = arith.ori %shift_left3A_917, %shift_right_arithmetic3A_907 : vector<16xi32>
        %shift_left3A_919 = arith.constant 5 : i32
        %shift_left3A_920 = vector.broadcast %shift_left3A_919 : i32 to vector<16xi32>
        %shift_left3A_921 = arith.shli %or3A_918, %shift_left3A_920 : vector<16xi32>
        %shift_right_arithmetic3A_922 = arith.constant 4 : i32
        %shift_right_arithmetic3A_923 = vector.broadcast %shift_right_arithmetic3A_922 : i32 to vector<16xi32>
        %shift_right_arithmetic3A_924 = arith.shrsi %and3A_910, %shift_right_arithmetic3A_923 : vector<16xi32>
        %or3A_925 = arith.ori %shift_left3A_921, %shift_right_arithmetic3A_924 : vector<16xi32>
        %abs3A = math.absf %get3A_859 : vector<16xf32>
        %abs3A_926 = math.absf %get3A_863 : vector<16xf32>
        %max3A_927 = arith.maximumf %abs3A, %abs3A_926 : vector<16xf32>
        %abs3A_928 = math.absf %get3A_867 : vector<16xf32>
        %max3A_929 = arith.maximumf %max3A_927, %abs3A_928 : vector<16xf32>
        %lt3A_930 = arith.constant 1.000000e+00 : f32
        %lt3A_931 = vector.broadcast %lt3A_930 : f32 to vector<16xf32>
        %lt3A_932 = arith.cmpf olt, %max3A_929, %lt3A_931 : vector<16xf32>
        %convert_element_type3A_933 = arith.extui %lt3A_932 : vector<16xi1> to vector<16xi32>
        %broadcast_in_dim3A_934 = arith.constant true
        %broadcast_in_dim3A_935 = vector.broadcast %broadcast_in_dim3A_934 : i1 to vector<16xi1>
        %masked_cumsum3A = tpu.scan <sum>, %convert_element_type3A_933 masked %broadcast_in_dim3A_935 : vector<16xi32>, vector<16xi1> -> vector<16xi32>
        %add3A_936 = vector.broadcast %scan3A_852 : i32 to vector<16xi32>
        %add3A_937 = arith.addi %add3A_936, %masked_cumsum3A : vector<16xi32>
        %sub3A_938 = arith.constant 1 : i32
        %sub3A_939 = vector.broadcast %sub3A_938 : i32 to vector<16xi32>
        %sub3A_940 = arith.subi %add3A_937, %sub3A_939 : vector<16xi32>
        %add3A_941 = vector.broadcast %mul3A_856 : i32 to vector<16xi32>
        %add3A_942 = arith.addi %iota3A, %add3A_941 : vector<16xi32>
        %shift_left3A_943 = arith.constant 4 : i32
        %shift_left3A_944 = vector.broadcast %shift_left3A_943 : i32 to vector<16xi32>
        %shift_left3A_945 = arith.shli %add3A_942, %shift_left3A_944 : vector<16xi32>
        %and3A_946 = arith.constant 15 : i32
        %and3A_947 = vector.broadcast %and3A_946 : i32 to vector<16xi32>
        %and3A_948 = arith.andi %and3A_910, %and3A_947 : vector<16xi32>
        %or3A_949 = arith.ori %shift_left3A_945, %and3A_948 : vector<16xi32>
        %slice3A = vector.extract_strided_slice %sub3A_940 {offsets = [15], sizes = [1], strides = [1]} : vector<16xi32> to vector<1xi32>
        %squeeze3A = vector.extract %slice3A[0] : i32 from vector<1xi32>
        %add3A_950 = arith.constant 1 : i32
        %add3A_951 = arith.addi %squeeze3A, %add3A_950 : i32
        %add3A_952 = arith.constant 1 : i32
        %add3A_953 = arith.addi %mul3A_854, %add3A_952 : i32
        %mul3A_954 = arith.constant 16 : i32
        %mul3A_955 = arith.muli %add3A_953, %mul3A_954 : i32
        %get3A_956 = arith.constant 0 : i32
        %get3A_957 = arith.index_cast %get3A_956 : i32 to index
        %get3A_958 = arith.index_cast %mul3A_955 : i32 to index
        %get3A_959 = tpu.vector_load %arg13[%get3A_957, %get3A_958] {strides = array<i32>} : memref<3x1024xf32, #tpu.memory_space<vmem>>, vector<16xf32>,
        %get3A_960 = arith.constant 1 : i32
        %get3A_961 = arith.index_cast %get3A_960 : i32 to index
        %get3A_962 = arith.index_cast %mul3A_955 : i32 to index
        %get3A_963 = tpu.vector_load %arg13[%get3A_961, %get3A_962] {strides = array<i32>} : memref<3x1024xf32, #tpu.memory_space<vmem>>, vector<16xf32>,
        %get3A_964 = arith.constant 2 : i32
        %get3A_965 = arith.index_cast %get3A_964 : i32 to index
        %get3A_966 = arith.index_cast %mul3A_955 : i32 to index
        %get3A_967 = tpu.vector_load %arg13[%get3A_965, %get3A_966] {strides = array<i32>} : memref<3x1024xf32, #tpu.memory_space<vmem>>, vector<16xf32>,
        %mul3A_968 = arith.constant 1.280000e+02 : f32
        %mul3A_969 = vector.broadcast %mul3A_968 : f32 to vector<16xf32>
        %mul3A_970 = arith.mulf %get3A_959, %mul3A_969 : vector<16xf32>
        %add3A_971 = arith.constant 1.280000e+02 : f32
        %add3A_972 = vector.broadcast %add3A_971 : f32 to vector<16xf32>
        %add3A_973 = arith.addf %mul3A_970, %add3A_972 : vector<16xf32>
        %jit3A_974 = arith.constant 0.000000e+00 : f32
        %jit3A_975 = arith.constant 2.550000e+02 : f32
        %max3A_976 = vector.broadcast %jit3A_974 : f32 to vector<16xf32>
        %max3A_977 = arith.maximumf %max3A_976, %add3A_973 : vector<16xf32>
        %min3A_978 = vector.broadcast %jit3A_975 : f32 to vector<16xf32>
        %min3A_979 = arith.minimumf %min3A_978, %max3A_977 : vector<16xf32>
        %convert_element_type3A_980 = arith.fptosi %min3A_979 : vector<16xf32> to vector<16xi32>
        %mul3A_981 = arith.constant 1.280000e+02 : f32
        %mul3A_982 = vector.broadcast %mul3A_981 : f32 to vector<16xf32>
        %mul3A_983 = arith.mulf %get3A_963, %mul3A_982 : vector<16xf32>
        %add3A_984 = arith.constant 1.280000e+02 : f32
        %add3A_985 = vector.broadcast %add3A_984 : f32 to vector<16xf32>
        %add3A_986 = arith.addf %mul3A_983, %add3A_985 : vector<16xf32>
        %jit3A_987 = arith.constant 0.000000e+00 : f32
        %jit3A_988 = arith.constant 2.550000e+02 : f32
        %max3A_989 = vector.broadcast %jit3A_987 : f32 to vector<16xf32>
        %max3A_990 = arith.maximumf %max3A_989, %add3A_986 : vector<16xf32>
        %min3A_991 = vector.broadcast %jit3A_988 : f32 to vector<16xf32>
        %min3A_992 = arith.minimumf %min3A_991, %max3A_990 : vector<16xf32>
        %convert_element_type3A_993 = arith.fptosi %min3A_992 : vector<16xf32> to vector<16xi32>
        %mul3A_994 = arith.constant 1.280000e+02 : f32
        %mul3A_995 = vector.broadcast %mul3A_994 : f32 to vector<16xf32>
        %mul3A_996 = arith.mulf %get3A_967, %mul3A_995 : vector<16xf32>
        %add3A_997 = arith.constant 1.280000e+02 : f32
        %add3A_998 = vector.broadcast %add3A_997 : f32 to vector<16xf32>
        %add3A_999 = arith.addf %mul3A_996, %add3A_998 : vector<16xf32>
        %jit3A_1000 = arith.constant 0.000000e+00 : f32
        %jit3A_1001 = arith.constant 2.550000e+02 : f32
        %max3A_1002 = vector.broadcast %jit3A_1000 : f32 to vector<16xf32>
        %max3A_1003 = arith.maximumf %max3A_1002, %add3A_999 : vector<16xf32>
        %min3A_1004 = vector.broadcast %jit3A_1001 : f32 to vector<16xf32>
        %min3A_1005 = arith.minimumf %min3A_1004, %max3A_1003 : vector<16xf32>
        %convert_element_type3A_1006 = arith.fptosi %min3A_1005 : vector<16xf32> to vector<16xi32>
        %shift_right_arithmetic3A_1007 = arith.constant 7 : i32
        %shift_right_arithmetic3A_1008 = vector.broadcast %shift_right_arithmetic3A_1007 : i32 to vector<16xi32>
        %shift_right_arithmetic3A_1009 = arith.shrsi %convert_element_type3A_1006, %shift_right_arithmetic3A_1008 : vector<16xi32>
        %and3A_1010 = arith.constant 127 : i32
        %and3A_1011 = vector.broadcast %and3A_1010 : i32 to vector<16xi32>
        %and3A_1012 = arith.andi %convert_element_type3A_1006, %and3A_1011 : vector<16xi32>
        %shift_left3A_1013 = arith.constant 8 : i32
        %shift_left3A_1014 = vector.broadcast %shift_left3A_1013 : i32 to vector<16xi32>
        %shift_left3A_1015 = arith.shli %convert_element_type3A_980, %shift_left3A_1014 : vector<16xi32>
        %or3A_1016 = arith.ori %shift_left3A_1015, %convert_element_type3A_993 : vector<16xi32>
        %shift_left3A_1017 = arith.constant 1 : i32
        %shift_left3A_1018 = vector.broadcast %shift_left3A_1017 : i32 to vector<16xi32>
        %shift_left3A_1019 = arith.shli %or3A_1016, %shift_left3A_1018 : vector<16xi32>
        %or3A_1020 = arith.ori %shift_left3A_1019, %shift_right_arithmetic3A_1009 : vector<16xi32>
        %shift_left3A_1021 = arith.constant 5 : i32
        %shift_left3A_1022 = vector.broadcast %shift_left3A_1021 : i32 to vector<16xi32>
        %shift_left3A_1023 = arith.shli %or3A_1020, %shift_left3A_1022 : vector<16xi32>
        %shift_right_arithmetic3A_1024 = arith.constant 4 : i32
        %shift_right_arithmetic3A_1025 = vector.broadcast %shift_right_arithmetic3A_1024 : i32 to vector<16xi32>
        %shift_right_arithmetic3A_1026 = arith.shrsi %and3A_1012, %shift_right_arithmetic3A_1025 : vector<16xi32>
        %or3A_1027 = arith.ori %shift_left3A_1023, %shift_right_arithmetic3A_1026 : vector<16xi32>
        %abs3A_1028 = math.absf %get3A_959 : vector<16xf32>
        %abs3A_1029 = math.absf %get3A_963 : vector<16xf32>
        %max3A_1030 = arith.maximumf %abs3A_1028, %abs3A_1029 : vector<16xf32>
        %abs3A_1031 = math.absf %get3A_967 : vector<16xf32>
        %max3A_1032 = arith.maximumf %max3A_1030, %abs3A_1031 : vector<16xf32>
        %lt3A_1033 = arith.constant 1.000000e+00 : f32
        %lt3A_1034 = vector.broadcast %lt3A_1033 : f32 to vector<16xf32>
        %lt3A_1035 = arith.cmpf olt, %max3A_1032, %lt3A_1034 : vector<16xf32>
        %convert_element_type3A_1036 = arith.extui %lt3A_1035 : vector<16xi1> to vector<16xi32>
        %broadcast_in_dim3A_1037 = arith.constant true
        %broadcast_in_dim3A_1038 = vector.broadcast %broadcast_in_dim3A_1037 : i1 to vector<16xi1>
        %masked_cumsum3A_1039 = tpu.scan <sum>, %convert_element_type3A_1036 masked %broadcast_in_dim3A_1038 : vector<16xi32>, vector<16xi1> -> vector<16xi32>
        %add3A_1040 = vector.broadcast %add3A_951 : i32 to vector<16xi32>
        %add3A_1041 = arith.addi %add3A_1040, %masked_cumsum3A_1039 : vector<16xi32>
        %sub3A_1042 = arith.constant 1 : i32
        %sub3A_1043 = vector.broadcast %sub3A_1042 : i32 to vector<16xi32>
        %sub3A_1044 = arith.subi %add3A_1041, %sub3A_1043 : vector<16xi32>
        %add3A_1045 = vector.broadcast %mul3A_955 : i32 to vector<16xi32>
        %add3A_1046 = arith.addi %iota3A, %add3A_1045 : vector<16xi32>
        %shift_left3A_1047 = arith.constant 4 : i32
        %shift_left3A_1048 = vector.broadcast %shift_left3A_1047 : i32 to vector<16xi32>
        %shift_left3A_1049 = arith.shli %add3A_1046, %shift_left3A_1048 : vector<16xi32>
        %and3A_1050 = arith.constant 15 : i32
        %and3A_1051 = vector.broadcast %and3A_1050 : i32 to vector<16xi32>
        %and3A_1052 = arith.andi %and3A_1012, %and3A_1051 : vector<16xi32>
        %or3A_1053 = arith.ori %shift_left3A_1049, %and3A_1052 : vector<16xi32>
        %shift_right_arithmetic3A_1054 = arith.constant 7 : i32
        %shift_right_arithmetic3A_1055 = vector.broadcast %shift_right_arithmetic3A_1054 : i32 to vector<16xi32>
        %shift_right_arithmetic3A_1056 = arith.shrsi %sub3A_940, %shift_right_arithmetic3A_1055 : vector<16xi32>
        %and3A_1057 = arith.constant 127 : i32
        %and3A_1058 = vector.broadcast %and3A_1057 : i32 to vector<16xi32>
        %and3A_1059 = arith.andi %sub3A_940, %and3A_1058 : vector<16xi32>
        tpu.vector_store_idx %arg14[%shift_right_arithmetic3A_1056, %and3A_1059], %or3A_925 masked %lt3A_932 : memref<36x128xi32, #tpu.memory_space<vmem>>[vector<16xi32>, vector<16xi32>], vector<16xi32>, vector<16xi1>
        %add3A_1060 = arith.constant 9 : i32
        %add3A_1061 = vector.broadcast %add3A_1060 : i32 to vector<16xi32>
        %add3A_1062 = arith.addi %add3A_1061, %shift_right_arithmetic3A_1056 : vector<16xi32>
        %add3A_1063 = arith.constant 8 : i32
        %add3A_1064 = vector.broadcast %add3A_1063 : i32 to vector<16xi32>
        %add3A_1065 = arith.addi %or3A_925, %add3A_1064 : vector<16xi32>
        tpu.vector_store_idx %arg14[%add3A_1062, %and3A_1059], %add3A_1065 masked %lt3A_932 : memref<36x128xi32, #tpu.memory_space<vmem>>[vector<16xi32>, vector<16xi32>], vector<16xi32>, vector<16xi1>
        %add3A_1066 = arith.constant 18 : i32
        %add3A_1067 = vector.broadcast %add3A_1066 : i32 to vector<16xi32>
        %add3A_1068 = arith.addi %add3A_1067, %shift_right_arithmetic3A_1056 : vector<16xi32>
        %add3A_1069 = arith.constant 16 : i32
        %add3A_1070 = vector.broadcast %add3A_1069 : i32 to vector<16xi32>
        %add3A_1071 = arith.addi %or3A_925, %add3A_1070 : vector<16xi32>
        tpu.vector_store_idx %arg14[%add3A_1068, %and3A_1059], %add3A_1071 masked %lt3A_932 : memref<36x128xi32, #tpu.memory_space<vmem>>[vector<16xi32>, vector<16xi32>], vector<16xi32>, vector<16xi1>
        %add3A_1072 = arith.constant 27 : i32
        %add3A_1073 = vector.broadcast %add3A_1072 : i32 to vector<16xi32>
        %add3A_1074 = arith.addi %add3A_1073, %shift_right_arithmetic3A_1056 : vector<16xi32>
        %add3A_1075 = arith.constant 24 : i32
        %add3A_1076 = vector.broadcast %add3A_1075 : i32 to vector<16xi32>
        %add3A_1077 = arith.addi %or3A_925, %add3A_1076 : vector<16xi32>
        tpu.vector_store_idx %arg14[%add3A_1074, %and3A_1059], %add3A_1077 masked %lt3A_932 : memref<36x128xi32, #tpu.memory_space<vmem>>[vector<16xi32>, vector<16xi32>], vector<16xi32>, vector<16xi1>
        tpu.vector_store_idx %arg15[%sub3A_940], %or3A_949 masked %lt3A_932 : memref<1152xi32, #tpu.memory_space<vmem>>[vector<16xi32>], vector<16xi32>, vector<16xi1>
        %shift_right_arithmetic3A_1078 = arith.constant 7 : i32
        %shift_right_arithmetic3A_1079 = vector.broadcast %shift_right_arithmetic3A_1078 : i32 to vector<16xi32>
        %shift_right_arithmetic3A_1080 = arith.shrsi %sub3A_1044, %shift_right_arithmetic3A_1079 : vector<16xi32>
        %and3A_1081 = arith.constant 127 : i32
        %and3A_1082 = vector.broadcast %and3A_1081 : i32 to vector<16xi32>
        %and3A_1083 = arith.andi %sub3A_1044, %and3A_1082 : vector<16xi32>
        tpu.vector_store_idx %arg14[%shift_right_arithmetic3A_1080, %and3A_1083], %or3A_1027 masked %lt3A_1035 : memref<36x128xi32, #tpu.memory_space<vmem>>[vector<16xi32>, vector<16xi32>], vector<16xi32>, vector<16xi1>
        %add3A_1084 = arith.constant 9 : i32
        %add3A_1085 = vector.broadcast %add3A_1084 : i32 to vector<16xi32>
        %add3A_1086 = arith.addi %add3A_1085, %shift_right_arithmetic3A_1080 : vector<16xi32>
        %add3A_1087 = arith.constant 8 : i32
        %add3A_1088 = vector.broadcast %add3A_1087 : i32 to vector<16xi32>
        %add3A_1089 = arith.addi %or3A_1027, %add3A_1088 : vector<16xi32>
        tpu.vector_store_idx %arg14[%add3A_1086, %and3A_1083], %add3A_1089 masked %lt3A_1035 : memref<36x128xi32, #tpu.memory_space<vmem>>[vector<16xi32>, vector<16xi32>], vector<16xi32>, vector<16xi1>
        %add3A_1090 = arith.constant 18 : i32
        %add3A_1091 = vector.broadcast %add3A_1090 : i32 to vector<16xi32>
        %add3A_1092 = arith.addi %add3A_1091, %shift_right_arithmetic3A_1080 : vector<16xi32>
        %add3A_1093 = arith.constant 16 : i32
        %add3A_1094 = vector.broadcast %add3A_1093 : i32 to vector<16xi32>
        %add3A_1095 = arith.addi %or3A_1027, %add3A_1094 : vector<16xi32>
        tpu.vector_store_idx %arg14[%add3A_1092, %and3A_1083], %add3A_1095 masked %lt3A_1035 : memref<36x128xi32, #tpu.memory_space<vmem>>[vector<16xi32>, vector<16xi32>], vector<16xi32>, vector<16xi1>
        %add3A_1096 = arith.constant 27 : i32
        %add3A_1097 = vector.broadcast %add3A_1096 : i32 to vector<16xi32>
        %add3A_1098 = arith.addi %add3A_1097, %shift_right_arithmetic3A_1080 : vector<16xi32>
        %add3A_1099 = arith.constant 24 : i32
        %add3A_1100 = vector.broadcast %add3A_1099 : i32 to vector<16xi32>
        %add3A_1101 = arith.addi %or3A_1027, %add3A_1100 : vector<16xi32>
        tpu.vector_store_idx %arg14[%add3A_1098, %and3A_1083], %add3A_1101 masked %lt3A_1035 : memref<36x128xi32, #tpu.memory_space<vmem>>[vector<16xi32>, vector<16xi32>], vector<16xi32>, vector<16xi1>
        tpu.vector_store_idx %arg15[%sub3A_1044], %or3A_1053 masked %lt3A_1035 : memref<1152xi32, #tpu.memory_space<vmem>>[vector<16xi32>], vector<16xi32>, vector<16xi1>
        %jit3A_1102 = arith.constant 4 : i32
        %div3A_1103 = arith.divsi %scan3A_851, %jit3A_1102 : i32
        %sign3A_1104 = arith.constant 0 : i32
        %sign3A_1105 = arith.cmpi sgt, %scan3A_851, %sign3A_1104 : i32
        %sign3A_1106 = arith.extui %sign3A_1105 : i1 to i32
        %sign3A_1107 = arith.constant 0 : i32
        %sign3A_1108 = arith.cmpi slt, %scan3A_851, %sign3A_1107 : i32
        %sign3A_1109 = arith.extui %sign3A_1108 : i1 to i32
        %sign3A_1110 = arith.subi %sign3A_1106, %sign3A_1109 : i32
        %sign3A_1111 = arith.constant 0 : i32
        %sign3A_1112 = arith.cmpi sgt, %jit3A_1102, %sign3A_1111 : i32
        %sign3A_1113 = arith.extui %sign3A_1112 : i1 to i32
        %sign3A_1114 = arith.constant 0 : i32
        %sign3A_1115 = arith.cmpi slt, %jit3A_1102, %sign3A_1114 : i32
        %sign3A_1116 = arith.extui %sign3A_1115 : i1 to i32
        %sign3A_1117 = arith.subi %sign3A_1113, %sign3A_1116 : i32
        %ne3A_1118 = arith.cmpi ne, %sign3A_1110, %sign3A_1117 : i32
        %rem3A_1119 = arith.remsi %scan3A_851, %jit3A_1102 : i32
        %ne3A_1120 = arith.constant 0 : i32
        %ne3A_1121 = arith.cmpi ne, %rem3A_1119, %ne3A_1120 : i32
        %and3A_1122 = arith.andi %ne3A_1118, %ne3A_1121 : i1
        %sub3A_1123 = arith.constant 1 : i32
        %sub3A_1124 = arith.subi %div3A_1103, %sub3A_1123 : i32
        %select_n3A_1125 = arith.select %and3A_1122, %sub3A_1124, %div3A_1103 : i32
        %jit3A_1126 = arith.constant 4 : i32
        %eq3A_1127 = arith.constant 0 : i32
        %eq3A_1128 = arith.cmpi eq, %jit3A_1126, %eq3A_1127 : i32
        %jit3A_1129 = arith.constant 1 : i32
        %select_n3A_1130 = arith.select %eq3A_1128, %jit3A_1129, %jit3A_1126 : i32
        %rem3A_1131 = arith.remsi %scan3A_851, %select_n3A_1130 : i32
        %ne3A_1132 = arith.constant 0 : i32
        %ne3A_1133 = arith.cmpi ne, %rem3A_1131, %ne3A_1132 : i32
        %lt3A_1134 = arith.constant 0 : i32
        %lt3A_1135 = arith.cmpi slt, %rem3A_1131, %lt3A_1134 : i32
        %lt3A_1136 = arith.constant 0 : i32
        %lt3A_1137 = arith.cmpi slt, %select_n3A_1130, %lt3A_1136 : i32
        %ne3A_1138 = arith.xori %lt3A_1135, %lt3A_1137 : i1
        %and3A_1139 = arith.andi %ne3A_1138, %ne3A_1133 : i1
        %add3A_1140 = arith.addi %rem3A_1131, %select_n3A_1130 : i32
        %select_n3A_1141 = arith.select %and3A_1139, %add3A_1140, %rem3A_1131 : i32
        %mul3A_1142 = arith.constant 32 : i32
        %mul3A_1143 = arith.muli %select_n3A_1141, %mul3A_1142 : i32
        %swap3A = arith.constant 0 : i32
        %swap3A_1144 = arith.index_cast %select_n3A_1125 : i32 to index
        %swap3A_1145 = arith.index_cast %swap3A : i32 to index
        %swap3A_1146 = arith.index_cast %mul3A_1143 : i32 to index
        %swap3A_1147 = tpu.vector_load %arg16[%swap3A_1144, %swap3A_1145, %swap3A_1146] {strides = array<i32>} : memref<8x4x128xf32, #tpu.memory_space<vmem>>, vector<16xf32>,
        tpu.vector_store %arg16[%swap3A_1144, %swap3A_1145, %swap3A_1146], %broadcast_in_dim3A_1 {strides = array<i32>} : memref<8x4x128xf32, #tpu.memory_space<vmem>>, vector<16xf32>,
        %add3A_1148 = arith.constant 16 : i32
        %add3A_1149 = arith.addi %mul3A_1143, %add3A_1148 : i32
        %swap3A_1150 = arith.constant 0 : i32
        %swap3A_1151 = arith.index_cast %select_n3A_1125 : i32 to index
        %swap3A_1152 = arith.index_cast %swap3A_1150 : i32 to index
        %swap3A_1153 = arith.index_cast %add3A_1149 : i32 to index
        %swap3A_1154 = tpu.vector_load %arg16[%swap3A_1151, %swap3A_1152, %swap3A_1153] {strides = array<i32>} : memref<8x4x128xf32, #tpu.memory_space<vmem>>, vector<16xf32>,
        tpu.vector_store %arg16[%swap3A_1151, %swap3A_1152, %swap3A_1153], %broadcast_in_dim3A_1 {strides = array<i32>} : memref<8x4x128xf32, #tpu.memory_space<vmem>>, vector<16xf32>,
        %swap3A_1155 = arith.constant 1 : i32
        %swap3A_1156 = arith.index_cast %select_n3A_1125 : i32 to index
        %swap3A_1157 = arith.index_cast %swap3A_1155 : i32 to index
        %swap3A_1158 = arith.index_cast %mul3A_1143 : i32 to index
        %swap3A_1159 = tpu.vector_load %arg16[%swap3A_1156, %swap3A_1157, %swap3A_1158] {strides = array<i32>} : memref<8x4x128xf32, #tpu.memory_space<vmem>>, vector<16xf32>,
        tpu.vector_store %arg16[%swap3A_1156, %swap3A_1157, %swap3A_1158], %broadcast_in_dim3A_1 {strides = array<i32>} : memref<8x4x128xf32, #tpu.memory_space<vmem>>, vector<16xf32>,
        %add3A_1160 = arith.constant 16 : i32
        %add3A_1161 = arith.addi %mul3A_1143, %add3A_1160 : i32
        %swap3A_1162 = arith.constant 1 : i32
        %swap3A_1163 = arith.index_cast %select_n3A_1125 : i32 to index
        %swap3A_1164 = arith.index_cast %swap3A_1162 : i32 to index
        %swap3A_1165 = arith.index_cast %add3A_1161 : i32 to index
        %swap3A_1166 = tpu.vector_load %arg16[%swap3A_1163, %swap3A_1164, %swap3A_1165] {strides = array<i32>} : memref<8x4x128xf32, #tpu.memory_space<vmem>>, vector<16xf32>,
        tpu.vector_store %arg16[%swap3A_1163, %swap3A_1164, %swap3A_1165], %broadcast_in_dim3A_1 {strides = array<i32>} : memref<8x4x128xf32, #tpu.memory_space<vmem>>, vector<16xf32>,
        %swap3A_1167 = arith.constant 2 : i32
        %swap3A_1168 = arith.index_cast %select_n3A_1125 : i32 to index
        %swap3A_1169 = arith.index_cast %swap3A_1167 : i32 to index
        %swap3A_1170 = arith.index_cast %mul3A_1143 : i32 to index
        %swap3A_1171 = tpu.vector_load %arg16[%swap3A_1168, %swap3A_1169, %swap3A_1170] {strides = array<i32>} : memref<8x4x128xf32, #tpu.memory_space<vmem>>, vector<16xf32>,
        tpu.vector_store %arg16[%swap3A_1168, %swap3A_1169, %swap3A_1170], %broadcast_in_dim3A_1 {strides = array<i32>} : memref<8x4x128xf32, #tpu.memory_space<vmem>>, vector<16xf32>,
        %add3A_1172 = arith.constant 16 : i32
        %add3A_1173 = arith.addi %mul3A_1143, %add3A_1172 : i32
        %swap3A_1174 = arith.constant 2 : i32
        %swap3A_1175 = arith.index_cast %select_n3A_1125 : i32 to index
        %swap3A_1176 = arith.index_cast %swap3A_1174 : i32 to index
        %swap3A_1177 = arith.index_cast %add3A_1173 : i32 to index
        %swap3A_1178 = tpu.vector_load %arg16[%swap3A_1175, %swap3A_1176, %swap3A_1177] {strides = array<i32>} : memref<8x4x128xf32, #tpu.memory_space<vmem>>, vector<16xf32>,
        tpu.vector_store %arg16[%swap3A_1175, %swap3A_1176, %swap3A_1177], %broadcast_in_dim3A_1 {strides = array<i32>} : memref<8x4x128xf32, #tpu.memory_space<vmem>>, vector<16xf32>,
        %mul3A_1179 = arith.constant 16 : i32
        %mul3A_1180 = arith.muli %mul3A_854, %mul3A_1179 : i32
        %swap3A_1181 = arith.index_cast %mul3A_1180 : i32 to index
        %swap3A_1182 = tpu.vector_load %arg17[%swap3A_1181] {strides = array<i32>} : memref<1024xf32, #tpu.memory_space<vmem>>, vector<16xf32>,
        tpu.vector_store %arg17[%swap3A_1181], %broadcast_in_dim3A_3 {strides = array<i32>} : memref<1024xf32, #tpu.memory_space<vmem>>, vector<16xf32>,
        %mul3A_1183 = arith.constant 16 : i32
        %mul3A_1184 = arith.muli %mul3A_854, %mul3A_1183 : i32
        %add3A_1185 = arith.constant 16 : i32
        %add3A_1186 = arith.addi %mul3A_1184, %add3A_1185 : i32
        %swap3A_1187 = arith.index_cast %add3A_1186 : i32 to index
        %swap3A_1188 = tpu.vector_load %arg17[%swap3A_1187] {strides = array<i32>} : memref<1024xf32, #tpu.memory_space<vmem>>, vector<16xf32>,
        tpu.vector_store %arg17[%swap3A_1187], %broadcast_in_dim3A_3 {strides = array<i32>} : memref<1024xf32, #tpu.memory_space<vmem>>, vector<16xf32>,
        %slice3A_1189 = vector.extract_strided_slice %sub3A_1044 {offsets = [15], sizes = [1], strides = [1]} : vector<16xi32> to vector<1xi32>
        %squeeze3A_1190 = vector.extract %slice3A_1189[0] : i32 from vector<1xi32>
        %add3A_1191 = arith.constant 1 : i32
        %add3A_1192 = arith.addi %squeeze3A_1190, %add3A_1191 : i32
        scf.yield %add3A_1192 : i32
      }
      %scan3A_541 = arith.constant 32 : i32
      %add3A_542 = arith.constant 0 : i32
      %add3A_543 = arith.addi %scan3A_540, %add3A_542 : i32
      %add3A_544 = vector.broadcast %add3A_543 : i32 to vector<16xi32>
      %add3A_545 = arith.addi %add3A_544, %iota3A : vector<16xi32>
      %shift_right_arithmetic3A_546 = arith.constant 7 : i32
      %shift_right_arithmetic3A_547 = vector.broadcast %shift_right_arithmetic3A_546 : i32 to vector<16xi32>
      %shift_right_arithmetic3A_548 = arith.shrsi %add3A_545, %shift_right_arithmetic3A_547 : vector<16xi32>
      %and3A_549 = arith.constant 127 : i32
      %and3A_550 = vector.broadcast %and3A_549 : i32 to vector<16xi32>
      %and3A_551 = arith.andi %add3A_545, %and3A_550 : vector<16xi32>
      %shift_left3A_552 = arith.constant 8 : i32
      %shift_left3A_553 = arith.shli %add3A, %shift_left3A_552 : i32
      %add3A_554 = arith.constant 0 : i32
      %add3A_555 = vector.broadcast %add3A_554 : i32 to vector<16xi32>
      %add3A_556 = arith.addi %add3A_555, %iota3A : vector<16xi32>
      %or3A_557 = vector.broadcast %shift_left3A_553 : i32 to vector<16xi32>
      %or3A_558 = arith.ori %or3A_557, %add3A_556 : vector<16xi32>
      %shift_left3A_559 = arith.constant 5 : i32
      %shift_left3A_560 = vector.broadcast %shift_left3A_559 : i32 to vector<16xi32>
      %shift_left3A_561 = arith.shli %or3A_558, %shift_left3A_560 : vector<16xi32>
      tpu.vector_store_idx %arg14[%shift_right_arithmetic3A_548, %and3A_551], %shift_left3A_561 : memref<36x128xi32, #tpu.memory_space<vmem>>[vector<16xi32>, vector<16xi32>], vector<16xi32>,
      %add3A_562 = arith.constant 9 : i32
      %add3A_563 = vector.broadcast %add3A_562 : i32 to vector<16xi32>
      %add3A_564 = arith.addi %add3A_563, %shift_right_arithmetic3A_548 : vector<16xi32>
      tpu.vector_store_idx %arg14[%add3A_564, %and3A_551], %shift_left3A_561 : memref<36x128xi32, #tpu.memory_space<vmem>>[vector<16xi32>, vector<16xi32>], vector<16xi32>,
      %add3A_565 = arith.constant 18 : i32
      %add3A_566 = vector.broadcast %add3A_565 : i32 to vector<16xi32>
      %add3A_567 = arith.addi %add3A_566, %shift_right_arithmetic3A_548 : vector<16xi32>
      tpu.vector_store_idx %arg14[%add3A_567, %and3A_551], %shift_left3A_561 : memref<36x128xi32, #tpu.memory_space<vmem>>[vector<16xi32>, vector<16xi32>], vector<16xi32>,
      %add3A_568 = arith.constant 27 : i32
      %add3A_569 = vector.broadcast %add3A_568 : i32 to vector<16xi32>
      %add3A_570 = arith.addi %add3A_569, %shift_right_arithmetic3A_548 : vector<16xi32>
      tpu.vector_store_idx %arg14[%add3A_570, %and3A_551], %shift_left3A_561 : memref<36x128xi32, #tpu.memory_space<vmem>>[vector<16xi32>, vector<16xi32>], vector<16xi32>,
      %add3A_571 = arith.constant 16 : i32
      %add3A_572 = arith.addi %scan3A_540, %add3A_571 : i32
      %add3A_573 = vector.broadcast %add3A_572 : i32 to vector<16xi32>
      %add3A_574 = arith.addi %add3A_573, %iota3A : vector<16xi32>
      %shift_right_arithmetic3A_575 = arith.constant 7 : i32
      %shift_right_arithmetic3A_576 = vector.broadcast %shift_right_arithmetic3A_575 : i32 to vector<16xi32>
      %shift_right_arithmetic3A_577 = arith.shrsi %add3A_574, %shift_right_arithmetic3A_576 : vector<16xi32>
      %and3A_578 = arith.constant 127 : i32
      %and3A_579 = vector.broadcast %and3A_578 : i32 to vector<16xi32>
      %and3A_580 = arith.andi %add3A_574, %and3A_579 : vector<16xi32>
      %shift_left3A_581 = arith.constant 8 : i32
      %shift_left3A_582 = arith.shli %add3A, %shift_left3A_581 : i32
      %add3A_583 = arith.constant 16 : i32
      %add3A_584 = vector.broadcast %add3A_583 : i32 to vector<16xi32>
      %add3A_585 = arith.addi %add3A_584, %iota3A : vector<16xi32>
      %or3A_586 = vector.broadcast %shift_left3A_582 : i32 to vector<16xi32>
      %or3A_587 = arith.ori %or3A_586, %add3A_585 : vector<16xi32>
      %shift_left3A_588 = arith.constant 5 : i32
      %shift_left3A_589 = vector.broadcast %shift_left3A_588 : i32 to vector<16xi32>
      %shift_left3A_590 = arith.shli %or3A_587, %shift_left3A_589 : vector<16xi32>
      tpu.vector_store_idx %arg14[%shift_right_arithmetic3A_577, %and3A_580], %shift_left3A_590 : memref<36x128xi32, #tpu.memory_space<vmem>>[vector<16xi32>, vector<16xi32>], vector<16xi32>,
      %add3A_591 = arith.constant 9 : i32
      %add3A_592 = vector.broadcast %add3A_591 : i32 to vector<16xi32>
      %add3A_593 = arith.addi %add3A_592, %shift_right_arithmetic3A_577 : vector<16xi32>
      tpu.vector_store_idx %arg14[%add3A_593, %and3A_580], %shift_left3A_590 : memref<36x128xi32, #tpu.memory_space<vmem>>[vector<16xi32>, vector<16xi32>], vector<16xi32>,
      %add3A_594 = arith.constant 18 : i32
      %add3A_595 = vector.broadcast %add3A_594 : i32 to vector<16xi32>
      %add3A_596 = arith.addi %add3A_595, %shift_right_arithmetic3A_577 : vector<16xi32>
      tpu.vector_store_idx %arg14[%add3A_596, %and3A_580], %shift_left3A_590 : memref<36x128xi32, #tpu.memory_space<vmem>>[vector<16xi32>, vector<16xi32>], vector<16xi32>,
      %add3A_597 = arith.constant 27 : i32
      %add3A_598 = vector.broadcast %add3A_597 : i32 to vector<16xi32>
      %add3A_599 = arith.addi %add3A_598, %shift_right_arithmetic3A_577 : vector<16xi32>
      tpu.vector_store_idx %arg14[%add3A_599, %and3A_580], %shift_left3A_590 : memref<36x128xi32, #tpu.memory_space<vmem>>[vector<16xi32>, vector<16xi32>], vector<16xi32>,
      %add3A_600 = arith.constant 32 : i32
      %add3A_601 = arith.addi %scan3A_540, %add3A_600 : i32
      %add3A_602 = vector.broadcast %add3A_601 : i32 to vector<16xi32>
      %add3A_603 = arith.addi %add3A_602, %iota3A : vector<16xi32>
      %shift_right_arithmetic3A_604 = arith.constant 7 : i32
      %shift_right_arithmetic3A_605 = vector.broadcast %shift_right_arithmetic3A_604 : i32 to vector<16xi32>
      %shift_right_arithmetic3A_606 = arith.shrsi %add3A_603, %shift_right_arithmetic3A_605 : vector<16xi32>
      %and3A_607 = arith.constant 127 : i32
      %and3A_608 = vector.broadcast %and3A_607 : i32 to vector<16xi32>
      %and3A_609 = arith.andi %add3A_603, %and3A_608 : vector<16xi32>
      %shift_left3A_610 = arith.constant 8 : i32
      %shift_left3A_611 = arith.shli %add3A, %shift_left3A_610 : i32
      %add3A_612 = arith.constant 32 : i32
      %add3A_613 = vector.broadcast %add3A_612 : i32 to vector<16xi32>
      %add3A_614 = arith.addi %add3A_613, %iota3A : vector<16xi32>
      %or3A_615 = vector.broadcast %shift_left3A_611 : i32 to vector<16xi32>
      %or3A_616 = arith.ori %or3A_615, %add3A_614 : vector<16xi32>
      %shift_left3A_617 = arith.constant 5 : i32
      %shift_left3A_618 = vector.broadcast %shift_left3A_617 : i32 to vector<16xi32>
      %shift_left3A_619 = arith.shli %or3A_616, %shift_left3A_618 : vector<16xi32>
      tpu.vector_store_idx %arg14[%shift_right_arithmetic3A_606, %and3A_609], %shift_left3A_619 : memref<36x128xi32, #tpu.memory_space<vmem>>[vector<16xi32>, vector<16xi32>], vector<16xi32>,
      %add3A_620 = arith.constant 9 : i32
      %add3A_621 = vector.broadcast %add3A_620 : i32 to vector<16xi32>
      %add3A_622 = arith.addi %add3A_621, %shift_right_arithmetic3A_606 : vector<16xi32>
      tpu.vector_store_idx %arg14[%add3A_622, %and3A_609], %shift_left3A_619 : memref<36x128xi32, #tpu.memory_space<vmem>>[vector<16xi32>, vector<16xi32>], vector<16xi32>,
      %add3A_623 = arith.constant 18 : i32
      %add3A_624 = vector.broadcast %add3A_623 : i32 to vector<16xi32>
      %add3A_625 = arith.addi %add3A_624, %shift_right_arithmetic3A_606 : vector<16xi32>
      tpu.vector_store_idx %arg14[%add3A_625, %and3A_609], %shift_left3A_619 : memref<36x128xi32, #tpu.memory_space<vmem>>[vector<16xi32>, vector<16xi32>], vector<16xi32>,
      %add3A_626 = arith.constant 27 : i32
      %add3A_627 = vector.broadcast %add3A_626 : i32 to vector<16xi32>
      %add3A_628 = arith.addi %add3A_627, %shift_right_arithmetic3A_606 : vector<16xi32>
      tpu.vector_store_idx %arg14[%add3A_628, %and3A_609], %shift_left3A_619 : memref<36x128xi32, #tpu.memory_space<vmem>>[vector<16xi32>, vector<16xi32>], vector<16xi32>,
      %add3A_629 = arith.constant 48 : i32
      %add3A_630 = arith.addi %scan3A_540, %add3A_629 : i32
      %add3A_631 = vector.broadcast %add3A_630 : i32 to vector<16xi32>
      %add3A_632 = arith.addi %add3A_631, %iota3A : vector<16xi32>
      %shift_right_arithmetic3A_633 = arith.constant 7 : i32
      %shift_right_arithmetic3A_634 = vector.broadcast %shift_right_arithmetic3A_633 : i32 to vector<16xi32>
      %shift_right_arithmetic3A_635 = arith.shrsi %add3A_632, %shift_right_arithmetic3A_634 : vector<16xi32>
      %and3A_636 = arith.constant 127 : i32
      %and3A_637 = vector.broadcast %and3A_636 : i32 to vector<16xi32>
      %and3A_638 = arith.andi %add3A_632, %and3A_637 : vector<16xi32>
      %shift_left3A_639 = arith.constant 8 : i32
      %shift_left3A_640 = arith.shli %add3A, %shift_left3A_639 : i32
      %add3A_641 = arith.constant 48 : i32
      %add3A_642 = vector.broadcast %add3A_641 : i32 to vector<16xi32>
      %add3A_643 = arith.addi %add3A_642, %iota3A : vector<16xi32>
      %or3A_644 = vector.broadcast %shift_left3A_640 : i32 to vector<16xi32>
      %or3A_645 = arith.ori %or3A_644, %add3A_643 : vector<16xi32>
      %shift_left3A_646 = arith.constant 5 : i32
      %shift_left3A_647 = vector.broadcast %shift_left3A_646 : i32 to vector<16xi32>
      %shift_left3A_648 = arith.shli %or3A_645, %shift_left3A_647 : vector<16xi32>
      tpu.vector_store_idx %arg14[%shift_right_arithmetic3A_635, %and3A_638], %shift_left3A_648 : memref<36x128xi32, #tpu.memory_space<vmem>>[vector<16xi32>, vector<16xi32>], vector<16xi32>,
      %add3A_649 = arith.constant 9 : i32
      %add3A_650 = vector.broadcast %add3A_649 : i32 to vector<16xi32>
      %add3A_651 = arith.addi %add3A_650, %shift_right_arithmetic3A_635 : vector<16xi32>
      tpu.vector_store_idx %arg14[%add3A_651, %and3A_638], %shift_left3A_648 : memref<36x128xi32, #tpu.memory_space<vmem>>[vector<16xi32>, vector<16xi32>], vector<16xi32>,
      %add3A_652 = arith.constant 18 : i32
      %add3A_653 = vector.broadcast %add3A_652 : i32 to vector<16xi32>
      %add3A_654 = arith.addi %add3A_653, %shift_right_arithmetic3A_635 : vector<16xi32>
      tpu.vector_store_idx %arg14[%add3A_654, %and3A_638], %shift_left3A_648 : memref<36x128xi32, #tpu.memory_space<vmem>>[vector<16xi32>, vector<16xi32>], vector<16xi32>,
      %add3A_655 = arith.constant 27 : i32
      %add3A_656 = vector.broadcast %add3A_655 : i32 to vector<16xi32>
      %add3A_657 = arith.addi %add3A_656, %shift_right_arithmetic3A_635 : vector<16xi32>
      tpu.vector_store_idx %arg14[%add3A_657, %and3A_638], %shift_left3A_648 : memref<36x128xi32, #tpu.memory_space<vmem>>[vector<16xi32>, vector<16xi32>], vector<16xi32>,
      %add3A_658 = arith.constant 64 : i32
      %add3A_659 = arith.addi %scan3A_540, %add3A_658 : i32
      %add3A_660 = vector.broadcast %add3A_659 : i32 to vector<16xi32>
      %add3A_661 = arith.addi %add3A_660, %iota3A : vector<16xi32>
      %shift_right_arithmetic3A_662 = arith.constant 7 : i32
      %shift_right_arithmetic3A_663 = vector.broadcast %shift_right_arithmetic3A_662 : i32 to vector<16xi32>
      %shift_right_arithmetic3A_664 = arith.shrsi %add3A_661, %shift_right_arithmetic3A_663 : vector<16xi32>
      %and3A_665 = arith.constant 127 : i32
      %and3A_666 = vector.broadcast %and3A_665 : i32 to vector<16xi32>
      %and3A_667 = arith.andi %add3A_661, %and3A_666 : vector<16xi32>
      %shift_left3A_668 = arith.constant 8 : i32
      %shift_left3A_669 = arith.shli %add3A, %shift_left3A_668 : i32
      %add3A_670 = arith.constant 64 : i32
      %add3A_671 = vector.broadcast %add3A_670 : i32 to vector<16xi32>
      %add3A_672 = arith.addi %add3A_671, %iota3A : vector<16xi32>
      %or3A_673 = vector.broadcast %shift_left3A_669 : i32 to vector<16xi32>
      %or3A_674 = arith.ori %or3A_673, %add3A_672 : vector<16xi32>
      %shift_left3A_675 = arith.constant 5 : i32
      %shift_left3A_676 = vector.broadcast %shift_left3A_675 : i32 to vector<16xi32>
      %shift_left3A_677 = arith.shli %or3A_674, %shift_left3A_676 : vector<16xi32>
      tpu.vector_store_idx %arg14[%shift_right_arithmetic3A_664, %and3A_667], %shift_left3A_677 : memref<36x128xi32, #tpu.memory_space<vmem>>[vector<16xi32>, vector<16xi32>], vector<16xi32>,
      %add3A_678 = arith.constant 9 : i32
      %add3A_679 = vector.broadcast %add3A_678 : i32 to vector<16xi32>
      %add3A_680 = arith.addi %add3A_679, %shift_right_arithmetic3A_664 : vector<16xi32>
      tpu.vector_store_idx %arg14[%add3A_680, %and3A_667], %shift_left3A_677 : memref<36x128xi32, #tpu.memory_space<vmem>>[vector<16xi32>, vector<16xi32>], vector<16xi32>,
      %add3A_681 = arith.constant 18 : i32
      %add3A_682 = vector.broadcast %add3A_681 : i32 to vector<16xi32>
      %add3A_683 = arith.addi %add3A_682, %shift_right_arithmetic3A_664 : vector<16xi32>
      tpu.vector_store_idx %arg14[%add3A_683, %and3A_667], %shift_left3A_677 : memref<36x128xi32, #tpu.memory_space<vmem>>[vector<16xi32>, vector<16xi32>], vector<16xi32>,
      %add3A_684 = arith.constant 27 : i32
      %add3A_685 = vector.broadcast %add3A_684 : i32 to vector<16xi32>
      %add3A_686 = arith.addi %add3A_685, %shift_right_arithmetic3A_664 : vector<16xi32>
      tpu.vector_store_idx %arg14[%add3A_686, %and3A_667], %shift_left3A_677 : memref<36x128xi32, #tpu.memory_space<vmem>>[vector<16xi32>, vector<16xi32>], vector<16xi32>,
      %add3A_687 = arith.constant 80 : i32
      %add3A_688 = arith.addi %scan3A_540, %add3A_687 : i32
      %add3A_689 = vector.broadcast %add3A_688 : i32 to vector<16xi32>
      %add3A_690 = arith.addi %add3A_689, %iota3A : vector<16xi32>
      %shift_right_arithmetic3A_691 = arith.constant 7 : i32
      %shift_right_arithmetic3A_692 = vector.broadcast %shift_right_arithmetic3A_691 : i32 to vector<16xi32>
      %shift_right_arithmetic3A_693 = arith.shrsi %add3A_690, %shift_right_arithmetic3A_692 : vector<16xi32>
      %and3A_694 = arith.constant 127 : i32
      %and3A_695 = vector.broadcast %and3A_694 : i32 to vector<16xi32>
      %and3A_696 = arith.andi %add3A_690, %and3A_695 : vector<16xi32>
      %shift_left3A_697 = arith.constant 8 : i32
      %shift_left3A_698 = arith.shli %add3A, %shift_left3A_697 : i32
      %add3A_699 = arith.constant 80 : i32
      %add3A_700 = vector.broadcast %add3A_699 : i32 to vector<16xi32>
      %add3A_701 = arith.addi %add3A_700, %iota3A : vector<16xi32>
      %or3A_702 = vector.broadcast %shift_left3A_698 : i32 to vector<16xi32>
      %or3A_703 = arith.ori %or3A_702, %add3A_701 : vector<16xi32>
      %shift_left3A_704 = arith.constant 5 : i32
      %shift_left3A_705 = vector.broadcast %shift_left3A_704 : i32 to vector<16xi32>
      %shift_left3A_706 = arith.shli %or3A_703, %shift_left3A_705 : vector<16xi32>
      tpu.vector_store_idx %arg14[%shift_right_arithmetic3A_693, %and3A_696], %shift_left3A_706 : memref<36x128xi32, #tpu.memory_space<vmem>>[vector<16xi32>, vector<16xi32>], vector<16xi32>,
      %add3A_707 = arith.constant 9 : i32
      %add3A_708 = vector.broadcast %add3A_707 : i32 to vector<16xi32>
      %add3A_709 = arith.addi %add3A_708, %shift_right_arithmetic3A_693 : vector<16xi32>
      tpu.vector_store_idx %arg14[%add3A_709, %and3A_696], %shift_left3A_706 : memref<36x128xi32, #tpu.memory_space<vmem>>[vector<16xi32>, vector<16xi32>], vector<16xi32>,
      %add3A_710 = arith.constant 18 : i32
      %add3A_711 = vector.broadcast %add3A_710 : i32 to vector<16xi32>
      %add3A_712 = arith.addi %add3A_711, %shift_right_arithmetic3A_693 : vector<16xi32>
      tpu.vector_store_idx %arg14[%add3A_712, %and3A_696], %shift_left3A_706 : memref<36x128xi32, #tpu.memory_space<vmem>>[vector<16xi32>, vector<16xi32>], vector<16xi32>,
      %add3A_713 = arith.constant 27 : i32
      %add3A_714 = vector.broadcast %add3A_713 : i32 to vector<16xi32>
      %add3A_715 = arith.addi %add3A_714, %shift_right_arithmetic3A_693 : vector<16xi32>
      tpu.vector_store_idx %arg14[%add3A_715, %and3A_696], %shift_left3A_706 : memref<36x128xi32, #tpu.memory_space<vmem>>[vector<16xi32>, vector<16xi32>], vector<16xi32>,
      %add3A_716 = arith.constant 96 : i32
      %add3A_717 = arith.addi %scan3A_540, %add3A_716 : i32
      %add3A_718 = vector.broadcast %add3A_717 : i32 to vector<16xi32>
      %add3A_719 = arith.addi %add3A_718, %iota3A : vector<16xi32>
      %shift_right_arithmetic3A_720 = arith.constant 7 : i32
      %shift_right_arithmetic3A_721 = vector.broadcast %shift_right_arithmetic3A_720 : i32 to vector<16xi32>
      %shift_right_arithmetic3A_722 = arith.shrsi %add3A_719, %shift_right_arithmetic3A_721 : vector<16xi32>
      %and3A_723 = arith.constant 127 : i32
      %and3A_724 = vector.broadcast %and3A_723 : i32 to vector<16xi32>
      %and3A_725 = arith.andi %add3A_719, %and3A_724 : vector<16xi32>
      %shift_left3A_726 = arith.constant 8 : i32
      %shift_left3A_727 = arith.shli %add3A, %shift_left3A_726 : i32
      %add3A_728 = arith.constant 96 : i32
      %add3A_729 = vector.broadcast %add3A_728 : i32 to vector<16xi32>
      %add3A_730 = arith.addi %add3A_729, %iota3A : vector<16xi32>
      %or3A_731 = vector.broadcast %shift_left3A_727 : i32 to vector<16xi32>
      %or3A_732 = arith.ori %or3A_731, %add3A_730 : vector<16xi32>
      %shift_left3A_733 = arith.constant 5 : i32
      %shift_left3A_734 = vector.broadcast %shift_left3A_733 : i32 to vector<16xi32>
      %shift_left3A_735 = arith.shli %or3A_732, %shift_left3A_734 : vector<16xi32>
      tpu.vector_store_idx %arg14[%shift_right_arithmetic3A_722, %and3A_725], %shift_left3A_735 : memref<36x128xi32, #tpu.memory_space<vmem>>[vector<16xi32>, vector<16xi32>], vector<16xi32>,
      %add3A_736 = arith.constant 9 : i32
      %add3A_737 = vector.broadcast %add3A_736 : i32 to vector<16xi32>
      %add3A_738 = arith.addi %add3A_737, %shift_right_arithmetic3A_722 : vector<16xi32>
      tpu.vector_store_idx %arg14[%add3A_738, %and3A_725], %shift_left3A_735 : memref<36x128xi32, #tpu.memory_space<vmem>>[vector<16xi32>, vector<16xi32>], vector<16xi32>,
      %add3A_739 = arith.constant 18 : i32
      %add3A_740 = vector.broadcast %add3A_739 : i32 to vector<16xi32>
      %add3A_741 = arith.addi %add3A_740, %shift_right_arithmetic3A_722 : vector<16xi32>
      tpu.vector_store_idx %arg14[%add3A_741, %and3A_725], %shift_left3A_735 : memref<36x128xi32, #tpu.memory_space<vmem>>[vector<16xi32>, vector<16xi32>], vector<16xi32>,
      %add3A_742 = arith.constant 27 : i32
      %add3A_743 = vector.broadcast %add3A_742 : i32 to vector<16xi32>
      %add3A_744 = arith.addi %add3A_743, %shift_right_arithmetic3A_722 : vector<16xi32>
      tpu.vector_store_idx %arg14[%add3A_744, %and3A_725], %shift_left3A_735 : memref<36x128xi32, #tpu.memory_space<vmem>>[vector<16xi32>, vector<16xi32>], vector<16xi32>,
      %add3A_745 = arith.constant 112 : i32
      %add3A_746 = arith.addi %scan3A_540, %add3A_745 : i32
      %add3A_747 = vector.broadcast %add3A_746 : i32 to vector<16xi32>
      %add3A_748 = arith.addi %add3A_747, %iota3A : vector<16xi32>
      %shift_right_arithmetic3A_749 = arith.constant 7 : i32
      %shift_right_arithmetic3A_750 = vector.broadcast %shift_right_arithmetic3A_749 : i32 to vector<16xi32>
      %shift_right_arithmetic3A_751 = arith.shrsi %add3A_748, %shift_right_arithmetic3A_750 : vector<16xi32>
      %and3A_752 = arith.constant 127 : i32
      %and3A_753 = vector.broadcast %and3A_752 : i32 to vector<16xi32>
      %and3A_754 = arith.andi %add3A_748, %and3A_753 : vector<16xi32>
      %shift_left3A_755 = arith.constant 8 : i32
      %shift_left3A_756 = arith.shli %add3A, %shift_left3A_755 : i32
      %add3A_757 = arith.constant 112 : i32
      %add3A_758 = vector.broadcast %add3A_757 : i32 to vector<16xi32>
      %add3A_759 = arith.addi %add3A_758, %iota3A : vector<16xi32>
      %or3A_760 = vector.broadcast %shift_left3A_756 : i32 to vector<16xi32>
      %or3A_761 = arith.ori %or3A_760, %add3A_759 : vector<16xi32>
      %shift_left3A_762 = arith.constant 5 : i32
      %shift_left3A_763 = vector.broadcast %shift_left3A_762 : i32 to vector<16xi32>
      %shift_left3A_764 = arith.shli %or3A_761, %shift_left3A_763 : vector<16xi32>
      tpu.vector_store_idx %arg14[%shift_right_arithmetic3A_751, %and3A_754], %shift_left3A_764 : memref<36x128xi32, #tpu.memory_space<vmem>>[vector<16xi32>, vector<16xi32>], vector<16xi32>,
      %add3A_765 = arith.constant 9 : i32
      %add3A_766 = vector.broadcast %add3A_765 : i32 to vector<16xi32>
      %add3A_767 = arith.addi %add3A_766, %shift_right_arithmetic3A_751 : vector<16xi32>
      tpu.vector_store_idx %arg14[%add3A_767, %and3A_754], %shift_left3A_764 : memref<36x128xi32, #tpu.memory_space<vmem>>[vector<16xi32>, vector<16xi32>], vector<16xi32>,
      %add3A_768 = arith.constant 18 : i32
      %add3A_769 = vector.broadcast %add3A_768 : i32 to vector<16xi32>
      %add3A_770 = arith.addi %add3A_769, %shift_right_arithmetic3A_751 : vector<16xi32>
      tpu.vector_store_idx %arg14[%add3A_770, %and3A_754], %shift_left3A_764 : memref<36x128xi32, #tpu.memory_space<vmem>>[vector<16xi32>, vector<16xi32>], vector<16xi32>,
      %add3A_771 = arith.constant 27 : i32
      %add3A_772 = vector.broadcast %add3A_771 : i32 to vector<16xi32>
      %add3A_773 = arith.addi %add3A_772, %shift_right_arithmetic3A_751 : vector<16xi32>
      tpu.vector_store_idx %arg14[%add3A_773, %and3A_754], %shift_left3A_764 : memref<36x128xi32, #tpu.memory_space<vmem>>[vector<16xi32>, vector<16xi32>], vector<16xi32>,
      %add3A_774 = arith.constant 127 : i32
      %add3A_775 = arith.addi %scan3A_203, %add3A_774 : i32
      %shift_right_arithmetic3A_776 = arith.constant 7 : i32
      %shift_right_arithmetic3A_777 = arith.shrsi %add3A_775, %shift_right_arithmetic3A_776 : i32
      %while3A_778 = arith.constant 0 : i32
      %while3A_779 = arith.constant 0 : i32
      %while3A_780 = arith.subi %shift_right_arithmetic3A_777, %while3A_778 : i32
      %while3A_781 = arith.addi %while3A_778, %while3A_780 : i32
      %while3A_782 = arith.constant 1 : i32
      %while3A_783 = arith.divsi %while3A_780, %while3A_782 : i32
      %while3A_784 = arith.muli %while3A_783, %while3A_782 : i32
      %while3A_785 = arith.addi %while3A_778, %while3A_784 : i32
      %while3A_786 = arith.constant 1 : i32
      %while3A_787 = scf.for %while3A_851 = %while3A_778 to %while3A_785 step %while3A_786 iter_args(%while3A_852 = %while3A_779) -> (i32)  : i32 {
        %add3A_853 = arith.constant 0 : i32
        %add3A_854 = arith.addi %add3A_853, %while3A_851 : i32
        %add3A_855 = arith.constant 0 : i32
        %add3A_856 = arith.addi %add3A_855, %while3A_851 : i32
        %dma_wait3A_857 = arith.constant 0 : i32
        %dma_wait3A_858 = arith.constant 0 : i32
        %dma_wait3A_859 = tpu.memref_slice %arg18[%add3A_856, %dma_wait3A_857, %dma_wait3A_858] : memref<36x128x16xf32, #tpu.memory_space<vmem>> -> memref<1x128x16xf32, #tpu.memory_space<vmem>>
        %dma_wait3A_860 = tpu.memref_squeeze %dma_wait3A_859 : memref<1x128x16xf32, #tpu.memory_space<vmem>> -> memref<128x16xf32, #tpu.memory_space<vmem>>
        %dma_wait3A_861 = arith.constant 0 : i32
        %dma_wait3A_862 = tpu.memref_slice %arg9[%add3A_854, %dma_wait3A_861] : memref<36x128xi32, #tpu.memory_space<vmem>> -> memref<1x128xi32, #tpu.memory_space<vmem>>
        %dma_wait3A_863 = tpu.memref_squeeze %dma_wait3A_862 : memref<1x128xi32, #tpu.memory_space<vmem>> -> memref<128xi32, #tpu.memory_space<vmem>>
        %dma_wait3A_864 = arith.constant 0 : i32
        %dma_wait3A_865 = arith.constant 0 : i32
        %dma_wait3A_866 = tpu.memref_slice %arg5[%dma_wait3A_864, %dma_wait3A_865] : memref<4194304x16xf32, #tpu.memory_space<hbm>> -> memref<4194304x16xf32, #tpu.memory_space<hbm>>
        tpu.wait_indirect_dma semaphore(%arg19 : memref<!tpu.dma_semaphore, #tpu.memory_space<semaphore_mem>>) src(%dma_wait3A_866 : memref<4194304x16xf32, #tpu.memory_space<hbm>>) dst(%dma_wait3A_860 : memref<128x16xf32, #tpu.memory_space<vmem>>)
        %add3A_867 = arith.constant 9 : i32
        %add3A_868 = arith.addi %add3A_867, %while3A_851 : i32
        %add3A_869 = arith.constant 9 : i32
        %add3A_870 = arith.addi %add3A_869, %while3A_851 : i32
        %dma_wait3A_871 = arith.constant 0 : i32
        %dma_wait3A_872 = arith.constant 0 : i32
        %dma_wait3A_873 = tpu.memref_slice %arg18[%add3A_870, %dma_wait3A_871, %dma_wait3A_872] : memref<36x128x16xf32, #tpu.memory_space<vmem>> -> memref<1x128x16xf32, #tpu.memory_space<vmem>>
        %dma_wait3A_874 = tpu.memref_squeeze %dma_wait3A_873 : memref<1x128x16xf32, #tpu.memory_space<vmem>> -> memref<128x16xf32, #tpu.memory_space<vmem>>
        %dma_wait3A_875 = arith.constant 0 : i32
        %dma_wait3A_876 = tpu.memref_slice %arg9[%add3A_868, %dma_wait3A_875] : memref<36x128xi32, #tpu.memory_space<vmem>> -> memref<1x128xi32, #tpu.memory_space<vmem>>
        %dma_wait3A_877 = tpu.memref_squeeze %dma_wait3A_876 : memref<1x128xi32, #tpu.memory_space<vmem>> -> memref<128xi32, #tpu.memory_space<vmem>>
        %dma_wait3A_878 = arith.constant 0 : i32
        %dma_wait3A_879 = arith.constant 0 : i32
        %dma_wait3A_880 = tpu.memref_slice %arg5[%dma_wait3A_878, %dma_wait3A_879] : memref<4194304x16xf32, #tpu.memory_space<hbm>> -> memref<4194304x16xf32, #tpu.memory_space<hbm>>
        tpu.wait_indirect_dma semaphore(%arg19 : memref<!tpu.dma_semaphore, #tpu.memory_space<semaphore_mem>>) src(%dma_wait3A_880 : memref<4194304x16xf32, #tpu.memory_space<hbm>>) dst(%dma_wait3A_874 : memref<128x16xf32, #tpu.memory_space<vmem>>)
        %add3A_881 = arith.constant 18 : i32
        %add3A_882 = arith.addi %add3A_881, %while3A_851 : i32
        %add3A_883 = arith.constant 18 : i32
        %add3A_884 = arith.addi %add3A_883, %while3A_851 : i32
        %dma_wait3A_885 = arith.constant 0 : i32
        %dma_wait3A_886 = arith.constant 0 : i32
        %dma_wait3A_887 = tpu.memref_slice %arg18[%add3A_884, %dma_wait3A_885, %dma_wait3A_886] : memref<36x128x16xf32, #tpu.memory_space<vmem>> -> memref<1x128x16xf32, #tpu.memory_space<vmem>>
        %dma_wait3A_888 = tpu.memref_squeeze %dma_wait3A_887 : memref<1x128x16xf32, #tpu.memory_space<vmem>> -> memref<128x16xf32, #tpu.memory_space<vmem>>
        %dma_wait3A_889 = arith.constant 0 : i32
        %dma_wait3A_890 = tpu.memref_slice %arg9[%add3A_882, %dma_wait3A_889] : memref<36x128xi32, #tpu.memory_space<vmem>> -> memref<1x128xi32, #tpu.memory_space<vmem>>
        %dma_wait3A_891 = tpu.memref_squeeze %dma_wait3A_890 : memref<1x128xi32, #tpu.memory_space<vmem>> -> memref<128xi32, #tpu.memory_space<vmem>>
        %dma_wait3A_892 = arith.constant 0 : i32
        %dma_wait3A_893 = arith.constant 0 : i32
        %dma_wait3A_894 = tpu.memref_slice %arg5[%dma_wait3A_892, %dma_wait3A_893] : memref<4194304x16xf32, #tpu.memory_space<hbm>> -> memref<4194304x16xf32, #tpu.memory_space<hbm>>
        tpu.wait_indirect_dma semaphore(%arg19 : memref<!tpu.dma_semaphore, #tpu.memory_space<semaphore_mem>>) src(%dma_wait3A_894 : memref<4194304x16xf32, #tpu.memory_space<hbm>>) dst(%dma_wait3A_888 : memref<128x16xf32, #tpu.memory_space<vmem>>)
        %add3A_895 = arith.constant 27 : i32
        %add3A_896 = arith.addi %add3A_895, %while3A_851 : i32
        %add3A_897 = arith.constant 27 : i32
        %add3A_898 = arith.addi %add3A_897, %while3A_851 : i32
        %dma_wait3A_899 = arith.constant 0 : i32
        %dma_wait3A_900 = arith.constant 0 : i32
        %dma_wait3A_901 = tpu.memref_slice %arg18[%add3A_898, %dma_wait3A_899, %dma_wait3A_900] : memref<36x128x16xf32, #tpu.memory_space<vmem>> -> memref<1x128x16xf32, #tpu.memory_space<vmem>>
        %dma_wait3A_902 = tpu.memref_squeeze %dma_wait3A_901 : memref<1x128x16xf32, #tpu.memory_space<vmem>> -> memref<128x16xf32, #tpu.memory_space<vmem>>
        %dma_wait3A_903 = arith.constant 0 : i32
        %dma_wait3A_904 = tpu.memref_slice %arg9[%add3A_896, %dma_wait3A_903] : memref<36x128xi32, #tpu.memory_space<vmem>> -> memref<1x128xi32, #tpu.memory_space<vmem>>
        %dma_wait3A_905 = tpu.memref_squeeze %dma_wait3A_904 : memref<1x128xi32, #tpu.memory_space<vmem>> -> memref<128xi32, #tpu.memory_space<vmem>>
        %dma_wait3A_906 = arith.constant 0 : i32
        %dma_wait3A_907 = arith.constant 0 : i32
        %dma_wait3A_908 = tpu.memref_slice %arg5[%dma_wait3A_906, %dma_wait3A_907] : memref<4194304x16xf32, #tpu.memory_space<hbm>> -> memref<4194304x16xf32, #tpu.memory_space<hbm>>
        tpu.wait_indirect_dma semaphore(%arg19 : memref<!tpu.dma_semaphore, #tpu.memory_space<semaphore_mem>>) src(%dma_wait3A_908 : memref<4194304x16xf32, #tpu.memory_space<hbm>>) dst(%dma_wait3A_902 : memref<128x16xf32, #tpu.memory_space<vmem>>)
        %while3A_909 = arith.constant 0 : i32
        scf.yield %while3A_909 : i32
      }
      %while3A_788 = arith.constant 1 : i32
      %while3A_789 = scf.for %while3A_851 = %while3A_785 to %while3A_781 step %while3A_788 iter_args(%while3A_852 = %while3A_787) -> (i32)  : i32 {
        %add3A_853 = arith.constant 0 : i32
        %add3A_854 = arith.addi %add3A_853, %while3A_851 : i32
        %add3A_855 = arith.constant 0 : i32
        %add3A_856 = arith.addi %add3A_855, %while3A_851 : i32
        %dma_wait3A_857 = arith.constant 0 : i32
        %dma_wait3A_858 = arith.constant 0 : i32
        %dma_wait3A_859 = tpu.memref_slice %arg18[%add3A_856, %dma_wait3A_857, %dma_wait3A_858] : memref<36x128x16xf32, #tpu.memory_space<vmem>> -> memref<1x128x16xf32, #tpu.memory_space<vmem>>
        %dma_wait3A_860 = tpu.memref_squeeze %dma_wait3A_859 : memref<1x128x16xf32, #tpu.memory_space<vmem>> -> memref<128x16xf32, #tpu.memory_space<vmem>>
        %dma_wait3A_861 = arith.constant 0 : i32
        %dma_wait3A_862 = tpu.memref_slice %arg9[%add3A_854, %dma_wait3A_861] : memref<36x128xi32, #tpu.memory_space<vmem>> -> memref<1x128xi32, #tpu.memory_space<vmem>>
        %dma_wait3A_863 = tpu.memref_squeeze %dma_wait3A_862 : memref<1x128xi32, #tpu.memory_space<vmem>> -> memref<128xi32, #tpu.memory_space<vmem>>
        %dma_wait3A_864 = arith.constant 0 : i32
        %dma_wait3A_865 = arith.constant 0 : i32
        %dma_wait3A_866 = tpu.memref_slice %arg5[%dma_wait3A_864, %dma_wait3A_865] : memref<4194304x16xf32, #tpu.memory_space<hbm>> -> memref<4194304x16xf32, #tpu.memory_space<hbm>>
        tpu.wait_indirect_dma semaphore(%arg19 : memref<!tpu.dma_semaphore, #tpu.memory_space<semaphore_mem>>) src(%dma_wait3A_866 : memref<4194304x16xf32, #tpu.memory_space<hbm>>) dst(%dma_wait3A_860 : memref<128x16xf32, #tpu.memory_space<vmem>>)
        %add3A_867 = arith.constant 9 : i32
        %add3A_868 = arith.addi %add3A_867, %while3A_851 : i32
        %add3A_869 = arith.constant 9 : i32
        %add3A_870 = arith.addi %add3A_869, %while3A_851 : i32
        %dma_wait3A_871 = arith.constant 0 : i32
        %dma_wait3A_872 = arith.constant 0 : i32
        %dma_wait3A_873 = tpu.memref_slice %arg18[%add3A_870, %dma_wait3A_871, %dma_wait3A_872] : memref<36x128x16xf32, #tpu.memory_space<vmem>> -> memref<1x128x16xf32, #tpu.memory_space<vmem>>
        %dma_wait3A_874 = tpu.memref_squeeze %dma_wait3A_873 : memref<1x128x16xf32, #tpu.memory_space<vmem>> -> memref<128x16xf32, #tpu.memory_space<vmem>>
        %dma_wait3A_875 = arith.constant 0 : i32
        %dma_wait3A_876 = tpu.memref_slice %arg9[%add3A_868, %dma_wait3A_875] : memref<36x128xi32, #tpu.memory_space<vmem>> -> memref<1x128xi32, #tpu.memory_space<vmem>>
        %dma_wait3A_877 = tpu.memref_squeeze %dma_wait3A_876 : memref<1x128xi32, #tpu.memory_space<vmem>> -> memref<128xi32, #tpu.memory_space<vmem>>
        %dma_wait3A_878 = arith.constant 0 : i32
        %dma_wait3A_879 = arith.constant 0 : i32
        %dma_wait3A_880 = tpu.memref_slice %arg5[%dma_wait3A_878, %dma_wait3A_879] : memref<4194304x16xf32, #tpu.memory_space<hbm>> -> memref<4194304x16xf32, #tpu.memory_space<hbm>>
        tpu.wait_indirect_dma semaphore(%arg19 : memref<!tpu.dma_semaphore, #tpu.memory_space<semaphore_mem>>) src(%dma_wait3A_880 : memref<4194304x16xf32, #tpu.memory_space<hbm>>) dst(%dma_wait3A_874 : memref<128x16xf32, #tpu.memory_space<vmem>>)
        %add3A_881 = arith.constant 18 : i32
        %add3A_882 = arith.addi %add3A_881, %while3A_851 : i32
        %add3A_883 = arith.constant 18 : i32
        %add3A_884 = arith.addi %add3A_883, %while3A_851 : i32
        %dma_wait3A_885 = arith.constant 0 : i32
        %dma_wait3A_886 = arith.constant 0 : i32
        %dma_wait3A_887 = tpu.memref_slice %arg18[%add3A_884, %dma_wait3A_885, %dma_wait3A_886] : memref<36x128x16xf32, #tpu.memory_space<vmem>> -> memref<1x128x16xf32, #tpu.memory_space<vmem>>
        %dma_wait3A_888 = tpu.memref_squeeze %dma_wait3A_887 : memref<1x128x16xf32, #tpu.memory_space<vmem>> -> memref<128x16xf32, #tpu.memory_space<vmem>>
        %dma_wait3A_889 = arith.constant 0 : i32
        %dma_wait3A_890 = tpu.memref_slice %arg9[%add3A_882, %dma_wait3A_889] : memref<36x128xi32, #tpu.memory_space<vmem>> -> memref<1x128xi32, #tpu.memory_space<vmem>>
        %dma_wait3A_891 = tpu.memref_squeeze %dma_wait3A_890 : memref<1x128xi32, #tpu.memory_space<vmem>> -> memref<128xi32, #tpu.memory_space<vmem>>
        %dma_wait3A_892 = arith.constant 0 : i32
        %dma_wait3A_893 = arith.constant 0 : i32
        %dma_wait3A_894 = tpu.memref_slice %arg5[%dma_wait3A_892, %dma_wait3A_893] : memref<4194304x16xf32, #tpu.memory_space<hbm>> -> memref<4194304x16xf32, #tpu.memory_space<hbm>>
        tpu.wait_indirect_dma semaphore(%arg19 : memref<!tpu.dma_semaphore, #tpu.memory_space<semaphore_mem>>) src(%dma_wait3A_894 : memref<4194304x16xf32, #tpu.memory_space<hbm>>) dst(%dma_wait3A_888 : memref<128x16xf32, #tpu.memory_space<vmem>>)
        %add3A_895 = arith.constant 27 : i32
        %add3A_896 = arith.addi %add3A_895, %while3A_851 : i32
        %add3A_897 = arith.constant 27 : i32
        %add3A_898 = arith.addi %add3A_897, %while3A_851 : i32
        %dma_wait3A_899 = arith.constant 0 : i32
        %dma_wait3A_900 = arith.constant 0 : i32
        %dma_wait3A_901 = tpu.memref_slice %arg18[%add3A_898, %dma_wait3A_899, %dma_wait3A_900] : memref<36x128x16xf32, #tpu.memory_space<vmem>> -> memref<1x128x16xf32, #tpu.memory_space<vmem>>
        %dma_wait3A_902 = tpu.memref_squeeze %dma_wait3A_901 : memref<1x128x16xf32, #tpu.memory_space<vmem>> -> memref<128x16xf32, #tpu.memory_space<vmem>>
        %dma_wait3A_903 = arith.constant 0 : i32
        %dma_wait3A_904 = tpu.memref_slice %arg9[%add3A_896, %dma_wait3A_903] : memref<36x128xi32, #tpu.memory_space<vmem>> -> memref<1x128xi32, #tpu.memory_space<vmem>>
        %dma_wait3A_905 = tpu.memref_squeeze %dma_wait3A_904 : memref<1x128xi32, #tpu.memory_space<vmem>> -> memref<128xi32, #tpu.memory_space<vmem>>
        %dma_wait3A_906 = arith.constant 0 : i32
        %dma_wait3A_907 = arith.constant 0 : i32
        %dma_wait3A_908 = tpu.memref_slice %arg5[%dma_wait3A_906, %dma_wait3A_907] : memref<4194304x16xf32, #tpu.memory_space<hbm>> -> memref<4194304x16xf32, #tpu.memory_space<hbm>>
        tpu.wait_indirect_dma semaphore(%arg19 : memref<!tpu.dma_semaphore, #tpu.memory_space<semaphore_mem>>) src(%dma_wait3A_908 : memref<4194304x16xf32, #tpu.memory_space<hbm>>) dst(%dma_wait3A_902 : memref<128x16xf32, #tpu.memory_space<vmem>>)
        %while3A_909 = arith.constant 0 : i32
        scf.yield %while3A_909 : i32
      }
      %add3A_790 = arith.constant 15 : i32
      %add3A_791 = arith.addi %scan3A_203, %add3A_790 : i32
      %shift_right_arithmetic3A_792 = arith.constant 4 : i32
      %shift_right_arithmetic3A_793 = arith.shrsi %add3A_791, %shift_right_arithmetic3A_792 : i32
      %while3A_794 = arith.constant 0 : i32
      %while3A_795 = arith.constant 0 : i32
      %while3A_796 = arith.subi %shift_right_arithmetic3A_793, %while3A_794 : i32
      %while3A_797 = arith.addi %while3A_794, %while3A_796 : i32
      %while3A_798 = arith.constant 1 : i32
      %while3A_799 = arith.divsi %while3A_796, %while3A_798 : i32
      %while3A_800 = arith.muli %while3A_799, %while3A_798 : i32
      %while3A_801 = arith.addi %while3A_794, %while3A_800 : i32
      %while3A_802 = arith.constant 1 : i32
      %while3A_803 = scf.for %while3A_851 = %while3A_794 to %while3A_801 step %while3A_802 iter_args(%while3A_852 = %while3A_795) -> (i32)  : i32 {
        %mul3A_853 = arith.constant 16 : i32
        %mul3A_854 = arith.muli %while3A_851, %mul3A_853 : i32
        %add3A_855 = vector.broadcast %mul3A_854 : i32 to vector<16xi32>
        %add3A_856 = arith.addi %add3A_855, %iota3A : vector<16xi32>
        %lt3A_857 = vector.broadcast %scan3A_203 : i32 to vector<16xi32>
        %lt3A_858 = arith.cmpi slt, %add3A_856, %lt3A_857 : vector<16xi32>
        %get3A = arith.index_cast %mul3A_854 : i32 to index
        %get3A_859 = tpu.vector_load %arg10[%get3A] {strides = array<i32>} : memref<1152xi32, #tpu.memory_space<vmem>>, vector<16xi32>,
        %shift_right_arithmetic3A_860 = arith.constant 4 : i32
        %shift_right_arithmetic3A_861 = vector.broadcast %shift_right_arithmetic3A_860 : i32 to vector<16xi32>
        %shift_right_arithmetic3A_862 = arith.shrsi %get3A_859, %shift_right_arithmetic3A_861 : vector<16xi32>
        %and3A_863 = arith.constant 15 : i32
        %and3A_864 = vector.broadcast %and3A_863 : i32 to vector<16xi32>
        %and3A_865 = arith.andi %get3A_859, %and3A_864 : vector<16xi32>
        %shift_right_arithmetic3A_866 = arith.constant 7 : i32
        %shift_right_arithmetic3A_867 = vector.broadcast %shift_right_arithmetic3A_866 : i32 to vector<16xi32>
        %shift_right_arithmetic3A_868 = arith.shrsi %add3A_856, %shift_right_arithmetic3A_867 : vector<16xi32>
        %and3A_869 = arith.constant 127 : i32
        %and3A_870 = vector.broadcast %and3A_869 : i32 to vector<16xi32>
        %and3A_871 = arith.andi %add3A_856, %and3A_870 : vector<16xi32>
        %shift_right_arithmetic3A_872 = arith.constant 7 : i32
        %shift_right_arithmetic3A_873 = vector.broadcast %shift_right_arithmetic3A_872 : i32 to vector<16xi32>
        %shift_right_arithmetic3A_874 = arith.shrsi %shift_right_arithmetic3A_862, %shift_right_arithmetic3A_873 : vector<16xi32>
        %and3A_875 = arith.constant 127 : i32
        %and3A_876 = vector.broadcast %and3A_875 : i32 to vector<16xi32>
        %and3A_877 = arith.andi %shift_right_arithmetic3A_862, %and3A_876 : vector<16xi32>
        %gather3A = tpu.vector_load_idx %arg18[%shift_right_arithmetic3A_868, %and3A_871, %and3A_865] masked %lt3A_858 : memref<36x128x16xf32, #tpu.memory_space<vmem>>[vector<16xi32>, vector<16xi32>, vector<16xi32>], vector<16xf32>, vector<16xi1>
        %add3A_878 = arith.constant 9 : i32
        %add3A_879 = vector.broadcast %add3A_878 : i32 to vector<16xi32>
        %add3A_880 = arith.addi %add3A_879, %shift_right_arithmetic3A_868 : vector<16xi32>
        %gather3A_881 = tpu.vector_load_idx %arg18[%add3A_880, %and3A_871, %and3A_865] masked %lt3A_858 : memref<36x128x16xf32, #tpu.memory_space<vmem>>[vector<16xi32>, vector<16xi32>, vector<16xi32>], vector<16xf32>, vector<16xi1>
        %add3A_882 = arith.constant 18 : i32
        %add3A_883 = vector.broadcast %add3A_882 : i32 to vector<16xi32>
        %add3A_884 = arith.addi %add3A_883, %shift_right_arithmetic3A_868 : vector<16xi32>
        %gather3A_885 = tpu.vector_load_idx %arg18[%add3A_884, %and3A_871, %and3A_865] masked %lt3A_858 : memref<36x128x16xf32, #tpu.memory_space<vmem>>[vector<16xi32>, vector<16xi32>, vector<16xi32>], vector<16xf32>, vector<16xi1>
        %add3A_886 = arith.constant 27 : i32
        %add3A_887 = vector.broadcast %add3A_886 : i32 to vector<16xi32>
        %add3A_888 = arith.addi %add3A_887, %shift_right_arithmetic3A_868 : vector<16xi32>
        %gather3A_889 = tpu.vector_load_idx %arg18[%add3A_888, %and3A_871, %and3A_865] masked %lt3A_858 : memref<36x128x16xf32, #tpu.memory_space<vmem>>[vector<16xi32>, vector<16xi32>, vector<16xi32>], vector<16xf32>, vector<16xi1>
        %neg3A = arith.constant 0.000000e+00 : f32
        %neg3A_890 = vector.broadcast %neg3A : f32 to vector<16xf32>
        %neg3A_891 = arith.subf %neg3A_890, %gather3A : vector<16xf32>
        %exp3A = math.exp %neg3A_891 : vector<16xf32>
        %add3A_892 = arith.constant 1.000000e+00 : f32
        %add3A_893 = vector.broadcast %add3A_892 : f32 to vector<16xf32>
        %add3A_894 = arith.addf %add3A_893, %exp3A : vector<16xf32>
        %div3A_895 = arith.constant 1.000000e+00 : f32
        %div3A_896 = vector.broadcast %div3A_895 : f32 to vector<16xf32>
        %div3A_897 = arith.divf %div3A_896, %add3A_894 : vector<16xf32>
        tpu.vector_store_idx %arg11[%shift_right_arithmetic3A_874, %broadcast_in_dim3A_5, %and3A_877], %div3A_897 masked %lt3A_858 : memref<8x4x128xf32, #tpu.memory_space<vmem>>[vector<16xi32>, vector<16xi32>, vector<16xi32>], vector<16xf32>, vector<16xi1>
        %neg3A_898 = arith.constant 0.000000e+00 : f32
        %neg3A_899 = vector.broadcast %neg3A_898 : f32 to vector<16xf32>
        %neg3A_900 = arith.subf %neg3A_899, %gather3A_881 : vector<16xf32>
        %exp3A_901 = math.exp %neg3A_900 : vector<16xf32>
        %add3A_902 = arith.constant 1.000000e+00 : f32
        %add3A_903 = vector.broadcast %add3A_902 : f32 to vector<16xf32>
        %add3A_904 = arith.addf %add3A_903, %exp3A_901 : vector<16xf32>
        %div3A_905 = arith.constant 1.000000e+00 : f32
        %div3A_906 = vector.broadcast %div3A_905 : f32 to vector<16xf32>
        %div3A_907 = arith.divf %div3A_906, %add3A_904 : vector<16xf32>
        tpu.vector_store_idx %arg11[%shift_right_arithmetic3A_874, %add3A_8, %and3A_877], %div3A_907 masked %lt3A_858 : memref<8x4x128xf32, #tpu.memory_space<vmem>>[vector<16xi32>, vector<16xi32>, vector<16xi32>], vector<16xf32>, vector<16xi1>
        %neg3A_908 = arith.constant 0.000000e+00 : f32
        %neg3A_909 = vector.broadcast %neg3A_908 : f32 to vector<16xf32>
        %neg3A_910 = arith.subf %neg3A_909, %gather3A_885 : vector<16xf32>
        %exp3A_911 = math.exp %neg3A_910 : vector<16xf32>
        %add3A_912 = arith.constant 1.000000e+00 : f32
        %add3A_913 = vector.broadcast %add3A_912 : f32 to vector<16xf32>
        %add3A_914 = arith.addf %add3A_913, %exp3A_911 : vector<16xf32>
        %div3A_915 = arith.constant 1.000000e+00 : f32
        %div3A_916 = vector.broadcast %div3A_915 : f32 to vector<16xf32>
        %div3A_917 = arith.divf %div3A_916, %add3A_914 : vector<16xf32>
        tpu.vector_store_idx %arg11[%shift_right_arithmetic3A_874, %add3A_11, %and3A_877], %div3A_917 masked %lt3A_858 : memref<8x4x128xf32, #tpu.memory_space<vmem>>[vector<16xi32>, vector<16xi32>, vector<16xi32>], vector<16xf32>, vector<16xi1>
        %mul3A_918 = arith.constant 1.000000e+01 : f32
        %mul3A_919 = vector.broadcast %mul3A_918 : f32 to vector<16xf32>
        %mul3A_920 = arith.mulf %gather3A_889, %mul3A_919 : vector<16xf32>
        %max3A = arith.constant 0.000000e+00 : f32
        %max3A_921 = vector.broadcast %max3A : f32 to vector<16xf32>
        %max3A_922 = arith.maximumf %mul3A_920, %max3A_921 : vector<16xf32>
        tpu.vector_store_idx %arg12[%shift_right_arithmetic3A_862], %max3A_922 masked %lt3A_858 : memref<1024xf32, #tpu.memory_space<vmem>>[vector<16xi32>], vector<16xf32>, vector<16xi1>
        %while3A_923 = arith.constant 0 : i32
        scf.yield %while3A_923 : i32
      }
      %while3A_804 = arith.constant 1 : i32
      %while3A_805 = scf.for %while3A_851 = %while3A_801 to %while3A_797 step %while3A_804 iter_args(%while3A_852 = %while3A_803) -> (i32)  : i32 {
        %mul3A_853 = arith.constant 16 : i32
        %mul3A_854 = arith.muli %while3A_851, %mul3A_853 : i32
        %add3A_855 = vector.broadcast %mul3A_854 : i32 to vector<16xi32>
        %add3A_856 = arith.addi %add3A_855, %iota3A : vector<16xi32>
        %lt3A_857 = vector.broadcast %scan3A_203 : i32 to vector<16xi32>
        %lt3A_858 = arith.cmpi slt, %add3A_856, %lt3A_857 : vector<16xi32>
        %get3A = arith.index_cast %mul3A_854 : i32 to index
        %get3A_859 = tpu.vector_load %arg10[%get3A] {strides = array<i32>} : memref<1152xi32, #tpu.memory_space<vmem>>, vector<16xi32>,
        %shift_right_arithmetic3A_860 = arith.constant 4 : i32
        %shift_right_arithmetic3A_861 = vector.broadcast %shift_right_arithmetic3A_860 : i32 to vector<16xi32>
        %shift_right_arithmetic3A_862 = arith.shrsi %get3A_859, %shift_right_arithmetic3A_861 : vector<16xi32>
        %and3A_863 = arith.constant 15 : i32
        %and3A_864 = vector.broadcast %and3A_863 : i32 to vector<16xi32>
        %and3A_865 = arith.andi %get3A_859, %and3A_864 : vector<16xi32>
        %shift_right_arithmetic3A_866 = arith.constant 7 : i32
        %shift_right_arithmetic3A_867 = vector.broadcast %shift_right_arithmetic3A_866 : i32 to vector<16xi32>
        %shift_right_arithmetic3A_868 = arith.shrsi %add3A_856, %shift_right_arithmetic3A_867 : vector<16xi32>
        %and3A_869 = arith.constant 127 : i32
        %and3A_870 = vector.broadcast %and3A_869 : i32 to vector<16xi32>
        %and3A_871 = arith.andi %add3A_856, %and3A_870 : vector<16xi32>
        %shift_right_arithmetic3A_872 = arith.constant 7 : i32
        %shift_right_arithmetic3A_873 = vector.broadcast %shift_right_arithmetic3A_872 : i32 to vector<16xi32>
        %shift_right_arithmetic3A_874 = arith.shrsi %shift_right_arithmetic3A_862, %shift_right_arithmetic3A_873 : vector<16xi32>
        %and3A_875 = arith.constant 127 : i32
        %and3A_876 = vector.broadcast %and3A_875 : i32 to vector<16xi32>
        %and3A_877 = arith.andi %shift_right_arithmetic3A_862, %and3A_876 : vector<16xi32>
        %gather3A = tpu.vector_load_idx %arg18[%shift_right_arithmetic3A_868, %and3A_871, %and3A_865] masked %lt3A_858 : memref<36x128x16xf32, #tpu.memory_space<vmem>>[vector<16xi32>, vector<16xi32>, vector<16xi32>], vector<16xf32>, vector<16xi1>
        %add3A_878 = arith.constant 9 : i32
        %add3A_879 = vector.broadcast %add3A_878 : i32 to vector<16xi32>
        %add3A_880 = arith.addi %add3A_879, %shift_right_arithmetic3A_868 : vector<16xi32>
        %gather3A_881 = tpu.vector_load_idx %arg18[%add3A_880, %and3A_871, %and3A_865] masked %lt3A_858 : memref<36x128x16xf32, #tpu.memory_space<vmem>>[vector<16xi32>, vector<16xi32>, vector<16xi32>], vector<16xf32>, vector<16xi1>
        %add3A_882 = arith.constant 18 : i32
        %add3A_883 = vector.broadcast %add3A_882 : i32 to vector<16xi32>
        %add3A_884 = arith.addi %add3A_883, %shift_right_arithmetic3A_868 : vector<16xi32>
        %gather3A_885 = tpu.vector_load_idx %arg18[%add3A_884, %and3A_871, %and3A_865] masked %lt3A_858 : memref<36x128x16xf32, #tpu.memory_space<vmem>>[vector<16xi32>, vector<16xi32>, vector<16xi32>], vector<16xf32>, vector<16xi1>
        %add3A_886 = arith.constant 27 : i32
        %add3A_887 = vector.broadcast %add3A_886 : i32 to vector<16xi32>
        %add3A_888 = arith.addi %add3A_887, %shift_right_arithmetic3A_868 : vector<16xi32>
        %gather3A_889 = tpu.vector_load_idx %arg18[%add3A_888, %and3A_871, %and3A_865] masked %lt3A_858 : memref<36x128x16xf32, #tpu.memory_space<vmem>>[vector<16xi32>, vector<16xi32>, vector<16xi32>], vector<16xf32>, vector<16xi1>
        %neg3A = arith.constant 0.000000e+00 : f32
        %neg3A_890 = vector.broadcast %neg3A : f32 to vector<16xf32>
        %neg3A_891 = arith.subf %neg3A_890, %gather3A : vector<16xf32>
        %exp3A = math.exp %neg3A_891 : vector<16xf32>
        %add3A_892 = arith.constant 1.000000e+00 : f32
        %add3A_893 = vector.broadcast %add3A_892 : f32 to vector<16xf32>
        %add3A_894 = arith.addf %add3A_893, %exp3A : vector<16xf32>
        %div3A_895 = arith.constant 1.000000e+00 : f32
        %div3A_896 = vector.broadcast %div3A_895 : f32 to vector<16xf32>
        %div3A_897 = arith.divf %div3A_896, %add3A_894 : vector<16xf32>
        tpu.vector_store_idx %arg11[%shift_right_arithmetic3A_874, %broadcast_in_dim3A_5, %and3A_877], %div3A_897 masked %lt3A_858 : memref<8x4x128xf32, #tpu.memory_space<vmem>>[vector<16xi32>, vector<16xi32>, vector<16xi32>], vector<16xf32>, vector<16xi1>
        %neg3A_898 = arith.constant 0.000000e+00 : f32
        %neg3A_899 = vector.broadcast %neg3A_898 : f32 to vector<16xf32>
        %neg3A_900 = arith.subf %neg3A_899, %gather3A_881 : vector<16xf32>
        %exp3A_901 = math.exp %neg3A_900 : vector<16xf32>
        %add3A_902 = arith.constant 1.000000e+00 : f32
        %add3A_903 = vector.broadcast %add3A_902 : f32 to vector<16xf32>
        %add3A_904 = arith.addf %add3A_903, %exp3A_901 : vector<16xf32>
        %div3A_905 = arith.constant 1.000000e+00 : f32
        %div3A_906 = vector.broadcast %div3A_905 : f32 to vector<16xf32>
        %div3A_907 = arith.divf %div3A_906, %add3A_904 : vector<16xf32>
        tpu.vector_store_idx %arg11[%shift_right_arithmetic3A_874, %add3A_8, %and3A_877], %div3A_907 masked %lt3A_858 : memref<8x4x128xf32, #tpu.memory_space<vmem>>[vector<16xi32>, vector<16xi32>, vector<16xi32>], vector<16xf32>, vector<16xi1>
        %neg3A_908 = arith.constant 0.000000e+00 : f32
        %neg3A_909 = vector.broadcast %neg3A_908 : f32 to vector<16xf32>
        %neg3A_910 = arith.subf %neg3A_909, %gather3A_885 : vector<16xf32>
        %exp3A_911 = math.exp %neg3A_910 : vector<16xf32>
        %add3A_912 = arith.constant 1.000000e+00 : f32
        %add3A_913 = vector.broadcast %add3A_912 : f32 to vector<16xf32>
        %add3A_914 = arith.addf %add3A_913, %exp3A_911 : vector<16xf32>
        %div3A_915 = arith.constant 1.000000e+00 : f32
        %div3A_916 = vector.broadcast %div3A_915 : f32 to vector<16xf32>
        %div3A_917 = arith.divf %div3A_916, %add3A_914 : vector<16xf32>
        tpu.vector_store_idx %arg11[%shift_right_arithmetic3A_874, %add3A_11, %and3A_877], %div3A_917 masked %lt3A_858 : memref<8x4x128xf32, #tpu.memory_space<vmem>>[vector<16xi32>, vector<16xi32>, vector<16xi32>], vector<16xf32>, vector<16xi1>
        %mul3A_918 = arith.constant 1.000000e+01 : f32
        %mul3A_919 = vector.broadcast %mul3A_918 : f32 to vector<16xf32>
        %mul3A_920 = arith.mulf %gather3A_889, %mul3A_919 : vector<16xf32>
        %max3A = arith.constant 0.000000e+00 : f32
        %max3A_921 = vector.broadcast %max3A : f32 to vector<16xf32>
        %max3A_922 = arith.maximumf %mul3A_920, %max3A_921 : vector<16xf32>
        tpu.vector_store_idx %arg12[%shift_right_arithmetic3A_862], %max3A_922 masked %lt3A_858 : memref<1024xf32, #tpu.memory_space<vmem>>[vector<16xi32>], vector<16xf32>, vector<16xi1>
        %while3A_923 = arith.constant 0 : i32
        scf.yield %while3A_923 : i32
      }
      %mul3A_806 = arith.constant 32768 : i32
      %mul3A_807 = arith.muli %add3A, %mul3A_806 : i32
      %mul3A_808 = arith.constant 1024 : i32
      %mul3A_809 = arith.muli %mul3A_131, %mul3A_808 : i32
      %add3A_810 = arith.addi %mul3A_807, %mul3A_809 : i32
      %jit3A_811 = arith.constant 128 : i32
      %div3A_812 = arith.divsi %add3A_810, %jit3A_811 : i32
      %sign3A_813 = arith.constant 0 : i32
      %sign3A_814 = arith.cmpi sgt, %add3A_810, %sign3A_813 : i32
      %sign3A_815 = arith.extui %sign3A_814 : i1 to i32
      %sign3A_816 = arith.constant 0 : i32
      %sign3A_817 = arith.cmpi slt, %add3A_810, %sign3A_816 : i32
      %sign3A_818 = arith.extui %sign3A_817 : i1 to i32
      %sign3A_819 = arith.subi %sign3A_815, %sign3A_818 : i32
      %sign3A_820 = arith.constant 0 : i32
      %sign3A_821 = arith.cmpi sgt, %jit3A_811, %sign3A_820 : i32
      %sign3A_822 = arith.extui %sign3A_821 : i1 to i32
      %sign3A_823 = arith.constant 0 : i32
      %sign3A_824 = arith.cmpi slt, %jit3A_811, %sign3A_823 : i32
      %sign3A_825 = arith.extui %sign3A_824 : i1 to i32
      %sign3A_826 = arith.subi %sign3A_822, %sign3A_825 : i32
      %ne3A_827 = arith.cmpi ne, %sign3A_819, %sign3A_826 : i32
      %rem3A_828 = arith.remsi %add3A_810, %jit3A_811 : i32
      %ne3A_829 = arith.constant 0 : i32
      %ne3A_830 = arith.cmpi ne, %rem3A_828, %ne3A_829 : i32
      %and3A_831 = arith.andi %ne3A_827, %ne3A_830 : i1
      %sub3A_832 = arith.constant 1 : i32
      %sub3A_833 = arith.subi %div3A_812, %sub3A_832 : i32
      %select_n3A_834 = arith.select %and3A_831, %sub3A_833, %div3A_812 : i32
      "tpu.region"() ({
        %run_scoped3A = tpu.sem_alloc : memref<!tpu.dma_semaphore, #tpu.memory_space<semaphore_mem>>
        %dma_start3A_851 = arith.constant 0 : i32
        %dma_start3A_852 = arith.constant 0 : i32
        %dma_start3A_853 = tpu.memref_slice %arg6[%select_n3A_834, %dma_start3A_851, %dma_start3A_852] : memref<8192x4x128xf32, #tpu.memory_space<hbm>> -> memref<8x4x128xf32, #tpu.memory_space<hbm>>
        %dma_start3A_854 = arith.constant 0 : i32
        %dma_start3A_855 = arith.constant 0 : i32
        %dma_start3A_856 = tpu.memref_slice %arg6[%select_n3A_834, %dma_start3A_854, %dma_start3A_855] : memref<8192x4x128xf32, #tpu.memory_space<hbm>> -> memref<8x4x128xf32, #tpu.memory_space<hbm>>
        tpu.enqueue_dma source(%arg11 : memref<8x4x128xf32, #tpu.memory_space<vmem>>) target(%dma_start3A_856 : memref<8x4x128xf32, #tpu.memory_space<hbm>>) target_semaphore(%run_scoped3A : memref<!tpu.dma_semaphore, #tpu.memory_space<semaphore_mem>>)
        %dma_wait3A_857 = arith.constant 0 : i32
        %dma_wait3A_858 = arith.constant 0 : i32
        %dma_wait3A_859 = tpu.memref_slice %arg6[%select_n3A_834, %dma_wait3A_857, %dma_wait3A_858] : memref<8192x4x128xf32, #tpu.memory_space<hbm>> -> memref<8x4x128xf32, #tpu.memory_space<hbm>>
        %dma_wait3A_860 = arith.constant 0 : i32
        %dma_wait3A_861 = arith.constant 0 : i32
        %dma_wait3A_862 = tpu.memref_slice %arg6[%select_n3A_834, %dma_wait3A_860, %dma_wait3A_861] : memref<8192x4x128xf32, #tpu.memory_space<hbm>> -> memref<8x4x128xf32, #tpu.memory_space<hbm>>
        tpu.wait_dma2 semaphore(%run_scoped3A : memref<!tpu.dma_semaphore, #tpu.memory_space<semaphore_mem>>) src(%arg11 : memref<8x4x128xf32, #tpu.memory_space<vmem>>) dst(%dma_wait3A_862 : memref<8x4x128xf32, #tpu.memory_space<hbm>>)
        tpu.yield
      }) : () -> ()
      "tpu.region"() ({
        %run_scoped3A = tpu.sem_alloc : memref<!tpu.dma_semaphore, #tpu.memory_space<semaphore_mem>>
        %dma_start3A_851 = tpu.memref_slice %arg7[%add3A_810] : memref<1048576xf32, #tpu.memory_space<hbm>> -> memref<1024xf32, #tpu.memory_space<hbm>>
        %dma_start3A_852 = tpu.memref_slice %arg7[%add3A_810] : memref<1048576xf32, #tpu.memory_space<hbm>> -> memref<1024xf32, #tpu.memory_space<hbm>>
        tpu.enqueue_dma source(%arg12 : memref<1024xf32, #tpu.memory_space<vmem>>) target(%dma_start3A_852 : memref<1024xf32, #tpu.memory_space<hbm>>) target_semaphore(%run_scoped3A : memref<!tpu.dma_semaphore, #tpu.memory_space<semaphore_mem>>)
        %dma_wait3A_853 = tpu.memref_slice %arg7[%add3A_810] : memref<1048576xf32, #tpu.memory_space<hbm>> -> memref<1024xf32, #tpu.memory_space<hbm>>
        %dma_wait3A_854 = tpu.memref_slice %arg7[%add3A_810] : memref<1048576xf32, #tpu.memory_space<hbm>> -> memref<1024xf32, #tpu.memory_space<hbm>>
        tpu.wait_dma2 semaphore(%run_scoped3A : memref<!tpu.dma_semaphore, #tpu.memory_space<semaphore_mem>>) src(%arg12 : memref<1024xf32, #tpu.memory_space<vmem>>) dst(%dma_wait3A_854 : memref<1024xf32, #tpu.memory_space<hbm>>)
        tpu.yield
      }) : () -> ()
      %add3A_835 = arith.constant 127 : i32
      %add3A_836 = arith.addi %scan3A_540, %add3A_835 : i32
      %shift_right_arithmetic3A_837 = arith.constant 7 : i32
      %shift_right_arithmetic3A_838 = arith.shrsi %add3A_836, %shift_right_arithmetic3A_837 : i32
      %while3A_839 = arith.constant 0 : i32
      %while3A_840 = arith.constant 0 : i32
      %while3A_841 = arith.subi %shift_right_arithmetic3A_838, %while3A_839 : i32
      %while3A_842 = arith.addi %while3A_839, %while3A_841 : i32
      %while3A_843 = arith.constant 1 : i32
      %while3A_844 = arith.divsi %while3A_841, %while3A_843 : i32
      %while3A_845 = arith.muli %while3A_844, %while3A_843 : i32
      %while3A_846 = arith.addi %while3A_839, %while3A_845 : i32
      %while3A_847 = arith.constant 1 : i32
      %while3A_848 = scf.for %while3A_851 = %while3A_839 to %while3A_846 step %while3A_847 iter_args(%while3A_852 = %while3A_840) -> (i32)  : i32 {
        %add3A_853 = arith.constant 0 : i32
        %add3A_854 = arith.addi %add3A_853, %while3A_851 : i32
        %add3A_855 = arith.constant 0 : i32
        %add3A_856 = arith.addi %add3A_855, %while3A_851 : i32
        %dma_start3A_857 = arith.constant 0 : i32
        %dma_start3A_858 = arith.constant 0 : i32
        %dma_start3A_859 = tpu.memref_slice %arg18[%add3A_856, %dma_start3A_857, %dma_start3A_858] : memref<36x128x16xf32, #tpu.memory_space<vmem>> -> memref<1x128x16xf32, #tpu.memory_space<vmem>>
        %dma_start3A_860 = tpu.memref_squeeze %dma_start3A_859 : memref<1x128x16xf32, #tpu.memory_space<vmem>> -> memref<128x16xf32, #tpu.memory_space<vmem>>
        %dma_start3A_861 = arith.constant 0 : i32
        %dma_start3A_862 = tpu.memref_slice %arg14[%add3A_854, %dma_start3A_861] : memref<36x128xi32, #tpu.memory_space<vmem>> -> memref<1x128xi32, #tpu.memory_space<vmem>>
        %dma_start3A_863 = tpu.memref_squeeze %dma_start3A_862 : memref<1x128xi32, #tpu.memory_space<vmem>> -> memref<128xi32, #tpu.memory_space<vmem>>
        %dma_start3A_864 = arith.constant 0 : i32
        %dma_start3A_865 = arith.constant 0 : i32
        %dma_start3A_866 = tpu.memref_slice %arg5[%dma_start3A_864, %dma_start3A_865] : memref<4194304x16xf32, #tpu.memory_space<hbm>> -> memref<4194304x16xf32, #tpu.memory_space<hbm>>
        tpu.enqueue_indirect_dma source(%dma_start3A_866 : memref<4194304x16xf32, #tpu.memory_space<hbm>>) target(%dma_start3A_860 : memref<128x16xf32, #tpu.memory_space<vmem>>) offsets(%dma_start3A_863 : memref<128xi32, #tpu.memory_space<vmem>>) semaphore(%arg20 : memref<!tpu.dma_semaphore, #tpu.memory_space<semaphore_mem>>)
        %add3A_867 = arith.constant 9 : i32
        %add3A_868 = arith.addi %add3A_867, %while3A_851 : i32
        %add3A_869 = arith.constant 9 : i32
        %add3A_870 = arith.addi %add3A_869, %while3A_851 : i32
        %dma_start3A_871 = arith.constant 0 : i32
        %dma_start3A_872 = arith.constant 0 : i32
        %dma_start3A_873 = tpu.memref_slice %arg18[%add3A_870, %dma_start3A_871, %dma_start3A_872] : memref<36x128x16xf32, #tpu.memory_space<vmem>> -> memref<1x128x16xf32, #tpu.memory_space<vmem>>
        %dma_start3A_874 = tpu.memref_squeeze %dma_start3A_873 : memref<1x128x16xf32, #tpu.memory_space<vmem>> -> memref<128x16xf32, #tpu.memory_space<vmem>>
        %dma_start3A_875 = arith.constant 0 : i32
        %dma_start3A_876 = tpu.memref_slice %arg14[%add3A_868, %dma_start3A_875] : memref<36x128xi32, #tpu.memory_space<vmem>> -> memref<1x128xi32, #tpu.memory_space<vmem>>
        %dma_start3A_877 = tpu.memref_squeeze %dma_start3A_876 : memref<1x128xi32, #tpu.memory_space<vmem>> -> memref<128xi32, #tpu.memory_space<vmem>>
        %dma_start3A_878 = arith.constant 0 : i32
        %dma_start3A_879 = arith.constant 0 : i32
        %dma_start3A_880 = tpu.memref_slice %arg5[%dma_start3A_878, %dma_start3A_879] : memref<4194304x16xf32, #tpu.memory_space<hbm>> -> memref<4194304x16xf32, #tpu.memory_space<hbm>>
        tpu.enqueue_indirect_dma source(%dma_start3A_880 : memref<4194304x16xf32, #tpu.memory_space<hbm>>) target(%dma_start3A_874 : memref<128x16xf32, #tpu.memory_space<vmem>>) offsets(%dma_start3A_877 : memref<128xi32, #tpu.memory_space<vmem>>) semaphore(%arg20 : memref<!tpu.dma_semaphore, #tpu.memory_space<semaphore_mem>>)
        %add3A_881 = arith.constant 18 : i32
        %add3A_882 = arith.addi %add3A_881, %while3A_851 : i32
        %add3A_883 = arith.constant 18 : i32
        %add3A_884 = arith.addi %add3A_883, %while3A_851 : i32
        %dma_start3A_885 = arith.constant 0 : i32
        %dma_start3A_886 = arith.constant 0 : i32
        %dma_start3A_887 = tpu.memref_slice %arg18[%add3A_884, %dma_start3A_885, %dma_start3A_886] : memref<36x128x16xf32, #tpu.memory_space<vmem>> -> memref<1x128x16xf32, #tpu.memory_space<vmem>>
        %dma_start3A_888 = tpu.memref_squeeze %dma_start3A_887 : memref<1x128x16xf32, #tpu.memory_space<vmem>> -> memref<128x16xf32, #tpu.memory_space<vmem>>
        %dma_start3A_889 = arith.constant 0 : i32
        %dma_start3A_890 = tpu.memref_slice %arg14[%add3A_882, %dma_start3A_889] : memref<36x128xi32, #tpu.memory_space<vmem>> -> memref<1x128xi32, #tpu.memory_space<vmem>>
        %dma_start3A_891 = tpu.memref_squeeze %dma_start3A_890 : memref<1x128xi32, #tpu.memory_space<vmem>> -> memref<128xi32, #tpu.memory_space<vmem>>
        %dma_start3A_892 = arith.constant 0 : i32
        %dma_start3A_893 = arith.constant 0 : i32
        %dma_start3A_894 = tpu.memref_slice %arg5[%dma_start3A_892, %dma_start3A_893] : memref<4194304x16xf32, #tpu.memory_space<hbm>> -> memref<4194304x16xf32, #tpu.memory_space<hbm>>
        tpu.enqueue_indirect_dma source(%dma_start3A_894 : memref<4194304x16xf32, #tpu.memory_space<hbm>>) target(%dma_start3A_888 : memref<128x16xf32, #tpu.memory_space<vmem>>) offsets(%dma_start3A_891 : memref<128xi32, #tpu.memory_space<vmem>>) semaphore(%arg20 : memref<!tpu.dma_semaphore, #tpu.memory_space<semaphore_mem>>)
        %add3A_895 = arith.constant 27 : i32
        %add3A_896 = arith.addi %add3A_895, %while3A_851 : i32
        %add3A_897 = arith.constant 27 : i32
        %add3A_898 = arith.addi %add3A_897, %while3A_851 : i32
        %dma_start3A_899 = arith.constant 0 : i32
        %dma_start3A_900 = arith.constant 0 : i32
        %dma_start3A_901 = tpu.memref_slice %arg18[%add3A_898, %dma_start3A_899, %dma_start3A_900] : memref<36x128x16xf32, #tpu.memory_space<vmem>> -> memref<1x128x16xf32, #tpu.memory_space<vmem>>
        %dma_start3A_902 = tpu.memref_squeeze %dma_start3A_901 : memref<1x128x16xf32, #tpu.memory_space<vmem>> -> memref<128x16xf32, #tpu.memory_space<vmem>>
        %dma_start3A_903 = arith.constant 0 : i32
        %dma_start3A_904 = tpu.memref_slice %arg14[%add3A_896, %dma_start3A_903] : memref<36x128xi32, #tpu.memory_space<vmem>> -> memref<1x128xi32, #tpu.memory_space<vmem>>
        %dma_start3A_905 = tpu.memref_squeeze %dma_start3A_904 : memref<1x128xi32, #tpu.memory_space<vmem>> -> memref<128xi32, #tpu.memory_space<vmem>>
        %dma_start3A_906 = arith.constant 0 : i32
        %dma_start3A_907 = arith.constant 0 : i32
        %dma_start3A_908 = tpu.memref_slice %arg5[%dma_start3A_906, %dma_start3A_907] : memref<4194304x16xf32, #tpu.memory_space<hbm>> -> memref<4194304x16xf32, #tpu.memory_space<hbm>>
        tpu.enqueue_indirect_dma source(%dma_start3A_908 : memref<4194304x16xf32, #tpu.memory_space<hbm>>) target(%dma_start3A_902 : memref<128x16xf32, #tpu.memory_space<vmem>>) offsets(%dma_start3A_905 : memref<128xi32, #tpu.memory_space<vmem>>) semaphore(%arg20 : memref<!tpu.dma_semaphore, #tpu.memory_space<semaphore_mem>>)
        %while3A_909 = arith.constant 0 : i32
        scf.yield %while3A_909 : i32
      }
      %while3A_849 = arith.constant 1 : i32
      %while3A_850 = scf.for %while3A_851 = %while3A_846 to %while3A_842 step %while3A_849 iter_args(%while3A_852 = %while3A_848) -> (i32)  : i32 {
        %add3A_853 = arith.constant 0 : i32
        %add3A_854 = arith.addi %add3A_853, %while3A_851 : i32
        %add3A_855 = arith.constant 0 : i32
        %add3A_856 = arith.addi %add3A_855, %while3A_851 : i32
        %dma_start3A_857 = arith.constant 0 : i32
        %dma_start3A_858 = arith.constant 0 : i32
        %dma_start3A_859 = tpu.memref_slice %arg18[%add3A_856, %dma_start3A_857, %dma_start3A_858] : memref<36x128x16xf32, #tpu.memory_space<vmem>> -> memref<1x128x16xf32, #tpu.memory_space<vmem>>
        %dma_start3A_860 = tpu.memref_squeeze %dma_start3A_859 : memref<1x128x16xf32, #tpu.memory_space<vmem>> -> memref<128x16xf32, #tpu.memory_space<vmem>>
        %dma_start3A_861 = arith.constant 0 : i32
        %dma_start3A_862 = tpu.memref_slice %arg14[%add3A_854, %dma_start3A_861] : memref<36x128xi32, #tpu.memory_space<vmem>> -> memref<1x128xi32, #tpu.memory_space<vmem>>
        %dma_start3A_863 = tpu.memref_squeeze %dma_start3A_862 : memref<1x128xi32, #tpu.memory_space<vmem>> -> memref<128xi32, #tpu.memory_space<vmem>>
        %dma_start3A_864 = arith.constant 0 : i32
        %dma_start3A_865 = arith.constant 0 : i32
        %dma_start3A_866 = tpu.memref_slice %arg5[%dma_start3A_864, %dma_start3A_865] : memref<4194304x16xf32, #tpu.memory_space<hbm>> -> memref<4194304x16xf32, #tpu.memory_space<hbm>>
        tpu.enqueue_indirect_dma source(%dma_start3A_866 : memref<4194304x16xf32, #tpu.memory_space<hbm>>) target(%dma_start3A_860 : memref<128x16xf32, #tpu.memory_space<vmem>>) offsets(%dma_start3A_863 : memref<128xi32, #tpu.memory_space<vmem>>) semaphore(%arg20 : memref<!tpu.dma_semaphore, #tpu.memory_space<semaphore_mem>>)
        %add3A_867 = arith.constant 9 : i32
        %add3A_868 = arith.addi %add3A_867, %while3A_851 : i32
        %add3A_869 = arith.constant 9 : i32
        %add3A_870 = arith.addi %add3A_869, %while3A_851 : i32
        %dma_start3A_871 = arith.constant 0 : i32
        %dma_start3A_872 = arith.constant 0 : i32
        %dma_start3A_873 = tpu.memref_slice %arg18[%add3A_870, %dma_start3A_871, %dma_start3A_872] : memref<36x128x16xf32, #tpu.memory_space<vmem>> -> memref<1x128x16xf32, #tpu.memory_space<vmem>>
        %dma_start3A_874 = tpu.memref_squeeze %dma_start3A_873 : memref<1x128x16xf32, #tpu.memory_space<vmem>> -> memref<128x16xf32, #tpu.memory_space<vmem>>
        %dma_start3A_875 = arith.constant 0 : i32
        %dma_start3A_876 = tpu.memref_slice %arg14[%add3A_868, %dma_start3A_875] : memref<36x128xi32, #tpu.memory_space<vmem>> -> memref<1x128xi32, #tpu.memory_space<vmem>>
        %dma_start3A_877 = tpu.memref_squeeze %dma_start3A_876 : memref<1x128xi32, #tpu.memory_space<vmem>> -> memref<128xi32, #tpu.memory_space<vmem>>
        %dma_start3A_878 = arith.constant 0 : i32
        %dma_start3A_879 = arith.constant 0 : i32
        %dma_start3A_880 = tpu.memref_slice %arg5[%dma_start3A_878, %dma_start3A_879] : memref<4194304x16xf32, #tpu.memory_space<hbm>> -> memref<4194304x16xf32, #tpu.memory_space<hbm>>
        tpu.enqueue_indirect_dma source(%dma_start3A_880 : memref<4194304x16xf32, #tpu.memory_space<hbm>>) target(%dma_start3A_874 : memref<128x16xf32, #tpu.memory_space<vmem>>) offsets(%dma_start3A_877 : memref<128xi32, #tpu.memory_space<vmem>>) semaphore(%arg20 : memref<!tpu.dma_semaphore, #tpu.memory_space<semaphore_mem>>)
        %add3A_881 = arith.constant 18 : i32
        %add3A_882 = arith.addi %add3A_881, %while3A_851 : i32
        %add3A_883 = arith.constant 18 : i32
        %add3A_884 = arith.addi %add3A_883, %while3A_851 : i32
        %dma_start3A_885 = arith.constant 0 : i32
        %dma_start3A_886 = arith.constant 0 : i32
        %dma_start3A_887 = tpu.memref_slice %arg18[%add3A_884, %dma_start3A_885, %dma_start3A_886] : memref<36x128x16xf32, #tpu.memory_space<vmem>> -> memref<1x128x16xf32, #tpu.memory_space<vmem>>
        %dma_start3A_888 = tpu.memref_squeeze %dma_start3A_887 : memref<1x128x16xf32, #tpu.memory_space<vmem>> -> memref<128x16xf32, #tpu.memory_space<vmem>>
        %dma_start3A_889 = arith.constant 0 : i32
        %dma_start3A_890 = tpu.memref_slice %arg14[%add3A_882, %dma_start3A_889] : memref<36x128xi32, #tpu.memory_space<vmem>> -> memref<1x128xi32, #tpu.memory_space<vmem>>
        %dma_start3A_891 = tpu.memref_squeeze %dma_start3A_890 : memref<1x128xi32, #tpu.memory_space<vmem>> -> memref<128xi32, #tpu.memory_space<vmem>>
        %dma_start3A_892 = arith.constant 0 : i32
        %dma_start3A_893 = arith.constant 0 : i32
        %dma_start3A_894 = tpu.memref_slice %arg5[%dma_start3A_892, %dma_start3A_893] : memref<4194304x16xf32, #tpu.memory_space<hbm>> -> memref<4194304x16xf32, #tpu.memory_space<hbm>>
        tpu.enqueue_indirect_dma source(%dma_start3A_894 : memref<4194304x16xf32, #tpu.memory_space<hbm>>) target(%dma_start3A_888 : memref<128x16xf32, #tpu.memory_space<vmem>>) offsets(%dma_start3A_891 : memref<128xi32, #tpu.memory_space<vmem>>) semaphore(%arg20 : memref<!tpu.dma_semaphore, #tpu.memory_space<semaphore_mem>>)
        %add3A_895 = arith.constant 27 : i32
        %add3A_896 = arith.addi %add3A_895, %while3A_851 : i32
        %add3A_897 = arith.constant 27 : i32
        %add3A_898 = arith.addi %add3A_897, %while3A_851 : i32
        %dma_start3A_899 = arith.constant 0 : i32
        %dma_start3A_900 = arith.constant 0 : i32
        %dma_start3A_901 = tpu.memref_slice %arg18[%add3A_898, %dma_start3A_899, %dma_start3A_900] : memref<36x128x16xf32, #tpu.memory_space<vmem>> -> memref<1x128x16xf32, #tpu.memory_space<vmem>>
        %dma_start3A_902 = tpu.memref_squeeze %dma_start3A_901 : memref<1x128x16xf32, #tpu.memory_space<vmem>> -> memref<128x16xf32, #tpu.memory_space<vmem>>
        %dma_start3A_903 = arith.constant 0 : i32
        %dma_start3A_904 = tpu.memref_slice %arg14[%add3A_896, %dma_start3A_903] : memref<36x128xi32, #tpu.memory_space<vmem>> -> memref<1x128xi32, #tpu.memory_space<vmem>>
        %dma_start3A_905 = tpu.memref_squeeze %dma_start3A_904 : memref<1x128xi32, #tpu.memory_space<vmem>> -> memref<128xi32, #tpu.memory_space<vmem>>
        %dma_start3A_906 = arith.constant 0 : i32
        %dma_start3A_907 = arith.constant 0 : i32
        %dma_start3A_908 = tpu.memref_slice %arg5[%dma_start3A_906, %dma_start3A_907] : memref<4194304x16xf32, #tpu.memory_space<hbm>> -> memref<4194304x16xf32, #tpu.memory_space<hbm>>
        tpu.enqueue_indirect_dma source(%dma_start3A_908 : memref<4194304x16xf32, #tpu.memory_space<hbm>>) target(%dma_start3A_902 : memref<128x16xf32, #tpu.memory_space<vmem>>) offsets(%dma_start3A_905 : memref<128xi32, #tpu.memory_space<vmem>>) semaphore(%arg20 : memref<!tpu.dma_semaphore, #tpu.memory_space<semaphore_mem>>)
        %while3A_909 = arith.constant 0 : i32
        scf.yield %while3A_909 : i32
      }
      scf.yield %scan3A_540 : i32
    }
    %scan3A_47 = arith.constant 16 : i32
    %add3A_48 = arith.constant 127 : i32
    %add3A_49 = arith.addi %scan3A_46, %add3A_48 : i32
    %shift_right_arithmetic3A = arith.constant 7 : i32
    %shift_right_arithmetic3A_50 = arith.shrsi %add3A_49, %shift_right_arithmetic3A : i32
    %while3A = arith.constant 0 : i32
    %while3A_51 = arith.constant 0 : i32
    %while3A_52 = arith.subi %shift_right_arithmetic3A_50, %while3A : i32
    %while3A_53 = arith.addi %while3A, %while3A_52 : i32
    %while3A_54 = arith.constant 1 : i32
    %while3A_55 = arith.divsi %while3A_52, %while3A_54 : i32
    %while3A_56 = arith.muli %while3A_55, %while3A_54 : i32
    %while3A_57 = arith.addi %while3A, %while3A_56 : i32
    %while3A_58 = arith.constant 1 : i32
    %while3A_59 = scf.for %while3A_128 = %while3A to %while3A_57 step %while3A_58 iter_args(%while3A_129 = %while3A_51) -> (i32)  : i32 {
      %add3A_130 = arith.constant 0 : i32
      %add3A_131 = arith.addi %add3A_130, %while3A_128 : i32
      %add3A_132 = arith.constant 0 : i32
      %add3A_133 = arith.addi %add3A_132, %while3A_128 : i32
      %dma_wait3A_134 = arith.constant 0 : i32
      %dma_wait3A_135 = arith.constant 0 : i32
      %dma_wait3A_136 = tpu.memref_slice %arg18[%add3A_133, %dma_wait3A_134, %dma_wait3A_135] : memref<36x128x16xf32, #tpu.memory_space<vmem>> -> memref<1x128x16xf32, #tpu.memory_space<vmem>>
      %dma_wait3A_137 = tpu.memref_squeeze %dma_wait3A_136 : memref<1x128x16xf32, #tpu.memory_space<vmem>> -> memref<128x16xf32, #tpu.memory_space<vmem>>
      %dma_wait3A_138 = arith.constant 0 : i32
      %dma_wait3A_139 = tpu.memref_slice %arg14[%add3A_131, %dma_wait3A_138] : memref<36x128xi32, #tpu.memory_space<vmem>> -> memref<1x128xi32, #tpu.memory_space<vmem>>
      %dma_wait3A_140 = tpu.memref_squeeze %dma_wait3A_139 : memref<1x128xi32, #tpu.memory_space<vmem>> -> memref<128xi32, #tpu.memory_space<vmem>>
      %dma_wait3A_141 = arith.constant 0 : i32
      %dma_wait3A_142 = arith.constant 0 : i32
      %dma_wait3A_143 = tpu.memref_slice %arg5[%dma_wait3A_141, %dma_wait3A_142] : memref<4194304x16xf32, #tpu.memory_space<hbm>> -> memref<4194304x16xf32, #tpu.memory_space<hbm>>
      tpu.wait_indirect_dma semaphore(%arg20 : memref<!tpu.dma_semaphore, #tpu.memory_space<semaphore_mem>>) src(%dma_wait3A_143 : memref<4194304x16xf32, #tpu.memory_space<hbm>>) dst(%dma_wait3A_137 : memref<128x16xf32, #tpu.memory_space<vmem>>)
      %add3A_144 = arith.constant 9 : i32
      %add3A_145 = arith.addi %add3A_144, %while3A_128 : i32
      %add3A_146 = arith.constant 9 : i32
      %add3A_147 = arith.addi %add3A_146, %while3A_128 : i32
      %dma_wait3A_148 = arith.constant 0 : i32
      %dma_wait3A_149 = arith.constant 0 : i32
      %dma_wait3A_150 = tpu.memref_slice %arg18[%add3A_147, %dma_wait3A_148, %dma_wait3A_149] : memref<36x128x16xf32, #tpu.memory_space<vmem>> -> memref<1x128x16xf32, #tpu.memory_space<vmem>>
      %dma_wait3A_151 = tpu.memref_squeeze %dma_wait3A_150 : memref<1x128x16xf32, #tpu.memory_space<vmem>> -> memref<128x16xf32, #tpu.memory_space<vmem>>
      %dma_wait3A_152 = arith.constant 0 : i32
      %dma_wait3A_153 = tpu.memref_slice %arg14[%add3A_145, %dma_wait3A_152] : memref<36x128xi32, #tpu.memory_space<vmem>> -> memref<1x128xi32, #tpu.memory_space<vmem>>
      %dma_wait3A_154 = tpu.memref_squeeze %dma_wait3A_153 : memref<1x128xi32, #tpu.memory_space<vmem>> -> memref<128xi32, #tpu.memory_space<vmem>>
      %dma_wait3A_155 = arith.constant 0 : i32
      %dma_wait3A_156 = arith.constant 0 : i32
      %dma_wait3A_157 = tpu.memref_slice %arg5[%dma_wait3A_155, %dma_wait3A_156] : memref<4194304x16xf32, #tpu.memory_space<hbm>> -> memref<4194304x16xf32, #tpu.memory_space<hbm>>
      tpu.wait_indirect_dma semaphore(%arg20 : memref<!tpu.dma_semaphore, #tpu.memory_space<semaphore_mem>>) src(%dma_wait3A_157 : memref<4194304x16xf32, #tpu.memory_space<hbm>>) dst(%dma_wait3A_151 : memref<128x16xf32, #tpu.memory_space<vmem>>)
      %add3A_158 = arith.constant 18 : i32
      %add3A_159 = arith.addi %add3A_158, %while3A_128 : i32
      %add3A_160 = arith.constant 18 : i32
      %add3A_161 = arith.addi %add3A_160, %while3A_128 : i32
      %dma_wait3A_162 = arith.constant 0 : i32
      %dma_wait3A_163 = arith.constant 0 : i32
      %dma_wait3A_164 = tpu.memref_slice %arg18[%add3A_161, %dma_wait3A_162, %dma_wait3A_163] : memref<36x128x16xf32, #tpu.memory_space<vmem>> -> memref<1x128x16xf32, #tpu.memory_space<vmem>>
      %dma_wait3A_165 = tpu.memref_squeeze %dma_wait3A_164 : memref<1x128x16xf32, #tpu.memory_space<vmem>> -> memref<128x16xf32, #tpu.memory_space<vmem>>
      %dma_wait3A_166 = arith.constant 0 : i32
      %dma_wait3A_167 = tpu.memref_slice %arg14[%add3A_159, %dma_wait3A_166] : memref<36x128xi32, #tpu.memory_space<vmem>> -> memref<1x128xi32, #tpu.memory_space<vmem>>
      %dma_wait3A_168 = tpu.memref_squeeze %dma_wait3A_167 : memref<1x128xi32, #tpu.memory_space<vmem>> -> memref<128xi32, #tpu.memory_space<vmem>>
      %dma_wait3A_169 = arith.constant 0 : i32
      %dma_wait3A_170 = arith.constant 0 : i32
      %dma_wait3A_171 = tpu.memref_slice %arg5[%dma_wait3A_169, %dma_wait3A_170] : memref<4194304x16xf32, #tpu.memory_space<hbm>> -> memref<4194304x16xf32, #tpu.memory_space<hbm>>
      tpu.wait_indirect_dma semaphore(%arg20 : memref<!tpu.dma_semaphore, #tpu.memory_space<semaphore_mem>>) src(%dma_wait3A_171 : memref<4194304x16xf32, #tpu.memory_space<hbm>>) dst(%dma_wait3A_165 : memref<128x16xf32, #tpu.memory_space<vmem>>)
      %add3A_172 = arith.constant 27 : i32
      %add3A_173 = arith.addi %add3A_172, %while3A_128 : i32
      %add3A_174 = arith.constant 27 : i32
      %add3A_175 = arith.addi %add3A_174, %while3A_128 : i32
      %dma_wait3A_176 = arith.constant 0 : i32
      %dma_wait3A_177 = arith.constant 0 : i32
      %dma_wait3A_178 = tpu.memref_slice %arg18[%add3A_175, %dma_wait3A_176, %dma_wait3A_177] : memref<36x128x16xf32, #tpu.memory_space<vmem>> -> memref<1x128x16xf32, #tpu.memory_space<vmem>>
      %dma_wait3A_179 = tpu.memref_squeeze %dma_wait3A_178 : memref<1x128x16xf32, #tpu.memory_space<vmem>> -> memref<128x16xf32, #tpu.memory_space<vmem>>
      %dma_wait3A_180 = arith.constant 0 : i32
      %dma_wait3A_181 = tpu.memref_slice %arg14[%add3A_173, %dma_wait3A_180] : memref<36x128xi32, #tpu.memory_space<vmem>> -> memref<1x128xi32, #tpu.memory_space<vmem>>
      %dma_wait3A_182 = tpu.memref_squeeze %dma_wait3A_181 : memref<1x128xi32, #tpu.memory_space<vmem>> -> memref<128xi32, #tpu.memory_space<vmem>>
      %dma_wait3A_183 = arith.constant 0 : i32
      %dma_wait3A_184 = arith.constant 0 : i32
      %dma_wait3A_185 = tpu.memref_slice %arg5[%dma_wait3A_183, %dma_wait3A_184] : memref<4194304x16xf32, #tpu.memory_space<hbm>> -> memref<4194304x16xf32, #tpu.memory_space<hbm>>
      tpu.wait_indirect_dma semaphore(%arg20 : memref<!tpu.dma_semaphore, #tpu.memory_space<semaphore_mem>>) src(%dma_wait3A_185 : memref<4194304x16xf32, #tpu.memory_space<hbm>>) dst(%dma_wait3A_179 : memref<128x16xf32, #tpu.memory_space<vmem>>)
      %while3A_186 = arith.constant 0 : i32
      scf.yield %while3A_186 : i32
    }
    %while3A_60 = arith.constant 1 : i32
    %while3A_61 = scf.for %while3A_128 = %while3A_57 to %while3A_53 step %while3A_60 iter_args(%while3A_129 = %while3A_59) -> (i32)  : i32 {
      %add3A_130 = arith.constant 0 : i32
      %add3A_131 = arith.addi %add3A_130, %while3A_128 : i32
      %add3A_132 = arith.constant 0 : i32
      %add3A_133 = arith.addi %add3A_132, %while3A_128 : i32
      %dma_wait3A_134 = arith.constant 0 : i32
      %dma_wait3A_135 = arith.constant 0 : i32
      %dma_wait3A_136 = tpu.memref_slice %arg18[%add3A_133, %dma_wait3A_134, %dma_wait3A_135] : memref<36x128x16xf32, #tpu.memory_space<vmem>> -> memref<1x128x16xf32, #tpu.memory_space<vmem>>
      %dma_wait3A_137 = tpu.memref_squeeze %dma_wait3A_136 : memref<1x128x16xf32, #tpu.memory_space<vmem>> -> memref<128x16xf32, #tpu.memory_space<vmem>>
      %dma_wait3A_138 = arith.constant 0 : i32
      %dma_wait3A_139 = tpu.memref_slice %arg14[%add3A_131, %dma_wait3A_138] : memref<36x128xi32, #tpu.memory_space<vmem>> -> memref<1x128xi32, #tpu.memory_space<vmem>>
      %dma_wait3A_140 = tpu.memref_squeeze %dma_wait3A_139 : memref<1x128xi32, #tpu.memory_space<vmem>> -> memref<128xi32, #tpu.memory_space<vmem>>
      %dma_wait3A_141 = arith.constant 0 : i32
      %dma_wait3A_142 = arith.constant 0 : i32
      %dma_wait3A_143 = tpu.memref_slice %arg5[%dma_wait3A_141, %dma_wait3A_142] : memref<4194304x16xf32, #tpu.memory_space<hbm>> -> memref<4194304x16xf32, #tpu.memory_space<hbm>>
      tpu.wait_indirect_dma semaphore(%arg20 : memref<!tpu.dma_semaphore, #tpu.memory_space<semaphore_mem>>) src(%dma_wait3A_143 : memref<4194304x16xf32, #tpu.memory_space<hbm>>) dst(%dma_wait3A_137 : memref<128x16xf32, #tpu.memory_space<vmem>>)
      %add3A_144 = arith.constant 9 : i32
      %add3A_145 = arith.addi %add3A_144, %while3A_128 : i32
      %add3A_146 = arith.constant 9 : i32
      %add3A_147 = arith.addi %add3A_146, %while3A_128 : i32
      %dma_wait3A_148 = arith.constant 0 : i32
      %dma_wait3A_149 = arith.constant 0 : i32
      %dma_wait3A_150 = tpu.memref_slice %arg18[%add3A_147, %dma_wait3A_148, %dma_wait3A_149] : memref<36x128x16xf32, #tpu.memory_space<vmem>> -> memref<1x128x16xf32, #tpu.memory_space<vmem>>
      %dma_wait3A_151 = tpu.memref_squeeze %dma_wait3A_150 : memref<1x128x16xf32, #tpu.memory_space<vmem>> -> memref<128x16xf32, #tpu.memory_space<vmem>>
      %dma_wait3A_152 = arith.constant 0 : i32
      %dma_wait3A_153 = tpu.memref_slice %arg14[%add3A_145, %dma_wait3A_152] : memref<36x128xi32, #tpu.memory_space<vmem>> -> memref<1x128xi32, #tpu.memory_space<vmem>>
      %dma_wait3A_154 = tpu.memref_squeeze %dma_wait3A_153 : memref<1x128xi32, #tpu.memory_space<vmem>> -> memref<128xi32, #tpu.memory_space<vmem>>
      %dma_wait3A_155 = arith.constant 0 : i32
      %dma_wait3A_156 = arith.constant 0 : i32
      %dma_wait3A_157 = tpu.memref_slice %arg5[%dma_wait3A_155, %dma_wait3A_156] : memref<4194304x16xf32, #tpu.memory_space<hbm>> -> memref<4194304x16xf32, #tpu.memory_space<hbm>>
      tpu.wait_indirect_dma semaphore(%arg20 : memref<!tpu.dma_semaphore, #tpu.memory_space<semaphore_mem>>) src(%dma_wait3A_157 : memref<4194304x16xf32, #tpu.memory_space<hbm>>) dst(%dma_wait3A_151 : memref<128x16xf32, #tpu.memory_space<vmem>>)
      %add3A_158 = arith.constant 18 : i32
      %add3A_159 = arith.addi %add3A_158, %while3A_128 : i32
      %add3A_160 = arith.constant 18 : i32
      %add3A_161 = arith.addi %add3A_160, %while3A_128 : i32
      %dma_wait3A_162 = arith.constant 0 : i32
      %dma_wait3A_163 = arith.constant 0 : i32
      %dma_wait3A_164 = tpu.memref_slice %arg18[%add3A_161, %dma_wait3A_162, %dma_wait3A_163] : memref<36x128x16xf32, #tpu.memory_space<vmem>> -> memref<1x128x16xf32, #tpu.memory_space<vmem>>
      %dma_wait3A_165 = tpu.memref_squeeze %dma_wait3A_164 : memref<1x128x16xf32, #tpu.memory_space<vmem>> -> memref<128x16xf32, #tpu.memory_space<vmem>>
      %dma_wait3A_166 = arith.constant 0 : i32
      %dma_wait3A_167 = tpu.memref_slice %arg14[%add3A_159, %dma_wait3A_166] : memref<36x128xi32, #tpu.memory_space<vmem>> -> memref<1x128xi32, #tpu.memory_space<vmem>>
      %dma_wait3A_168 = tpu.memref_squeeze %dma_wait3A_167 : memref<1x128xi32, #tpu.memory_space<vmem>> -> memref<128xi32, #tpu.memory_space<vmem>>
      %dma_wait3A_169 = arith.constant 0 : i32
      %dma_wait3A_170 = arith.constant 0 : i32
      %dma_wait3A_171 = tpu.memref_slice %arg5[%dma_wait3A_169, %dma_wait3A_170] : memref<4194304x16xf32, #tpu.memory_space<hbm>> -> memref<4194304x16xf32, #tpu.memory_space<hbm>>
      tpu.wait_indirect_dma semaphore(%arg20 : memref<!tpu.dma_semaphore, #tpu.memory_space<semaphore_mem>>) src(%dma_wait3A_171 : memref<4194304x16xf32, #tpu.memory_space<hbm>>) dst(%dma_wait3A_165 : memref<128x16xf32, #tpu.memory_space<vmem>>)
      %add3A_172 = arith.constant 27 : i32
      %add3A_173 = arith.addi %add3A_172, %while3A_128 : i32
      %add3A_174 = arith.constant 27 : i32
      %add3A_175 = arith.addi %add3A_174, %while3A_128 : i32
      %dma_wait3A_176 = arith.constant 0 : i32
      %dma_wait3A_177 = arith.constant 0 : i32
      %dma_wait3A_178 = tpu.memref_slice %arg18[%add3A_175, %dma_wait3A_176, %dma_wait3A_177] : memref<36x128x16xf32, #tpu.memory_space<vmem>> -> memref<1x128x16xf32, #tpu.memory_space<vmem>>
      %dma_wait3A_179 = tpu.memref_squeeze %dma_wait3A_178 : memref<1x128x16xf32, #tpu.memory_space<vmem>> -> memref<128x16xf32, #tpu.memory_space<vmem>>
      %dma_wait3A_180 = arith.constant 0 : i32
      %dma_wait3A_181 = tpu.memref_slice %arg14[%add3A_173, %dma_wait3A_180] : memref<36x128xi32, #tpu.memory_space<vmem>> -> memref<1x128xi32, #tpu.memory_space<vmem>>
      %dma_wait3A_182 = tpu.memref_squeeze %dma_wait3A_181 : memref<1x128xi32, #tpu.memory_space<vmem>> -> memref<128xi32, #tpu.memory_space<vmem>>
      %dma_wait3A_183 = arith.constant 0 : i32
      %dma_wait3A_184 = arith.constant 0 : i32
      %dma_wait3A_185 = tpu.memref_slice %arg5[%dma_wait3A_183, %dma_wait3A_184] : memref<4194304x16xf32, #tpu.memory_space<hbm>> -> memref<4194304x16xf32, #tpu.memory_space<hbm>>
      tpu.wait_indirect_dma semaphore(%arg20 : memref<!tpu.dma_semaphore, #tpu.memory_space<semaphore_mem>>) src(%dma_wait3A_185 : memref<4194304x16xf32, #tpu.memory_space<hbm>>) dst(%dma_wait3A_179 : memref<128x16xf32, #tpu.memory_space<vmem>>)
      %while3A_186 = arith.constant 0 : i32
      scf.yield %while3A_186 : i32
    }
    %add3A_62 = arith.constant 15 : i32
    %add3A_63 = arith.addi %scan3A_46, %add3A_62 : i32
    %shift_right_arithmetic3A_64 = arith.constant 4 : i32
    %shift_right_arithmetic3A_65 = arith.shrsi %add3A_63, %shift_right_arithmetic3A_64 : i32
    %while3A_66 = arith.constant 0 : i32
    %while3A_67 = arith.constant 0 : i32
    %while3A_68 = arith.subi %shift_right_arithmetic3A_65, %while3A_66 : i32
    %while3A_69 = arith.addi %while3A_66, %while3A_68 : i32
    %while3A_70 = arith.constant 1 : i32
    %while3A_71 = arith.divsi %while3A_68, %while3A_70 : i32
    %while3A_72 = arith.muli %while3A_71, %while3A_70 : i32
    %while3A_73 = arith.addi %while3A_66, %while3A_72 : i32
    %while3A_74 = arith.constant 1 : i32
    %while3A_75 = scf.for %while3A_128 = %while3A_66 to %while3A_73 step %while3A_74 iter_args(%while3A_129 = %while3A_67) -> (i32)  : i32 {
      %mul3A_130 = arith.constant 16 : i32
      %mul3A_131 = arith.muli %while3A_128, %mul3A_130 : i32
      %add3A_132 = vector.broadcast %mul3A_131 : i32 to vector<16xi32>
      %add3A_133 = arith.addi %add3A_132, %iota3A : vector<16xi32>
      %lt3A = vector.broadcast %scan3A_46 : i32 to vector<16xi32>
      %lt3A_134 = arith.cmpi slt, %add3A_133, %lt3A : vector<16xi32>
      %get3A = arith.index_cast %mul3A_131 : i32 to index
      %get3A_135 = tpu.vector_load %arg15[%get3A] {strides = array<i32>} : memref<1152xi32, #tpu.memory_space<vmem>>, vector<16xi32>,
      %shift_right_arithmetic3A_136 = arith.constant 4 : i32
      %shift_right_arithmetic3A_137 = vector.broadcast %shift_right_arithmetic3A_136 : i32 to vector<16xi32>
      %shift_right_arithmetic3A_138 = arith.shrsi %get3A_135, %shift_right_arithmetic3A_137 : vector<16xi32>
      %and3A_139 = arith.constant 15 : i32
      %and3A_140 = vector.broadcast %and3A_139 : i32 to vector<16xi32>
      %and3A_141 = arith.andi %get3A_135, %and3A_140 : vector<16xi32>
      %shift_right_arithmetic3A_142 = arith.constant 7 : i32
      %shift_right_arithmetic3A_143 = vector.broadcast %shift_right_arithmetic3A_142 : i32 to vector<16xi32>
      %shift_right_arithmetic3A_144 = arith.shrsi %add3A_133, %shift_right_arithmetic3A_143 : vector<16xi32>
      %and3A_145 = arith.constant 127 : i32
      %and3A_146 = vector.broadcast %and3A_145 : i32 to vector<16xi32>
      %and3A_147 = arith.andi %add3A_133, %and3A_146 : vector<16xi32>
      %shift_right_arithmetic3A_148 = arith.constant 7 : i32
      %shift_right_arithmetic3A_149 = vector.broadcast %shift_right_arithmetic3A_148 : i32 to vector<16xi32>
      %shift_right_arithmetic3A_150 = arith.shrsi %shift_right_arithmetic3A_138, %shift_right_arithmetic3A_149 : vector<16xi32>
      %and3A_151 = arith.constant 127 : i32
      %and3A_152 = vector.broadcast %and3A_151 : i32 to vector<16xi32>
      %and3A_153 = arith.andi %shift_right_arithmetic3A_138, %and3A_152 : vector<16xi32>
      %gather3A = tpu.vector_load_idx %arg18[%shift_right_arithmetic3A_144, %and3A_147, %and3A_141] masked %lt3A_134 : memref<36x128x16xf32, #tpu.memory_space<vmem>>[vector<16xi32>, vector<16xi32>, vector<16xi32>], vector<16xf32>, vector<16xi1>
      %add3A_154 = arith.constant 9 : i32
      %add3A_155 = vector.broadcast %add3A_154 : i32 to vector<16xi32>
      %add3A_156 = arith.addi %add3A_155, %shift_right_arithmetic3A_144 : vector<16xi32>
      %gather3A_157 = tpu.vector_load_idx %arg18[%add3A_156, %and3A_147, %and3A_141] masked %lt3A_134 : memref<36x128x16xf32, #tpu.memory_space<vmem>>[vector<16xi32>, vector<16xi32>, vector<16xi32>], vector<16xf32>, vector<16xi1>
      %add3A_158 = arith.constant 18 : i32
      %add3A_159 = vector.broadcast %add3A_158 : i32 to vector<16xi32>
      %add3A_160 = arith.addi %add3A_159, %shift_right_arithmetic3A_144 : vector<16xi32>
      %gather3A_161 = tpu.vector_load_idx %arg18[%add3A_160, %and3A_147, %and3A_141] masked %lt3A_134 : memref<36x128x16xf32, #tpu.memory_space<vmem>>[vector<16xi32>, vector<16xi32>, vector<16xi32>], vector<16xf32>, vector<16xi1>
      %add3A_162 = arith.constant 27 : i32
      %add3A_163 = vector.broadcast %add3A_162 : i32 to vector<16xi32>
      %add3A_164 = arith.addi %add3A_163, %shift_right_arithmetic3A_144 : vector<16xi32>
      %gather3A_165 = tpu.vector_load_idx %arg18[%add3A_164, %and3A_147, %and3A_141] masked %lt3A_134 : memref<36x128x16xf32, #tpu.memory_space<vmem>>[vector<16xi32>, vector<16xi32>, vector<16xi32>], vector<16xf32>, vector<16xi1>
      %neg3A = arith.constant 0.000000e+00 : f32
      %neg3A_166 = vector.broadcast %neg3A : f32 to vector<16xf32>
      %neg3A_167 = arith.subf %neg3A_166, %gather3A : vector<16xf32>
      %exp3A = math.exp %neg3A_167 : vector<16xf32>
      %add3A_168 = arith.constant 1.000000e+00 : f32
      %add3A_169 = vector.broadcast %add3A_168 : f32 to vector<16xf32>
      %add3A_170 = arith.addf %add3A_169, %exp3A : vector<16xf32>
      %div3A_171 = arith.constant 1.000000e+00 : f32
      %div3A_172 = vector.broadcast %div3A_171 : f32 to vector<16xf32>
      %div3A_173 = arith.divf %div3A_172, %add3A_170 : vector<16xf32>
      tpu.vector_store_idx %arg16[%shift_right_arithmetic3A_150, %broadcast_in_dim3A_5, %and3A_153], %div3A_173 masked %lt3A_134 : memref<8x4x128xf32, #tpu.memory_space<vmem>>[vector<16xi32>, vector<16xi32>, vector<16xi32>], vector<16xf32>, vector<16xi1>
      %neg3A_174 = arith.constant 0.000000e+00 : f32
      %neg3A_175 = vector.broadcast %neg3A_174 : f32 to vector<16xf32>
      %neg3A_176 = arith.subf %neg3A_175, %gather3A_157 : vector<16xf32>
      %exp3A_177 = math.exp %neg3A_176 : vector<16xf32>
      %add3A_178 = arith.constant 1.000000e+00 : f32
      %add3A_179 = vector.broadcast %add3A_178 : f32 to vector<16xf32>
      %add3A_180 = arith.addf %add3A_179, %exp3A_177 : vector<16xf32>
      %div3A_181 = arith.constant 1.000000e+00 : f32
      %div3A_182 = vector.broadcast %div3A_181 : f32 to vector<16xf32>
      %div3A_183 = arith.divf %div3A_182, %add3A_180 : vector<16xf32>
      tpu.vector_store_idx %arg16[%shift_right_arithmetic3A_150, %add3A_8, %and3A_153], %div3A_183 masked %lt3A_134 : memref<8x4x128xf32, #tpu.memory_space<vmem>>[vector<16xi32>, vector<16xi32>, vector<16xi32>], vector<16xf32>, vector<16xi1>
      %neg3A_184 = arith.constant 0.000000e+00 : f32
      %neg3A_185 = vector.broadcast %neg3A_184 : f32 to vector<16xf32>
      %neg3A_186 = arith.subf %neg3A_185, %gather3A_161 : vector<16xf32>
      %exp3A_187 = math.exp %neg3A_186 : vector<16xf32>
      %add3A_188 = arith.constant 1.000000e+00 : f32
      %add3A_189 = vector.broadcast %add3A_188 : f32 to vector<16xf32>
      %add3A_190 = arith.addf %add3A_189, %exp3A_187 : vector<16xf32>
      %div3A_191 = arith.constant 1.000000e+00 : f32
      %div3A_192 = vector.broadcast %div3A_191 : f32 to vector<16xf32>
      %div3A_193 = arith.divf %div3A_192, %add3A_190 : vector<16xf32>
      tpu.vector_store_idx %arg16[%shift_right_arithmetic3A_150, %add3A_11, %and3A_153], %div3A_193 masked %lt3A_134 : memref<8x4x128xf32, #tpu.memory_space<vmem>>[vector<16xi32>, vector<16xi32>, vector<16xi32>], vector<16xf32>, vector<16xi1>
      %mul3A_194 = arith.constant 1.000000e+01 : f32
      %mul3A_195 = vector.broadcast %mul3A_194 : f32 to vector<16xf32>
      %mul3A_196 = arith.mulf %gather3A_165, %mul3A_195 : vector<16xf32>
      %max3A = arith.constant 0.000000e+00 : f32
      %max3A_197 = vector.broadcast %max3A : f32 to vector<16xf32>
      %max3A_198 = arith.maximumf %mul3A_196, %max3A_197 : vector<16xf32>
      tpu.vector_store_idx %arg17[%shift_right_arithmetic3A_138], %max3A_198 masked %lt3A_134 : memref<1024xf32, #tpu.memory_space<vmem>>[vector<16xi32>], vector<16xf32>, vector<16xi1>
      %while3A_199 = arith.constant 0 : i32
      scf.yield %while3A_199 : i32
    }
    %while3A_76 = arith.constant 1 : i32
    %while3A_77 = scf.for %while3A_128 = %while3A_73 to %while3A_69 step %while3A_76 iter_args(%while3A_129 = %while3A_75) -> (i32)  : i32 {
      %mul3A_130 = arith.constant 16 : i32
      %mul3A_131 = arith.muli %while3A_128, %mul3A_130 : i32
      %add3A_132 = vector.broadcast %mul3A_131 : i32 to vector<16xi32>
      %add3A_133 = arith.addi %add3A_132, %iota3A : vector<16xi32>
      %lt3A = vector.broadcast %scan3A_46 : i32 to vector<16xi32>
      %lt3A_134 = arith.cmpi slt, %add3A_133, %lt3A : vector<16xi32>
      %get3A = arith.index_cast %mul3A_131 : i32 to index
      %get3A_135 = tpu.vector_load %arg15[%get3A] {strides = array<i32>} : memref<1152xi32, #tpu.memory_space<vmem>>, vector<16xi32>,
      %shift_right_arithmetic3A_136 = arith.constant 4 : i32
      %shift_right_arithmetic3A_137 = vector.broadcast %shift_right_arithmetic3A_136 : i32 to vector<16xi32>
      %shift_right_arithmetic3A_138 = arith.shrsi %get3A_135, %shift_right_arithmetic3A_137 : vector<16xi32>
      %and3A_139 = arith.constant 15 : i32
      %and3A_140 = vector.broadcast %and3A_139 : i32 to vector<16xi32>
      %and3A_141 = arith.andi %get3A_135, %and3A_140 : vector<16xi32>
      %shift_right_arithmetic3A_142 = arith.constant 7 : i32
      %shift_right_arithmetic3A_143 = vector.broadcast %shift_right_arithmetic3A_142 : i32 to vector<16xi32>
      %shift_right_arithmetic3A_144 = arith.shrsi %add3A_133, %shift_right_arithmetic3A_143 : vector<16xi32>
      %and3A_145 = arith.constant 127 : i32
      %and3A_146 = vector.broadcast %and3A_145 : i32 to vector<16xi32>
      %and3A_147 = arith.andi %add3A_133, %and3A_146 : vector<16xi32>
      %shift_right_arithmetic3A_148 = arith.constant 7 : i32
      %shift_right_arithmetic3A_149 = vector.broadcast %shift_right_arithmetic3A_148 : i32 to vector<16xi32>
      %shift_right_arithmetic3A_150 = arith.shrsi %shift_right_arithmetic3A_138, %shift_right_arithmetic3A_149 : vector<16xi32>
      %and3A_151 = arith.constant 127 : i32
      %and3A_152 = vector.broadcast %and3A_151 : i32 to vector<16xi32>
      %and3A_153 = arith.andi %shift_right_arithmetic3A_138, %and3A_152 : vector<16xi32>
      %gather3A = tpu.vector_load_idx %arg18[%shift_right_arithmetic3A_144, %and3A_147, %and3A_141] masked %lt3A_134 : memref<36x128x16xf32, #tpu.memory_space<vmem>>[vector<16xi32>, vector<16xi32>, vector<16xi32>], vector<16xf32>, vector<16xi1>
      %add3A_154 = arith.constant 9 : i32
      %add3A_155 = vector.broadcast %add3A_154 : i32 to vector<16xi32>
      %add3A_156 = arith.addi %add3A_155, %shift_right_arithmetic3A_144 : vector<16xi32>
      %gather3A_157 = tpu.vector_load_idx %arg18[%add3A_156, %and3A_147, %and3A_141] masked %lt3A_134 : memref<36x128x16xf32, #tpu.memory_space<vmem>>[vector<16xi32>, vector<16xi32>, vector<16xi32>], vector<16xf32>, vector<16xi1>
      %add3A_158 = arith.constant 18 : i32
      %add3A_159 = vector.broadcast %add3A_158 : i32 to vector<16xi32>
      %add3A_160 = arith.addi %add3A_159, %shift_right_arithmetic3A_144 : vector<16xi32>
      %gather3A_161 = tpu.vector_load_idx %arg18[%add3A_160, %and3A_147, %and3A_141] masked %lt3A_134 : memref<36x128x16xf32, #tpu.memory_space<vmem>>[vector<16xi32>, vector<16xi32>, vector<16xi32>], vector<16xf32>, vector<16xi1>
      %add3A_162 = arith.constant 27 : i32
      %add3A_163 = vector.broadcast %add3A_162 : i32 to vector<16xi32>
      %add3A_164 = arith.addi %add3A_163, %shift_right_arithmetic3A_144 : vector<16xi32>
      %gather3A_165 = tpu.vector_load_idx %arg18[%add3A_164, %and3A_147, %and3A_141] masked %lt3A_134 : memref<36x128x16xf32, #tpu.memory_space<vmem>>[vector<16xi32>, vector<16xi32>, vector<16xi32>], vector<16xf32>, vector<16xi1>
      %neg3A = arith.constant 0.000000e+00 : f32
      %neg3A_166 = vector.broadcast %neg3A : f32 to vector<16xf32>
      %neg3A_167 = arith.subf %neg3A_166, %gather3A : vector<16xf32>
      %exp3A = math.exp %neg3A_167 : vector<16xf32>
      %add3A_168 = arith.constant 1.000000e+00 : f32
      %add3A_169 = vector.broadcast %add3A_168 : f32 to vector<16xf32>
      %add3A_170 = arith.addf %add3A_169, %exp3A : vector<16xf32>
      %div3A_171 = arith.constant 1.000000e+00 : f32
      %div3A_172 = vector.broadcast %div3A_171 : f32 to vector<16xf32>
      %div3A_173 = arith.divf %div3A_172, %add3A_170 : vector<16xf32>
      tpu.vector_store_idx %arg16[%shift_right_arithmetic3A_150, %broadcast_in_dim3A_5, %and3A_153], %div3A_173 masked %lt3A_134 : memref<8x4x128xf32, #tpu.memory_space<vmem>>[vector<16xi32>, vector<16xi32>, vector<16xi32>], vector<16xf32>, vector<16xi1>
      %neg3A_174 = arith.constant 0.000000e+00 : f32
      %neg3A_175 = vector.broadcast %neg3A_174 : f32 to vector<16xf32>
      %neg3A_176 = arith.subf %neg3A_175, %gather3A_157 : vector<16xf32>
      %exp3A_177 = math.exp %neg3A_176 : vector<16xf32>
      %add3A_178 = arith.constant 1.000000e+00 : f32
      %add3A_179 = vector.broadcast %add3A_178 : f32 to vector<16xf32>
      %add3A_180 = arith.addf %add3A_179, %exp3A_177 : vector<16xf32>
      %div3A_181 = arith.constant 1.000000e+00 : f32
      %div3A_182 = vector.broadcast %div3A_181 : f32 to vector<16xf32>
      %div3A_183 = arith.divf %div3A_182, %add3A_180 : vector<16xf32>
      tpu.vector_store_idx %arg16[%shift_right_arithmetic3A_150, %add3A_8, %and3A_153], %div3A_183 masked %lt3A_134 : memref<8x4x128xf32, #tpu.memory_space<vmem>>[vector<16xi32>, vector<16xi32>, vector<16xi32>], vector<16xf32>, vector<16xi1>
      %neg3A_184 = arith.constant 0.000000e+00 : f32
      %neg3A_185 = vector.broadcast %neg3A_184 : f32 to vector<16xf32>
      %neg3A_186 = arith.subf %neg3A_185, %gather3A_161 : vector<16xf32>
      %exp3A_187 = math.exp %neg3A_186 : vector<16xf32>
      %add3A_188 = arith.constant 1.000000e+00 : f32
      %add3A_189 = vector.broadcast %add3A_188 : f32 to vector<16xf32>
      %add3A_190 = arith.addf %add3A_189, %exp3A_187 : vector<16xf32>
      %div3A_191 = arith.constant 1.000000e+00 : f32
      %div3A_192 = vector.broadcast %div3A_191 : f32 to vector<16xf32>
      %div3A_193 = arith.divf %div3A_192, %add3A_190 : vector<16xf32>
      tpu.vector_store_idx %arg16[%shift_right_arithmetic3A_150, %add3A_11, %and3A_153], %div3A_193 masked %lt3A_134 : memref<8x4x128xf32, #tpu.memory_space<vmem>>[vector<16xi32>, vector<16xi32>, vector<16xi32>], vector<16xf32>, vector<16xi1>
      %mul3A_194 = arith.constant 1.000000e+01 : f32
      %mul3A_195 = vector.broadcast %mul3A_194 : f32 to vector<16xf32>
      %mul3A_196 = arith.mulf %gather3A_165, %mul3A_195 : vector<16xf32>
      %max3A = arith.constant 0.000000e+00 : f32
      %max3A_197 = vector.broadcast %max3A : f32 to vector<16xf32>
      %max3A_198 = arith.maximumf %mul3A_196, %max3A_197 : vector<16xf32>
      tpu.vector_store_idx %arg17[%shift_right_arithmetic3A_138], %max3A_198 masked %lt3A_134 : memref<1024xf32, #tpu.memory_space<vmem>>[vector<16xi32>], vector<16xf32>, vector<16xi1>
      %while3A_199 = arith.constant 0 : i32
      scf.yield %while3A_199 : i32
    }
    %mul3A_78 = arith.constant 32768 : i32
    %mul3A_79 = arith.muli %add3A, %mul3A_78 : i32
    %add3A_80 = arith.constant 31744 : i32
    %add3A_81 = arith.addi %mul3A_79, %add3A_80 : i32
    %jit3A = arith.constant 128 : i32
    %div3A = arith.divsi %add3A_81, %jit3A : i32
    %sign3A = arith.constant 0 : i32
    %sign3A_82 = arith.cmpi sgt, %add3A_81, %sign3A : i32
    %sign3A_83 = arith.extui %sign3A_82 : i1 to i32
    %sign3A_84 = arith.constant 0 : i32
    %sign3A_85 = arith.cmpi slt, %add3A_81, %sign3A_84 : i32
    %sign3A_86 = arith.extui %sign3A_85 : i1 to i32
    %sign3A_87 = arith.subi %sign3A_83, %sign3A_86 : i32
    %sign3A_88 = arith.constant 0 : i32
    %sign3A_89 = arith.cmpi sgt, %jit3A, %sign3A_88 : i32
    %sign3A_90 = arith.extui %sign3A_89 : i1 to i32
    %sign3A_91 = arith.constant 0 : i32
    %sign3A_92 = arith.cmpi slt, %jit3A, %sign3A_91 : i32
    %sign3A_93 = arith.extui %sign3A_92 : i1 to i32
    %sign3A_94 = arith.subi %sign3A_90, %sign3A_93 : i32
    %ne3A = arith.cmpi ne, %sign3A_87, %sign3A_94 : i32
    %rem3A = arith.remsi %add3A_81, %jit3A : i32
    %ne3A_95 = arith.constant 0 : i32
    %ne3A_96 = arith.cmpi ne, %rem3A, %ne3A_95 : i32
    %and3A = arith.andi %ne3A, %ne3A_96 : i1
    %sub3A = arith.constant 1 : i32
    %sub3A_97 = arith.subi %div3A, %sub3A : i32
    %select_n3A = arith.select %and3A, %sub3A_97, %div3A : i32
    "tpu.region"() ({
      %run_scoped3A = tpu.sem_alloc : memref<!tpu.dma_semaphore, #tpu.memory_space<semaphore_mem>>
      %dma_start3A_128 = arith.constant 0 : i32
      %dma_start3A_129 = arith.constant 0 : i32
      %dma_start3A_130 = tpu.memref_slice %arg6[%select_n3A, %dma_start3A_128, %dma_start3A_129] : memref<8192x4x128xf32, #tpu.memory_space<hbm>> -> memref<8x4x128xf32, #tpu.memory_space<hbm>>
      %dma_start3A_131 = arith.constant 0 : i32
      %dma_start3A_132 = arith.constant 0 : i32
      %dma_start3A_133 = tpu.memref_slice %arg6[%select_n3A, %dma_start3A_131, %dma_start3A_132] : memref<8192x4x128xf32, #tpu.memory_space<hbm>> -> memref<8x4x128xf32, #tpu.memory_space<hbm>>
      tpu.enqueue_dma source(%arg16 : memref<8x4x128xf32, #tpu.memory_space<vmem>>) target(%dma_start3A_133 : memref<8x4x128xf32, #tpu.memory_space<hbm>>) target_semaphore(%run_scoped3A : memref<!tpu.dma_semaphore, #tpu.memory_space<semaphore_mem>>)
      %dma_wait3A_134 = arith.constant 0 : i32
      %dma_wait3A_135 = arith.constant 0 : i32
      %dma_wait3A_136 = tpu.memref_slice %arg6[%select_n3A, %dma_wait3A_134, %dma_wait3A_135] : memref<8192x4x128xf32, #tpu.memory_space<hbm>> -> memref<8x4x128xf32, #tpu.memory_space<hbm>>
      %dma_wait3A_137 = arith.constant 0 : i32
      %dma_wait3A_138 = arith.constant 0 : i32
      %dma_wait3A_139 = tpu.memref_slice %arg6[%select_n3A, %dma_wait3A_137, %dma_wait3A_138] : memref<8192x4x128xf32, #tpu.memory_space<hbm>> -> memref<8x4x128xf32, #tpu.memory_space<hbm>>
      tpu.wait_dma2 semaphore(%run_scoped3A : memref<!tpu.dma_semaphore, #tpu.memory_space<semaphore_mem>>) src(%arg16 : memref<8x4x128xf32, #tpu.memory_space<vmem>>) dst(%dma_wait3A_139 : memref<8x4x128xf32, #tpu.memory_space<hbm>>)
      tpu.yield
    }) : () -> ()
    "tpu.region"() ({
      %run_scoped3A = tpu.sem_alloc : memref<!tpu.dma_semaphore, #tpu.memory_space<semaphore_mem>>
      %dma_start3A_128 = tpu.memref_slice %arg7[%add3A_81] : memref<1048576xf32, #tpu.memory_space<hbm>> -> memref<1024xf32, #tpu.memory_space<hbm>>
      %dma_start3A_129 = tpu.memref_slice %arg7[%add3A_81] : memref<1048576xf32, #tpu.memory_space<hbm>> -> memref<1024xf32, #tpu.memory_space<hbm>>
      tpu.enqueue_dma source(%arg17 : memref<1024xf32, #tpu.memory_space<vmem>>) target(%dma_start3A_129 : memref<1024xf32, #tpu.memory_space<hbm>>) target_semaphore(%run_scoped3A : memref<!tpu.dma_semaphore, #tpu.memory_space<semaphore_mem>>)
      %dma_wait3A_130 = tpu.memref_slice %arg7[%add3A_81] : memref<1048576xf32, #tpu.memory_space<hbm>> -> memref<1024xf32, #tpu.memory_space<hbm>>
      %dma_wait3A_131 = tpu.memref_slice %arg7[%add3A_81] : memref<1048576xf32, #tpu.memory_space<hbm>> -> memref<1024xf32, #tpu.memory_space<hbm>>
      tpu.wait_dma2 semaphore(%run_scoped3A : memref<!tpu.dma_semaphore, #tpu.memory_space<semaphore_mem>>) src(%arg17 : memref<1024xf32, #tpu.memory_space<vmem>>) dst(%dma_wait3A_131 : memref<1024xf32, #tpu.memory_space<hbm>>)
      tpu.yield
    }) : () -> ()
    %mul3A_98 = arith.constant 32768 : i32
    %mul3A_99 = arith.muli %add3A, %mul3A_98 : i32
    %add3A_100 = arith.constant 0 : i32
    %add3A_101 = arith.addi %mul3A_99, %add3A_100 : i32
    %dma_wait3A = arith.constant 0 : i32
    %dma_wait3A_102 = arith.constant 0 : i32
    %dma_wait3A_103 = tpu.memref_slice %arg8[%dma_wait3A, %dma_wait3A_102] : memref<3x1024xf32, #tpu.memory_space<vmem>> -> memref<1x1024xf32, #tpu.memory_space<vmem>>
    %dma_wait3A_104 = tpu.memref_squeeze %dma_wait3A_103 : memref<1x1024xf32, #tpu.memory_space<vmem>> -> memref<1024xf32, #tpu.memory_space<vmem>>
    %dma_wait3A_105 = tpu.memref_slice %arg2[%add3A_101] : memref<1048576xf32, #tpu.memory_space<hbm>> -> memref<1024xf32, #tpu.memory_space<hbm>>
    %dma_wait3A_106 = arith.constant 0 : i32
    %dma_wait3A_107 = tpu.memref_slice %arg8[%dma_wait3A, %dma_wait3A_106] : memref<3x1024xf32, #tpu.memory_space<vmem>> -> memref<1x1024xf32, #tpu.memory_space<vmem>>
    %dma_wait3A_108 = tpu.memref_squeeze %dma_wait3A_107 : memref<1x1024xf32, #tpu.memory_space<vmem>> -> memref<1024xf32, #tpu.memory_space<vmem>>
    %dma_wait3A_109 = tpu.memref_slice %arg2[%add3A_101] : memref<1048576xf32, #tpu.memory_space<hbm>> -> memref<1024xf32, #tpu.memory_space<hbm>>
    tpu.wait_dma2 semaphore(%arg21 : memref<!tpu.dma_semaphore, #tpu.memory_space<semaphore_mem>>) src(%dma_wait3A_109 : memref<1024xf32, #tpu.memory_space<hbm>>) dst(%dma_wait3A_108 : memref<1024xf32, #tpu.memory_space<vmem>>)
    %dma_wait3A_110 = arith.constant 1 : i32
    %dma_wait3A_111 = arith.constant 0 : i32
    %dma_wait3A_112 = tpu.memref_slice %arg8[%dma_wait3A_110, %dma_wait3A_111] : memref<3x1024xf32, #tpu.memory_space<vmem>> -> memref<1x1024xf32, #tpu.memory_space<vmem>>
    %dma_wait3A_113 = tpu.memref_squeeze %dma_wait3A_112 : memref<1x1024xf32, #tpu.memory_space<vmem>> -> memref<1024xf32, #tpu.memory_space<vmem>>
    %dma_wait3A_114 = tpu.memref_slice %arg3[%add3A_101] : memref<1048576xf32, #tpu.memory_space<hbm>> -> memref<1024xf32, #tpu.memory_space<hbm>>
    %dma_wait3A_115 = arith.constant 0 : i32
    %dma_wait3A_116 = tpu.memref_slice %arg8[%dma_wait3A_110, %dma_wait3A_115] : memref<3x1024xf32, #tpu.memory_space<vmem>> -> memref<1x1024xf32, #tpu.memory_space<vmem>>
    %dma_wait3A_117 = tpu.memref_squeeze %dma_wait3A_116 : memref<1x1024xf32, #tpu.memory_space<vmem>> -> memref<1024xf32, #tpu.memory_space<vmem>>
    %dma_wait3A_118 = tpu.memref_slice %arg3[%add3A_101] : memref<1048576xf32, #tpu.memory_space<hbm>> -> memref<1024xf32, #tpu.memory_space<hbm>>
    tpu.wait_dma2 semaphore(%arg21 : memref<!tpu.dma_semaphore, #tpu.memory_space<semaphore_mem>>) src(%dma_wait3A_118 : memref<1024xf32, #tpu.memory_space<hbm>>) dst(%dma_wait3A_117 : memref<1024xf32, #tpu.memory_space<vmem>>)
    %dma_wait3A_119 = arith.constant 2 : i32
    %dma_wait3A_120 = arith.constant 0 : i32
    %dma_wait3A_121 = tpu.memref_slice %arg8[%dma_wait3A_119, %dma_wait3A_120] : memref<3x1024xf32, #tpu.memory_space<vmem>> -> memref<1x1024xf32, #tpu.memory_space<vmem>>
    %dma_wait3A_122 = tpu.memref_squeeze %dma_wait3A_121 : memref<1x1024xf32, #tpu.memory_space<vmem>> -> memref<1024xf32, #tpu.memory_space<vmem>>
    %dma_wait3A_123 = tpu.memref_slice %arg4[%add3A_101] : memref<1048576xf32, #tpu.memory_space<hbm>> -> memref<1024xf32, #tpu.memory_space<hbm>>
    %dma_wait3A_124 = arith.constant 0 : i32
    %dma_wait3A_125 = tpu.memref_slice %arg8[%dma_wait3A_119, %dma_wait3A_124] : memref<3x1024xf32, #tpu.memory_space<vmem>> -> memref<1x1024xf32, #tpu.memory_space<vmem>>
    %dma_wait3A_126 = tpu.memref_squeeze %dma_wait3A_125 : memref<1x1024xf32, #tpu.memory_space<vmem>> -> memref<1024xf32, #tpu.memory_space<vmem>>
    %dma_wait3A_127 = tpu.memref_slice %arg4[%add3A_101] : memref<1048576xf32, #tpu.memory_space<hbm>> -> memref<1024xf32, #tpu.memory_space<hbm>>
    tpu.wait_dma2 semaphore(%arg21 : memref<!tpu.dma_semaphore, #tpu.memory_space<semaphore_mem>>) src(%dma_wait3A_127 : memref<1024xf32, #tpu.memory_space<hbm>>) dst(%dma_wait3A_126 : memref<1024xf32, #tpu.memory_space<vmem>>)
    return
  }
}

</mosaic_0001>

<sc_bundles>
// kernel: _sc_voxels.3.cloned.1.call-start
scs
__scs_entry_jumppad:
0x0: {  	(pc) =	sbr.rel $0x88, $3  }
0x1: {  	(tag) =	ssettag $0x0;
	lr =	simm.s32 $0x1  }
0x2: {  	[smem:$0x3F9D] =	sst lr;
	_ =	strace $0xD0000000  }
0x3: {  	_ = 	snop  }
0x4: {  	_ = 	snop  }
0x5: {  	_ = 	snop  }
0x6: {  	_ = 	snop  }
0x7: {  	_ = 	snop  }
__scs_overlays_trampoline_lowered:
0x8: {  	[smem:$0x3FAC] =	sst s0  }
0x9: {  	[smem:$0x3FAD] =	sst s1  }
0xa: {  	[smem:$0x3FAE] =	sst s2  }
0xb: {  	[smem:$0x3FAF] =	sst s3  }
0xc: {  	[smem:$0x3FB0] =	sst s4  }
0xd: {  	[smem:$0x3FB1] =	sst s5  }
0xe: {  	[smem:$0x3FB2] =	sst s6  }
0xf: {  	[smem:$0x3FB3] =	sst s7  }
0x10: {  	[smem:$0x3FB4] =	sst s8  }
0x11: {  	[smem:$0x3FB5] =	sst s9;
	s0 =	simm.s32 @!p0 $0x0  }
0x12: {  	s1 =	sld [smem:$0x3F9B];
	s0 =	simm.s32 @p0 $0x1  }
0x13: {  	[smem:$0x3FB6] =	sst s0;
	s0 =	simm.s32 @!p1 $0x0  }
0x14: {  	s2 =	sld [smem:$0x3F9A];
	s0 =	simm.s32 @p1 $0x1  }
0x15: {  	[smem:$0x3FB7] =	sst s0;
	s0 =	simm.s32 @!p2 $0x0  }
0x16: {  	s3 =	sld [smem:$0x3FDB];
	s0 =	simm.s32 @p2 $0x1  }
0x17: {  	s4 =	simm.s32 $0x1BF5;
	[smem:$0x3FB9] =	sst s0  }
0x18: {  	s0 =	sld [smem:$0x3F9C];
	_ =	swait.ge [sflag:s4], $0x0  }
0x19: {  	s7 =	sld [smem:$0x3F9D]  }
0x1a: {  	s8 =	sadd.s32 $0xFFFFE003, lr  }
0x1b: {  	s9 =	sadd.s32 $0xFFFFFEF7, lr;
	s5 =	simm.s32 $0xFFFFFFFF;
	p2 =	slt.u32 s8, $0xFFFFF086  }
0x1c: {  	p1 =	slt.u32 s9, $0xF7A;
	s5 =	simm.s32 @!p2 $0x0  }
0x1d: {  	s5 =	simm.s32 @p1 $0x1;
	p0 =	seq.s32 s7, s2  }
0x1e: {  	s7 =	smul.u32 @!p0 $0xF7A, s2;
	p2 =	seq.s32 @!p0 s5, $0x0  }
0x1f: {  	s9 =	smul.u32 $0xF7A, s1;
	s8 =	simm.s32 @!p0 $0x1BF5;
	p2 =	por !p2, p0  }
0x20: {  	[sflag:s8] =	ssyncset.s32 @!p0 $0xFFFFF086;
	s6 =	sadd.s32 @!p0 s3, s7;
	s7 =	simm.s32 @!p0 $0x108  }
0x21: {  	s3 =	sadd.s32 s3, s9;
	s6 =	sadd.s32 @!p0 $0x88, s6;
	s7 =	simm.s32 @p2 $0x1082  }
0x22: {  	[simem:s7], [sflag:s8] =	dma.local @!p0 [hbm:s6], $0xF7A  }
0x23: {  	s9 =	sor.u32 $0xD0000000, s2;
	s6 =	simm.s32 $0x108;
	_ =	swait.ge @!p0 [sflag:s8], $0x0  }
0x24: {  	s3 =	sadd.s32 $0x88, s3;
	s6 =	simm.s32 @!p1 $0x1082;
	[sflag:s4] =	ssyncset.s32 $0xFFFFF086  }
0x25: {  	[simem:s6], [sflag:s4] =	dma.local [hbm:s3], $0xF7A  }
0x26: {  	[smem:$0x3F9D] =	sst s1;
	(tag) =	ssettag s2;
	_ =	strace s9  }
0x27: {  	s1 =	sld [smem:$0x3FAD]  }
0x28: {  	s2 =	sld [smem:$0x3FAE]  }
0x29: {  	s4 =	sld [smem:$0x3FB0]  }
0x2a: {  	p0 =	seq.s32 s5, $0x0;
	s5 =	sld [smem:$0x3FB1]  }
0x2b: {  	s6 =	sld [smem:$0x3FB2]  }
0x2c: {  	s7 =	sld [smem:$0x3FB3]  }
0x2d: {  	s3 =	simm.s32 $0x108;
	s8 =	sld [smem:$0x3FB4]  }
0x2e: {  	s3 =	simm.s32 @!p0 $0x1082;
	s9 =	sld [smem:$0x3FB5]  }
0x2f: {  	lr =	sadd.s32 s0, s3;
	s0 =	sld [smem:$0x3FAC]  }
0x30: {  	s3 =	sld [smem:$0x3FAF]  }
0x31: {  	[smem:$0x3FB8] =	sst s10  }
0x32: {  	s10 =	sld [smem:$0x3FB6];
	_ =	sdelay $0x3  }
0x33: {  	p0 =	seq.s32 s10, $0x1;
	s10 =	sld [smem:$0x3FB8];
	_ =	sdelay $0x3  }
0x34: {  	[smem:$0x3FB8] =	sst s10  }
0x35: {  	s10 =	sld [smem:$0x3FB7];
	_ =	sdelay $0x3  }
0x36: {  	p1 =	seq.s32 s10, $0x1;
	s10 =	sld [smem:$0x3FB8];
	_ =	sdelay $0x3  }
0x37: {  	[smem:$0x3FB8] =	sst s10  }
0x38: {  	s10 =	sld [smem:$0x3FB9]  }
0x39: {  	_ = 	snop;
	(pc) =	sbr.ind lr, $3  }
0x3a: {  	_ = 	snop  }
0x3b: {  	_ = 	snop  }
0x3c: {  	p2 =	seq.s32 s10, $0x1;
	s10 =	sld [smem:$0x3FB8]  }
0x3d: {  	_ =	shalt  }
0x3e: {  	_ =	shalt  }
0x3f: {  	_ =	shalt  }
0x40: {  	_ =	shalt  }
0x41: {  	_ =	shalt  }
0x42: {  	_ =	shalt  }
0x43: {  	_ =	shalt  }
0x44: {  	_ =	shalt  }
0x45: {  	_ =	shalt  }
0x46: {  	_ =	shalt  }
0x47: {  	_ =	shalt  }
0x48: {  	_ =	shalt  }
0x49: {  	_ =	shalt  }
0x4a: {  	_ =	shalt  }
0x4b: {  	_ =	shalt  }
0x4c: {  	_ =	shalt  }
0x4d: {  	_ =	shalt  }
0x4e: {  	_ =	shalt  }
0x4f: {  	_ =	shalt  }
0x50: {  	_ =	shalt  }
0x51: {  	_ =	shalt  }
0x52: {  	_ =	shalt  }
0x53: {  	_ =	shalt  }
0x54: {  	_ =	shalt  }
0x55: {  	_ =	shalt  }
0x56: {  	_ =	shalt  }
0x57: {  	_ =	shalt  }
0x58: {  	_ =	shalt  }
0x59: {  	_ =	shalt  }
0x5a: {  	_ =	shalt  }
0x5b: {  	_ =	shalt  }
0x5c: {  	_ =	shalt  }
0x5d: {  	_ =	shalt  }
0x5e: {  	_ =	shalt  }
0x5f: {  	_ =	shalt  }
0x60: {  	_ =	shalt  }
0x61: {  	_ =	shalt  }
0x62: {  	_ =	shalt  }
0x63: {  	_ =	shalt  }
0x64: {  	_ =	shalt  }
0x65: {  	_ =	shalt  }
0x66: {  	_ =	shalt  }
0x67: {  	_ =	shalt  }
0x68: {  	_ =	shalt  }
0x69: {  	_ =	shalt  }
0x6a: {  	_ =	shalt  }
0x6b: {  	_ =	shalt  }
0x6c: {  	_ =	shalt  }
0x6d: {  	_ =	shalt  }
0x6e: {  	_ =	shalt  }
0x6f: {  	_ =	shalt  }
0x70: {  	_ =	shalt  }
0x71: {  	_ =	shalt  }
0x72: {  	_ =	shalt  }
0x73: {  	_ =	shalt  }
0x74: {  	_ =	shalt  }
0x75: {  	_ =	shalt  }
0x76: {  	_ =	shalt  }
0x77: {  	_ =	shalt  }
0x78: {  	_ =	shalt  }
0x79: {  	_ =	shalt  }
0x7a: {  	_ =	shalt  }
0x7b: {  	_ =	shalt  }
0x7c: {  	_ =	shalt  }
0x7d: {  	_ =	shalt  }
0x7e: {  	_ =	shalt  }
0x7f: {  	_ =	shalt  }
0x80: {  	_ =	shalt  }
0x81: {  	_ =	shalt  }
0x82: {  	_ =	shalt  }
0x83: {  	_ =	shalt  }
0x84: {  	_ =	shalt  }
0x85: {  	_ =	shalt  }
0x86: {  	_ =	shalt  }
0x87: {  	_ =	shalt  }
.Lfunc_end0:
.L_simem_size_0:
called_computation_lowered:
.L_overlay_start_0:
0x88: {  	s2 =	sld [smem:$0x3FD9]  }
0x89: {  	s3 =	sld [smem:$0x3FFE];
	_ =	sdelay $0x1  }
0x8a: {  	s1 =	srdreg.scid  }
0x8b: {  	s0 =	sand.u32 $0x1, s1  }
0x8c: {  	s14 =	sshll.u32 s0, $0xA;
	s2 =	sadd.s32 s3, s2  }
0x8d: {  	s2 =	sadd.s32 s2, s14  }
0x8e: {  	[smem:$0x3FC4] =	sst s2  }
0x8f: {  	_ = 	snop  }
0x90: {  	s2 =	sld [smem:$0x3FD0]  }
0x91: {  	s15 =	sld [smem:$0x3FC9]  }
0x92: {  	s4 =	sld [smem:$0x3FC8]  }
0x93: {  	s6 =	simm.s32 $0xA;
	s7 =	simm.s32 $0x10;
	s5 =	sld [smem:$0x3FC7]  }
0x94: {  	[smem:s7], [sflag:s6] =	dma.local [hbm:s2], $0x1  }
0x95: {  	_ =	swait.eq [sflag:s6], $0x1  }
0x96: {  	[sflag:s6] =	ssyncset.done $0x0  }
0x97: {  	s16 =	sld [smem:$0x10];
	[sflag:s6] =	ssyncadd.s32 $0xFFFFFFFF  }
0x98: {  	s17 =	sld [smem:$0x11];
	(tm) =	ssettm $0x1  }
0x99: {  	s18 =	sld [smem:$0x3FFB];
	_ =	sdelay $0x3  }
0x9a: {  	_ =	strace s18  }
0x9b: {  	s7 =	sld [smem:$0x3FFC];
	_ =	sdelay $0x3  }
0x9c: {  	_ =	strace s7  }
0x9d: {  	s7 =	sld [smem:$0x3FFD];
	_ =	sdelay $0x3  }
0x9e: {  	_ =	strace s7  }
0x9f: {  	_ =	strace $0x8FFFFFFF  }
0xa0: {  	s19 =	sld [smem:$0x3FDB];
	_ =	sdelay $0x1  }
0xa1: {  	s8 =	simm.s32 $_scs_section_size  }
0xa2: {  	s9 =	simm.s32 $_size__tile_overlayer_lowered;
	s10 =	simm.s32 $_tile_overlayer_lowered  }
0xa3: {  	s22 =	simm.s32 $0x1BFF;
	s21 =	sshll.u32 s10, $0x1;
	s7 =	sadd.s32 s8, s19  }
0xa4: {  	s11 =	simm.s32 $0x0;
	s20 =	sshll.u32 s9, $0x1;
	s9 =	sadd.s32 s21, s7  }
0xa5: {  	[timem:s11], [sflag:s22] =	dma.local [hbm:s9], s20  }
0xa6: {  	_ =	swait.ge [sflag:s22], s20  }
0xa7: {  	s8 =	ssub.s32 $0x0, s20;
	[sflag:s22] =	ssyncset.done $0x0  }
0xa8: {  	[sflag:s22] =	ssyncadd.s32 s8;
	_ =	sdelay $0x1  }
0xa9: {  	s23 =	simm.s32 $0x1B8B  }
0xaa: {  	_ =	swait.ge [sflag:s23], $0x1  }
0xab: {  	[sflag:s23] =	ssyncset.done $0x0  }
0xac: {  	s25 =	simm.s32 $0x1B8E;
	s24 =	sld [smem:$0x3FFE];
	[sflag:s23] =	ssyncadd.s32 $0xFFFFFFFF  }
0xad: {  	s26 =	simm.s32 $execute0_lowered;
	[smem:$0x3FD2] =	sst s25  }
0xae: {  	s9 =	sshll.u32 s26, $0x1;
	_ =	strace $0x80000046;
	[dreg:$0x1] =	wrdreg $0xFFFFFFFF  }
0xaf: {  	s28 =	simm.s32 $_size_execute0_lowered;
	s7 =	sadd.s32 s7, s9;
	[dreg:$0x0] =	wrdreg $0x0  }
0xb0: {  	s9 =	sshll.u32 s28, $0x1;
	[dreg:$0x2] =	wrdreg s7  }
0xb1: {  	[dreg:$0x3] =	wrdreg s9  }
0xb2: {  	[dreg:$0x4] =	wrdreg $0xC0  }
0xb3: {  	_ =	task [dreg:s11], $0x5FFFF  }
0xb4: {  	[dreg:$0x1] =	wrdreg $0xFFFFFFFF  }
0xb5: {  	[dreg:$0x0] =	wrdreg $0x60  }
0xb6: {  	[dreg:$0x2] =	wrdreg s15  }
0xb7: {  	[dreg:$0x3] =	wrdreg s4  }
0xb8: {  	[dreg:$0x4] =	wrdreg s5  }
0xb9: {  	[dreg:$0x5] =	wrdreg s24  }
0xba: {  	[dreg:$0x6] =	wrdreg s16  }
0xbb: {  	[dreg:$0x7] =	wrdreg s17  }
0xbc: {  	[dreg:$0x8] =	wrdreg $0x9  }
0xbd: {  	_ =	task.clear_ibuf [dreg:s11], $0x9FFFF;
	_ =	strace $0x90000046  }
0xbe: {  	s29 =	simm.s32 $0x9;
	_ =	strace $0x80000048  }
0xbf: {  	_ =	swait.ge [sflag:s29], $0x1  }
0xc0: {  	[sflag:s29] =	ssyncadd.s32 $0xFFFFFFFF  }
0xc1: {  	_ =	strace $0x90000048  }
0xc2: {  	_ =	sfence  }
0xc3: {  	s30 =	sld [smem:$0x0];
	_ =	sdelay $0x2  }
0xc4: {  	s31 =	sshll.u32 s1, $0xD;
	s1 =	sshrl.u32 s1, $0x2  }
0xc5: {  	s3 =	sand.u32 $0x4000, s31;
	s1 =	sadd.s32 s1, s30  }
0xc6: {  	s0 =	sor.u32 s3, s0;
	s1 =	sshll.u32 s1, $0x11  }
0xc7: {  	s0 =	sor.u32 s1, s0  }
0xc8: {  	s0 =	sadd.s32 $0x8F2B, s0  }
0xc9: {  	[sflag:s0] =	ssyncadd.remote.s32 $0x1  }
0xca: {  	_ =	sfence.sel $0xFFFF  }
0xcb: {  	[dreg:$0x0] =	wrdreg $0xFFFFFFFF;
	(pc) =	sbr.abs _section_cstart, $3  }
0xcc: {  	[dreg:$0x1] =	wrdreg $0xFFFFFFFF  }
0xcd: {  	_ =	task.clear_ibuf [dreg:s11], $0x2FFFF;
	_ =	strace $0x9FFFFFFF  }
0xce: {  	(tm) =	ssettm $0x7FFFFFFF  }
0xcf: {  	_ =	shalt  }
tec
execute0_lowered:
.L_overlay_start_1:
0x0: {  	(tag) =	ssettag $0x1  }
0x1: {  	s5 =	rddreg [dreg:$0x0]  }
0x2: {  	s6 =	rddreg [dreg:$0x1]  }
0x3: {  	s7 =	rddreg [dreg:$0x2]  }
0x4: {  	s0 =	rddreg [dreg:$0x3]  }
0x5: {  	s9 =	rddreg [dreg:$0x4]  }
0x6: {  	s10 =	rddreg [dreg:$0x5];
	s1 =	srdreg.scid  }
0x7: {  	s17 =	simm.s32 $0x0;
	s3 =	stileid.u32;
	s19 =	simm.s32 $0x3  }
0x8: {  	s28 =	simm.s32 $0x4280;
	s29 =	simm.s32 $0x5480;
	s30 =	simm.s32 $0x1  }
0x9: {  	s31 =	simm.s32 $0x6D00;
	s11 =	simm.s32 $0x2;
	s12 =	simm.s32 $0x5900  }
0xa: {  	s14 =	simm.s32 $0x6900;
	s1 =	sand.u32 $0x1, s1;
	s3 =	sshll.u32 s3, $0x1  }
0xb: {  	[smem:$0x7FF] =	sst s17;
	s2 =	ssub.s32 $0x2, s1;
	s1 =	sor.u32 s1, s3  }
0xc: {  	s8 =	sadd.s32 $0x4000800, s0;
	s21 =	sshll.u32 s1, $0xC;
	s3 =	sshll.u32 s1, $0xF  }
0xd: {  	v0 =	vlaneseq.u32;
	_ =	strace $0x80000047;
	s22 =	sadd.s32 s5, s21;
	[dreg:$0x7] =	wrdreg s3  }
0xe: {  	v2 =	vmul.u32 $0x20, v0;
	s4 =	sshrl.u32 s2, $0x1;
	s23 =	sadd.s32 s6, s21;
	[dreg:$0x8] =	wrdreg s22  }
0xf: {  	v11 =	vimm.s32 $0x0;
	v12 =	vimm.f32 $5.000000000e-01;
	v13 =	vor.u32 $0x480, v0;
	s20 =	ssub.s32 s2, s4;
	s2 =	sadd.s32 s7, s21;
	[dreg:$0x9] =	wrdreg s23  }
0x10: {  	v14 =	vor.u32 $0x900, v0;
	v15 =	vor.u32 $0xD80, v0;
	s1 =	sshll.u32 s1, $0x8;
	v9 =	vor.u32 $0xE00, v2;
	s25 =	sadd.s32 $0xFFFFFC00, s3;
	[dreg:$0xa] =	wrdreg s2  }
0x11: {  	v7 =	vor.u32 $0xC00, v2;
	v6 =	vor.u32 $0xA00, v2;
	v1 =	vmov s1;
	s24 =	sor.u32 $0x7C00, s3;
	s5 =	simm.s32 $0x3280;
	[dreg:$0xb] =	wrdreg s25  }
.Ltmp0:
0x12: {  	v5 =	vor.u32 $0x800, v2;
	v3 =	vor.u32 $0x400, v2;
	v8 =	vshll.u32 v1, $0x5;
	s26 =	sshrl.u32 s24, $0x1;
	s1 =	sshrl.u32 s24, $0x3;
	(pc) =	sbr.rel .LBB2_1-.Ltmp0, $4  }
0x13: {  	v4 =	vor.u32 $0x200, v2;
	v10 =	vor.u32 $0x600, v2;
	s0 =	smax.u32 s20, $0x1;
	s23 =	simm.s32 $0xC00;
	s24 =	simm.s32 $0x1E00;
	v1 =	vor.u32 v2, v8  }
0x14: {  	s25 =	simm.s32 $0x80;
	s2 =	sadd.s32 s9, s26;
	[dreg:$0xe] =	wrdreg s0;
	v2 =	vor.u32 v4, v8;
	v3 =	vor.u32 v3, v8;
	v4 =	vor.u32 v10, v8  }
0x15: {  	s1 =	sadd.s32 s10, s1;
	v5 =	vor.u32 v5, v8;
	v6 =	vor.u32 v6, v8;
	v7 =	vor.u32 v7, v8;
	s0 =	simm.s32 $0x2280;
	[dreg:$0xc] =	wrdreg s2  }
0x16: {  	v8 =	vor.u32 v9, v8;
	v9 =	vimm.f32 $0.0e+00;
	v10 =	vmul.u32 $0x10, v0;
	s10 =	simm.s32 $0x5;
	[dreg:$0xd] =	wrdreg s1;
	s2 =	simm.s32 $0x0  }
.LBB2_38:
0x17: {  	_ =	sdelay $0x4  }
0x18: {  	[tilespmem:v17+s14+$0x0] =	vst.idx.msk vm0, v18;
	s2 =	rddreg [dreg:$0xf]  }
.LBB2_39:
0x19: {  	s1 =	rddreg [dreg:$0xc]  }
0x1a: {  	[hbm4b:s1+s17] =	stream.linear.scatter [tilespmem:s12], [sflag:$0x5], $0x1000, $0x38;
	[tilespmem:$0x18D00] =	vst v63  }
0x1b: {  	_ =	swait.ge [sflag:s10], $0x1000  }
0x1c: {  	[sflag:s10] =	ssyncset.done $0x0  }
0x1d: {  	s22 =	rddreg [dreg:$0xd];
	[sflag:s10] =	ssyncadd.s32 $0xFFFFF000  }
0x1e: {  	[hbm4b:s22+s17] =	stream.linear.scatter [tilespmem:s14], [sflag:$0x5], $0x400, $0x38;
	[tilespmem:$0x18D00] =	vst v63  }
0x1f: {  	_ =	swait.ge [sflag:s10], $0x400  }
0x20: {  	[sflag:s10] =	ssyncset.done $0x0  }
0x21: {  	[sflag:s10] =	ssyncadd.s32 $0xFFFFFC00  }
0x22: {  	_ =	swait.ge [sflag:s19], $0x400  }
0x23: {  	[sflag:s19] =	ssyncset.done $0x0  }
0x24: {  	[sflag:s19] =	ssyncadd.s32 $0xFFFFFC00  }
0x25: {  	_ =	swait.ge [sflag:s19], $0x400  }
0x26: {  	[sflag:s19] =	ssyncset.done $0x0  }
0x27: {  	[sflag:s19] =	ssyncadd.s32 $0xFFFFFC00  }
0x28: {  	_ =	swait.ge [sflag:s19], $0x400  }
0x29: {  	s2 =	sadd.s32 $0x1, s2;
	s26 =	rddreg [dreg:$0xe]  }
0x2a: {  	p0 =	sne.s32 s2, s26  }
.Ltmp1:
0x2b: {  	_ = 	snop;
	(pc) =	sbr.rel @!p0 .LBB2_40-.Ltmp1, $3  }
0x2c: {  	_ =	sdelay $0x1  }
0x2d: {  	[sflag:s19] =	ssyncset.done $0x0  }
0x2e: {  	[sflag:s19] =	ssyncadd.s32 $0xFFFFFC00  }
.LBB2_1:
0x2f: {  	[dreg:$0xf] =	wrdreg s2  }
0x30: {  	s1 =	rddreg [dreg:$0x8]  }
0x31: {  	[tilespmem:s17], [sflag:$0x3] =	stream.linear.gather [hbm4b:s1+s17], $0x400, $0x38;
	[tilespmem:$0x18D00] =	vst v63  }
.Ltmp2:
0x32: {  	s20 =	rddreg [dreg:$0x9];
	(pc) =	sbr.rel .LBB2_2-.Ltmp2, $4  }
0x33: {  	s21 =	simm.s32 $0x400;
	s22 =	rddreg [dreg:$0xa]  }
0x34: {  	[tilespmem:s21], [sflag:$0x3] =	stream.linear.gather [hbm4b:s20+s17], $0x400, $0x38;
	[tilespmem:$0x18D00] =	vst v63  }
0x35: {  	s26 =	simm.s32 $0x800;
	s16 =	simm.s32 $0x0;
	s21 =	simm.s32 $0x0  }
0x36: {  	[tilespmem:s26], [sflag:$0x3] =	stream.linear.gather [hbm4b:s22+s17], $0x400, $0x38;
	[tilespmem:$0x18D00] =	vst v63  }
.LBB2_41:
0x37: {  	s16 =	sadd.s32 $0x1, s16  }
0x38: {  	p0 =	seq.s32 s16, $0x10  }
.Ltmp3:
0x39: {  	_ = 	snop;
	(pc) =	sbr.rel @p0 .LBB2_35-.Ltmp3, $1  }
0x3a: {  	_ =	sdelay $0x3  }
.LBB2_2:
0x3b: {  	_ =	swait.ge [sflag:s19], $0x400  }
0x3c: {  	[sflag:s19] =	ssyncset.done $0x0  }
0x3d: {  	[sflag:s19] =	ssyncadd.s32 $0xFFFFFC00  }
0x3e: {  	_ =	swait.ge [sflag:s19], $0x400  }
0x3f: {  	[sflag:s19] =	ssyncset.done $0x0  }
0x40: {  	s17 =	sshll.u32 s16, $0xB;
	s1 =	rddreg [dreg:$0x7];
	[sflag:s19] =	ssyncadd.s32 $0xFFFFFC00  }
0x41: {  	s1 =	sor.u32 s17, s1;
	_ =	swait.ge [sflag:s19], $0x400  }
0x42: {  	[dreg:$0x11] =	wrdreg s1;
	s1 =	sshrl.u32 s1, $0x3;
	[sflag:s19] =	ssyncset.done $0x0  }
0x43: {  	[dreg:$0x10] =	wrdreg s1;
	[sflag:s19] =	ssyncadd.s32 $0xFFFFFC00  }
0x44: {  	s13 =	simm.s32 $0x0;
	s1 =	sor.u32 $0x80, s1;
	s2 =	rddreg [dreg:$0x0]  }
0x45: {  	s3 =	simm.s32 $0x3680;
	s7 =	rddreg [dreg:$0x1];
	s2 =	sadd.s32 s2, s1  }
0x46: {  	[tilespmem:s3], [sflag:$0x4] =	stream.linear.gather [hbm4b:s2+s13], $0x400, $0x38;
	[tilespmem:$0x18D00] =	vst v63  }
0x47: {  	s9 =	simm.s32 $0x3A80;
	s15 =	rddreg [dreg:$0x2];
	s2 =	sadd.s32 s7, s1  }
0x48: {  	[tilespmem:s9], [sflag:$0x4] =	stream.linear.gather [hbm4b:s2+s13], $0x400, $0x38;
	[tilespmem:$0x18D00] =	vst v63  }
0x49: {  	s18 =	simm.s32 $0x3E80;
	s22 =	simm.s32 $0x0;
	s1 =	sadd.s32 s15, s1  }
0x4a: {  	[tilespmem:s18], [sflag:$0x4] =	stream.linear.gather [hbm4b:s1+s13], $0x400, $0x38;
	[tilespmem:$0x18D00] =	vst v63  }
0x4b: {  	v16 =	vld [tilespmem:s22+$0x0]  }
0x4c: {  	v17 =	vld [tilespmem:s22+$0x400]  }
0x4d: {  	v18 =	vld [tilespmem:s22+$0x800];
	_ =	sdelay $0x3  }
0x4e: {  	v19 =	vand.u32 $0x7FFFFFFF, v16;
	v20 =	vand.u32 $0x7FFFFFFF, v17  }
0x4f: {  	v21 =	vand.u32 $0x7FFFFFFF, v18;
	v19 =	vmax.f32 v19, v20  }
0x50: {  	v19 =	vmax.f32 v19, v21  }
0x51: {  	vm0 =	vlt.f32 v19, $1.000000000e+00  }
0x52: {  	v19 =	vsel vm0, $0x1, v11  }
0x53: {  	(xrf0) =	vadd.scan.msk.s32 $0xffff, v19  }
0x54: {  	v23 =	vld [tilespmem:s22+$0x410]  }
0x55: {  	v17 =	vmul.f32 $1.280000000e+02, v17  }
0x56: {  	v16 =	vmul.f32 $1.280000000e+02, v16;
	v21 =	vmov s13  }
0x57: {  	v18 =	vmul.f32 $1.280000000e+02, v18;
	v17 =	vadd.f32 $1.280000000e+02, v17;
	v19 =	vadd.s32 $0xFFFFFFFF, v21  }
0x58: {  	v16 =	vadd.f32 $1.280000000e+02, v16;
	v19 =	vbroadcast v19, $0x0  }
0x59: {  	v26 =	vmul.f32 $1.280000000e+02, v23;
	v18 =	vadd.f32 $1.280000000e+02, v18;
	v22 =	vmax.f32 v17, $0.0e+00;
	v20, _, _ =	vpop (xrf0)  }
0x5a: {  	v16 =	vmax.f32 v16, $0.0e+00;
	v17 =	vadd.s32 v20, v19;
	v19 =	vmin.f32 v22, $2.550000000e+02  }
0x5b: {  	v18 =	vmax.f32 v18, $0.0e+00;
	(v2sf) =	vpush v17, $0xF;
	v19 =	vtrunc.f32 v19  }
0x5c: {  	v16 =	vmin.f32 v16, $2.550000000e+02;
	v18 =	vmin.f32 v18, $2.550000000e+02;
	v19 =	vcvt.f32.s32 v19  }
0x5d: {  	v16 =	vtrunc.f32 v16;
	v18 =	vtrunc.f32 v18;
	v20 =	vld [tilespmem:s22+$0x810]  }
0x5e: {  	s20 =	simm.s32 $0x10;
	v16 =	vcvt.f32.s32 v16;
	v22 =	vcvt.f32.s32 v18;
	v18 =	vshll.u32 v19, $0x1;
	v19 =	vld [tilespmem:s22+$0x10]  }
0x5f: {  	v24 =	vmov s20;
	v23 =	vand.u32 $0x7FFFFFFF, v23;
	v26 =	vadd.f32 $1.280000000e+02, v26  }
0x60: {  	v21 =	vshll.u32 v21, $0x4;
	v16 =	vshll.u32 v16, $0x9;
	v25 =	vshra.s32 v22, $0x7  }
0x61: {  	v27 =	vand.u32 $0xF, v22;
	v22 =	vshrl.u32 v22, $0x4;
	v18 =	vor.u32 v16, v18  }
0x62: {  	v22 =	vand.u32 $0x7, v22;
	v16 =	vshll.u32 v24, $0x4;
	v24 =	vor.u32 v25, v18  }
0x63: {  	v25 =	vmul.f32 $1.280000000e+02, v20;
	v28 =	vmul.f32 $1.280000000e+02, v19;
	v19 =	vand.u32 $0x7FFFFFFF, v19  }
0x64: {  	v20 =	vand.u32 $0x7FFFFFFF, v20;
	v24 =	vshll.u32 v24, $0x5;
	v23 =	vmax.f32 v19, v23  }
0x65: {  	v19 =	vor.u32 v22, v24;
	v22 =	vadd.f32 $1.280000000e+02, v28;
	v20 =	vmax.f32 v23, v20  }
0x66: {  	v24 =	vmax.f32 v26, $0.0e+00;
	v23 =	vadd.f32 $1.280000000e+02, v25;
	vm1 =	vlt.f32 v20, $1.000000000e+00  }
0x67: {  	v20 =	vmax.f32 v22, $0.0e+00;
	v22 =	vmin.f32 v24, $2.550000000e+02;
	v24 =	vsel vm1, $0x1, v11  }
0x68: {  	v29 =	vor.u32 v10, v21;
	v23 =	vmax.f32 v23, $0.0e+00;
	v20 =	vmin.f32 v20, $2.550000000e+02;
	(xrf0) =	vadd.scan.msk.s32 $0xffff, v24  }
0x69: {  	v22 =	vtrunc.f32 v22;
	v23 =	vmin.f32 v23, $2.550000000e+02;
	v24 =	vtrunc.f32 v20  }
0x6a: {  	v18 =	vadd.s32 $0x480, v17;
	v22 =	vcvt.f32.s32 v22;
	v23 =	vtrunc.f32 v23;
	s26 =	spop (v2sf)  }
0x6b: {  	v20 =	vor.u32 $0x8, v19;
	v24 =	vcvt.f32.s32 v24;
	v21 =	vcvt.f32.s32 v23;
	s1 =	sadd.s32 $0x1, s26  }
0x6c: {  	s4 =	sand.u32 $0x60, s13;
	v23 =	vadd.s32 $0xD80, v17;
	v25 =	vshll.u32 v22, $0x1;
	v22 =	vmov s1  }
0x6d: {  	s6 =	sor.u32 $0x10, s4;
	v28 =	vshll.u32 v24, $0x9;
	v24 =	vadd.s32 $0x900, v17;
	v22 =	vadd.s32 $0xFFFFFFFF, v22  }
0x6e: {  	s2 =	simm.s32 $0x100;
	s18 =	simm.s32 $0x80;
	[tilespmem:v17+s23+$0x0] =	vst.idx.msk vm0, v19;
	s1 =	simm.s32 $0x0;
	v25 =	vor.u32 v28, v25;
	v26 =	vbroadcast v22, $0x0;
	v22 =	vor.u32 v29, v27;
	v27, _, _ =	vpop (xrf0)  }
.LBB2_3:
0x6f: {  	s3 =	sshra.s32 s18, $0x2  }
0x70: {  	v28 =	vshra.s32 v21, $0x7;
	v29 =	vshrl.u32 v21, $0x4;
	v26 =	vadd.s32 v27, v26;
	s13 =	sadd.s32 $0x20, s13;
	s9 =	smov.u32 s2;
	s7 =	sadd.s32 $0x80, s2  }
0x71: {  	p0 =	sne.s32 s2, $0xF80;
	s2 =	sadd.s32 $0x10, s13;
	s15 =	sand.u32 $0x60, s13;
	[tilespmem:v18+s23+$0x0] =	vst.idx.msk vm0, v20;
	v18 =	vor.u32 $0x10, v19;
	v20 =	vadd.s32 $0x480, v26;
	(v2sf) =	vpush v26, $0xF  }
0x72: {  	v25 =	vor.u32 v28, v25;
	s20 =	sor.u32 $0x10, s15;
	[tilespmem:v24+s23+$0x0] =	vst.idx.msk vm0, v18;
	v18 =	vor.u32 $0x18, v19;
	v19 =	vadd.s32 $0x900, v26  }
0x73: {  	v24 =	vshll.u32 v25, $0x5;
	v25 =	vand.u32 $0x7, v29;
	[tilespmem:v23+s23+$0x0] =	vst.idx.msk vm0, v18;
	v18 =	vadd.s32 $0xD80, v26  }
0x74: {  	v23 =	vmov s2;
	v24 =	vor.u32 v25, v24;
	[tilespmem:v17+s24+$0x0] =	vst.idx.msk vm0, v22  }
0x75: {  	v17 =	vshll.u32 v23, $0x4;
	v22 =	vor.u32 $0x8, v24;
	[tilespmem:v26+s23+$0x0] =	vst.idx.msk vm1, v24  }
0x76: {  	[tilespmem:v20+s23+$0x0] =	vst.idx.msk vm1, v22;
	v20 =	vor.u32 $0x10, v24  }
0x77: {  	v21 =	vand.u32 $0xF, v21;
	s2 =	sand.u32 $0xE00, s1;
	s1 =	smov.u32 s18;
	s18 =	smov.u32 s9;
	v22 =	vor.u32 v10, v16;
	v16 =	vmovc v17;
	[tilespmem:v19+s23+$0x0] =	vst.idx.msk vm1, v20;
	v19 =	vor.u32 $0x18, v24  }
0x78: {  	s9 =	sadd.s32 $0x2280, s2;
	v17 =	vor.u32 v22, v21;
	[tilespmem:v18+s23+$0x0] =	vst.idx.msk vm1, v19  }
0x79: {  	s26 =	sor.u32 s4, s9;
	[tilespmem:v26+s24+$0x0] =	vst.idx.msk vm1, v17  }
0x7a: {  	s9 =	sor.u32 s6, s9;
	[tilespmem:s26+$0x0] =	vst v12;
	s26 =	sadd.s32 $0x2300, s2  }
0x7b: {  	[tilespmem:s9+$0x0] =	vst v12;
	s9 =	sor.u32 s4, s26  }
0x7c: {  	s2 =	sadd.s32 $0x2380, s2;
	[tilespmem:s9+$0x0] =	vst v12;
	s9 =	sor.u32 s6, s26  }
0x7d: {  	[tilespmem:s9+$0x0] =	vst v12;
	s9 =	sor.u32 s4, s2;
	s4 =	smov.u32 s15  }
0x7e: {  	s2 =	sor.u32 s6, s2;
	s6 =	smov.u32 s20;
	[tilespmem:s9+$0x0] =	vst v12  }
0x7f: {  	[tilespmem:s2+$0x0] =	vst v12  }
0x80: {  	v17 =	vld [tilespmem:s3+$0x800];
	[tilespmem:s22+$0x3280] =	vst v9;
	s2 =	spop (v2sf)  }
0x81: {  	v18 =	vld [tilespmem:s3+$0x0];
	[tilespmem:s22+$0x3290] =	vst v9;
	s2 =	sadd.s32 $0x1, s2;
	s22 =	smov.u32 s3  }
0x82: {  	v19 =	vld [tilespmem:s22+$0x400];
	v20 =	vmov s2  }
0x83: {  	v20 =	vadd.s32 $0xFFFFFFFF, v20;
	_ =	sdelay $0x1  }
0x84: {  	v21 =	vmul.f32 $1.280000000e+02, v17  }
0x85: {  	v22 =	vmul.f32 $1.280000000e+02, v18;
	v18 =	vand.u32 $0x7FFFFFFF, v18  }
0x86: {  	v17 =	vand.u32 $0x7FFFFFFF, v17;
	v23 =	vmul.f32 $1.280000000e+02, v19;
	v19 =	vand.u32 $0x7FFFFFFF, v19  }
0x87: {  	v21 =	vadd.f32 $1.280000000e+02, v21;
	v22 =	vadd.f32 $1.280000000e+02, v22;
	v18 =	vmax.f32 v18, v19  }
0x88: {  	v19 =	vadd.f32 $1.280000000e+02, v23;
	v17 =	vmax.f32 v18, v17  }
0x89: {  	v21 =	vmax.f32 v21, $0.0e+00;
	v18 =	vmax.f32 v22, $0.0e+00;
	vm0 =	vlt.f32 v17, $1.000000000e+00  }
0x8a: {  	v17 =	vmin.f32 v18, $2.550000000e+02;
	v18 =	vmax.f32 v19, $0.0e+00;
	v19 =	vsel vm0, $0x1, v11  }
0x8b: {  	v21 =	vmin.f32 v21, $2.550000000e+02;
	v17 =	vtrunc.f32 v17;
	v18 =	vmin.f32 v18, $2.550000000e+02;
	(xrf0) =	vadd.scan.msk.s32 $0xffff, v19  }
0x8c: {  	v17 =	vcvt.f32.s32 v17;
	v18 =	vtrunc.f32 v18  }
0x8d: {  	v19 =	vtrunc.f32 v21;
	v18 =	vcvt.f32.s32 v18  }
0x8e: {  	v19 =	vcvt.f32.s32 v19  }
0x8f: {  	v20 =	vbroadcast v20, $0x0;
	v23 =	vshll.u32 v17, $0x9;
	v18 =	vshll.u32 v18, $0x1  }
0x90: {  	v21 =	vshra.s32 v19, $0x7;
	v22 =	vand.u32 $0xF, v19;
	v18 =	vor.u32 v23, v18  }
0x91: {  	v21 =	vor.u32 v21, v18;
	v17, _, _ =	vpop (xrf0)  }
0x92: {  	v17 =	vadd.s32 v17, v20  }
0x93: {  	v18 =	vadd.s32 $0x480, v17;
	(v2sf) =	vpush v17, $0xF  }
0x94: {  	v19 =	vshrl.u32 v19, $0x4;
	v23 =	vld [tilespmem:s22+$0x810]  }
0x95: {  	v19 =	vand.u32 $0x7, v19;
	v20 =	vshll.u32 v21, $0x5;
	v21 =	vld [tilespmem:s22+$0x410]  }
0x96: {  	v19 =	vor.u32 v19, v20;
	v24 =	vld [tilespmem:s22+$0x10]  }
0x97: {  	v20 =	vor.u32 $0x8, v19;
	[tilespmem:v17+s23+$0x0] =	vst.idx.msk vm0, v19;
	_ =	sdelay $0x1  }
0x98: {  	v25 =	vmul.f32 $1.280000000e+02, v23  }
0x99: {  	v26 =	vmul.f32 $1.280000000e+02, v21  }
0x9a: {  	v21 =	vand.u32 $0x7FFFFFFF, v21;
	v27 =	vmul.f32 $1.280000000e+02, v24;
	v24 =	vand.u32 $0x7FFFFFFF, v24  }
0x9b: {  	v23 =	vand.u32 $0x7FFFFFFF, v23;
	v26 =	vadd.f32 $1.280000000e+02, v26;
	v21 =	vmax.f32 v24, v21  }
0x9c: {  	v25 =	vadd.f32 $1.280000000e+02, v25;
	v24 =	vadd.f32 $1.280000000e+02, v27;
	v21 =	vmax.f32 v21, v23  }
0x9d: {  	v23 =	vmax.f32 v26, $0.0e+00  }
0x9e: {  	vm1 =	vlt.f32 v21, $1.000000000e+00;
	v24 =	vmax.f32 v24, $0.0e+00;
	v23 =	vmin.f32 v23, $2.550000000e+02  }
0x9f: {  	v21 =	vmin.f32 v24, $2.550000000e+02;
	v23 =	vtrunc.f32 v23;
	v24 =	vsel vm1, $0x1, v11  }
0xa0: {  	v25 =	vmax.f32 v25, $0.0e+00;
	v21 =	vtrunc.f32 v21;
	v23 =	vcvt.f32.s32 v23;
	(xrf0) =	vadd.scan.msk.s32 $0xffff, v24  }
0xa1: {  	v24 =	vmin.f32 v25, $2.550000000e+02;
	v21 =	vcvt.f32.s32 v21;
	s2 =	spop (v2sf)  }
.Ltmp4:
0xa2: {  	v25 =	vmov s13;
	v26 =	vtrunc.f32 v24;
	s2 =	sadd.s32 $0x1, s2;
	v27 =	vshll.u32 v23, $0x1;
	(pc) =	sbr.rel @p0 .LBB2_3-.Ltmp4, $4  }
0xa3: {  	v23 =	vshll.u32 v25, $0x4;
	v25 =	vshll.u32 v21, $0x9;
	v21 =	vmov s2  }
0xa4: {  	v24 =	vadd.s32 $0x900, v17;
	v28 =	vor.u32 v10, v23;
	v23 =	vadd.s32 $0xFFFFFFFF, v21  }
0xa5: {  	v21 =	vcvt.f32.s32 v26;
	v26 =	vbroadcast v23, $0x0;
	v23 =	vadd.s32 $0xD80, v17  }
0xa6: {  	s2 =	smov.u32 s7;
	v22 =	vor.u32 v28, v22;
	v25 =	vor.u32 v25, v27;
	v27, _, _ =	vpop (xrf0)  }
0xa7: {  	_ =	sdelay $0x3  }
0xa8: {  	v28 =	vshra.s32 v21, $0x7;
	v26 =	vadd.s32 v27, v26  }
0xa9: {  	v41 =	vshrl.u32 v21, $0x4;
	[tilespmem:v18+s23+$0x0] =	vst.idx.msk vm0, v20;
	v42 =	vor.u32 $0x10, v19;
	v43 =	vadd.s32 $0x480, v26  }
0xaa: {  	v44 =	vor.u32 $0x18, v19;
	v25 =	vor.u32 v28, v25;
	[tilespmem:v24+s23+$0x0] =	vst.idx.msk vm0, v42;
	v45 =	vadd.s32 $0x900, v26  }
0xab: {  	v47 =	vand.u32 $0x7, v41;
	v48 =	vadd.s32 $0xD80, v26;
	v46 =	vshll.u32 v25, $0x5;
	[tilespmem:v23+s23+$0x0] =	vst.idx.msk vm0, v44  }
0xac: {  	v49 =	vor.u32 v47, v46;
	[tilespmem:v17+s24+$0x0] =	vst.idx.msk vm0, v22  }
0xad: {  	v17 =	vor.u32 $0x8, v49;
	[tilespmem:v26+s23+$0x0] =	vst.idx.msk vm1, v49  }
0xae: {  	[tilespmem:v43+s23+$0x0] =	vst.idx.msk vm1, v17;
	v17 =	vor.u32 $0x10, v49  }
0xaf: {  	v16 =	vor.u32 v10, v16;
	v50 =	vand.u32 $0xF, v21;
	s1 =	sand.u32 $0xE00, s1;
	[tilespmem:v45+s23+$0x0] =	vst.idx.msk vm1, v17;
	v17 =	vor.u32 $0x18, v49  }
0xb0: {  	v16 =	vor.u32 v16, v50;
	s2 =	sadd.s32 $0x2280, s1;
	[tilespmem:v48+s23+$0x0] =	vst.idx.msk vm1, v17  }
0xb1: {  	s3 =	sor.u32 s4, s2;
	[tilespmem:v26+s24+$0x0] =	vst.idx.msk vm1, v16  }
0xb2: {  	s7 =	sadd.s32 $0x2300, s1;
	s2 =	sor.u32 s6, s2;
	[tilespmem:s3+$0x0] =	vst v12  }
0xb3: {  	s9 =	sor.u32 s4, s7;
	[tilespmem:s2+$0x0] =	vst v12  }
0xb4: {  	s1 =	sadd.s32 $0x2380, s1;
	s15 =	sor.u32 s6, s7;
	[tilespmem:s9+$0x0] =	vst v12  }
0xb5: {  	s20 =	sor.u32 s4, s1;
	[tilespmem:s15+$0x0] =	vst v12  }
0xb6: {  	(v2sf) =	vpush v26, $0xF;
	s26 =	sor.u32 s6, s1;
	[tilespmem:s20+$0x0] =	vst v12  }
0xb7: {  	s1 =	sshra.s32 s18, $0x2;
	[tilespmem:s26+$0x0] =	vst v12  }
0xb8: {  	v16 =	vld [tilespmem:s1+$0x800];
	[tilespmem:s22+$0x3280] =	vst v9  }
0xb9: {  	v17 =	vld [tilespmem:s1+$0x0];
	[tilespmem:s22+$0x3290] =	vst v9  }
0xba: {  	v18 =	vld [tilespmem:s1+$0x400];
	_ =	sdelay $0x4  }
0xbb: {  	v51 =	vand.u32 $0x7FFFFFFF, v17;
	v52 =	vand.u32 $0x7FFFFFFF, v18  }
0xbc: {  	v53 =	vand.u32 $0x7FFFFFFF, v16;
	v19 =	vmax.f32 v51, v52  }
0xbd: {  	v19 =	vmax.f32 v19, v53  }
0xbe: {  	vm14 =	vlt.f32 v19, $1.000000000e+00  }
0xbf: {  	v19 =	vsel vm14, $0x1, v11  }
0xc0: {  	(xrf0) =	vadd.scan.msk.s32 $0xffff, v19  }
0xc1: {  	s3 =	spop (v2sf)  }
0xc2: {  	s2 =	sadd.s32 $0x1, s3  }
0xc3: {  	v54 =	vmov s2  }
0xc4: {  	v19 =	vadd.s32 $0xFFFFFFFF, v54  }
0xc5: {  	v19 =	vbroadcast v19, $0x0  }
0xc6: {  	v55, _, _ =	vpop (xrf0)  }
0xc7: {  	v56 =	vld [tilespmem:s1+$0x410];
	v19 =	vadd.s32 v55, v19  }
0xc8: {  	v57 =	vld [tilespmem:s1+$0x10];
	(v2sf) =	vpush v19, $0xF  }
0xc9: {  	v22 =	vld [tilespmem:s1+$0x810]  }
0xca: {  	s6 =	sadd.s32 $0x20, s13  }
0xcb: {  	v33 =	vmov s6;
	v16 =	vmul.f32 $1.280000000e+02, v16  }
0xcc: {  	v25 =	vshll.u32 v33, $0x4;
	v17 =	vmul.f32 $1.280000000e+02, v17  }
0xcd: {  	v18 =	vmul.f32 $1.280000000e+02, v18;
	v16 =	vadd.f32 $1.280000000e+02, v16;
	v58 =	vand.u32 $0x7FFFFFFF, v57  }
0xce: {  	v59 =	vand.u32 $0x7FFFFFFF, v56;
	v60 =	vand.u32 $0x7FFFFFFF, v22;
	v20 =	vmul.f32 $1.280000000e+02, v56  }
0xcf: {  	v21 =	vmul.f32 $1.280000000e+02, v57;
	v17 =	vadd.f32 $1.280000000e+02, v17;
	v18 =	vadd.f32 $1.280000000e+02, v18  }
0xd0: {  	v22 =	vmul.f32 $1.280000000e+02, v22;
	v23 =	vmax.f32 v58, v59;
	v16 =	vmax.f32 v16, $0.0e+00  }
0xd1: {  	v17 =	vmax.f32 v17, $0.0e+00;
	v16 =	vmin.f32 v16, $2.550000000e+02;
	v18 =	vmax.f32 v18, $0.0e+00  }
0xd2: {  	v17 =	vmin.f32 v17, $2.550000000e+02;
	v16 =	vtrunc.f32 v16;
	v18 =	vmin.f32 v18, $2.550000000e+02  }
0xd3: {  	v23 =	vmax.f32 v23, v60;
	v17 =	vtrunc.f32 v17;
	v18 =	vtrunc.f32 v18  }
0xd4: {  	vm15 =	vlt.f32 v23, $1.000000000e+00;
	v17 =	vcvt.f32.s32 v17;
	v18 =	vcvt.f32.s32 v18  }
0xd5: {  	v20 =	vadd.f32 $1.280000000e+02, v20;
	v23 =	vsel vm15, $0x1, v11;
	v16 =	vcvt.f32.s32 v16  }
0xd6: {  	v21 =	vadd.f32 $1.280000000e+02, v21;
	v17 =	vshll.u32 v17, $0x9;
	v18 =	vshll.u32 v18, $0x1;
	(xrf0) =	vadd.scan.msk.s32 $0xffff, v23  }
0xd7: {  	v20 =	vmax.f32 v20, $0.0e+00;
	v61 =	vshra.s32 v16, $0x7;
	v17 =	vor.u32 v17, v18;
	s4 =	spop (v2sf)  }
0xd8: {  	v62 =	vand.u32 $0xF, v16;
	v16 =	vshrl.u32 v16, $0x4;
	v17 =	vor.u32 v61, v17;
	s2 =	sadd.s32 $0x1, s4  }
0xd9: {  	v16 =	vand.u32 $0x7, v16;
	v17 =	vshll.u32 v17, $0x5;
	v30 =	vmov s2  }
0xda: {  	v16 =	vor.u32 v16, v17;
	v17 =	vadd.f32 $1.280000000e+02, v22;
	v22 =	vadd.s32 $0xFFFFFFFF, v30  }
0xdb: {  	v21 =	vmax.f32 v21, $0.0e+00;
	v20 =	vmin.f32 v20, $2.550000000e+02;
	v22 =	vbroadcast v22, $0x0  }
0xdc: {  	v25 =	vor.u32 v10, v25;
	v21 =	vmin.f32 v21, $2.550000000e+02;
	v20 =	vtrunc.f32 v20;
	v32, _, _ =	vpop (xrf0)  }
0xdd: {  	v21 =	vtrunc.f32 v21;
	v20 =	vcvt.f32.s32 v20;
	v22 =	vadd.s32 v32, v22  }
0xde: {  	v63 =	vadd.s32 $0x480, v19;
	v17 =	vmax.f32 v17, $0.0e+00;
	(v2sf) =	vpush v22, $0xF  }
0xdf: {  	v21 =	vcvt.f32.s32 v21;
	v34 =	vadd.s32 $0x900, v19;
	v17 =	vmin.f32 v17, $2.550000000e+02  }
0xe0: {  	v20 =	vshll.u32 v20, $0x1;
	v35 =	vadd.s32 $0xD80, v19;
	v17 =	vtrunc.f32 v17  }
0xe1: {  	v21 =	vshll.u32 v21, $0x9;
	v18 =	vor.u32 v25, v62;
	v17 =	vcvt.f32.s32 v17  }
0xe2: {  	v20 =	vor.u32 v21, v20;
	v31 =	vor.u32 $0x8, v16;
	v38 =	vor.u32 $0x10, v16;
	[tilespmem:v19+s23+$0x0] =	vst.idx.msk vm14, v16  }
0xe3: {  	v16 =	vor.u32 $0x18, v16;
	[tilespmem:v63+s23+$0x0] =	vst.idx.msk vm14, v31;
	v36 =	vshra.s32 v17, $0x7;
	v39 =	vadd.s32 $0x480, v22  }
0xe4: {  	[tilespmem:v34+s23+$0x0] =	vst.idx.msk vm14, v38;
	v37 =	vshrl.u32 v17, $0x4;
	v20 =	vor.u32 v36, v20;
	v40 =	vadd.s32 $0x900, v22  }
0xe5: {  	[tilespmem:v35+s23+$0x0] =	vst.idx.msk vm14, v16;
	v41 =	vand.u32 $0x7, v37;
	v20 =	vshll.u32 v20, $0x5;
	v16 =	vadd.s32 $0xD80, v22  }
0xe6: {  	s7 =	sadd.s32 $0x10, s6;
	[tilespmem:v19+s24+$0x0] =	vst.idx.msk vm14, v18;
	v20 =	vor.u32 v41, v20  }
0xe7: {  	v42 =	vmov s7;
	v43 =	vor.u32 $0x8, v20;
	[tilespmem:v22+s23+$0x0] =	vst.idx.msk vm15, v20  }
0xe8: {  	v18 =	vshll.u32 v42, $0x4;
	v44 =	vor.u32 $0x10, v20;
	[tilespmem:v39+s23+$0x0] =	vst.idx.msk vm15, v43  }
0xe9: {  	s9 =	sand.u32 $0xE00, s18;
	v17 =	vand.u32 $0xF, v17;
	v18 =	vor.u32 v10, v18;
	v45 =	vor.u32 $0x18, v20;
	[tilespmem:v40+s23+$0x0] =	vst.idx.msk vm15, v44  }
0xea: {  	s13 =	sadd.s32 $0x2280, s9;
	v17 =	vor.u32 v18, v17;
	s2 =	sand.u32 $0x60, s6;
	[tilespmem:v16+s23+$0x0] =	vst.idx.msk vm15, v45  }
0xeb: {  	s15 =	sor.u32 $0x10, s2;
	s7 =	sor.u32 s2, s13;
	[tilespmem:v22+s24+$0x0] =	vst.idx.msk vm15, v17  }
0xec: {  	s18 =	sadd.s32 $0x2300, s9;
	s4 =	sor.u32 s15, s13;
	[tilespmem:s7+$0x0] =	vst v12  }
0xed: {  	s20 =	sor.u32 s2, s18;
	[tilespmem:s4+$0x0] =	vst v12;
	s22 =	spop (v2sf)  }
0xee: {  	s3 =	sadd.s32 $0x2380, s9;
	s26 =	sor.u32 s15, s18;
	[tilespmem:s20+$0x0] =	vst v12;
	s13 =	sadd.s32 $0x1, s22  }
0xef: {  	s2 =	sor.u32 s2, s3;
	[tilespmem:s26+$0x0] =	vst v12;
	v16 =	vadd.s32 s13, v0  }
0xf0: {  	s4 =	sor.u32 s15, s3;
	[tilespmem:s2+$0x0] =	vst v12;
	v17 =	vadd.s32 s13, v13  }
0xf1: {  	[tilespmem:s4+$0x0] =	vst v12;
	v46 =	vadd.s32 $0x900, v16  }
0xf2: {  	[tilespmem:s1+$0x3280] =	vst v9;
	s6 =	sadd.s32 $0x11, s22;
	v47 =	vadd.s32 $0xD80, v16  }
0xf3: {  	[tilespmem:s1+$0x3290] =	vst v9;
	v48 =	vadd.s32 s6, v0  }
0xf4: {  	[tilespmem:v16+s23+$0x0] =	vst.idx.msk $0xffff, v1;
	v16 =	vadd.s32 s6, v13  }
0xf5: {  	[tilespmem:v17+s23+$0x0] =	vst.idx.msk $0xffff, v1;
	v17 =	vadd.s32 s6, v14  }
0xf6: {  	s7 =	sadd.s32 $0x21, s22;
	v49 =	vadd.s32 s6, v15;
	[tilespmem:v46+s23+$0x0] =	vst.idx.msk $0xffff, v1  }
0xf7: {  	v50 =	vadd.s32 s7, v0;
	[tilespmem:v47+s23+$0x0] =	vst.idx.msk $0xffff, v1  }
0xf8: {  	v51 =	vadd.s32 s7, v13;
	[tilespmem:v48+s23+$0x0] =	vst.idx.msk $0xffff, v2  }
0xf9: {  	[tilespmem:v16+s23+$0x0] =	vst.idx.msk $0xffff, v2;
	v16 =	vadd.s32 s7, v14  }
0xfa: {  	s9 =	sadd.s32 $0x31, s22;
	[tilespmem:v17+s23+$0x0] =	vst.idx.msk $0xffff, v2;
	v17 =	vadd.s32 s7, v15  }
0xfb: {  	v52 =	vadd.s32 s9, v0;
	[tilespmem:v49+s23+$0x0] =	vst.idx.msk $0xffff, v2  }
0xfc: {  	v53 =	vadd.s32 s9, v13;
	[tilespmem:v50+s23+$0x0] =	vst.idx.msk $0xffff, v3  }
0xfd: {  	v54 =	vadd.s32 s9, v14;
	[tilespmem:v51+s23+$0x0] =	vst.idx.msk $0xffff, v3  }
0xfe: {  	s15 =	sadd.s32 $0x41, s22;
	[tilespmem:v16+s23+$0x0] =	vst.idx.msk $0xffff, v3;
	v16 =	vadd.s32 s9, v15  }
0xff: {  	[tilespmem:v17+s23+$0x0] =	vst.idx.msk $0xffff, v3;
	v17 =	vadd.s32 s15, v0  }
0x100: {  	v55 =	vadd.s32 s15, v13;
	[tilespmem:v52+s23+$0x0] =	vst.idx.msk $0xffff, v4  }
0x101: {  	v56 =	vadd.s32 s15, v14;
	[tilespmem:v53+s23+$0x0] =	vst.idx.msk $0xffff, v4  }
0x102: {  	s18 =	sadd.s32 $0x51, s22;
	v57 =	vadd.s32 s15, v15;
	[tilespmem:v54+s23+$0x0] =	vst.idx.msk $0xffff, v4  }
0x103: {  	[tilespmem:v16+s23+$0x0] =	vst.idx.msk $0xffff, v4;
	v16 =	vadd.s32 s18, v0  }
0x104: {  	[tilespmem:v17+s23+$0x0] =	vst.idx.msk $0xffff, v5;
	v17 =	vadd.s32 s18, v13  }
0x105: {  	v58 =	vadd.s32 s18, v14;
	[tilespmem:v55+s23+$0x0] =	vst.idx.msk $0xffff, v5  }
0x106: {  	s20 =	sadd.s32 $0x61, s22;
	v59 =	vadd.s32 s18, v15;
	[tilespmem:v56+s23+$0x0] =	vst.idx.msk $0xffff, v5  }
0x107: {  	v60 =	vadd.s32 s20, v0;
	[tilespmem:v57+s23+$0x0] =	vst.idx.msk $0xffff, v5  }
0x108: {  	[tilespmem:v16+s23+$0x0] =	vst.idx.msk $0xffff, v6;
	v16 =	vadd.s32 s20, v13  }
0x109: {  	[tilespmem:v17+s23+$0x0] =	vst.idx.msk $0xffff, v6;
	v17 =	vadd.s32 s20, v14  }
0x10a: {  	s26 =	sadd.s32 $0x71, s22;
	v61 =	vadd.s32 s20, v15;
	[tilespmem:v58+s23+$0x0] =	vst.idx.msk $0xffff, v6  }
0x10b: {  	v62 =	vadd.s32 s26, v0;
	[tilespmem:v59+s23+$0x0] =	vst.idx.msk $0xffff, v6  }
0x10c: {  	v63 =	vadd.s32 s26, v13;
	[tilespmem:v60+s23+$0x0] =	vst.idx.msk $0xffff, v7  }
0x10d: {  	[tilespmem:v16+s23+$0x0] =	vst.idx.msk $0xffff, v7;
	v16 =	vadd.s32 s26, v14  }
0x10e: {  	p0 =	seq.s32 s16, $0x0;
	[tilespmem:v17+s23+$0x0] =	vst.idx.msk $0xffff, v7;
	v17 =	vadd.s32 s26, v15  }
.Ltmp5:
0x10f: {  	[tilespmem:v61+s23+$0x0] =	vst.idx.msk $0xffff, v7;
	(pc) =	sbr.rel @p0 .LBB2_14-.Ltmp5, $4  }
0x110: {  	[tilespmem:v62+s23+$0x0] =	vst.idx.msk $0xffff, v8  }
0x111: {  	[tilespmem:v63+s23+$0x0] =	vst.idx.msk $0xffff, v8  }
0x112: {  	[tilespmem:v16+s23+$0x0] =	vst.idx.msk $0xffff, v8  }
0x113: {  	[tilespmem:v17+s23+$0x0] =	vst.idx.msk $0xffff, v8  }
0x114: {  	s1 =	sadd.s32 $0x7F, s21  }
0x115: {  	s1 =	sshra.s32 s1, $0x7  }
0x116: {  	p0 =	slt.s32 s1, $0x1  }
.Ltmp6:
0x117: {  	_ = 	snop;
	(pc) =	sbr.rel @p0 .LBB2_9-.Ltmp6, $1  }
0x118: {  	_ =	sdelay $0x3  }
0x119: {  	_ =	swait.ge [sflag:s11], $0x800  }
0x11a: {  	[sflag:s11] =	ssyncset.done $0x0  }
0x11b: {  	[sflag:s11] =	ssyncadd.s32 $0xFFFFF800  }
0x11c: {  	_ =	swait.ge [sflag:s11], $0x800  }
0x11d: {  	[sflag:s11] =	ssyncset.done $0x0  }
0x11e: {  	p0 =	sne.s32 s1, $0x1;
	[sflag:s11] =	ssyncadd.s32 $0xFFFFF800  }
.Ltmp7:
0x11f: {  	_ =	swait.ge [sflag:s11], $0x800;
	(pc) =	sbr.rel @!p0 .LBB2_8-.Ltmp7, $4  }
0x120: {  	[sflag:s11] =	ssyncset.done $0x0  }
0x121: {  	[sflag:s11] =	ssyncadd.s32 $0xFFFFF800  }
0x122: {  	_ =	swait.ge [sflag:s11], $0x800  }
0x123: {  	s1 =	sadd.s32 $0xFFFFFFFF, s1;
	[sflag:s11] =	ssyncset.done $0x0  }
.LBB2_7:
0x124: {  	p0 =	sne.s32 s1, $0x1;
	s1 =	sadd.s32 $0xFFFFFFFF, s1;
	[sflag:s11] =	ssyncadd.s32 $0xFFFFF800  }
0x125: {  	_ =	swait.ge [sflag:s11], $0x800  }
0x126: {  	[sflag:s11] =	ssyncset.done $0x0  }
0x127: {  	[sflag:s11] =	ssyncadd.s32 $0xFFFFF800  }
0x128: {  	_ =	swait.ge [sflag:s11], $0x800  }
0x129: {  	[sflag:s11] =	ssyncset.done $0x0  }
0x12a: {  	[sflag:s11] =	ssyncadd.s32 $0xFFFFF800  }
.Ltmp8:
0x12b: {  	_ =	swait.ge [sflag:s11], $0x800;
	(pc) =	sbr.rel @p0 .LBB2_7-.Ltmp8, $4  }
0x12c: {  	[sflag:s11] =	ssyncset.done $0x0  }
0x12d: {  	[sflag:s11] =	ssyncadd.s32 $0xFFFFF800  }
0x12e: {  	_ =	swait.ge [sflag:s11], $0x800  }
0x12f: {  	[sflag:s11] =	ssyncset.done $0x0  }
.LBB2_8:
0x130: {  	[sflag:s11] =	ssyncadd.s32 $0xFFFFF800  }
.LBB2_9:
0x131: {  	s1 =	sadd.s32 $0xF, s21  }
0x132: {  	s3 =	sshra.s32 s1, $0x4  }
0x133: {  	p0 =	slt.s32 s3, $0x1  }
.Ltmp9:
0x134: {  	_ = 	snop;
	(pc) =	sbr.rel @p0 .LBB2_13-.Ltmp9, $1  }
0x135: {  	_ =	sdelay $0x3  }
0x136: {  	s1 =	simm.s32 $0x5480  }
0x137: {  	v17 =	vld [tilespmem:s1+$0x0];
	_ =	sdelay $0x1  }
0x138: {  	s2 =	simm.s32 $0x0  }
0x139: {  	v18 =	vmov s2;
	v19 =	vor.u32 s2, v0  }
0x13a: {  	v16 =	vmov s21;
	v18 =	vshll.u32 v18, $0x4;
	v20 =	vshll.u32 v19, $0x4  }
0x13b: {  	v18 =	vand.u32 $0xFFFFF800, v18;
	v20 =	vand.u32 $0x7F0, v20;
	v21 =	vand.u32 $0x8, v17  }
0x13c: {  	vm0 =	vlt.s32 v19, v16;
	v22 =	vor.u32 v20, v18;
	v20 =	vor.u32 v20, v21  }
0x13d: {  	v23 =	vand.u32 $0x7, v17;
	v21 =	vor.u32 v21, v22;
	v18 =	vor.u32 v18, v20  }
0x13e: {  	v19 =	vor.u32 v23, v21;
	v18 =	vor.u32 v23, v18  }
0x13f: {  	v20 =	vadd.s32 $0x4800, v19  }
0x140: {  	v21 =	vadd.s32 $0x9000, v19;
	_ =	sdelay $0x2  }
0x141: {  	v18 =	vld.idx.msk [tilespmem:v18+s31+$0x0], vm0  }
0x142: {  	v20 =	vld.idx.msk [tilespmem:v20+s31+$0x0], vm0  }
0x143: {  	v21 =	vld.idx.msk [tilespmem:v21+s31+$0x0], vm0;
	_ =	sdelay $0x2  }
0x144: {  	v18 =	vsub.f32 $0.0e+00, v18  }
0x145: {  	v20 =	vsub.f32 $0.0e+00, v20  }
0x146: {  	v21 =	vsub.f32 $0.0e+00, v21;
	v18 =	vmul.f32 $1.442695020e+00, v18  }
0x147: {  	v20 =	vmul.f32 $1.442695020e+00, v20  }
0x148: {  	v21 =	vmul.f32 $1.442695020e+00, v21;
	(erf) = vpow2.f32 v18  }
0x149: {  	(erf) = vpow2.f32 v20  }
0x14a: {  	(erf) = vpow2.f32 v21;
	_ =	sdelay $0x6  }
0x14b: {  	v18 =	vpop (erf)  }
0x14c: {  	v18 =	vadd.f32 $1.000000000e+00, v18;
	v20 =	vpop (erf)  }
0x14d: {  	v20 =	vadd.f32 $1.000000000e+00, v20;
	v21 =	vpop (erf)  }
0x14e: {  	v19 =	vadd.s32 $0xD800, v19;
	v21 =	vadd.f32 $1.000000000e+00, v21;
	(erf) = vrcp.f32 v18  }
0x14f: {  	(erf) = vrcp.f32 v20  }
0x150: {  	v18 =	vshra.s32 v17, $0x2;
	v17 =	vshra.s32 v17, $0x4;
	(erf) = vrcp.f32 v21  }
0x151: {  	v20 =	vand.u32 $0x78, v17;
	v18 =	vand.u32 $0xFFFFFE00, v18  }
0x152: {  	v62 =	vand.u32 $0x7, v17;
	v18 =	vor.u32 v20, v18  }
0x153: {  	v19 =	vld.idx.msk [tilespmem:v19+s31+$0x0], vm0;
	v18 =	vor.u32 v62, v18  }
0x154: {  	v20 =	vor.u32 $0x80, v18  }
0x155: {  	p0 =	sne.s32 s3, $0x1;
	v21 =	vor.u32 $0x100, v18  }
.Ltmp10:
0x156: {  	_ = 	snop;
	(pc) =	sbr.rel @!p0 .LBB2_12-.Ltmp10, $4  }
0x157: {  	v63 =	vpop (erf)  }
0x158: {  	[tilespmem:v18+s12+$0x0] =	vst.idx.msk vm0, v63;
	v18 =	vmul.f32 $1.000000000e+01, v19;
	v19 =	vpop (erf)  }
0x159: {  	[tilespmem:v20+s12+$0x0] =	vst.idx.msk vm0, v19;
	v19 =	vpop (erf)  }
0x15a: {  	s4 =	sadd.s32 $0xFFFFFFFF, s3;
	[tilespmem:v21+s12+$0x0] =	vst.idx.msk vm0, v19;
	v18 =	vmax.f32 v18, $0.0e+00  }
.LBB2_11:
0x15b: {  	p0 =	sne.s32 s4, $0x1;
	[tilespmem:v17+s14+$0x0] =	vst.idx.msk vm0, v18;
	s1 =	sadd.s32 $0x10, s1;
	s2 =	sadd.s32 $0x10, s2  }
0x15c: {  	s4 =	sadd.s32 $0xFFFFFFFF, s4;
	v17 =	vld [tilespmem:s1+$0x0];
	_ =	sdelay $0x1  }
0x15d: {  	v18 =	vmov s2;
	v19 =	vor.u32 s2, v0  }
0x15e: {  	v18 =	vshll.u32 v18, $0x4;
	v20 =	vshll.u32 v19, $0x4  }
0x15f: {  	v18 =	vand.u32 $0xFFFFF800, v18;
	v20 =	vand.u32 $0x7F0, v20  }
0x160: {  	v22 =	vor.u32 v20, v18;
	v21 =	vand.u32 $0x8, v17;
	v23 =	vshra.s32 v17, $0x2  }
0x161: {  	v24 =	vand.u32 $0x7, v17;
	v20 =	vor.u32 v20, v21;
	v21 =	vor.u32 v21, v22  }
0x162: {  	vm0 =	vlt.s32 v19, v16;
	v18 =	vor.u32 v18, v20;
	v19 =	vor.u32 v24, v21  }
0x163: {  	v18 =	vor.u32 v24, v18;
	v20 =	vadd.s32 $0x4800, v19;
	v21 =	vadd.s32 $0x9000, v19  }
0x164: {  	v19 =	vadd.s32 $0xD800, v19;
	_ =	sdelay $0x3  }
0x165: {  	v18 =	vld.idx.msk [tilespmem:v18+s31+$0x0], vm0  }
0x166: {  	v20 =	vld.idx.msk [tilespmem:v20+s31+$0x0], vm0  }
0x167: {  	v21 =	vld.idx.msk [tilespmem:v21+s31+$0x0], vm0;
	_ =	sdelay $0x3  }
0x168: {  	v18 =	vsub.f32 $0.0e+00, v18  }
0x169: {  	v20 =	vsub.f32 $0.0e+00, v20  }
0x16a: {  	v18 =	vmul.f32 $1.442695020e+00, v18;
	v21 =	vsub.f32 $0.0e+00, v21  }
0x16b: {  	v20 =	vmul.f32 $1.442695020e+00, v20  }
0x16c: {  	v21 =	vmul.f32 $1.442695020e+00, v21;
	(erf) = vpow2.f32 v18  }
0x16d: {  	(erf) = vpow2.f32 v20  }
0x16e: {  	(erf) = vpow2.f32 v21;
	_ =	sdelay $0x6  }
0x16f: {  	v18 =	vpop (erf)  }
0x170: {  	v18 =	vadd.f32 $1.000000000e+00, v18;
	v20 =	vpop (erf)  }
0x171: {  	v20 =	vadd.f32 $1.000000000e+00, v20;
	v21 =	vpop (erf)  }
0x172: {  	v21 =	vadd.f32 $1.000000000e+00, v21;
	(erf) = vrcp.f32 v18  }
0x173: {  	(erf) = vrcp.f32 v20  }
0x174: {  	v17 =	vshra.s32 v17, $0x4;
	(erf) = vrcp.f32 v21  }
0x175: {  	v18 =	vand.u32 $0x78, v17;
	v20 =	vand.u32 $0x7, v17;
	v21 =	vand.u32 $0xFFFFFE00, v23  }
0x176: {  	v18 =	vor.u32 v18, v21;
	v19 =	vld.idx.msk [tilespmem:v19+s31+$0x0], vm0  }
0x177: {  	v18 =	vor.u32 v20, v18  }
0x178: {  	v20 =	vor.u32 $0x80, v18  }
0x179: {  	v21 =	vor.u32 $0x100, v18  }
.Ltmp11:
0x17a: {  	(pc) =	sbr.rel @p0 .LBB2_11-.Ltmp11, $4  }
0x17b: {  	v22 =	vpop (erf)  }
0x17c: {  	[tilespmem:v18+s12+$0x0] =	vst.idx.msk vm0, v22;
	v18 =	vmul.f32 $1.000000000e+01, v19;
	v19 =	vpop (erf)  }
0x17d: {  	[tilespmem:v20+s12+$0x0] =	vst.idx.msk vm0, v19;
	v19 =	vpop (erf)  }
0x17e: {  	[tilespmem:v21+s12+$0x0] =	vst.idx.msk vm0, v19;
	v18 =	vmax.f32 v18, $0.0e+00  }
.LBB2_12:
0x17f: {  	_ =	sdelay $0x4  }
0x180: {  	[tilespmem:v17+s14+$0x0] =	vst.idx.msk vm0, v18  }
.LBB2_13:
0x181: {  	s1 =	rddreg [dreg:$0xb]  }
0x182: {  	s1 =	sadd.s32 s17, s1  }
0x183: {  	s2 =	sshrl.u32 s1, $0x1  }
0x184: {  	s3 =	rddreg [dreg:$0x4];
	s2 =	sand.u32 $0x1FFFFE00, s2  }
0x185: {  	s21 =	simm.s32 $0x0;
	s2 =	sadd.s32 s3, s2  }
0x186: {  	[hbm4b:s2+s21] =	stream.linear.scatter [tilespmem:s12], [sflag:$0x5], $0x1000, $0x38;
	[tilespmem:$0x18D00] =	vst v63  }
0x187: {  	_ =	swait.ge [sflag:s10], $0x1000  }
0x188: {  	[sflag:s10] =	ssyncset.done $0x0  }
0x189: {  	[sflag:s10] =	ssyncadd.s32 $0xFFFFF000  }
0x18a: {  	s1 =	sshrl.u32 s1, $0x3;
	s26 =	rddreg [dreg:$0x5]  }
0x18b: {  	s1 =	sadd.s32 s26, s1  }
0x18c: {  	[hbm4b:s1+s21] =	stream.linear.scatter [tilespmem:s14], [sflag:$0x5], $0x400, $0x38;
	[tilespmem:$0x18D00] =	vst v63  }
0x18d: {  	_ =	swait.ge [sflag:s10], $0x400  }
0x18e: {  	[sflag:s10] =	ssyncset.done $0x0  }
0x18f: {  	[sflag:s10] =	ssyncadd.s32 $0xFFFFFC00  }
.LBB2_14:
0x190: {  	s1 =	sadd.s32 $0x80, s22  }
0x191: {  	s18 =	sshra.s32 s1, $0x7  }
0x192: {  	p0 =	slt.s32 s18, $0x1  }
.Ltmp12:
0x193: {  	_ = 	snop;
	(pc) =	sbr.rel @p0 .LBB2_18-.Ltmp12, $1  }
0x194: {  	_ =	sdelay $0x3  }
0x195: {  	s1 =	simm.s32 $0x6D00  }
0x196: {  	s2 =	simm.s32 $0xC00;
	s15 =	simm.s32 $0xB500;
	p1 =	sne.s32 s18, $0x1  }
0x197: {  	[tilespmem:s1], [sflag:$0x1] =	stream.indirect.gather [hbm4b:s8+s25], $0x10, s2, s25, $0xb8;
	[tilespmem:$0x18D00] =	vst v63  }
.Ltmp13:
0x198: {  	s20 =	simm.s32 $0x1080;
	s21 =	simm.s32 $0xFD00;
	(pc) =	sbr.rel @!p1 .LBB2_17-.Ltmp13, $4  }
0x199: {  	s26 =	simm.s32 $0x1500;
	s3 =	sadd.s32 $0xFFFFFFFF, s18;
	s4 =	simm.s32 $0x1A00  }
0x19a: {  	[tilespmem:s15], [sflag:$0x1] =	stream.indirect.gather [hbm4b:s8+s25], $0x10, s20, s25, $0xb8;
	[tilespmem:$0x18D00] =	vst v63  }
0x19b: {  	s6 =	simm.s32 $0x14D00;
	s1 =	simm.s32 $0x1980;
	s2 =	simm.s32 $0x14500  }
0x19c: {  	[tilespmem:s21], [sflag:$0x1] =	stream.indirect.gather [hbm4b:s8+s25], $0x10, s26, s25, $0xb8;
	[tilespmem:$0x18D00] =	vst v63  }
.LBB2_16:
0x19d: {  	[tilespmem:s2], [sflag:$0x1] =	stream.indirect.gather [hbm4b:s8+s25], $0x10, s1, s25, $0xb8;
	[tilespmem:$0x18D00] =	vst v63  }
0x19e: {  	s1 =	smov.u32 s4;
	s2 =	smov.u32 s6  }
0x19f: {  	s7 =	sadd.s32 $0xFFFF2800, s6;
	s9 =	sadd.s32 $0xFFFFF280, s4;
	p1 =	sne.s32 s3, $0x1  }
0x1a0: {  	[tilespmem:s7], [sflag:$0x1] =	stream.indirect.gather [hbm4b:s8+s25], $0x10, s9, s25, $0xb8;
	[tilespmem:$0x18D00] =	vst v63  }
.Ltmp14:
0x1a1: {  	s7 =	sadd.s32 $0xFFFF7000, s6;
	s9 =	sadd.s32 $0xFFFFF700, s4;
	(pc) =	sbr.rel @p1 .LBB2_16-.Ltmp14, $4  }
0x1a2: {  	[tilespmem:s7], [sflag:$0x1] =	stream.indirect.gather [hbm4b:s8+s25], $0x10, s9, s25, $0xb8;
	[tilespmem:$0x18D00] =	vst v63  }
0x1a3: {  	s3 =	sadd.s32 $0xFFFFFFFF, s3;
	s7 =	sadd.s32 $0xFFFFB800, s6;
	s9 =	sadd.s32 $0xFFFFFB80, s4  }
0x1a4: {  	[tilespmem:s7], [sflag:$0x1] =	stream.indirect.gather [hbm4b:s8+s25], $0x10, s9, s25, $0xb8;
	[tilespmem:$0x18D00] =	vst v63  }
0x1a5: {  	s4 =	sadd.s32 $0x80, s4;
	s6 =	sadd.s32 $0x800, s6  }
.LBB2_17:
0x1a6: {  	[tilespmem:s2], [sflag:$0x1] =	stream.indirect.gather [hbm4b:s8+s25], $0x10, s1, s25, $0xb8;
	[tilespmem:$0x18D00] =	vst v63  }
.LBB2_18:
0x1a7: {  	s3 =	simm.s32 $0x4  }
0x1a8: {  	_ =	swait.ge [sflag:s3], $0x400  }
0x1a9: {  	[sflag:s3] =	ssyncset.done $0x0  }
0x1aa: {  	[sflag:s3] =	ssyncadd.s32 $0xFFFFFC00  }
0x1ab: {  	_ =	swait.ge [sflag:s3], $0x400  }
0x1ac: {  	[sflag:s3] =	ssyncset.done $0x0  }
0x1ad: {  	[sflag:s3] =	ssyncadd.s32 $0xFFFFFC00  }
0x1ae: {  	s1 =	sadd.s32 $0x800, s17;
	_ =	swait.ge [sflag:s3], $0x400  }
0x1af: {  	s1 =	sand.u32 $0x7800, s1;
	s2 =	rddreg [dreg:$0x7];
	[sflag:s3] =	ssyncset.done $0x0  }
0x1b0: {  	s1 =	sor.u32 s2, s1;
	[sflag:s3] =	ssyncadd.s32 $0xFFFFFC00  }
0x1b1: {  	s1 =	sshrl.u32 s1, $0x3;
	s4 =	rddreg [dreg:$0x0]  }
0x1b2: {  	s17 =	simm.s32 $0x0;
	s6 =	rddreg [dreg:$0x1];
	s2 =	sadd.s32 s4, s1  }
0x1b3: {  	[tilespmem:s17], [sflag:$0x3] =	stream.linear.gather [hbm4b:s2+s17], $0x400, $0x38;
	[tilespmem:$0x18D00] =	vst v63  }
0x1b4: {  	s7 =	simm.s32 $0x400;
	s9 =	rddreg [dreg:$0x2];
	s2 =	sadd.s32 s6, s1  }
0x1b5: {  	[tilespmem:s7], [sflag:$0x3] =	stream.linear.gather [hbm4b:s2+s17], $0x400, $0x38;
	[tilespmem:$0x18D00] =	vst v63  }
0x1b6: {  	s15 =	simm.s32 $0x800;
	s21 =	simm.s32 $0x0;
	s1 =	sadd.s32 s9, s1  }
0x1b7: {  	[tilespmem:s15], [sflag:$0x3] =	stream.linear.gather [hbm4b:s1+s17], $0x400, $0x38;
	[tilespmem:$0x18D00] =	vst v63  }
0x1b8: {  	v16 =	vld [tilespmem:s21+$0x3680]  }
0x1b9: {  	v17 =	vld [tilespmem:s21+$0x3A80]  }
0x1ba: {  	v18 =	vld [tilespmem:s21+$0x3E80];
	_ =	sdelay $0x3  }
0x1bb: {  	v19 =	vand.u32 $0x7FFFFFFF, v16;
	v20 =	vand.u32 $0x7FFFFFFF, v17  }
0x1bc: {  	v21 =	vand.u32 $0x7FFFFFFF, v18;
	v19 =	vmax.f32 v19, v20  }
0x1bd: {  	v19 =	vmax.f32 v19, v21  }
0x1be: {  	vm0 =	vlt.f32 v19, $1.000000000e+00  }
0x1bf: {  	v19 =	vsel vm0, $0x1, v11  }
0x1c0: {  	v18 =	vmul.f32 $1.280000000e+02, v18;
	(xrf0) =	vadd.scan.msk.s32 $0xffff, v19  }
0x1c1: {  	v24 =	vld [tilespmem:s21+$0x3A90]  }
0x1c2: {  	v16 =	vmul.f32 $1.280000000e+02, v16;
	v18 =	vadd.f32 $1.280000000e+02, v18  }
0x1c3: {  	v22 =	vmov s17;
	v17 =	vmul.f32 $1.280000000e+02, v17  }
0x1c4: {  	v16 =	vadd.f32 $1.280000000e+02, v16;
	v19 =	vadd.s32 $0xFFFFFFFF, v22  }
0x1c5: {  	v17 =	vadd.f32 $1.280000000e+02, v17;
	v19 =	vbroadcast v19, $0x0  }
0x1c6: {  	v27 =	vmul.f32 $1.280000000e+02, v24;
	v16 =	vmax.f32 v16, $0.0e+00;
	v20 =	vmax.f32 v18, $0.0e+00;
	v18, _, _ =	vpop (xrf0)  }
0x1c7: {  	v17 =	vmax.f32 v17, $0.0e+00;
	v16 =	vmin.f32 v16, $2.550000000e+02;
	v18 =	vadd.s32 v18, v19  }
0x1c8: {  	v17 =	vmin.f32 v17, $2.550000000e+02;
	v16 =	vtrunc.f32 v16;
	(v2sf) =	vpush v18, $0xF  }
0x1c9: {  	v19 =	vmin.f32 v20, $2.550000000e+02;
	v20 =	vcvt.f32.s32 v16;
	v16 =	vtrunc.f32 v17  }
0x1ca: {  	s20 =	simm.s32 $0x10;
	v21 =	vld [tilespmem:s21+$0x3E90];
	v17 =	vcvt.f32.s32 v16;
	v16 =	vtrunc.f32 v19  }
0x1cb: {  	v25 =	vmov s20;
	v23 =	vcvt.f32.s32 v16;
	v19 =	vshll.u32 v20, $0x9;
	v20 =	vld [tilespmem:s21+$0x3690]  }
0x1cc: {  	v24 =	vand.u32 $0x7FFFFFFF, v24;
	v27 =	vadd.f32 $1.280000000e+02, v27;
	v22 =	vshll.u32 v22, $0x4  }
0x1cd: {  	v30 =	vor.u32 v10, v22;
	v17 =	vshll.u32 v17, $0x1;
	v26 =	vshra.s32 v23, $0x7  }
0x1ce: {  	v19 =	vor.u32 v19, v17;
	v28 =	vand.u32 $0xF, v23;
	v23 =	vshrl.u32 v23, $0x4  }
0x1cf: {  	v17 =	vshll.u32 v25, $0x4;
	v25 =	vor.u32 v26, v19;
	v23 =	vand.u32 $0x7, v23  }
0x1d0: {  	v26 =	vmul.f32 $1.280000000e+02, v21;
	v29 =	vmul.f32 $1.280000000e+02, v20;
	v20 =	vand.u32 $0x7FFFFFFF, v20  }
0x1d1: {  	v21 =	vand.u32 $0x7FFFFFFF, v21;
	v25 =	vshll.u32 v25, $0x5;
	v24 =	vmax.f32 v20, v24  }
0x1d2: {  	v20 =	vor.u32 v23, v25;
	v23 =	vadd.f32 $1.280000000e+02, v29;
	v21 =	vmax.f32 v24, v21  }
0x1d3: {  	v25 =	vmax.f32 v27, $0.0e+00;
	v24 =	vadd.f32 $1.280000000e+02, v26;
	vm1 =	vlt.f32 v21, $1.000000000e+00  }
0x1d4: {  	v21 =	vmax.f32 v23, $0.0e+00;
	v23 =	vmin.f32 v25, $2.550000000e+02;
	v25 =	vsel vm1, $0x1, v11  }
0x1d5: {  	v16 =	vmov s13;
	v24 =	vmax.f32 v24, $0.0e+00;
	v21 =	vmin.f32 v21, $2.550000000e+02;
	(xrf0) =	vadd.scan.msk.s32 $0xffff, v25  }
0x1d6: {  	v23 =	vtrunc.f32 v23;
	v24 =	vmin.f32 v24, $2.550000000e+02;
	v25 =	vtrunc.f32 v21  }
0x1d7: {  	v19 =	vadd.s32 $0x480, v18;
	v23 =	vcvt.f32.s32 v23;
	v24 =	vtrunc.f32 v24;
	s26 =	spop (v2sf)  }
0x1d8: {  	v21 =	vor.u32 $0x8, v20;
	v25 =	vcvt.f32.s32 v25;
	v22 =	vcvt.f32.s32 v24;
	s1 =	sadd.s32 $0x1, s26  }
0x1d9: {  	s4 =	sand.u32 $0x60, s17;
	v24 =	vadd.s32 $0xD80, v18;
	v26 =	vshll.u32 v23, $0x1;
	v23 =	vmov s1  }
0x1da: {  	s6 =	sor.u32 $0x10, s4;
	v29 =	vshll.u32 v25, $0x9;
	v25 =	vadd.s32 $0x900, v18;
	v23 =	vadd.s32 $0xFFFFFFFF, v23  }
0x1db: {  	s7 =	simm.s32 $0x100;
	s13 =	simm.s32 $0x80;
	[tilespmem:v18+s28+$0x0] =	vst.idx.msk vm0, v20;
	v26 =	vor.u32 v29, v26;
	s1 =	simm.s32 $0x0;
	v27 =	vbroadcast v23, $0x0;
	v23 =	vor.u32 v30, v28;
	v28, _, _ =	vpop (xrf0)  }
.LBB2_19:
0x1dc: {  	s3 =	sshra.s32 s13, $0x2  }
0x1dd: {  	v29 =	vshra.s32 v22, $0x7;
	v30 =	vshrl.u32 v22, $0x4;
	v27 =	vadd.s32 v28, v27;
	s17 =	sadd.s32 $0x20, s17;
	s9 =	smov.u32 s7;
	s2 =	sadd.s32 $0x80, s7  }
0x1de: {  	p1 =	sne.s32 s7, $0xF80;
	s7 =	sadd.s32 $0x10, s17;
	s15 =	sand.u32 $0x60, s17;
	[tilespmem:v19+s28+$0x0] =	vst.idx.msk vm0, v21;
	v19 =	vor.u32 $0x10, v20;
	v21 =	vadd.s32 $0x480, v27;
	(v2sf) =	vpush v27, $0xF  }
0x1df: {  	v26 =	vor.u32 v29, v26;
	s20 =	sor.u32 $0x10, s15;
	[tilespmem:v25+s28+$0x0] =	vst.idx.msk vm0, v19;
	v19 =	vor.u32 $0x18, v20;
	v20 =	vadd.s32 $0x900, v27  }
0x1e0: {  	v25 =	vshll.u32 v26, $0x5;
	v26 =	vand.u32 $0x7, v30;
	[tilespmem:v24+s28+$0x0] =	vst.idx.msk vm0, v19;
	v19 =	vadd.s32 $0xD80, v27  }
0x1e1: {  	v24 =	vmov s7;
	v25 =	vor.u32 v26, v25;
	[tilespmem:v18+s29+$0x0] =	vst.idx.msk vm0, v23  }
0x1e2: {  	v18 =	vshll.u32 v24, $0x4;
	v23 =	vor.u32 $0x8, v25;
	[tilespmem:v27+s28+$0x0] =	vst.idx.msk vm1, v25  }
0x1e3: {  	[tilespmem:v21+s28+$0x0] =	vst.idx.msk vm1, v23;
	v21 =	vor.u32 $0x10, v25  }
0x1e4: {  	v22 =	vand.u32 $0xF, v22;
	s7 =	sand.u32 $0xE00, s1;
	s1 =	smov.u32 s13;
	s13 =	smov.u32 s9;
	v23 =	vor.u32 v10, v17;
	v17 =	vmovc v18;
	[tilespmem:v20+s28+$0x0] =	vst.idx.msk vm1, v21;
	v20 =	vor.u32 $0x18, v25  }
0x1e5: {  	s9 =	sadd.s32 $0x5900, s7;
	v18 =	vor.u32 v23, v22;
	[tilespmem:v19+s28+$0x0] =	vst.idx.msk vm1, v20  }
0x1e6: {  	s26 =	sor.u32 s4, s9;
	[tilespmem:v27+s29+$0x0] =	vst.idx.msk vm1, v18  }
0x1e7: {  	s9 =	sor.u32 s6, s9;
	[tilespmem:s26+$0x0] =	vst v12;
	s26 =	sadd.s32 $0x5980, s7  }
0x1e8: {  	[tilespmem:s9+$0x0] =	vst v12;
	s9 =	sor.u32 s4, s26  }
0x1e9: {  	s7 =	sadd.s32 $0x5A00, s7;
	[tilespmem:s9+$0x0] =	vst v12;
	s9 =	sor.u32 s6, s26  }
0x1ea: {  	[tilespmem:s9+$0x0] =	vst v12;
	s9 =	sor.u32 s4, s7;
	s4 =	smov.u32 s15  }
0x1eb: {  	s7 =	sor.u32 s6, s7;
	s6 =	smov.u32 s20;
	[tilespmem:s9+$0x0] =	vst v12  }
0x1ec: {  	[tilespmem:s7+$0x0] =	vst v12  }
0x1ed: {  	v18 =	vld [tilespmem:s3+$0x3E80];
	[tilespmem:s21+$0x6900] =	vst v9;
	s7 =	spop (v2sf)  }
0x1ee: {  	v19 =	vld [tilespmem:s3+$0x3680];
	[tilespmem:s21+$0x6910] =	vst v9;
	s7 =	sadd.s32 $0x1, s7;
	s21 =	smov.u32 s3  }
0x1ef: {  	v20 =	vld [tilespmem:s21+$0x3A80];
	v21 =	vmov s7  }
0x1f0: {  	v21 =	vadd.s32 $0xFFFFFFFF, v21;
	_ =	sdelay $0x1  }
0x1f1: {  	v22 =	vmul.f32 $1.280000000e+02, v18  }
0x1f2: {  	v23 =	vmul.f32 $1.280000000e+02, v19;
	v19 =	vand.u32 $0x7FFFFFFF, v19  }
0x1f3: {  	v18 =	vand.u32 $0x7FFFFFFF, v18;
	v24 =	vmul.f32 $1.280000000e+02, v20;
	v20 =	vand.u32 $0x7FFFFFFF, v20  }
0x1f4: {  	v22 =	vadd.f32 $1.280000000e+02, v22;
	v23 =	vadd.f32 $1.280000000e+02, v23;
	v19 =	vmax.f32 v19, v20  }
0x1f5: {  	v20 =	vadd.f32 $1.280000000e+02, v24;
	v18 =	vmax.f32 v19, v18  }
0x1f6: {  	v22 =	vmax.f32 v22, $0.0e+00;
	v19 =	vmax.f32 v23, $0.0e+00;
	vm0 =	vlt.f32 v18, $1.000000000e+00  }
0x1f7: {  	v18 =	vmin.f32 v19, $2.550000000e+02;
	v19 =	vmax.f32 v20, $0.0e+00;
	v20 =	vsel vm0, $0x1, v11  }
0x1f8: {  	v22 =	vmin.f32 v22, $2.550000000e+02;
	v18 =	vtrunc.f32 v18;
	v19 =	vmin.f32 v19, $2.550000000e+02;
	(xrf0) =	vadd.scan.msk.s32 $0xffff, v20  }
0x1f9: {  	v18 =	vcvt.f32.s32 v18;
	v19 =	vtrunc.f32 v19  }
0x1fa: {  	v20 =	vtrunc.f32 v22;
	v19 =	vcvt.f32.s32 v19  }
0x1fb: {  	v20 =	vcvt.f32.s32 v20  }
0x1fc: {  	v21 =	vbroadcast v21, $0x0;
	v24 =	vshll.u32 v18, $0x9;
	v19 =	vshll.u32 v19, $0x1  }
0x1fd: {  	v22 =	vshra.s32 v20, $0x7;
	v23 =	vand.u32 $0xF, v20;
	v19 =	vor.u32 v24, v19  }
0x1fe: {  	v22 =	vor.u32 v22, v19;
	v18, _, _ =	vpop (xrf0)  }
0x1ff: {  	v18 =	vadd.s32 v18, v21  }
0x200: {  	v19 =	vadd.s32 $0x480, v18;
	(v2sf) =	vpush v18, $0xF  }
0x201: {  	v20 =	vshrl.u32 v20, $0x4;
	v24 =	vld [tilespmem:s21+$0x3E90]  }
0x202: {  	v20 =	vand.u32 $0x7, v20;
	v21 =	vshll.u32 v22, $0x5;
	v22 =	vld [tilespmem:s21+$0x3A90]  }
0x203: {  	v20 =	vor.u32 v20, v21;
	v25 =	vld [tilespmem:s21+$0x3690]  }
0x204: {  	v21 =	vor.u32 $0x8, v20;
	[tilespmem:v18+s28+$0x0] =	vst.idx.msk vm0, v20;
	_ =	sdelay $0x1  }
0x205: {  	v26 =	vmul.f32 $1.280000000e+02, v24  }
0x206: {  	v27 =	vmul.f32 $1.280000000e+02, v22  }
0x207: {  	v22 =	vand.u32 $0x7FFFFFFF, v22;
	v28 =	vmul.f32 $1.280000000e+02, v25;
	v25 =	vand.u32 $0x7FFFFFFF, v25  }
0x208: {  	v24 =	vand.u32 $0x7FFFFFFF, v24;
	v27 =	vadd.f32 $1.280000000e+02, v27;
	v22 =	vmax.f32 v25, v22  }
0x209: {  	v26 =	vadd.f32 $1.280000000e+02, v26;
	v25 =	vadd.f32 $1.280000000e+02, v28;
	v22 =	vmax.f32 v22, v24  }
0x20a: {  	v24 =	vmax.f32 v27, $0.0e+00  }
0x20b: {  	vm1 =	vlt.f32 v22, $1.000000000e+00;
	v25 =	vmax.f32 v25, $0.0e+00;
	v24 =	vmin.f32 v24, $2.550000000e+02  }
0x20c: {  	v22 =	vmin.f32 v25, $2.550000000e+02;
	v24 =	vtrunc.f32 v24;
	v25 =	vsel vm1, $0x1, v11  }
0x20d: {  	v26 =	vmax.f32 v26, $0.0e+00;
	v22 =	vtrunc.f32 v22;
	v24 =	vcvt.f32.s32 v24;
	(xrf0) =	vadd.scan.msk.s32 $0xffff, v25  }
0x20e: {  	v25 =	vmin.f32 v26, $2.550000000e+02;
	v22 =	vcvt.f32.s32 v22;
	s3 =	spop (v2sf)  }
.Ltmp15:
0x20f: {  	v26 =	vmov s17;
	v27 =	vtrunc.f32 v25;
	s3 =	sadd.s32 $0x1, s3;
	v28 =	vshll.u32 v24, $0x1;
	(pc) =	sbr.rel @p1 .LBB2_19-.Ltmp15, $4  }
0x210: {  	v24 =	vshll.u32 v26, $0x4;
	v26 =	vshll.u32 v22, $0x9;
	v22 =	vmov s3  }
0x211: {  	v25 =	vadd.s32 $0x900, v18;
	v29 =	vor.u32 v10, v24;
	v24 =	vadd.s32 $0xFFFFFFFF, v22  }
0x212: {  	v22 =	vcvt.f32.s32 v27;
	v27 =	vbroadcast v24, $0x0;
	v24 =	vadd.s32 $0xD80, v18  }
0x213: {  	s7 =	smov.u32 s2;
	v23 =	vor.u32 v29, v23;
	v26 =	vor.u32 v26, v28;
	v28, _, _ =	vpop (xrf0)  }
0x214: {  	_ =	sdelay $0x3  }
0x215: {  	v29 =	vshra.s32 v22, $0x7;
	v27 =	vadd.s32 v28, v27  }
0x216: {  	v57 =	vshrl.u32 v22, $0x4;
	[tilespmem:v19+s28+$0x0] =	vst.idx.msk vm0, v21;
	v19 =	vor.u32 $0x10, v20;
	v58 =	vadd.s32 $0x480, v27  }
0x217: {  	v26 =	vor.u32 v29, v26;
	[tilespmem:v25+s28+$0x0] =	vst.idx.msk vm0, v19;
	v19 =	vor.u32 $0x18, v20;
	v59 =	vadd.s32 $0x900, v27  }
0x218: {  	v61 =	vand.u32 $0x7, v57;
	v60 =	vshll.u32 v26, $0x5;
	[tilespmem:v24+s28+$0x0] =	vst.idx.msk vm0, v19;
	v19 =	vadd.s32 $0xD80, v27  }
0x219: {  	v62 =	vor.u32 v61, v60;
	[tilespmem:v18+s29+$0x0] =	vst.idx.msk vm0, v23  }
0x21a: {  	v18 =	vor.u32 $0x8, v62;
	[tilespmem:v27+s28+$0x0] =	vst.idx.msk vm1, v62  }
0x21b: {  	[tilespmem:v58+s28+$0x0] =	vst.idx.msk vm1, v18;
	v18 =	vor.u32 $0x10, v62  }
0x21c: {  	v17 =	vor.u32 v10, v17;
	v63 =	vand.u32 $0xF, v22;
	s1 =	sand.u32 $0xE00, s1;
	[tilespmem:v59+s28+$0x0] =	vst.idx.msk vm1, v18;
	v18 =	vor.u32 $0x18, v62  }
0x21d: {  	v17 =	vor.u32 v17, v63;
	s2 =	sadd.s32 $0x5900, s1;
	[tilespmem:v19+s28+$0x0] =	vst.idx.msk vm1, v18  }
0x21e: {  	s3 =	sor.u32 s4, s2;
	[tilespmem:v27+s29+$0x0] =	vst.idx.msk vm1, v17  }
0x21f: {  	s7 =	sadd.s32 $0x5980, s1;
	s2 =	sor.u32 s6, s2;
	[tilespmem:s3+$0x0] =	vst v12  }
0x220: {  	s9 =	sor.u32 s4, s7;
	[tilespmem:s2+$0x0] =	vst v12  }
0x221: {  	s1 =	sadd.s32 $0x5A00, s1;
	s15 =	sor.u32 s6, s7;
	[tilespmem:s9+$0x0] =	vst v12  }
0x222: {  	s20 =	sor.u32 s4, s1;
	[tilespmem:s15+$0x0] =	vst v12  }
0x223: {  	(v2sf) =	vpush v27, $0xF;
	s26 =	sor.u32 s6, s1;
	[tilespmem:s20+$0x0] =	vst v12  }
0x224: {  	s1 =	sshra.s32 s13, $0x2;
	[tilespmem:s26+$0x0] =	vst v12  }
0x225: {  	v17 =	vld [tilespmem:s1+$0x3E80];
	[tilespmem:s21+$0x6900] =	vst v9  }
0x226: {  	v18 =	vld [tilespmem:s1+$0x3680];
	[tilespmem:s21+$0x6910] =	vst v9  }
0x227: {  	v19 =	vld [tilespmem:s1+$0x3A80];
	_ =	sdelay $0x4  }
0x228: {  	v25 =	vand.u32 $0x7FFFFFFF, v18;
	v26 =	vand.u32 $0x7FFFFFFF, v19  }
0x229: {  	v27 =	vand.u32 $0x7FFFFFFF, v17;
	v20 =	vmax.f32 v25, v26  }
0x22a: {  	v20 =	vmax.f32 v20, v27  }
0x22b: {  	vm14 =	vlt.f32 v20, $1.000000000e+00  }
0x22c: {  	v20 =	vsel vm14, $0x1, v11  }
0x22d: {  	(xrf0) =	vadd.scan.msk.s32 $0xffff, v20  }
0x22e: {  	s3 =	spop (v2sf)  }
0x22f: {  	s2 =	sadd.s32 $0x1, s3  }
0x230: {  	v28 =	vmov s2  }
0x231: {  	v20 =	vadd.s32 $0xFFFFFFFF, v28  }
0x232: {  	v20 =	vbroadcast v20, $0x0  }
0x233: {  	v29, _, _ =	vpop (xrf0)  }
0x234: {  	v30 =	vld [tilespmem:s1+$0x3A90];
	v20 =	vadd.s32 v29, v20  }
0x235: {  	v31 =	vld [tilespmem:s1+$0x3690];
	(v2sf) =	vpush v20, $0xF  }
0x236: {  	v23 =	vld [tilespmem:s1+$0x3E90];
	_ =	sdelay $0x1  }
0x237: {  	s6 =	sadd.s32 $0x20, s17;
	v17 =	vmul.f32 $1.280000000e+02, v17  }
0x238: {  	v40 =	vmov s6;
	v18 =	vmul.f32 $1.280000000e+02, v18;
	v19 =	vmul.f32 $1.280000000e+02, v19  }
0x239: {  	v17 =	vadd.f32 $1.280000000e+02, v17;
	v32 =	vand.u32 $0x7FFFFFFF, v31;
	v33 =	vand.u32 $0x7FFFFFFF, v30  }
0x23a: {  	v34 =	vand.u32 $0x7FFFFFFF, v23;
	v21 =	vmul.f32 $1.280000000e+02, v30;
	v22 =	vmul.f32 $1.280000000e+02, v31  }
0x23b: {  	v18 =	vadd.f32 $1.280000000e+02, v18;
	v24 =	vmax.f32 v32, v33;
	v19 =	vadd.f32 $1.280000000e+02, v19  }
0x23c: {  	v23 =	vmul.f32 $1.280000000e+02, v23;
	v17 =	vmax.f32 v17, $0.0e+00;
	v24 =	vmax.f32 v24, v34  }
0x23d: {  	v18 =	vmax.f32 v18, $0.0e+00;
	v17 =	vmin.f32 v17, $2.550000000e+02;
	v19 =	vmax.f32 v19, $0.0e+00  }
0x23e: {  	v18 =	vmin.f32 v18, $2.550000000e+02;
	v17 =	vtrunc.f32 v17;
	v19 =	vmin.f32 v19, $2.550000000e+02  }
0x23f: {  	v21 =	vadd.f32 $1.280000000e+02, v21;
	v18 =	vtrunc.f32 v18;
	v19 =	vtrunc.f32 v19  }
0x240: {  	vm15 =	vlt.f32 v24, $1.000000000e+00;
	v18 =	vcvt.f32.s32 v18;
	v19 =	vcvt.f32.s32 v19  }
0x241: {  	v22 =	vadd.f32 $1.280000000e+02, v22;
	v24 =	vsel vm15, $0x1, v11;
	v17 =	vcvt.f32.s32 v17  }
0x242: {  	v21 =	vmax.f32 v21, $0.0e+00;
	v18 =	vshll.u32 v18, $0x9;
	v19 =	vshll.u32 v19, $0x1;
	(xrf0) =	vadd.scan.msk.s32 $0xffff, v24  }
0x243: {  	v22 =	vmax.f32 v22, $0.0e+00;
	v35 =	vshra.s32 v17, $0x7;
	v18 =	vor.u32 v18, v19;
	s4 =	spop (v2sf)  }
0x244: {  	v19 =	vand.u32 $0xF, v17;
	v17 =	vshrl.u32 v17, $0x4;
	v18 =	vor.u32 v35, v18;
	s2 =	sadd.s32 $0x1, s4  }
0x245: {  	v17 =	vand.u32 $0x7, v17;
	v18 =	vshll.u32 v18, $0x5;
	v37 =	vmov s2  }
0x246: {  	v17 =	vor.u32 v17, v18;
	v18 =	vadd.f32 $1.280000000e+02, v23;
	v23 =	vadd.s32 $0xFFFFFFFF, v37  }
0x247: {  	v21 =	vmin.f32 v21, $2.550000000e+02;
	v22 =	vmin.f32 v22, $2.550000000e+02;
	v23 =	vbroadcast v23, $0x0  }
0x248: {  	v26 =	vshll.u32 v40, $0x4;
	v21 =	vtrunc.f32 v21;
	v22 =	vtrunc.f32 v22;
	v39, _, _ =	vpop (xrf0)  }
0x249: {  	v21 =	vcvt.f32.s32 v21;
	v22 =	vcvt.f32.s32 v22;
	v23 =	vadd.s32 v39, v23  }
0x24a: {  	v36 =	vadd.s32 $0x480, v20;
	v18 =	vmax.f32 v18, $0.0e+00;
	(v2sf) =	vpush v23, $0xF  }
0x24b: {  	v21 =	vshll.u32 v21, $0x1;
	v41 =	vadd.s32 $0x900, v20;
	v18 =	vmin.f32 v18, $2.550000000e+02  }
0x24c: {  	v22 =	vshll.u32 v22, $0x9;
	v42 =	vadd.s32 $0xD80, v20;
	v18 =	vtrunc.f32 v18  }
0x24d: {  	v26 =	vor.u32 v10, v26;
	v21 =	vor.u32 v22, v21;
	v18 =	vcvt.f32.s32 v18  }
0x24e: {  	v19 =	vor.u32 v26, v19;
	v38 =	vor.u32 $0x8, v17;
	v45 =	vor.u32 $0x10, v17;
	[tilespmem:v20+s28+$0x0] =	vst.idx.msk vm14, v17  }
0x24f: {  	v17 =	vor.u32 $0x18, v17;
	[tilespmem:v36+s28+$0x0] =	vst.idx.msk vm14, v38;
	v43 =	vshra.s32 v18, $0x7;
	v46 =	vadd.s32 $0x480, v23  }
0x250: {  	[tilespmem:v41+s28+$0x0] =	vst.idx.msk vm14, v45;
	v44 =	vshrl.u32 v18, $0x4;
	v21 =	vor.u32 v43, v21;
	v47 =	vadd.s32 $0x900, v23  }
0x251: {  	[tilespmem:v42+s28+$0x0] =	vst.idx.msk vm14, v17;
	v48 =	vand.u32 $0x7, v44;
	v21 =	vshll.u32 v21, $0x5;
	v17 =	vadd.s32 $0xD80, v23  }
0x252: {  	s7 =	sadd.s32 $0x10, s6;
	[tilespmem:v20+s29+$0x0] =	vst.idx.msk vm14, v19;
	v21 =	vor.u32 v48, v21  }
0x253: {  	v19 =	vmov s7;
	v49 =	vor.u32 $0x8, v21;
	[tilespmem:v23+s28+$0x0] =	vst.idx.msk vm15, v21  }
0x254: {  	v19 =	vshll.u32 v19, $0x4;
	v50 =	vor.u32 $0x10, v21;
	[tilespmem:v46+s28+$0x0] =	vst.idx.msk vm15, v49  }
0x255: {  	s9 =	sand.u32 $0xE00, s13;
	v18 =	vand.u32 $0xF, v18;
	v19 =	vor.u32 v10, v19;
	v51 =	vor.u32 $0x18, v21;
	[tilespmem:v47+s28+$0x0] =	vst.idx.msk vm15, v50  }
0x256: {  	s15 =	sadd.s32 $0x5900, s9;
	v18 =	vor.u32 v19, v18;
	s2 =	sand.u32 $0x60, s6;
	[tilespmem:v17+s28+$0x0] =	vst.idx.msk vm15, v51  }
0x257: {  	s17 =	sor.u32 $0x10, s2;
	s7 =	sor.u32 s2, s15;
	[tilespmem:v23+s29+$0x0] =	vst.idx.msk vm15, v18  }
0x258: {  	s20 =	sadd.s32 $0x5980, s9;
	s4 =	sor.u32 s17, s15;
	[tilespmem:s7+$0x0] =	vst v12  }
0x259: {  	s21 =	sor.u32 s2, s20;
	[tilespmem:s4+$0x0] =	vst v12;
	s13 =	spop (v2sf)  }
0x25a: {  	s3 =	sadd.s32 $0x5A00, s9;
	s26 =	sor.u32 s17, s20;
	[tilespmem:s21+$0x0] =	vst v12;
	s21 =	sadd.s32 $0x1, s13  }
0x25b: {  	s2 =	sor.u32 s2, s3;
	[tilespmem:s26+$0x0] =	vst v12;
	v17 =	vadd.s32 s21, v0  }
0x25c: {  	s4 =	sor.u32 s17, s3;
	[tilespmem:s2+$0x0] =	vst v12;
	v18 =	vadd.s32 s21, v13  }
0x25d: {  	[tilespmem:s4+$0x0] =	vst v12;
	v19 =	vadd.s32 $0x900, v17  }
0x25e: {  	[tilespmem:s1+$0x6900] =	vst v9;
	s6 =	sadd.s32 $0x11, s13;
	v52 =	vadd.s32 $0xD80, v17  }
0x25f: {  	[tilespmem:s1+$0x6910] =	vst v9;
	v53 =	vadd.s32 s6, v0  }
0x260: {  	[tilespmem:v17+s28+$0x0] =	vst.idx.msk $0xffff, v1;
	v17 =	vadd.s32 s6, v13  }
0x261: {  	[tilespmem:v18+s28+$0x0] =	vst.idx.msk $0xffff, v1;
	v18 =	vadd.s32 s6, v14  }
0x262: {  	s7 =	sadd.s32 $0x21, s13;
	[tilespmem:v19+s28+$0x0] =	vst.idx.msk $0xffff, v1;
	v19 =	vadd.s32 s6, v15  }
0x263: {  	v54 =	vadd.s32 s7, v0;
	[tilespmem:v52+s28+$0x0] =	vst.idx.msk $0xffff, v1  }
0x264: {  	v55 =	vadd.s32 s7, v13;
	[tilespmem:v53+s28+$0x0] =	vst.idx.msk $0xffff, v2  }
0x265: {  	[tilespmem:v17+s28+$0x0] =	vst.idx.msk $0xffff, v2;
	v17 =	vadd.s32 s7, v14  }
0x266: {  	s9 =	sadd.s32 $0x31, s13;
	[tilespmem:v18+s28+$0x0] =	vst.idx.msk $0xffff, v2;
	v18 =	vadd.s32 s7, v15  }
0x267: {  	[tilespmem:v19+s28+$0x0] =	vst.idx.msk $0xffff, v2;
	v19 =	vadd.s32 s9, v0  }
0x268: {  	v56 =	vadd.s32 s9, v13;
	[tilespmem:v54+s28+$0x0] =	vst.idx.msk $0xffff, v3  }
0x269: {  	v57 =	vadd.s32 s9, v14;
	[tilespmem:v55+s28+$0x0] =	vst.idx.msk $0xffff, v3  }
0x26a: {  	s15 =	sadd.s32 $0x41, s13;
	[tilespmem:v17+s28+$0x0] =	vst.idx.msk $0xffff, v3;
	v17 =	vadd.s32 s9, v15  }
0x26b: {  	[tilespmem:v18+s28+$0x0] =	vst.idx.msk $0xffff, v3;
	v18 =	vadd.s32 s15, v0  }
0x26c: {  	[tilespmem:v19+s28+$0x0] =	vst.idx.msk $0xffff, v4;
	v19 =	vadd.s32 s15, v13  }
0x26d: {  	v58 =	vadd.s32 s15, v14;
	[tilespmem:v56+s28+$0x0] =	vst.idx.msk $0xffff, v4  }
0x26e: {  	s17 =	sadd.s32 $0x51, s13;
	v59 =	vadd.s32 s15, v15;
	[tilespmem:v57+s28+$0x0] =	vst.idx.msk $0xffff, v4  }
0x26f: {  	[tilespmem:v17+s28+$0x0] =	vst.idx.msk $0xffff, v4;
	v17 =	vadd.s32 s17, v0  }
0x270: {  	[tilespmem:v18+s28+$0x0] =	vst.idx.msk $0xffff, v5;
	v18 =	vadd.s32 s17, v13  }
0x271: {  	[tilespmem:v19+s28+$0x0] =	vst.idx.msk $0xffff, v5;
	v19 =	vadd.s32 s17, v14  }
0x272: {  	s20 =	sadd.s32 $0x61, s13;
	v60 =	vadd.s32 s17, v15;
	[tilespmem:v58+s28+$0x0] =	vst.idx.msk $0xffff, v5  }
0x273: {  	v61 =	vadd.s32 s20, v0;
	[tilespmem:v59+s28+$0x0] =	vst.idx.msk $0xffff, v5  }
0x274: {  	[tilespmem:v17+s28+$0x0] =	vst.idx.msk $0xffff, v6;
	v17 =	vadd.s32 s20, v13  }
0x275: {  	[tilespmem:v18+s28+$0x0] =	vst.idx.msk $0xffff, v6;
	v18 =	vadd.s32 s20, v14  }
0x276: {  	s26 =	sadd.s32 $0x71, s13;
	[tilespmem:v19+s28+$0x0] =	vst.idx.msk $0xffff, v6;
	v19 =	vadd.s32 s20, v15  }
0x277: {  	v62 =	vadd.s32 s26, v0;
	[tilespmem:v60+s28+$0x0] =	vst.idx.msk $0xffff, v6  }
0x278: {  	v63 =	vadd.s32 s26, v13;
	[tilespmem:v61+s28+$0x0] =	vst.idx.msk $0xffff, v7  }
0x279: {  	[tilespmem:v17+s28+$0x0] =	vst.idx.msk $0xffff, v7;
	v17 =	vadd.s32 s26, v14  }
0x27a: {  	[tilespmem:v18+s28+$0x0] =	vst.idx.msk $0xffff, v7;
	v18 =	vadd.s32 s26, v15  }
.Ltmp16:
0x27b: {  	[tilespmem:v19+s28+$0x0] =	vst.idx.msk $0xffff, v7;
	(pc) =	sbr.rel @p0 .LBB2_24-.Ltmp16, $4  }
0x27c: {  	[tilespmem:v62+s28+$0x0] =	vst.idx.msk $0xffff, v8  }
0x27d: {  	[tilespmem:v63+s28+$0x0] =	vst.idx.msk $0xffff, v8  }
0x27e: {  	[tilespmem:v17+s28+$0x0] =	vst.idx.msk $0xffff, v8  }
0x27f: {  	s17 =	simm.s32 $0x0;
	[tilespmem:v18+s28+$0x0] =	vst.idx.msk $0xffff, v8  }
0x280: {  	_ =	swait.ge [sflag:s30], $0x800  }
0x281: {  	[sflag:s30] =	ssyncset.done $0x0  }
0x282: {  	[sflag:s30] =	ssyncadd.s32 $0xFFFFF800  }
0x283: {  	_ =	swait.ge [sflag:s30], $0x800  }
0x284: {  	[sflag:s30] =	ssyncset.done $0x0  }
0x285: {  	p0 =	sne.s32 s18, $0x1;
	[sflag:s30] =	ssyncadd.s32 $0xFFFFF800  }
.Ltmp17:
0x286: {  	_ =	swait.ge [sflag:s30], $0x800;
	(pc) =	sbr.rel @!p0 .LBB2_23-.Ltmp17, $4  }
0x287: {  	[sflag:s30] =	ssyncset.done $0x0  }
0x288: {  	[sflag:s30] =	ssyncadd.s32 $0xFFFFF800  }
0x289: {  	_ =	swait.ge [sflag:s30], $0x800  }
0x28a: {  	s1 =	sadd.s32 $0xFFFFFFFF, s18;
	[sflag:s30] =	ssyncset.done $0x0  }
.LBB2_22:
0x28b: {  	p0 =	sne.s32 s1, $0x1;
	s1 =	sadd.s32 $0xFFFFFFFF, s1;
	[sflag:s30] =	ssyncadd.s32 $0xFFFFF800  }
0x28c: {  	_ =	swait.ge [sflag:s30], $0x800  }
0x28d: {  	[sflag:s30] =	ssyncset.done $0x0  }
0x28e: {  	[sflag:s30] =	ssyncadd.s32 $0xFFFFF800  }
0x28f: {  	_ =	swait.ge [sflag:s30], $0x800  }
0x290: {  	[sflag:s30] =	ssyncset.done $0x0  }
0x291: {  	[sflag:s30] =	ssyncadd.s32 $0xFFFFF800  }
.Ltmp18:
0x292: {  	_ =	swait.ge [sflag:s30], $0x800;
	(pc) =	sbr.rel @p0 .LBB2_22-.Ltmp18, $4  }
0x293: {  	[sflag:s30] =	ssyncset.done $0x0  }
0x294: {  	[sflag:s30] =	ssyncadd.s32 $0xFFFFF800  }
0x295: {  	_ =	swait.ge [sflag:s30], $0x800  }
0x296: {  	[sflag:s30] =	ssyncset.done $0x0  }
.LBB2_23:
0x297: {  	[sflag:s30] =	ssyncadd.s32 $0xFFFFF800  }
.LBB2_24:
0x298: {  	s1 =	sadd.s32 $0x10, s22  }
0x299: {  	s3 =	sshra.s32 s1, $0x4  }
0x29a: {  	p0 =	slt.s32 s3, $0x1  }
.Ltmp19:
0x29b: {  	_ = 	snop;
	(pc) =	sbr.rel @p0 .LBB2_28-.Ltmp19, $1  }
0x29c: {  	_ =	sdelay $0x3  }
0x29d: {  	s1 =	simm.s32 $0x1E00  }
0x29e: {  	v17 =	vld [tilespmem:s1+$0x0];
	_ =	sdelay $0x1  }
0x29f: {  	s2 =	simm.s32 $0x0  }
0x2a0: {  	v18 =	vmov s2;
	v19 =	vor.u32 s2, v0  }
0x2a1: {  	v18 =	vshll.u32 v18, $0x4;
	v20 =	vshll.u32 v19, $0x4  }
0x2a2: {  	v18 =	vand.u32 $0xFFFFF800, v18;
	v20 =	vand.u32 $0x7F0, v20;
	v21 =	vand.u32 $0x8, v17  }
0x2a3: {  	vm0 =	vlt.s32 v19, v16;
	v22 =	vor.u32 v20, v18;
	v20 =	vor.u32 v20, v21  }
0x2a4: {  	v23 =	vand.u32 $0x7, v17;
	v21 =	vor.u32 v21, v22;
	v18 =	vor.u32 v18, v20  }
0x2a5: {  	v19 =	vor.u32 v23, v21;
	v18 =	vor.u32 v23, v18  }
0x2a6: {  	v20 =	vadd.s32 $0x4800, v19  }
0x2a7: {  	v21 =	vadd.s32 $0x9000, v19;
	_ =	sdelay $0x2  }
0x2a8: {  	v18 =	vld.idx.msk [tilespmem:v18+s31+$0x0], vm0  }
0x2a9: {  	v20 =	vld.idx.msk [tilespmem:v20+s31+$0x0], vm0  }
0x2aa: {  	v21 =	vld.idx.msk [tilespmem:v21+s31+$0x0], vm0;
	_ =	sdelay $0x2  }
0x2ab: {  	v18 =	vsub.f32 $0.0e+00, v18  }
0x2ac: {  	v20 =	vsub.f32 $0.0e+00, v20  }
0x2ad: {  	v21 =	vsub.f32 $0.0e+00, v21;
	v18 =	vmul.f32 $1.442695020e+00, v18  }
0x2ae: {  	v20 =	vmul.f32 $1.442695020e+00, v20  }
0x2af: {  	v21 =	vmul.f32 $1.442695020e+00, v21;
	(erf) = vpow2.f32 v18  }
0x2b0: {  	(erf) = vpow2.f32 v20  }
0x2b1: {  	(erf) = vpow2.f32 v21;
	_ =	sdelay $0x6  }
0x2b2: {  	v18 =	vpop (erf)  }
0x2b3: {  	v18 =	vadd.f32 $1.000000000e+00, v18;
	v20 =	vpop (erf)  }
0x2b4: {  	v20 =	vadd.f32 $1.000000000e+00, v20;
	v21 =	vpop (erf)  }
0x2b5: {  	v19 =	vadd.s32 $0xD800, v19;
	v21 =	vadd.f32 $1.000000000e+00, v21;
	(erf) = vrcp.f32 v18  }
0x2b6: {  	(erf) = vrcp.f32 v20  }
0x2b7: {  	v18 =	vshra.s32 v17, $0x2;
	v17 =	vshra.s32 v17, $0x4;
	(erf) = vrcp.f32 v21  }
0x2b8: {  	v20 =	vand.u32 $0x78, v17;
	v18 =	vand.u32 $0xFFFFFE00, v18  }
0x2b9: {  	v62 =	vand.u32 $0x7, v17;
	v18 =	vor.u32 v20, v18  }
0x2ba: {  	v19 =	vld.idx.msk [tilespmem:v19+s31+$0x0], vm0;
	v18 =	vor.u32 v62, v18  }
0x2bb: {  	v20 =	vor.u32 $0x80, v18  }
0x2bc: {  	p0 =	sne.s32 s3, $0x1;
	v21 =	vor.u32 $0x100, v18  }
.Ltmp20:
0x2bd: {  	_ = 	snop;
	(pc) =	sbr.rel @!p0 .LBB2_27-.Ltmp20, $4  }
0x2be: {  	v63 =	vpop (erf)  }
0x2bf: {  	[tilespmem:v18+s0+$0x0] =	vst.idx.msk vm0, v63;
	v18 =	vmul.f32 $1.000000000e+01, v19;
	v19 =	vpop (erf)  }
0x2c0: {  	[tilespmem:v20+s0+$0x0] =	vst.idx.msk vm0, v19;
	v19 =	vpop (erf)  }
0x2c1: {  	s4 =	sadd.s32 $0xFFFFFFFF, s3;
	[tilespmem:v21+s0+$0x0] =	vst.idx.msk vm0, v19;
	v18 =	vmax.f32 v18, $0.0e+00  }
.LBB2_26:
0x2c2: {  	p0 =	sne.s32 s4, $0x1;
	[tilespmem:v17+s5+$0x0] =	vst.idx.msk vm0, v18;
	s1 =	sadd.s32 $0x10, s1;
	s2 =	sadd.s32 $0x10, s2  }
0x2c3: {  	s4 =	sadd.s32 $0xFFFFFFFF, s4;
	v17 =	vld [tilespmem:s1+$0x0];
	_ =	sdelay $0x1  }
0x2c4: {  	v18 =	vmov s2;
	v19 =	vor.u32 s2, v0  }
0x2c5: {  	v18 =	vshll.u32 v18, $0x4;
	v20 =	vshll.u32 v19, $0x4  }
0x2c6: {  	v18 =	vand.u32 $0xFFFFF800, v18;
	v20 =	vand.u32 $0x7F0, v20  }
0x2c7: {  	v22 =	vor.u32 v20, v18;
	v21 =	vand.u32 $0x8, v17;
	v23 =	vshra.s32 v17, $0x2  }
0x2c8: {  	v24 =	vand.u32 $0x7, v17;
	v20 =	vor.u32 v20, v21;
	v21 =	vor.u32 v21, v22  }
0x2c9: {  	vm0 =	vlt.s32 v19, v16;
	v18 =	vor.u32 v18, v20;
	v19 =	vor.u32 v24, v21  }
0x2ca: {  	v18 =	vor.u32 v24, v18;
	v20 =	vadd.s32 $0x4800, v19;
	v21 =	vadd.s32 $0x9000, v19  }
0x2cb: {  	v19 =	vadd.s32 $0xD800, v19;
	_ =	sdelay $0x3  }
0x2cc: {  	v18 =	vld.idx.msk [tilespmem:v18+s31+$0x0], vm0  }
0x2cd: {  	v20 =	vld.idx.msk [tilespmem:v20+s31+$0x0], vm0  }
0x2ce: {  	v21 =	vld.idx.msk [tilespmem:v21+s31+$0x0], vm0;
	_ =	sdelay $0x3  }
0x2cf: {  	v18 =	vsub.f32 $0.0e+00, v18  }
0x2d0: {  	v20 =	vsub.f32 $0.0e+00, v20  }
0x2d1: {  	v18 =	vmul.f32 $1.442695020e+00, v18;
	v21 =	vsub.f32 $0.0e+00, v21  }
0x2d2: {  	v20 =	vmul.f32 $1.442695020e+00, v20  }
0x2d3: {  	v21 =	vmul.f32 $1.442695020e+00, v21;
	(erf) = vpow2.f32 v18  }
0x2d4: {  	(erf) = vpow2.f32 v20  }
0x2d5: {  	(erf) = vpow2.f32 v21;
	_ =	sdelay $0x6  }
0x2d6: {  	v18 =	vpop (erf)  }
0x2d7: {  	v18 =	vadd.f32 $1.000000000e+00, v18;
	v20 =	vpop (erf)  }
0x2d8: {  	v20 =	vadd.f32 $1.000000000e+00, v20;
	v21 =	vpop (erf)  }
0x2d9: {  	v21 =	vadd.f32 $1.000000000e+00, v21;
	(erf) = vrcp.f32 v18  }
0x2da: {  	(erf) = vrcp.f32 v20  }
0x2db: {  	v17 =	vshra.s32 v17, $0x4;
	(erf) = vrcp.f32 v21  }
0x2dc: {  	v18 =	vand.u32 $0x78, v17;
	v20 =	vand.u32 $0x7, v17;
	v21 =	vand.u32 $0xFFFFFE00, v23  }
0x2dd: {  	v18 =	vor.u32 v18, v21;
	v19 =	vld.idx.msk [tilespmem:v19+s31+$0x0], vm0  }
0x2de: {  	v18 =	vor.u32 v20, v18  }
0x2df: {  	v20 =	vor.u32 $0x80, v18  }
0x2e0: {  	v21 =	vor.u32 $0x100, v18  }
.Ltmp21:
0x2e1: {  	(pc) =	sbr.rel @p0 .LBB2_26-.Ltmp21, $4  }
0x2e2: {  	v22 =	vpop (erf)  }
0x2e3: {  	[tilespmem:v18+s0+$0x0] =	vst.idx.msk vm0, v22;
	v18 =	vmul.f32 $1.000000000e+01, v19;
	v19 =	vpop (erf)  }
0x2e4: {  	[tilespmem:v20+s0+$0x0] =	vst.idx.msk vm0, v19;
	v19 =	vpop (erf)  }
0x2e5: {  	[tilespmem:v21+s0+$0x0] =	vst.idx.msk vm0, v19;
	v18 =	vmax.f32 v18, $0.0e+00  }
.LBB2_27:
0x2e6: {  	_ =	sdelay $0x4  }
0x2e7: {  	[tilespmem:v17+s5+$0x0] =	vst.idx.msk vm0, v18  }
.LBB2_28:
0x2e8: {  	s1 =	rddreg [dreg:$0x11]  }
0x2e9: {  	s2 =	rddreg [dreg:$0x4];
	s1 =	sshrl.u32 s1, $0x1  }
0x2ea: {  	s1 =	sadd.s32 s2, s1  }
0x2eb: {  	[hbm4b:s1+s17] =	stream.linear.scatter [tilespmem:s0], [sflag:$0x5], $0x1000, $0x38;
	[tilespmem:$0x18D00] =	vst v63  }
0x2ec: {  	_ =	swait.ge [sflag:s10], $0x1000  }
0x2ed: {  	[sflag:s10] =	ssyncset.done $0x0  }
0x2ee: {  	s22 =	rddreg [dreg:$0x10];
	[sflag:s10] =	ssyncadd.s32 $0xFFFFF000  }
0x2ef: {  	s20 =	rddreg [dreg:$0x5]  }
0x2f0: {  	s26 =	sadd.s32 $0x80, s13;
	s1 =	sadd.s32 s20, s22  }
0x2f1: {  	[hbm4b:s1+s17] =	stream.linear.scatter [tilespmem:s5], [sflag:$0x5], $0x400, $0x38;
	[tilespmem:$0x18D00] =	vst v63  }
0x2f2: {  	s1 =	sshra.s32 s26, $0x7  }
0x2f3: {  	p0 =	slt.s32 s1, $0x1  }
.Ltmp22:
0x2f4: {  	_ = 	snop;
	(pc) =	sbr.rel @p0 .LBB2_41-.Ltmp22, $4  }
0x2f5: {  	_ = 	snop  }
0x2f6: {  	_ =	swait.ge [sflag:s10], $0x400  }
0x2f7: {  	[sflag:s10] =	ssyncset.done $0x0  }
0x2f8: {  	[sflag:s10] =	ssyncadd.s32 $0xFFFFFC00  }
0x2f9: {  	s2 =	simm.s32 $0x6D00  }
0x2fa: {  	s3 =	simm.s32 $0x4280;
	s18 =	simm.s32 $0xB500;
	p0 =	sne.s32 s1, $0x1  }
0x2fb: {  	[tilespmem:s2], [sflag:$0x2] =	stream.indirect.gather [hbm4b:s8+s25], $0x10, s3, s25, $0xb8;
	[tilespmem:$0x18D00] =	vst v63  }
.Ltmp23:
0x2fc: {  	s20 =	simm.s32 $0x4700;
	s22 =	simm.s32 $0xFD00;
	(pc) =	sbr.rel @!p0 .LBB2_31-.Ltmp23, $4  }
0x2fd: {  	s26 =	simm.s32 $0x4B80;
	s4 =	sadd.s32 $0xFFFFFFFF, s1;
	s6 =	simm.s32 $0x5080  }
0x2fe: {  	[tilespmem:s18], [sflag:$0x2] =	stream.indirect.gather [hbm4b:s8+s25], $0x10, s20, s25, $0xb8;
	[tilespmem:$0x18D00] =	vst v63  }
0x2ff: {  	s15 =	simm.s32 $0x14D00;
	s2 =	simm.s32 $0x5000;
	s3 =	simm.s32 $0x14500  }
0x300: {  	[tilespmem:s22], [sflag:$0x2] =	stream.indirect.gather [hbm4b:s8+s25], $0x10, s26, s25, $0xb8;
	[tilespmem:$0x18D00] =	vst v63  }
.LBB2_30:
0x301: {  	[tilespmem:s3], [sflag:$0x2] =	stream.indirect.gather [hbm4b:s8+s25], $0x10, s2, s25, $0xb8;
	[tilespmem:$0x18D00] =	vst v63  }
0x302: {  	s2 =	smov.u32 s6;
	s3 =	smov.u32 s15  }
0x303: {  	s7 =	sadd.s32 $0xFFFF2800, s15;
	s9 =	sadd.s32 $0xFFFFF280, s6;
	p0 =	sne.s32 s4, $0x1  }
0x304: {  	[tilespmem:s7], [sflag:$0x2] =	stream.indirect.gather [hbm4b:s8+s25], $0x10, s9, s25, $0xb8;
	[tilespmem:$0x18D00] =	vst v63  }
.Ltmp24:
0x305: {  	s7 =	sadd.s32 $0xFFFF7000, s15;
	s9 =	sadd.s32 $0xFFFFF700, s6;
	(pc) =	sbr.rel @p0 .LBB2_30-.Ltmp24, $4  }
0x306: {  	[tilespmem:s7], [sflag:$0x2] =	stream.indirect.gather [hbm4b:s8+s25], $0x10, s9, s25, $0xb8;
	[tilespmem:$0x18D00] =	vst v63  }
0x307: {  	s4 =	sadd.s32 $0xFFFFFFFF, s4;
	s7 =	sadd.s32 $0xFFFFB800, s15;
	s9 =	sadd.s32 $0xFFFFFB80, s6  }
0x308: {  	[tilespmem:s7], [sflag:$0x2] =	stream.indirect.gather [hbm4b:s8+s25], $0x10, s9, s25, $0xb8;
	[tilespmem:$0x18D00] =	vst v63  }
0x309: {  	s6 =	sadd.s32 $0x80, s6;
	s15 =	sadd.s32 $0x800, s15  }
.LBB2_31:
0x30a: {  	s16 =	sadd.s32 $0x1, s16  }
0x30b: {  	p0 =	seq.s32 s16, $0x10  }
.Ltmp25:
0x30c: {  	_ = 	snop;
	(pc) =	sbr.rel @!p0 .LBB2_2-.Ltmp25, $2  }
0x30d: {  	_ =	sdelay $0x2  }
0x30e: {  	[tilespmem:s3], [sflag:$0x2] =	stream.indirect.gather [hbm4b:s8+s25], $0x10, s2, s25, $0xb8;
	[tilespmem:$0x18D00] =	vst v63  }
0x30f: {  	_ =	swait.ge [sflag:s11], $0x800  }
0x310: {  	[sflag:s11] =	ssyncset.done $0x0  }
0x311: {  	[sflag:s11] =	ssyncadd.s32 $0xFFFFF800  }
0x312: {  	_ =	swait.ge [sflag:s11], $0x800  }
0x313: {  	[sflag:s11] =	ssyncset.done $0x0  }
0x314: {  	p0 =	sne.s32 s1, $0x1;
	[sflag:s11] =	ssyncadd.s32 $0xFFFFF800  }
.Ltmp26:
0x315: {  	_ =	swait.ge [sflag:s11], $0x800;
	(pc) =	sbr.rel @!p0 .LBB2_34-.Ltmp26, $4  }
0x316: {  	[sflag:s11] =	ssyncset.done $0x0  }
0x317: {  	[sflag:s11] =	ssyncadd.s32 $0xFFFFF800  }
0x318: {  	_ =	swait.ge [sflag:s11], $0x800  }
0x319: {  	s1 =	sadd.s32 $0xFFFFFFFF, s1;
	[sflag:s11] =	ssyncset.done $0x0  }
.LBB2_33:
0x31a: {  	p0 =	sne.s32 s1, $0x1;
	s1 =	sadd.s32 $0xFFFFFFFF, s1;
	[sflag:s11] =	ssyncadd.s32 $0xFFFFF800  }
0x31b: {  	_ =	swait.ge [sflag:s11], $0x800  }
0x31c: {  	[sflag:s11] =	ssyncset.done $0x0  }
0x31d: {  	[sflag:s11] =	ssyncadd.s32 $0xFFFFF800  }
0x31e: {  	_ =	swait.ge [sflag:s11], $0x800  }
0x31f: {  	[sflag:s11] =	ssyncset.done $0x0  }
0x320: {  	[sflag:s11] =	ssyncadd.s32 $0xFFFFF800  }
.Ltmp27:
0x321: {  	_ =	swait.ge [sflag:s11], $0x800;
	(pc) =	sbr.rel @p0 .LBB2_33-.Ltmp27, $4  }
0x322: {  	[sflag:s11] =	ssyncset.done $0x0  }
0x323: {  	[sflag:s11] =	ssyncadd.s32 $0xFFFFF800  }
0x324: {  	_ =	swait.ge [sflag:s11], $0x800  }
0x325: {  	[sflag:s11] =	ssyncset.done $0x0  }
.LBB2_34:
0x326: {  	[sflag:s11] =	ssyncadd.s32 $0xFFFFF800  }
.LBB2_35:
0x327: {  	s1 =	sadd.s32 $0x10, s13  }
0x328: {  	s3 =	sshra.s32 s1, $0x4  }
0x329: {  	p0 =	slt.s32 s3, $0x1  }
.Ltmp28:
0x32a: {  	_ = 	snop;
	(pc) =	sbr.rel @p0 .LBB2_39-.Ltmp28, $2  }
0x32b: {  	_ =	sdelay $0x2  }
0x32c: {  	s2 =	rddreg [dreg:$0xf]  }
0x32d: {  	s1 =	simm.s32 $0x5480  }
0x32e: {  	v17 =	vld [tilespmem:s1+$0x0];
	_ =	sdelay $0x1  }
0x32f: {  	s2 =	simm.s32 $0x0  }
0x330: {  	v18 =	vmov s2;
	v19 =	vor.u32 s2, v0  }
0x331: {  	v16 =	vmov s21;
	v18 =	vshll.u32 v18, $0x4;
	v20 =	vshll.u32 v19, $0x4  }
0x332: {  	v18 =	vand.u32 $0xFFFFF800, v18;
	v20 =	vand.u32 $0x7F0, v20;
	v21 =	vand.u32 $0x8, v17  }
0x333: {  	vm0 =	vlt.s32 v19, v16;
	v22 =	vor.u32 v20, v18;
	v20 =	vor.u32 v20, v21  }
0x334: {  	v23 =	vand.u32 $0x7, v17;
	v21 =	vor.u32 v21, v22;
	v18 =	vor.u32 v18, v20  }
0x335: {  	v19 =	vor.u32 v23, v21;
	v18 =	vor.u32 v23, v18  }
0x336: {  	v20 =	vadd.s32 $0x4800, v19  }
0x337: {  	v21 =	vadd.s32 $0x9000, v19;
	_ =	sdelay $0x2  }
0x338: {  	v18 =	vld.idx.msk [tilespmem:v18+s31+$0x0], vm0  }
0x339: {  	v20 =	vld.idx.msk [tilespmem:v20+s31+$0x0], vm0  }
0x33a: {  	v21 =	vld.idx.msk [tilespmem:v21+s31+$0x0], vm0;
	_ =	sdelay $0x2  }
0x33b: {  	v18 =	vsub.f32 $0.0e+00, v18  }
0x33c: {  	v20 =	vsub.f32 $0.0e+00, v20  }
0x33d: {  	v21 =	vsub.f32 $0.0e+00, v21;
	v18 =	vmul.f32 $1.442695020e+00, v18  }
0x33e: {  	v20 =	vmul.f32 $1.442695020e+00, v20  }
0x33f: {  	v21 =	vmul.f32 $1.442695020e+00, v21;
	(erf) = vpow2.f32 v18  }
0x340: {  	(erf) = vpow2.f32 v20  }
0x341: {  	(erf) = vpow2.f32 v21;
	_ =	sdelay $0x6  }
0x342: {  	v18 =	vpop (erf)  }
0x343: {  	v18 =	vadd.f32 $1.000000000e+00, v18;
	v20 =	vpop (erf)  }
0x344: {  	v20 =	vadd.f32 $1.000000000e+00, v20;
	v21 =	vpop (erf)  }
0x345: {  	v19 =	vadd.s32 $0xD800, v19;
	v21 =	vadd.f32 $1.000000000e+00, v21;
	(erf) = vrcp.f32 v18  }
0x346: {  	(erf) = vrcp.f32 v20  }
0x347: {  	v18 =	vshra.s32 v17, $0x2;
	v17 =	vshra.s32 v17, $0x4;
	(erf) = vrcp.f32 v21  }
0x348: {  	v20 =	vand.u32 $0x78, v17;
	v18 =	vand.u32 $0xFFFFFE00, v18  }
0x349: {  	v62 =	vand.u32 $0x7, v17;
	v18 =	vor.u32 v20, v18  }
0x34a: {  	v19 =	vld.idx.msk [tilespmem:v19+s31+$0x0], vm0;
	v18 =	vor.u32 v62, v18  }
0x34b: {  	v20 =	vor.u32 $0x80, v18  }
0x34c: {  	p0 =	sne.s32 s3, $0x1;
	v21 =	vor.u32 $0x100, v18  }
.Ltmp29:
0x34d: {  	_ = 	snop;
	(pc) =	sbr.rel @!p0 .LBB2_38-.Ltmp29, $4  }
0x34e: {  	v63 =	vpop (erf)  }
0x34f: {  	[tilespmem:v18+s12+$0x0] =	vst.idx.msk vm0, v63;
	v18 =	vmul.f32 $1.000000000e+01, v19;
	v19 =	vpop (erf)  }
0x350: {  	[tilespmem:v20+s12+$0x0] =	vst.idx.msk vm0, v19;
	v19 =	vpop (erf)  }
0x351: {  	s4 =	sadd.s32 $0xFFFFFFFF, s3;
	[tilespmem:v21+s12+$0x0] =	vst.idx.msk vm0, v19;
	v18 =	vmax.f32 v18, $0.0e+00  }
.LBB2_37:
0x352: {  	p0 =	sne.s32 s4, $0x1;
	[tilespmem:v17+s14+$0x0] =	vst.idx.msk vm0, v18;
	s1 =	sadd.s32 $0x10, s1;
	s2 =	sadd.s32 $0x10, s2  }
0x353: {  	s4 =	sadd.s32 $0xFFFFFFFF, s4;
	v17 =	vld [tilespmem:s1+$0x0];
	_ =	sdelay $0x1  }
0x354: {  	v18 =	vmov s2;
	v19 =	vor.u32 s2, v0  }
0x355: {  	v18 =	vshll.u32 v18, $0x4;
	v20 =	vshll.u32 v19, $0x4  }
0x356: {  	v18 =	vand.u32 $0xFFFFF800, v18;
	v20 =	vand.u32 $0x7F0, v20  }
0x357: {  	v22 =	vor.u32 v20, v18;
	v21 =	vand.u32 $0x8, v17;
	v23 =	vshra.s32 v17, $0x2  }
0x358: {  	v24 =	vand.u32 $0x7, v17;
	v20 =	vor.u32 v20, v21;
	v21 =	vor.u32 v21, v22  }
0x359: {  	vm0 =	vlt.s32 v19, v16;
	v18 =	vor.u32 v18, v20;
	v19 =	vor.u32 v24, v21  }
0x35a: {  	v18 =	vor.u32 v24, v18;
	v20 =	vadd.s32 $0x4800, v19;
	v21 =	vadd.s32 $0x9000, v19  }
0x35b: {  	v19 =	vadd.s32 $0xD800, v19;
	_ =	sdelay $0x3  }
0x35c: {  	v18 =	vld.idx.msk [tilespmem:v18+s31+$0x0], vm0  }
0x35d: {  	v20 =	vld.idx.msk [tilespmem:v20+s31+$0x0], vm0  }
0x35e: {  	v21 =	vld.idx.msk [tilespmem:v21+s31+$0x0], vm0;
	_ =	sdelay $0x3  }
0x35f: {  	v18 =	vsub.f32 $0.0e+00, v18  }
0x360: {  	v20 =	vsub.f32 $0.0e+00, v20  }
0x361: {  	v18 =	vmul.f32 $1.442695020e+00, v18;
	v21 =	vsub.f32 $0.0e+00, v21  }
0x362: {  	v20 =	vmul.f32 $1.442695020e+00, v20  }
0x363: {  	v21 =	vmul.f32 $1.442695020e+00, v21;
	(erf) = vpow2.f32 v18  }
0x364: {  	(erf) = vpow2.f32 v20  }
0x365: {  	(erf) = vpow2.f32 v21;
	_ =	sdelay $0x6  }
0x366: {  	v18 =	vpop (erf)  }
0x367: {  	v18 =	vadd.f32 $1.000000000e+00, v18;
	v20 =	vpop (erf)  }
0x368: {  	v20 =	vadd.f32 $1.000000000e+00, v20;
	v21 =	vpop (erf)  }
0x369: {  	v21 =	vadd.f32 $1.000000000e+00, v21;
	(erf) = vrcp.f32 v18  }
0x36a: {  	(erf) = vrcp.f32 v20  }
0x36b: {  	v17 =	vshra.s32 v17, $0x4;
	(erf) = vrcp.f32 v21  }
0x36c: {  	v18 =	vand.u32 $0x78, v17;
	v20 =	vand.u32 $0x7, v17;
	v21 =	vand.u32 $0xFFFFFE00, v23  }
0x36d: {  	v18 =	vor.u32 v18, v21;
	v19 =	vld.idx.msk [tilespmem:v19+s31+$0x0], vm0  }
0x36e: {  	v18 =	vor.u32 v20, v18  }
0x36f: {  	v20 =	vor.u32 $0x80, v18  }
0x370: {  	v21 =	vor.u32 $0x100, v18  }
.Ltmp30:
0x371: {  	(pc) =	sbr.rel @p0 .LBB2_37-.Ltmp30, $4  }
0x372: {  	v22 =	vpop (erf)  }
0x373: {  	[tilespmem:v18+s12+$0x0] =	vst.idx.msk vm0, v22;
	v18 =	vmul.f32 $1.000000000e+01, v19;
	v19 =	vpop (erf)  }
0x374: {  	[tilespmem:v20+s12+$0x0] =	vst.idx.msk vm0, v19;
	v19 =	vpop (erf)  }
0x375: {  	[tilespmem:v21+s12+$0x0] =	vst.idx.msk vm0, v19;
	v18 =	vmax.f32 v18, $0.0e+00  }
.Ltmp31:
0x376: {  	_ = 	snop;
	(pc) =	sbr.rel .LBB2_38-.Ltmp31, $1  }
0x377: {  	_ =	sdelay $0x3  }
.LBB2_40:
0x378: {  	_ =	sfence.sel $0x180000  }
0x379: {  	[bflag:$0x0] =	sbarrier.arrive $0xFFFF  }
0x37a: {  	_ =	strace $0x90000047  }
0x37b: {  	s0 =	stileid.u32;
	[bflag:$0x2] =	sbarrier.arrive $0xFFFF  }
0x37c: {  	p0 =	sne.s32 s0, $0x0;
	s0 =	rddreg [dreg:$0x6]  }
0x37d: {  	s0 =	sadd.s32 @!p0 $0x100000, s0  }
0x37e: {  	[sflag:s0] =	ssyncadd.tile.s32 @!p0 $0x1;
	_ =	shalt  }
.Lfunc_end2:
_tile_overlayer_lowered:
.L_overlay_start_2:
0x37f: {  	(tag) =	ssettag $0x2  }
0x380: {  	s0 =	rddreg [dreg:$0x0];
	s2 =	stileid.u32  }
0x381: {  	s1 =	rddreg [dreg:$0x1];
	p0 =	sne.s32 s2, $0x0  }
0x382: {  	s3 =	rddreg [dreg:$0x2];
	[bflag:$0x3] =	sbarrier.arrive $0xFFFF;
	s2 =	simm.s32 @!p0 $0x1C05  }
0x383: {  	[timem:s3], [sflag:s2] =	dma.local @!p0 [hbm:s0], s1  }
0x384: {  	s0 =	simm.s32 @!p0 $0x5  }
0x385: {  	_ =	swait.ge @!p0 [sflag:s0], s1  }
0x386: {  	s1 =	ssub.s32 @!p0 $0x0, s1;
	[sflag:s0] =	ssyncset.done @!p0 $0x0  }
0x387: {  	[sflag:s0] =	ssyncadd.s32 @!p0 s1  }
0x388: {  	[bflag:$0x3] =	sbarrier.arrive $0xFFFF  }
0x389: {  	_ =	shalt  }

</sc_bundles>
